<compile_context>
chip_gen: v7x
topology: tpu7x:2x2x1
jax: 0.10.2.dev20260603
libtpu: 0.0.44.dev20260713+nightly
codegen_flags: <defaults>
</compile_context>

<pallas_src>
import functools

import jax
import jax.numpy as jnp
from jax import lax
from jax.experimental import pallas as pl
from jax.experimental.pallas import tpu as pltpu
from jax.experimental.pallas import tpu_sc as plsc

_NB = 4
_NV = 10000
_DY = 128
_NR, _ND = 4, 16
_NW = 32
_ROWS = _NB * _NV
_RPW = _ROWS // _NW
_NCHUNK = 10
_C = _RPW // _NCHUNK
_NSLOT = 3

_EFROWS = _NB * _NR * _ND
_STRIP = _EFROWS // _NW
_VC = 1024
_NVC = (_NV + _VC - 1) // _VC


@functools.lru_cache(maxsize=1)
def _build_y():
    mesh = plsc.VectorSubcoreMesh(core_axis_name="c", subcore_axis_name="s")

    @functools.partial(
        pl.kernel,
        out_type=jax.ShapeDtypeStruct((_ROWS, _DY), jnp.float32),
        mesh=mesh,
        compiler_params=pltpu.CompilerParams(
            use_tc_tiling_on_sc=False, needs_layout_passes=False
        ),
        scratch_types=[
            pltpu.VMEM((_NCHUNK, _C), jnp.int32),
            pltpu.VMEM((_NSLOT, _C, _DY), jnp.float32),
            [pltpu.SemaphoreType.DMA] * _NSLOT,
            [pltpu.SemaphoreType.DMA] * _NSLOT,
        ],
    )
    def _shuffle_y(y_hbm, idx_hbm, y_out, idx_v, ybuf, gsem, ssem):
        wid = lax.axis_index("s") * 2 + lax.axis_index("c")
        row0 = wid * _RPW
        pltpu.sync_copy(idx_hbm.at[wid], idx_v)

        def _gather(c):
            k = c % _NSLOT
            return pltpu.async_copy(y_hbm.at[idx_v.at[c]], ybuf.at[k], gsem[k])

        def _scatter(c):
            k = c % _NSLOT
            dst = row0 + c * _C
            return pltpu.async_copy(ybuf.at[k], y_out.at[pl.ds(dst, _C)], ssem[k])

        g = [None] * _NCHUNK
        sc = [None] * _NCHUNK
        g[0] = _gather(0)
        g[1] = _gather(1)
        for c in range(_NCHUNK):
            g[c].wait()
            sc[c] = _scatter(c)
            if c + 2 < _NCHUNK:
                if c >= 1:
                    sc[c - 1].wait()
                g[c + 2] = _gather(c + 2)
        for c in (_NCHUNK - 3, _NCHUNK - 2, _NCHUNK - 1):
            sc[c].wait()

    return _shuffle_y


@functools.lru_cache(maxsize=1)
def _build_ef():
    mesh = plsc.VectorSubcoreMesh(core_axis_name="c", subcore_axis_name="s")

    @functools.partial(
        pl.kernel,
        out_type=(
            jax.ShapeDtypeStruct((_EFROWS, _NV), jnp.int32),
            jax.ShapeDtypeStruct((_EFROWS, _NV), jnp.int32),
        ),
        mesh=mesh,
        compiler_params=pltpu.CompilerParams(
            use_tc_tiling_on_sc=False, needs_layout_passes=False
        ),
        scratch_types=[
            pltpu.VMEM((_NV,), jnp.int32),
            pltpu.VMEM((_STRIP, _NV), jnp.int32),
            pltpu.VMEM((2, _STRIP, _VC), jnp.int32),
            pltpu.SemaphoreType.DMA,
            [pltpu.SemaphoreType.DMA] * 2,
        ],
    )
    def _shuffle_ef(e_hbm, f_hbm, s_hbm, e_out, f_out, s_v, strip, obuf, gsem, ssem):
        wid = lax.axis_index("s") * 2 + lax.axis_index("c")
        r0 = wid * _STRIP
        pltpu.sync_copy(s_hbm, s_v)
        sc_prev = [None, None]

        def _do_array(src, dst, remap):
            pltpu.async_copy(src.at[pl.ds(r0, _STRIP)], strip, gsem).wait()
            for vc in range(_NVC):
                vbase = vc * _VC
                n = min(_VC, _NV - vbase)
                k = vc % 2
                if sc_prev[k] is not None:
                    sc_prev[k].wait()

                def _vec(j, _):
                    ixv = s_v[pl.ds(vbase + j * 16, 16)]
                    for r in range(_STRIP):
                        g = plsc.load_gather(strip.at[r], [ixv])
                        if remap:
                            g = plsc.load_gather(s_v, [g])
                        obuf[k, r, pl.ds(j * 16, 16)] = g
                    return 0

                lax.fori_loop(0, n // 16, _vec, 0)
                sc_prev[k] = pltpu.async_copy(
                    obuf.at[k, slice(None), pl.ds(0, n)],
                    dst.at[pl.ds(r0, _STRIP), pl.ds(vbase, n)],
                    ssem[k],
                )

        _do_array(e_hbm, e_out, True)
        _do_array(f_hbm, f_out, False)
        for d in sc_prev:
            if d is not None:
                d.wait()

    return _shuffle_ef


def _stage_s():
    return jax.random.permutation(
        jax.random.key(42), jnp.arange(_NV, dtype=jnp.int32)
    )


def kernel(y, e, f):
    s = _stage_s()
    idx = (jnp.arange(_NB, dtype=jnp.int32)[:, None] * _NV + s[None, :]).reshape(
        _NW, _NCHUNK, _C
    )
    y2 = _build_y()(y.reshape(_ROWS, _DY), idx).reshape(_NB, _NV, _DY)

    e2d = jnp.transpose(e, (0, 2, 3, 1)).reshape(_EFROWS, _NV)
    f2d = jax.lax.bitcast_convert_type(
        jnp.transpose(f, (0, 2, 3, 1)).reshape(_EFROWS, _NV), jnp.int32
    )
    e2o, f2o = _build_ef()(e2d, f2d, s)
    e2 = jnp.transpose(e2o.reshape(_NB, _NR, _ND, _NV), (0, 3, 1, 2))
    f2 = jnp.transpose(
        jax.lax.bitcast_convert_type(f2o, jnp.float32).reshape(_NB, _NR, _ND, _NV),
        (0, 3, 1, 2),
    )
    return (y2, e2, f2, s, s)

# --- scband reference (transcript-rebuilt; emitter-appended) ---
"""Pipeline reference for scband-shuffle-vertices-50019189129831 (READ-ONLY COPY).

The authoritative reference and input builder live on the scoring server;
editing this copy changes nothing except your own understanding.
"""

import jax, jax.numpy as jnp
import numpy as np

NBATCH = 4
NV = 10000
NRINGS = 4
NDIRS = 16
DFEAT = 128


def setup_inputs(seed: int = 0) -> dict:
    key = jax.random.key(seed)
    k1, k2, k3 = jax.random.split(key, 3)
    y = jax.random.normal(k1, (NBATCH, NV, DFEAT), dtype=jnp.float32)
    e = jax.random.randint(k2, (NBATCH, NV, NRINGS, NDIRS), 0, NV).astype(jnp.int32)
    f = jax.random.normal(k3, (NBATCH, NV, NRINGS, NDIRS), dtype=jnp.float32)
    return {"y": y, "e": e, "f": f}


def reference(y, e, f):
    # s = tf.random_shuffle(arange(nv)); use a fixed key for determinism.
    perm_key = jax.random.key(42)
    s = jax.random.permutation(perm_key, jnp.arange(NV, dtype=jnp.int32))
    # reverse_permutation in the original source is an identity function (returns s unchanged)
    rs = s
    # e = tf.gather(e, s, axis=1): permute the vertex axis of the patch-operator index tensor
    e2 = jnp.take(e, s, axis=1)
    # e = tf.gather(rs, e, axis=0): remap the contained vertex indices through rs
    e2 = jnp.take(rs, e2, axis=0)
    # f = tf.gather(f, s, axis=1)
    f2 = jnp.take(f, s, axis=1)
    # y = tf.gather(y, s, axis=1)
    y2 = jnp.take(y, s, axis=1)
    return (y2, e2, f2, s, rs)

if __name__ == "__main__":
    import jax
    _d = setup_inputs()
    print(jax.jit(kernel)(*tuple(_d.values())))

</pallas_src>

<mosaic_0001>
#map = affine_map<(d0, d1) -> (0, 0)>
#map1 = affine_map<(d0, d1) -> (0)>
module attributes {stable_mosaic.version = 14 : i64} {
  func.func @_shuffle_ef(%arg0: i32, %arg1: i32, %arg2: memref<256x10000xi32, #tpu.memory_space<hbm>>, %arg3: memref<256x10000xi32, #tpu.memory_space<hbm>>, %arg4: memref<10000xi32, #tpu.memory_space<hbm>>, %arg5: memref<256x10000xi32, #tpu.memory_space<hbm>>, %arg6: memref<256x10000xi32, #tpu.memory_space<hbm>>, %arg7: memref<10000xi32, #tpu.memory_space<vmem>>, %arg8: memref<8x10000xi32, #tpu.memory_space<vmem>>, %arg9: memref<2x8x1024xi32, #tpu.memory_space<vmem>>, %arg10: memref<!tpu.dma_semaphore, #tpu.memory_space<semaphore_mem>>, %arg11: memref<!tpu.dma_semaphore, #tpu.memory_space<semaphore_mem>>, %arg12: memref<!tpu.dma_semaphore, #tpu.memory_space<semaphore_mem>>) attributes {dimension_semantics = [#tpu.dimension_semantics<core_parallel>, #tpu.dimension_semantics<subcore_parallel>], iteration_bounds = array<i64: 2, 16>, scalar_prefetch = 0 : i64, scratch_operands = 6 : i64, tpu.core_type = #tpu.core_type<sc_vector_subcore>, window_params = [{transform_indices = #map}, {transform_indices = #map}, {transform_indices = #map1}, {transform_indices = #map}, {transform_indices = #map}]} {
    %mul3A = arith.constant 2 : i32
    %mul3A_0 = arith.muli %arg1, %mul3A : i32
    %add3A = arith.addi %mul3A_0, %arg0 : i32
    %mul3A_1 = arith.constant 8 : i32
    %mul3A_2 = arith.muli %add3A, %mul3A_1 : i32
    "tpu.region"() ({
      %run_scoped3A = tpu.sem_alloc : memref<!tpu.dma_semaphore, #tpu.memory_space<semaphore_mem>>
      tpu.enqueue_dma source(%arg4 : memref<10000xi32, #tpu.memory_space<hbm>>) target(%arg7 : memref<10000xi32, #tpu.memory_space<vmem>>) target_semaphore(%run_scoped3A : memref<!tpu.dma_semaphore, #tpu.memory_space<semaphore_mem>>)
      tpu.wait_dma2 semaphore(%run_scoped3A : memref<!tpu.dma_semaphore, #tpu.memory_space<semaphore_mem>>) src(%arg4 : memref<10000xi32, #tpu.memory_space<hbm>>) dst(%arg7 : memref<10000xi32, #tpu.memory_space<vmem>>)
      tpu.yield
    }) : () -> ()
    %dma_start3A = arith.constant 0 : i32
    %dma_start3A_3 = tpu.memref_slice %arg2[%mul3A_2, %dma_start3A] : memref<256x10000xi32, #tpu.memory_space<hbm>> -> memref<8x10000xi32, #tpu.memory_space<hbm>>
    %dma_start3A_4 = arith.constant 0 : i32
    %dma_start3A_5 = tpu.memref_slice %arg2[%mul3A_2, %dma_start3A_4] : memref<256x10000xi32, #tpu.memory_space<hbm>> -> memref<8x10000xi32, #tpu.memory_space<hbm>>
    tpu.enqueue_dma source(%dma_start3A_5 : memref<8x10000xi32, #tpu.memory_space<hbm>>) target(%arg8 : memref<8x10000xi32, #tpu.memory_space<vmem>>) target_semaphore(%arg10 : memref<!tpu.dma_semaphore, #tpu.memory_space<semaphore_mem>>)
    %dma_wait3A = arith.constant 0 : i32
    %dma_wait3A_6 = tpu.memref_slice %arg2[%mul3A_2, %dma_wait3A] : memref<256x10000xi32, #tpu.memory_space<hbm>> -> memref<8x10000xi32, #tpu.memory_space<hbm>>
    %dma_wait3A_7 = arith.constant 0 : i32
    %dma_wait3A_8 = tpu.memref_slice %arg2[%mul3A_2, %dma_wait3A_7] : memref<256x10000xi32, #tpu.memory_space<hbm>> -> memref<8x10000xi32, #tpu.memory_space<hbm>>
    tpu.wait_dma2 semaphore(%arg10 : memref<!tpu.dma_semaphore, #tpu.memory_space<semaphore_mem>>) src(%dma_wait3A_8 : memref<8x10000xi32, #tpu.memory_space<hbm>>) dst(%arg8 : memref<8x10000xi32, #tpu.memory_space<vmem>>)
    %scan3A = arith.constant 0 : i32
    %scan3A_9 = arith.constant 0 : i32
    %scan3A_10 = arith.constant 64 : i32
    %scan3A_11 = arith.addi %scan3A_9, %scan3A_10 : i32
    %scan3A_12 = arith.constant 1 : i32
    %scan3A_13 = scf.for %scan3A_676 = %scan3A_9 to %scan3A_11 step %scan3A_12 iter_args(%scan3A_677 = %scan3A) -> (i32)  : i32 {
      %mul3A_678 = arith.constant 16 : i32
      %mul3A_679 = arith.muli %scan3A_676, %mul3A_678 : i32
      %add3A_680 = arith.constant 0 : i32
      %add3A_681 = arith.addi %add3A_680, %mul3A_679 : i32
      %get3A = arith.index_cast %add3A_681 : i32 to index
      %get3A_682 = tpu.vector_load %arg7[%get3A] {strides = array<i32>} : memref<10000xi32, #tpu.memory_space<vmem>>, vector<16xi32>,
      %gather3A = arith.constant 0 : i32
      %gather3A_683 = arith.constant 0 : i32
      %gather3A_684 = tpu.memref_slice %arg8[%gather3A, %gather3A_683] : memref<8x10000xi32, #tpu.memory_space<vmem>> -> memref<1x10000xi32, #tpu.memory_space<vmem>>
      %gather3A_685 = tpu.memref_squeeze %gather3A_684 : memref<1x10000xi32, #tpu.memory_space<vmem>> -> memref<10000xi32, #tpu.memory_space<vmem>>
      %gather3A_686 = tpu.vector_load_idx %gather3A_685[%get3A_682] : memref<10000xi32, #tpu.memory_space<vmem>>[vector<16xi32>], vector<16xi32>,
      %gather3A_687 = tpu.vector_load_idx %arg7[%gather3A_686] : memref<10000xi32, #tpu.memory_space<vmem>>[vector<16xi32>], vector<16xi32>,
      %mul3A_688 = arith.constant 16 : i32
      %mul3A_689 = arith.muli %scan3A_676, %mul3A_688 : i32
      %swap3A = arith.constant 0 : i32
      %swap3A_690 = arith.constant 0 : i32
      %swap3A_691 = arith.index_cast %swap3A : i32 to index
      %swap3A_692 = arith.index_cast %swap3A_690 : i32 to index
      %swap3A_693 = arith.index_cast %mul3A_689 : i32 to index
      %swap3A_694 = tpu.vector_load %arg9[%swap3A_691, %swap3A_692, %swap3A_693] {strides = array<i32>} : memref<2x8x1024xi32, #tpu.memory_space<vmem>>, vector<16xi32>,
      tpu.vector_store %arg9[%swap3A_691, %swap3A_692, %swap3A_693], %gather3A_687 {strides = array<i32>} : memref<2x8x1024xi32, #tpu.memory_space<vmem>>, vector<16xi32>,
      %gather3A_695 = arith.constant 1 : i32
      %gather3A_696 = arith.constant 0 : i32
      %gather3A_697 = tpu.memref_slice %arg8[%gather3A_695, %gather3A_696] : memref<8x10000xi32, #tpu.memory_space<vmem>> -> memref<1x10000xi32, #tpu.memory_space<vmem>>
      %gather3A_698 = tpu.memref_squeeze %gather3A_697 : memref<1x10000xi32, #tpu.memory_space<vmem>> -> memref<10000xi32, #tpu.memory_space<vmem>>
      %gather3A_699 = tpu.vector_load_idx %gather3A_698[%get3A_682] : memref<10000xi32, #tpu.memory_space<vmem>>[vector<16xi32>], vector<16xi32>,
      %gather3A_700 = tpu.vector_load_idx %arg7[%gather3A_699] : memref<10000xi32, #tpu.memory_space<vmem>>[vector<16xi32>], vector<16xi32>,
      %mul3A_701 = arith.constant 16 : i32
      %mul3A_702 = arith.muli %scan3A_676, %mul3A_701 : i32
      %swap3A_703 = arith.constant 0 : i32
      %swap3A_704 = arith.constant 1 : i32
      %swap3A_705 = arith.index_cast %swap3A_703 : i32 to index
      %swap3A_706 = arith.index_cast %swap3A_704 : i32 to index
      %swap3A_707 = arith.index_cast %mul3A_702 : i32 to index
      %swap3A_708 = tpu.vector_load %arg9[%swap3A_705, %swap3A_706, %swap3A_707] {strides = array<i32>} : memref<2x8x1024xi32, #tpu.memory_space<vmem>>, vector<16xi32>,
      tpu.vector_store %arg9[%swap3A_705, %swap3A_706, %swap3A_707], %gather3A_700 {strides = array<i32>} : memref<2x8x1024xi32, #tpu.memory_space<vmem>>, vector<16xi32>,
      %gather3A_709 = arith.constant 2 : i32
      %gather3A_710 = arith.constant 0 : i32
      %gather3A_711 = tpu.memref_slice %arg8[%gather3A_709, %gather3A_710] : memref<8x10000xi32, #tpu.memory_space<vmem>> -> memref<1x10000xi32, #tpu.memory_space<vmem>>
      %gather3A_712 = tpu.memref_squeeze %gather3A_711 : memref<1x10000xi32, #tpu.memory_space<vmem>> -> memref<10000xi32, #tpu.memory_space<vmem>>
      %gather3A_713 = tpu.vector_load_idx %gather3A_712[%get3A_682] : memref<10000xi32, #tpu.memory_space<vmem>>[vector<16xi32>], vector<16xi32>,
      %gather3A_714 = tpu.vector_load_idx %arg7[%gather3A_713] : memref<10000xi32, #tpu.memory_space<vmem>>[vector<16xi32>], vector<16xi32>,
      %mul3A_715 = arith.constant 16 : i32
      %mul3A_716 = arith.muli %scan3A_676, %mul3A_715 : i32
      %swap3A_717 = arith.constant 0 : i32
      %swap3A_718 = arith.constant 2 : i32
      %swap3A_719 = arith.index_cast %swap3A_717 : i32 to index
      %swap3A_720 = arith.index_cast %swap3A_718 : i32 to index
      %swap3A_721 = arith.index_cast %mul3A_716 : i32 to index
      %swap3A_722 = tpu.vector_load %arg9[%swap3A_719, %swap3A_720, %swap3A_721] {strides = array<i32>} : memref<2x8x1024xi32, #tpu.memory_space<vmem>>, vector<16xi32>,
      tpu.vector_store %arg9[%swap3A_719, %swap3A_720, %swap3A_721], %gather3A_714 {strides = array<i32>} : memref<2x8x1024xi32, #tpu.memory_space<vmem>>, vector<16xi32>,
      %gather3A_723 = arith.constant 3 : i32
      %gather3A_724 = arith.constant 0 : i32
      %gather3A_725 = tpu.memref_slice %arg8[%gather3A_723, %gather3A_724] : memref<8x10000xi32, #tpu.memory_space<vmem>> -> memref<1x10000xi32, #tpu.memory_space<vmem>>
      %gather3A_726 = tpu.memref_squeeze %gather3A_725 : memref<1x10000xi32, #tpu.memory_space<vmem>> -> memref<10000xi32, #tpu.memory_space<vmem>>
      %gather3A_727 = tpu.vector_load_idx %gather3A_726[%get3A_682] : memref<10000xi32, #tpu.memory_space<vmem>>[vector<16xi32>], vector<16xi32>,
      %gather3A_728 = tpu.vector_load_idx %arg7[%gather3A_727] : memref<10000xi32, #tpu.memory_space<vmem>>[vector<16xi32>], vector<16xi32>,
      %mul3A_729 = arith.constant 16 : i32
      %mul3A_730 = arith.muli %scan3A_676, %mul3A_729 : i32
      %swap3A_731 = arith.constant 0 : i32
      %swap3A_732 = arith.constant 3 : i32
      %swap3A_733 = arith.index_cast %swap3A_731 : i32 to index
      %swap3A_734 = arith.index_cast %swap3A_732 : i32 to index
      %swap3A_735 = arith.index_cast %mul3A_730 : i32 to index
      %swap3A_736 = tpu.vector_load %arg9[%swap3A_733, %swap3A_734, %swap3A_735] {strides = array<i32>} : memref<2x8x1024xi32, #tpu.memory_space<vmem>>, vector<16xi32>,
      tpu.vector_store %arg9[%swap3A_733, %swap3A_734, %swap3A_735], %gather3A_728 {strides = array<i32>} : memref<2x8x1024xi32, #tpu.memory_space<vmem>>, vector<16xi32>,
      %gather3A_737 = arith.constant 4 : i32
      %gather3A_738 = arith.constant 0 : i32
      %gather3A_739 = tpu.memref_slice %arg8[%gather3A_737, %gather3A_738] : memref<8x10000xi32, #tpu.memory_space<vmem>> -> memref<1x10000xi32, #tpu.memory_space<vmem>>
      %gather3A_740 = tpu.memref_squeeze %gather3A_739 : memref<1x10000xi32, #tpu.memory_space<vmem>> -> memref<10000xi32, #tpu.memory_space<vmem>>
      %gather3A_741 = tpu.vector_load_idx %gather3A_740[%get3A_682] : memref<10000xi32, #tpu.memory_space<vmem>>[vector<16xi32>], vector<16xi32>,
      %gather3A_742 = tpu.vector_load_idx %arg7[%gather3A_741] : memref<10000xi32, #tpu.memory_space<vmem>>[vector<16xi32>], vector<16xi32>,
      %mul3A_743 = arith.constant 16 : i32
      %mul3A_744 = arith.muli %scan3A_676, %mul3A_743 : i32
      %swap3A_745 = arith.constant 0 : i32
      %swap3A_746 = arith.constant 4 : i32
      %swap3A_747 = arith.index_cast %swap3A_745 : i32 to index
      %swap3A_748 = arith.index_cast %swap3A_746 : i32 to index
      %swap3A_749 = arith.index_cast %mul3A_744 : i32 to index
      %swap3A_750 = tpu.vector_load %arg9[%swap3A_747, %swap3A_748, %swap3A_749] {strides = array<i32>} : memref<2x8x1024xi32, #tpu.memory_space<vmem>>, vector<16xi32>,
      tpu.vector_store %arg9[%swap3A_747, %swap3A_748, %swap3A_749], %gather3A_742 {strides = array<i32>} : memref<2x8x1024xi32, #tpu.memory_space<vmem>>, vector<16xi32>,
      %gather3A_751 = arith.constant 5 : i32
      %gather3A_752 = arith.constant 0 : i32
      %gather3A_753 = tpu.memref_slice %arg8[%gather3A_751, %gather3A_752] : memref<8x10000xi32, #tpu.memory_space<vmem>> -> memref<1x10000xi32, #tpu.memory_space<vmem>>
      %gather3A_754 = tpu.memref_squeeze %gather3A_753 : memref<1x10000xi32, #tpu.memory_space<vmem>> -> memref<10000xi32, #tpu.memory_space<vmem>>
      %gather3A_755 = tpu.vector_load_idx %gather3A_754[%get3A_682] : memref<10000xi32, #tpu.memory_space<vmem>>[vector<16xi32>], vector<16xi32>,
      %gather3A_756 = tpu.vector_load_idx %arg7[%gather3A_755] : memref<10000xi32, #tpu.memory_space<vmem>>[vector<16xi32>], vector<16xi32>,
      %mul3A_757 = arith.constant 16 : i32
      %mul3A_758 = arith.muli %scan3A_676, %mul3A_757 : i32
      %swap3A_759 = arith.constant 0 : i32
      %swap3A_760 = arith.constant 5 : i32
      %swap3A_761 = arith.index_cast %swap3A_759 : i32 to index
      %swap3A_762 = arith.index_cast %swap3A_760 : i32 to index
      %swap3A_763 = arith.index_cast %mul3A_758 : i32 to index
      %swap3A_764 = tpu.vector_load %arg9[%swap3A_761, %swap3A_762, %swap3A_763] {strides = array<i32>} : memref<2x8x1024xi32, #tpu.memory_space<vmem>>, vector<16xi32>,
      tpu.vector_store %arg9[%swap3A_761, %swap3A_762, %swap3A_763], %gather3A_756 {strides = array<i32>} : memref<2x8x1024xi32, #tpu.memory_space<vmem>>, vector<16xi32>,
      %gather3A_765 = arith.constant 6 : i32
      %gather3A_766 = arith.constant 0 : i32
      %gather3A_767 = tpu.memref_slice %arg8[%gather3A_765, %gather3A_766] : memref<8x10000xi32, #tpu.memory_space<vmem>> -> memref<1x10000xi32, #tpu.memory_space<vmem>>
      %gather3A_768 = tpu.memref_squeeze %gather3A_767 : memref<1x10000xi32, #tpu.memory_space<vmem>> -> memref<10000xi32, #tpu.memory_space<vmem>>
      %gather3A_769 = tpu.vector_load_idx %gather3A_768[%get3A_682] : memref<10000xi32, #tpu.memory_space<vmem>>[vector<16xi32>], vector<16xi32>,
      %gather3A_770 = tpu.vector_load_idx %arg7[%gather3A_769] : memref<10000xi32, #tpu.memory_space<vmem>>[vector<16xi32>], vector<16xi32>,
      %mul3A_771 = arith.constant 16 : i32
      %mul3A_772 = arith.muli %scan3A_676, %mul3A_771 : i32
      %swap3A_773 = arith.constant 0 : i32
      %swap3A_774 = arith.constant 6 : i32
      %swap3A_775 = arith.index_cast %swap3A_773 : i32 to index
      %swap3A_776 = arith.index_cast %swap3A_774 : i32 to index
      %swap3A_777 = arith.index_cast %mul3A_772 : i32 to index
      %swap3A_778 = tpu.vector_load %arg9[%swap3A_775, %swap3A_776, %swap3A_777] {strides = array<i32>} : memref<2x8x1024xi32, #tpu.memory_space<vmem>>, vector<16xi32>,
      tpu.vector_store %arg9[%swap3A_775, %swap3A_776, %swap3A_777], %gather3A_770 {strides = array<i32>} : memref<2x8x1024xi32, #tpu.memory_space<vmem>>, vector<16xi32>,
      %gather3A_779 = arith.constant 7 : i32
      %gather3A_780 = arith.constant 0 : i32
      %gather3A_781 = tpu.memref_slice %arg8[%gather3A_779, %gather3A_780] : memref<8x10000xi32, #tpu.memory_space<vmem>> -> memref<1x10000xi32, #tpu.memory_space<vmem>>
      %gather3A_782 = tpu.memref_squeeze %gather3A_781 : memref<1x10000xi32, #tpu.memory_space<vmem>> -> memref<10000xi32, #tpu.memory_space<vmem>>
      %gather3A_783 = tpu.vector_load_idx %gather3A_782[%get3A_682] : memref<10000xi32, #tpu.memory_space<vmem>>[vector<16xi32>], vector<16xi32>,
      %gather3A_784 = tpu.vector_load_idx %arg7[%gather3A_783] : memref<10000xi32, #tpu.memory_space<vmem>>[vector<16xi32>], vector<16xi32>,
      %mul3A_785 = arith.constant 16 : i32
      %mul3A_786 = arith.muli %scan3A_676, %mul3A_785 : i32
      %swap3A_787 = arith.constant 0 : i32
      %swap3A_788 = arith.constant 7 : i32
      %swap3A_789 = arith.index_cast %swap3A_787 : i32 to index
      %swap3A_790 = arith.index_cast %swap3A_788 : i32 to index
      %swap3A_791 = arith.index_cast %mul3A_786 : i32 to index
      %swap3A_792 = tpu.vector_load %arg9[%swap3A_789, %swap3A_790, %swap3A_791] {strides = array<i32>} : memref<2x8x1024xi32, #tpu.memory_space<vmem>>, vector<16xi32>,
      tpu.vector_store %arg9[%swap3A_789, %swap3A_790, %swap3A_791], %gather3A_784 {strides = array<i32>} : memref<2x8x1024xi32, #tpu.memory_space<vmem>>, vector<16xi32>,
      %scan3A_793 = arith.constant 0 : i32
      scf.yield %scan3A_793 : i32
    }
    %scan3A_14 = arith.constant 64 : i32
    %dma_start3A_15 = arith.constant 0 : i32
    %dma_start3A_16 = arith.constant 0 : i32
    %dma_start3A_17 = arith.constant 0 : i32
    %dma_start3A_18 = tpu.memref_slice %arg9[%dma_start3A_15, %dma_start3A_16, %dma_start3A_17] : memref<2x8x1024xi32, #tpu.memory_space<vmem>> -> memref<1x8x1024xi32, #tpu.memory_space<vmem>>
    %dma_start3A_19 = tpu.memref_squeeze %dma_start3A_18 : memref<1x8x1024xi32, #tpu.memory_space<vmem>> -> memref<8x1024xi32, #tpu.memory_space<vmem>>
    %dma_start3A_20 = arith.constant 0 : i32
    %dma_start3A_21 = tpu.memref_slice %arg5[%mul3A_2, %dma_start3A_20] : memref<256x10000xi32, #tpu.memory_space<hbm>> -> memref<8x1024xi32, #tpu.memory_space<hbm>>
    %dma_start3A_22 = arith.constant 0 : i32
    %dma_start3A_23 = tpu.memref_slice %arg5[%mul3A_2, %dma_start3A_22] : memref<256x10000xi32, #tpu.memory_space<hbm>> -> memref<8x1024xi32, #tpu.memory_space<hbm>>
    %dma_start3A_24 = arith.constant 0 : i32
    %dma_start3A_25 = arith.constant 0 : i32
    %dma_start3A_26 = tpu.memref_slice %arg9[%dma_start3A_15, %dma_start3A_24, %dma_start3A_25] : memref<2x8x1024xi32, #tpu.memory_space<vmem>> -> memref<1x8x1024xi32, #tpu.memory_space<vmem>>
    %dma_start3A_27 = tpu.memref_squeeze %dma_start3A_26 : memref<1x8x1024xi32, #tpu.memory_space<vmem>> -> memref<8x1024xi32, #tpu.memory_space<vmem>>
    tpu.enqueue_dma source(%dma_start3A_27 : memref<8x1024xi32, #tpu.memory_space<vmem>>) target(%dma_start3A_23 : memref<8x1024xi32, #tpu.memory_space<hbm>>) target_semaphore(%arg11 : memref<!tpu.dma_semaphore, #tpu.memory_space<semaphore_mem>>)
    %scan3A_28 = arith.constant 0 : i32
    %scan3A_29 = arith.constant 0 : i32
    %scan3A_30 = arith.constant 64 : i32
    %scan3A_31 = arith.addi %scan3A_29, %scan3A_30 : i32
    %scan3A_32 = arith.constant 1 : i32
    %scan3A_33 = scf.for %scan3A_676 = %scan3A_29 to %scan3A_31 step %scan3A_32 iter_args(%scan3A_677 = %scan3A_28) -> (i32)  : i32 {
      %mul3A_678 = arith.constant 16 : i32
      %mul3A_679 = arith.muli %scan3A_676, %mul3A_678 : i32
      %add3A_680 = arith.constant 1024 : i32
      %add3A_681 = arith.addi %add3A_680, %mul3A_679 : i32
      %get3A = arith.index_cast %add3A_681 : i32 to index
      %get3A_682 = tpu.vector_load %arg7[%get3A] {strides = array<i32>} : memref<10000xi32, #tpu.memory_space<vmem>>, vector<16xi32>,
      %gather3A = arith.constant 0 : i32
      %gather3A_683 = arith.constant 0 : i32
      %gather3A_684 = tpu.memref_slice %arg8[%gather3A, %gather3A_683] : memref<8x10000xi32, #tpu.memory_space<vmem>> -> memref<1x10000xi32, #tpu.memory_space<vmem>>
      %gather3A_685 = tpu.memref_squeeze %gather3A_684 : memref<1x10000xi32, #tpu.memory_space<vmem>> -> memref<10000xi32, #tpu.memory_space<vmem>>
      %gather3A_686 = tpu.vector_load_idx %gather3A_685[%get3A_682] : memref<10000xi32, #tpu.memory_space<vmem>>[vector<16xi32>], vector<16xi32>,
      %gather3A_687 = tpu.vector_load_idx %arg7[%gather3A_686] : memref<10000xi32, #tpu.memory_space<vmem>>[vector<16xi32>], vector<16xi32>,
      %mul3A_688 = arith.constant 16 : i32
      %mul3A_689 = arith.muli %scan3A_676, %mul3A_688 : i32
      %swap3A = arith.constant 1 : i32
      %swap3A_690 = arith.constant 0 : i32
      %swap3A_691 = arith.index_cast %swap3A : i32 to index
      %swap3A_692 = arith.index_cast %swap3A_690 : i32 to index
      %swap3A_693 = arith.index_cast %mul3A_689 : i32 to index
      %swap3A_694 = tpu.vector_load %arg9[%swap3A_691, %swap3A_692, %swap3A_693] {strides = array<i32>} : memref<2x8x1024xi32, #tpu.memory_space<vmem>>, vector<16xi32>,
      tpu.vector_store %arg9[%swap3A_691, %swap3A_692, %swap3A_693], %gather3A_687 {strides = array<i32>} : memref<2x8x1024xi32, #tpu.memory_space<vmem>>, vector<16xi32>,
      %gather3A_695 = arith.constant 1 : i32
      %gather3A_696 = arith.constant 0 : i32
      %gather3A_697 = tpu.memref_slice %arg8[%gather3A_695, %gather3A_696] : memref<8x10000xi32, #tpu.memory_space<vmem>> -> memref<1x10000xi32, #tpu.memory_space<vmem>>
      %gather3A_698 = tpu.memref_squeeze %gather3A_697 : memref<1x10000xi32, #tpu.memory_space<vmem>> -> memref<10000xi32, #tpu.memory_space<vmem>>
      %gather3A_699 = tpu.vector_load_idx %gather3A_698[%get3A_682] : memref<10000xi32, #tpu.memory_space<vmem>>[vector<16xi32>], vector<16xi32>,
      %gather3A_700 = tpu.vector_load_idx %arg7[%gather3A_699] : memref<10000xi32, #tpu.memory_space<vmem>>[vector<16xi32>], vector<16xi32>,
      %mul3A_701 = arith.constant 16 : i32
      %mul3A_702 = arith.muli %scan3A_676, %mul3A_701 : i32
      %swap3A_703 = arith.constant 1 : i32
      %swap3A_704 = arith.constant 1 : i32
      %swap3A_705 = arith.index_cast %swap3A_703 : i32 to index
      %swap3A_706 = arith.index_cast %swap3A_704 : i32 to index
      %swap3A_707 = arith.index_cast %mul3A_702 : i32 to index
      %swap3A_708 = tpu.vector_load %arg9[%swap3A_705, %swap3A_706, %swap3A_707] {strides = array<i32>} : memref<2x8x1024xi32, #tpu.memory_space<vmem>>, vector<16xi32>,
      tpu.vector_store %arg9[%swap3A_705, %swap3A_706, %swap3A_707], %gather3A_700 {strides = array<i32>} : memref<2x8x1024xi32, #tpu.memory_space<vmem>>, vector<16xi32>,
      %gather3A_709 = arith.constant 2 : i32
      %gather3A_710 = arith.constant 0 : i32
      %gather3A_711 = tpu.memref_slice %arg8[%gather3A_709, %gather3A_710] : memref<8x10000xi32, #tpu.memory_space<vmem>> -> memref<1x10000xi32, #tpu.memory_space<vmem>>
      %gather3A_712 = tpu.memref_squeeze %gather3A_711 : memref<1x10000xi32, #tpu.memory_space<vmem>> -> memref<10000xi32, #tpu.memory_space<vmem>>
      %gather3A_713 = tpu.vector_load_idx %gather3A_712[%get3A_682] : memref<10000xi32, #tpu.memory_space<vmem>>[vector<16xi32>], vector<16xi32>,
      %gather3A_714 = tpu.vector_load_idx %arg7[%gather3A_713] : memref<10000xi32, #tpu.memory_space<vmem>>[vector<16xi32>], vector<16xi32>,
      %mul3A_715 = arith.constant 16 : i32
      %mul3A_716 = arith.muli %scan3A_676, %mul3A_715 : i32
      %swap3A_717 = arith.constant 1 : i32
      %swap3A_718 = arith.constant 2 : i32
      %swap3A_719 = arith.index_cast %swap3A_717 : i32 to index
      %swap3A_720 = arith.index_cast %swap3A_718 : i32 to index
      %swap3A_721 = arith.index_cast %mul3A_716 : i32 to index
      %swap3A_722 = tpu.vector_load %arg9[%swap3A_719, %swap3A_720, %swap3A_721] {strides = array<i32>} : memref<2x8x1024xi32, #tpu.memory_space<vmem>>, vector<16xi32>,
      tpu.vector_store %arg9[%swap3A_719, %swap3A_720, %swap3A_721], %gather3A_714 {strides = array<i32>} : memref<2x8x1024xi32, #tpu.memory_space<vmem>>, vector<16xi32>,
      %gather3A_723 = arith.constant 3 : i32
      %gather3A_724 = arith.constant 0 : i32
      %gather3A_725 = tpu.memref_slice %arg8[%gather3A_723, %gather3A_724] : memref<8x10000xi32, #tpu.memory_space<vmem>> -> memref<1x10000xi32, #tpu.memory_space<vmem>>
      %gather3A_726 = tpu.memref_squeeze %gather3A_725 : memref<1x10000xi32, #tpu.memory_space<vmem>> -> memref<10000xi32, #tpu.memory_space<vmem>>
      %gather3A_727 = tpu.vector_load_idx %gather3A_726[%get3A_682] : memref<10000xi32, #tpu.memory_space<vmem>>[vector<16xi32>], vector<16xi32>,
      %gather3A_728 = tpu.vector_load_idx %arg7[%gather3A_727] : memref<10000xi32, #tpu.memory_space<vmem>>[vector<16xi32>], vector<16xi32>,
      %mul3A_729 = arith.constant 16 : i32
      %mul3A_730 = arith.muli %scan3A_676, %mul3A_729 : i32
      %swap3A_731 = arith.constant 1 : i32
      %swap3A_732 = arith.constant 3 : i32
      %swap3A_733 = arith.index_cast %swap3A_731 : i32 to index
      %swap3A_734 = arith.index_cast %swap3A_732 : i32 to index
      %swap3A_735 = arith.index_cast %mul3A_730 : i32 to index
      %swap3A_736 = tpu.vector_load %arg9[%swap3A_733, %swap3A_734, %swap3A_735] {strides = array<i32>} : memref<2x8x1024xi32, #tpu.memory_space<vmem>>, vector<16xi32>,
      tpu.vector_store %arg9[%swap3A_733, %swap3A_734, %swap3A_735], %gather3A_728 {strides = array<i32>} : memref<2x8x1024xi32, #tpu.memory_space<vmem>>, vector<16xi32>,
      %gather3A_737 = arith.constant 4 : i32
      %gather3A_738 = arith.constant 0 : i32
      %gather3A_739 = tpu.memref_slice %arg8[%gather3A_737, %gather3A_738] : memref<8x10000xi32, #tpu.memory_space<vmem>> -> memref<1x10000xi32, #tpu.memory_space<vmem>>
      %gather3A_740 = tpu.memref_squeeze %gather3A_739 : memref<1x10000xi32, #tpu.memory_space<vmem>> -> memref<10000xi32, #tpu.memory_space<vmem>>
      %gather3A_741 = tpu.vector_load_idx %gather3A_740[%get3A_682] : memref<10000xi32, #tpu.memory_space<vmem>>[vector<16xi32>], vector<16xi32>,
      %gather3A_742 = tpu.vector_load_idx %arg7[%gather3A_741] : memref<10000xi32, #tpu.memory_space<vmem>>[vector<16xi32>], vector<16xi32>,
      %mul3A_743 = arith.constant 16 : i32
      %mul3A_744 = arith.muli %scan3A_676, %mul3A_743 : i32
      %swap3A_745 = arith.constant 1 : i32
      %swap3A_746 = arith.constant 4 : i32
      %swap3A_747 = arith.index_cast %swap3A_745 : i32 to index
      %swap3A_748 = arith.index_cast %swap3A_746 : i32 to index
      %swap3A_749 = arith.index_cast %mul3A_744 : i32 to index
      %swap3A_750 = tpu.vector_load %arg9[%swap3A_747, %swap3A_748, %swap3A_749] {strides = array<i32>} : memref<2x8x1024xi32, #tpu.memory_space<vmem>>, vector<16xi32>,
      tpu.vector_store %arg9[%swap3A_747, %swap3A_748, %swap3A_749], %gather3A_742 {strides = array<i32>} : memref<2x8x1024xi32, #tpu.memory_space<vmem>>, vector<16xi32>,
      %gather3A_751 = arith.constant 5 : i32
      %gather3A_752 = arith.constant 0 : i32
      %gather3A_753 = tpu.memref_slice %arg8[%gather3A_751, %gather3A_752] : memref<8x10000xi32, #tpu.memory_space<vmem>> -> memref<1x10000xi32, #tpu.memory_space<vmem>>
      %gather3A_754 = tpu.memref_squeeze %gather3A_753 : memref<1x10000xi32, #tpu.memory_space<vmem>> -> memref<10000xi32, #tpu.memory_space<vmem>>
      %gather3A_755 = tpu.vector_load_idx %gather3A_754[%get3A_682] : memref<10000xi32, #tpu.memory_space<vmem>>[vector<16xi32>], vector<16xi32>,
      %gather3A_756 = tpu.vector_load_idx %arg7[%gather3A_755] : memref<10000xi32, #tpu.memory_space<vmem>>[vector<16xi32>], vector<16xi32>,
      %mul3A_757 = arith.constant 16 : i32
      %mul3A_758 = arith.muli %scan3A_676, %mul3A_757 : i32
      %swap3A_759 = arith.constant 1 : i32
      %swap3A_760 = arith.constant 5 : i32
      %swap3A_761 = arith.index_cast %swap3A_759 : i32 to index
      %swap3A_762 = arith.index_cast %swap3A_760 : i32 to index
      %swap3A_763 = arith.index_cast %mul3A_758 : i32 to index
      %swap3A_764 = tpu.vector_load %arg9[%swap3A_761, %swap3A_762, %swap3A_763] {strides = array<i32>} : memref<2x8x1024xi32, #tpu.memory_space<vmem>>, vector<16xi32>,
      tpu.vector_store %arg9[%swap3A_761, %swap3A_762, %swap3A_763], %gather3A_756 {strides = array<i32>} : memref<2x8x1024xi32, #tpu.memory_space<vmem>>, vector<16xi32>,
      %gather3A_765 = arith.constant 6 : i32
      %gather3A_766 = arith.constant 0 : i32
      %gather3A_767 = tpu.memref_slice %arg8[%gather3A_765, %gather3A_766] : memref<8x10000xi32, #tpu.memory_space<vmem>> -> memref<1x10000xi32, #tpu.memory_space<vmem>>
      %gather3A_768 = tpu.memref_squeeze %gather3A_767 : memref<1x10000xi32, #tpu.memory_space<vmem>> -> memref<10000xi32, #tpu.memory_space<vmem>>
      %gather3A_769 = tpu.vector_load_idx %gather3A_768[%get3A_682] : memref<10000xi32, #tpu.memory_space<vmem>>[vector<16xi32>], vector<16xi32>,
      %gather3A_770 = tpu.vector_load_idx %arg7[%gather3A_769] : memref<10000xi32, #tpu.memory_space<vmem>>[vector<16xi32>], vector<16xi32>,
      %mul3A_771 = arith.constant 16 : i32
      %mul3A_772 = arith.muli %scan3A_676, %mul3A_771 : i32
      %swap3A_773 = arith.constant 1 : i32
      %swap3A_774 = arith.constant 6 : i32
      %swap3A_775 = arith.index_cast %swap3A_773 : i32 to index
      %swap3A_776 = arith.index_cast %swap3A_774 : i32 to index
      %swap3A_777 = arith.index_cast %mul3A_772 : i32 to index
      %swap3A_778 = tpu.vector_load %arg9[%swap3A_775, %swap3A_776, %swap3A_777] {strides = array<i32>} : memref<2x8x1024xi32, #tpu.memory_space<vmem>>, vector<16xi32>,
      tpu.vector_store %arg9[%swap3A_775, %swap3A_776, %swap3A_777], %gather3A_770 {strides = array<i32>} : memref<2x8x1024xi32, #tpu.memory_space<vmem>>, vector<16xi32>,
      %gather3A_779 = arith.constant 7 : i32
      %gather3A_780 = arith.constant 0 : i32
      %gather3A_781 = tpu.memref_slice %arg8[%gather3A_779, %gather3A_780] : memref<8x10000xi32, #tpu.memory_space<vmem>> -> memref<1x10000xi32, #tpu.memory_space<vmem>>
      %gather3A_782 = tpu.memref_squeeze %gather3A_781 : memref<1x10000xi32, #tpu.memory_space<vmem>> -> memref<10000xi32, #tpu.memory_space<vmem>>
      %gather3A_783 = tpu.vector_load_idx %gather3A_782[%get3A_682] : memref<10000xi32, #tpu.memory_space<vmem>>[vector<16xi32>], vector<16xi32>,
      %gather3A_784 = tpu.vector_load_idx %arg7[%gather3A_783] : memref<10000xi32, #tpu.memory_space<vmem>>[vector<16xi32>], vector<16xi32>,
      %mul3A_785 = arith.constant 16 : i32
      %mul3A_786 = arith.muli %scan3A_676, %mul3A_785 : i32
      %swap3A_787 = arith.constant 1 : i32
      %swap3A_788 = arith.constant 7 : i32
      %swap3A_789 = arith.index_cast %swap3A_787 : i32 to index
      %swap3A_790 = arith.index_cast %swap3A_788 : i32 to index
      %swap3A_791 = arith.index_cast %mul3A_786 : i32 to index
      %swap3A_792 = tpu.vector_load %arg9[%swap3A_789, %swap3A_790, %swap3A_791] {strides = array<i32>} : memref<2x8x1024xi32, #tpu.memory_space<vmem>>, vector<16xi32>,
      tpu.vector_store %arg9[%swap3A_789, %swap3A_790, %swap3A_791], %gather3A_784 {strides = array<i32>} : memref<2x8x1024xi32, #tpu.memory_space<vmem>>, vector<16xi32>,
      %scan3A_793 = arith.constant 0 : i32
      scf.yield %scan3A_793 : i32
    }
    %scan3A_34 = arith.constant 64 : i32
    %dma_start3A_35 = arith.constant 1 : i32
    %dma_start3A_36 = arith.constant 0 : i32
    %dma_start3A_37 = arith.constant 0 : i32
    %dma_start3A_38 = tpu.memref_slice %arg9[%dma_start3A_35, %dma_start3A_36, %dma_start3A_37] : memref<2x8x1024xi32, #tpu.memory_space<vmem>> -> memref<1x8x1024xi32, #tpu.memory_space<vmem>>
    %dma_start3A_39 = tpu.memref_squeeze %dma_start3A_38 : memref<1x8x1024xi32, #tpu.memory_space<vmem>> -> memref<8x1024xi32, #tpu.memory_space<vmem>>
    %dma_start3A_40 = arith.constant 1024 : i32
    %dma_start3A_41 = tpu.memref_slice %arg5[%mul3A_2, %dma_start3A_40] : memref<256x10000xi32, #tpu.memory_space<hbm>> -> memref<8x1024xi32, #tpu.memory_space<hbm>>
    %dma_start3A_42 = arith.constant 1024 : i32
    %dma_start3A_43 = tpu.memref_slice %arg5[%mul3A_2, %dma_start3A_42] : memref<256x10000xi32, #tpu.memory_space<hbm>> -> memref<8x1024xi32, #tpu.memory_space<hbm>>
    %dma_start3A_44 = arith.constant 0 : i32
    %dma_start3A_45 = arith.constant 0 : i32
    %dma_start3A_46 = tpu.memref_slice %arg9[%dma_start3A_35, %dma_start3A_44, %dma_start3A_45] : memref<2x8x1024xi32, #tpu.memory_space<vmem>> -> memref<1x8x1024xi32, #tpu.memory_space<vmem>>
    %dma_start3A_47 = tpu.memref_squeeze %dma_start3A_46 : memref<1x8x1024xi32, #tpu.memory_space<vmem>> -> memref<8x1024xi32, #tpu.memory_space<vmem>>
    tpu.enqueue_dma source(%dma_start3A_47 : memref<8x1024xi32, #tpu.memory_space<vmem>>) target(%dma_start3A_43 : memref<8x1024xi32, #tpu.memory_space<hbm>>) target_semaphore(%arg12 : memref<!tpu.dma_semaphore, #tpu.memory_space<semaphore_mem>>)
    %dma_wait3A_48 = arith.constant 0 : i32
    %dma_wait3A_49 = arith.constant 0 : i32
    %dma_wait3A_50 = arith.constant 0 : i32
    %dma_wait3A_51 = tpu.memref_slice %arg9[%dma_wait3A_48, %dma_wait3A_49, %dma_wait3A_50] : memref<2x8x1024xi32, #tpu.memory_space<vmem>> -> memref<1x8x1024xi32, #tpu.memory_space<vmem>>
    %dma_wait3A_52 = tpu.memref_squeeze %dma_wait3A_51 : memref<1x8x1024xi32, #tpu.memory_space<vmem>> -> memref<8x1024xi32, #tpu.memory_space<vmem>>
    %dma_wait3A_53 = arith.constant 0 : i32
    %dma_wait3A_54 = tpu.memref_slice %arg5[%mul3A_2, %dma_wait3A_53] : memref<256x10000xi32, #tpu.memory_space<hbm>> -> memref<8x1024xi32, #tpu.memory_space<hbm>>
    %dma_wait3A_55 = arith.constant 0 : i32
    %dma_wait3A_56 = tpu.memref_slice %arg5[%mul3A_2, %dma_wait3A_55] : memref<256x10000xi32, #tpu.memory_space<hbm>> -> memref<8x1024xi32, #tpu.memory_space<hbm>>
    %dma_wait3A_57 = arith.constant 0 : i32
    %dma_wait3A_58 = arith.constant 0 : i32
    %dma_wait3A_59 = tpu.memref_slice %arg9[%dma_wait3A_48, %dma_wait3A_57, %dma_wait3A_58] : memref<2x8x1024xi32, #tpu.memory_space<vmem>> -> memref<1x8x1024xi32, #tpu.memory_space<vmem>>
    %dma_wait3A_60 = tpu.memref_squeeze %dma_wait3A_59 : memref<1x8x1024xi32, #tpu.memory_space<vmem>> -> memref<8x1024xi32, #tpu.memory_space<vmem>>
    tpu.wait_dma2 semaphore(%arg11 : memref<!tpu.dma_semaphore, #tpu.memory_space<semaphore_mem>>) src(%dma_wait3A_60 : memref<8x1024xi32, #tpu.memory_space<vmem>>) dst(%dma_wait3A_56 : memref<8x1024xi32, #tpu.memory_space<hbm>>)
    %scan3A_61 = arith.constant 0 : i32
    %scan3A_62 = arith.constant 0 : i32
    %scan3A_63 = arith.constant 64 : i32
    %scan3A_64 = arith.addi %scan3A_62, %scan3A_63 : i32
    %scan3A_65 = arith.constant 1 : i32
    %scan3A_66 = scf.for %scan3A_676 = %scan3A_62 to %scan3A_64 step %scan3A_65 iter_args(%scan3A_677 = %scan3A_61) -> (i32)  : i32 {
      %mul3A_678 = arith.constant 16 : i32
      %mul3A_679 = arith.muli %scan3A_676, %mul3A_678 : i32
      %add3A_680 = arith.constant 2048 : i32
      %add3A_681 = arith.addi %add3A_680, %mul3A_679 : i32
      %get3A = arith.index_cast %add3A_681 : i32 to index
      %get3A_682 = tpu.vector_load %arg7[%get3A] {strides = array<i32>} : memref<10000xi32, #tpu.memory_space<vmem>>, vector<16xi32>,
      %gather3A = arith.constant 0 : i32
      %gather3A_683 = arith.constant 0 : i32
      %gather3A_684 = tpu.memref_slice %arg8[%gather3A, %gather3A_683] : memref<8x10000xi32, #tpu.memory_space<vmem>> -> memref<1x10000xi32, #tpu.memory_space<vmem>>
      %gather3A_685 = tpu.memref_squeeze %gather3A_684 : memref<1x10000xi32, #tpu.memory_space<vmem>> -> memref<10000xi32, #tpu.memory_space<vmem>>
      %gather3A_686 = tpu.vector_load_idx %gather3A_685[%get3A_682] : memref<10000xi32, #tpu.memory_space<vmem>>[vector<16xi32>], vector<16xi32>,
      %gather3A_687 = tpu.vector_load_idx %arg7[%gather3A_686] : memref<10000xi32, #tpu.memory_space<vmem>>[vector<16xi32>], vector<16xi32>,
      %mul3A_688 = arith.constant 16 : i32
      %mul3A_689 = arith.muli %scan3A_676, %mul3A_688 : i32
      %swap3A = arith.constant 0 : i32
      %swap3A_690 = arith.constant 0 : i32
      %swap3A_691 = arith.index_cast %swap3A : i32 to index
      %swap3A_692 = arith.index_cast %swap3A_690 : i32 to index
      %swap3A_693 = arith.index_cast %mul3A_689 : i32 to index
      %swap3A_694 = tpu.vector_load %arg9[%swap3A_691, %swap3A_692, %swap3A_693] {strides = array<i32>} : memref<2x8x1024xi32, #tpu.memory_space<vmem>>, vector<16xi32>,
      tpu.vector_store %arg9[%swap3A_691, %swap3A_692, %swap3A_693], %gather3A_687 {strides = array<i32>} : memref<2x8x1024xi32, #tpu.memory_space<vmem>>, vector<16xi32>,
      %gather3A_695 = arith.constant 1 : i32
      %gather3A_696 = arith.constant 0 : i32
      %gather3A_697 = tpu.memref_slice %arg8[%gather3A_695, %gather3A_696] : memref<8x10000xi32, #tpu.memory_space<vmem>> -> memref<1x10000xi32, #tpu.memory_space<vmem>>
      %gather3A_698 = tpu.memref_squeeze %gather3A_697 : memref<1x10000xi32, #tpu.memory_space<vmem>> -> memref<10000xi32, #tpu.memory_space<vmem>>
      %gather3A_699 = tpu.vector_load_idx %gather3A_698[%get3A_682] : memref<10000xi32, #tpu.memory_space<vmem>>[vector<16xi32>], vector<16xi32>,
      %gather3A_700 = tpu.vector_load_idx %arg7[%gather3A_699] : memref<10000xi32, #tpu.memory_space<vmem>>[vector<16xi32>], vector<16xi32>,
      %mul3A_701 = arith.constant 16 : i32
      %mul3A_702 = arith.muli %scan3A_676, %mul3A_701 : i32
      %swap3A_703 = arith.constant 0 : i32
      %swap3A_704 = arith.constant 1 : i32
      %swap3A_705 = arith.index_cast %swap3A_703 : i32 to index
      %swap3A_706 = arith.index_cast %swap3A_704 : i32 to index
      %swap3A_707 = arith.index_cast %mul3A_702 : i32 to index
      %swap3A_708 = tpu.vector_load %arg9[%swap3A_705, %swap3A_706, %swap3A_707] {strides = array<i32>} : memref<2x8x1024xi32, #tpu.memory_space<vmem>>, vector<16xi32>,
      tpu.vector_store %arg9[%swap3A_705, %swap3A_706, %swap3A_707], %gather3A_700 {strides = array<i32>} : memref<2x8x1024xi32, #tpu.memory_space<vmem>>, vector<16xi32>,
      %gather3A_709 = arith.constant 2 : i32
      %gather3A_710 = arith.constant 0 : i32
      %gather3A_711 = tpu.memref_slice %arg8[%gather3A_709, %gather3A_710] : memref<8x10000xi32, #tpu.memory_space<vmem>> -> memref<1x10000xi32, #tpu.memory_space<vmem>>
      %gather3A_712 = tpu.memref_squeeze %gather3A_711 : memref<1x10000xi32, #tpu.memory_space<vmem>> -> memref<10000xi32, #tpu.memory_space<vmem>>
      %gather3A_713 = tpu.vector_load_idx %gather3A_712[%get3A_682] : memref<10000xi32, #tpu.memory_space<vmem>>[vector<16xi32>], vector<16xi32>,
      %gather3A_714 = tpu.vector_load_idx %arg7[%gather3A_713] : memref<10000xi32, #tpu.memory_space<vmem>>[vector<16xi32>], vector<16xi32>,
      %mul3A_715 = arith.constant 16 : i32
      %mul3A_716 = arith.muli %scan3A_676, %mul3A_715 : i32
      %swap3A_717 = arith.constant 0 : i32
      %swap3A_718 = arith.constant 2 : i32
      %swap3A_719 = arith.index_cast %swap3A_717 : i32 to index
      %swap3A_720 = arith.index_cast %swap3A_718 : i32 to index
      %swap3A_721 = arith.index_cast %mul3A_716 : i32 to index
      %swap3A_722 = tpu.vector_load %arg9[%swap3A_719, %swap3A_720, %swap3A_721] {strides = array<i32>} : memref<2x8x1024xi32, #tpu.memory_space<vmem>>, vector<16xi32>,
      tpu.vector_store %arg9[%swap3A_719, %swap3A_720, %swap3A_721], %gather3A_714 {strides = array<i32>} : memref<2x8x1024xi32, #tpu.memory_space<vmem>>, vector<16xi32>,
      %gather3A_723 = arith.constant 3 : i32
      %gather3A_724 = arith.constant 0 : i32
      %gather3A_725 = tpu.memref_slice %arg8[%gather3A_723, %gather3A_724] : memref<8x10000xi32, #tpu.memory_space<vmem>> -> memref<1x10000xi32, #tpu.memory_space<vmem>>
      %gather3A_726 = tpu.memref_squeeze %gather3A_725 : memref<1x10000xi32, #tpu.memory_space<vmem>> -> memref<10000xi32, #tpu.memory_space<vmem>>
      %gather3A_727 = tpu.vector_load_idx %gather3A_726[%get3A_682] : memref<10000xi32, #tpu.memory_space<vmem>>[vector<16xi32>], vector<16xi32>,
      %gather3A_728 = tpu.vector_load_idx %arg7[%gather3A_727] : memref<10000xi32, #tpu.memory_space<vmem>>[vector<16xi32>], vector<16xi32>,
      %mul3A_729 = arith.constant 16 : i32
      %mul3A_730 = arith.muli %scan3A_676, %mul3A_729 : i32
      %swap3A_731 = arith.constant 0 : i32
      %swap3A_732 = arith.constant 3 : i32
      %swap3A_733 = arith.index_cast %swap3A_731 : i32 to index
      %swap3A_734 = arith.index_cast %swap3A_732 : i32 to index
      %swap3A_735 = arith.index_cast %mul3A_730 : i32 to index
      %swap3A_736 = tpu.vector_load %arg9[%swap3A_733, %swap3A_734, %swap3A_735] {strides = array<i32>} : memref<2x8x1024xi32, #tpu.memory_space<vmem>>, vector<16xi32>,
      tpu.vector_store %arg9[%swap3A_733, %swap3A_734, %swap3A_735], %gather3A_728 {strides = array<i32>} : memref<2x8x1024xi32, #tpu.memory_space<vmem>>, vector<16xi32>,
      %gather3A_737 = arith.constant 4 : i32
      %gather3A_738 = arith.constant 0 : i32
      %gather3A_739 = tpu.memref_slice %arg8[%gather3A_737, %gather3A_738] : memref<8x10000xi32, #tpu.memory_space<vmem>> -> memref<1x10000xi32, #tpu.memory_space<vmem>>
      %gather3A_740 = tpu.memref_squeeze %gather3A_739 : memref<1x10000xi32, #tpu.memory_space<vmem>> -> memref<10000xi32, #tpu.memory_space<vmem>>
      %gather3A_741 = tpu.vector_load_idx %gather3A_740[%get3A_682] : memref<10000xi32, #tpu.memory_space<vmem>>[vector<16xi32>], vector<16xi32>,
      %gather3A_742 = tpu.vector_load_idx %arg7[%gather3A_741] : memref<10000xi32, #tpu.memory_space<vmem>>[vector<16xi32>], vector<16xi32>,
      %mul3A_743 = arith.constant 16 : i32
      %mul3A_744 = arith.muli %scan3A_676, %mul3A_743 : i32
      %swap3A_745 = arith.constant 0 : i32
      %swap3A_746 = arith.constant 4 : i32
      %swap3A_747 = arith.index_cast %swap3A_745 : i32 to index
      %swap3A_748 = arith.index_cast %swap3A_746 : i32 to index
      %swap3A_749 = arith.index_cast %mul3A_744 : i32 to index
      %swap3A_750 = tpu.vector_load %arg9[%swap3A_747, %swap3A_748, %swap3A_749] {strides = array<i32>} : memref<2x8x1024xi32, #tpu.memory_space<vmem>>, vector<16xi32>,
      tpu.vector_store %arg9[%swap3A_747, %swap3A_748, %swap3A_749], %gather3A_742 {strides = array<i32>} : memref<2x8x1024xi32, #tpu.memory_space<vmem>>, vector<16xi32>,
      %gather3A_751 = arith.constant 5 : i32
      %gather3A_752 = arith.constant 0 : i32
      %gather3A_753 = tpu.memref_slice %arg8[%gather3A_751, %gather3A_752] : memref<8x10000xi32, #tpu.memory_space<vmem>> -> memref<1x10000xi32, #tpu.memory_space<vmem>>
      %gather3A_754 = tpu.memref_squeeze %gather3A_753 : memref<1x10000xi32, #tpu.memory_space<vmem>> -> memref<10000xi32, #tpu.memory_space<vmem>>
      %gather3A_755 = tpu.vector_load_idx %gather3A_754[%get3A_682] : memref<10000xi32, #tpu.memory_space<vmem>>[vector<16xi32>], vector<16xi32>,
      %gather3A_756 = tpu.vector_load_idx %arg7[%gather3A_755] : memref<10000xi32, #tpu.memory_space<vmem>>[vector<16xi32>], vector<16xi32>,
      %mul3A_757 = arith.constant 16 : i32
      %mul3A_758 = arith.muli %scan3A_676, %mul3A_757 : i32
      %swap3A_759 = arith.constant 0 : i32
      %swap3A_760 = arith.constant 5 : i32
      %swap3A_761 = arith.index_cast %swap3A_759 : i32 to index
      %swap3A_762 = arith.index_cast %swap3A_760 : i32 to index
      %swap3A_763 = arith.index_cast %mul3A_758 : i32 to index
      %swap3A_764 = tpu.vector_load %arg9[%swap3A_761, %swap3A_762, %swap3A_763] {strides = array<i32>} : memref<2x8x1024xi32, #tpu.memory_space<vmem>>, vector<16xi32>,
      tpu.vector_store %arg9[%swap3A_761, %swap3A_762, %swap3A_763], %gather3A_756 {strides = array<i32>} : memref<2x8x1024xi32, #tpu.memory_space<vmem>>, vector<16xi32>,
      %gather3A_765 = arith.constant 6 : i32
      %gather3A_766 = arith.constant 0 : i32
      %gather3A_767 = tpu.memref_slice %arg8[%gather3A_765, %gather3A_766] : memref<8x10000xi32, #tpu.memory_space<vmem>> -> memref<1x10000xi32, #tpu.memory_space<vmem>>
      %gather3A_768 = tpu.memref_squeeze %gather3A_767 : memref<1x10000xi32, #tpu.memory_space<vmem>> -> memref<10000xi32, #tpu.memory_space<vmem>>
      %gather3A_769 = tpu.vector_load_idx %gather3A_768[%get3A_682] : memref<10000xi32, #tpu.memory_space<vmem>>[vector<16xi32>], vector<16xi32>,
      %gather3A_770 = tpu.vector_load_idx %arg7[%gather3A_769] : memref<10000xi32, #tpu.memory_space<vmem>>[vector<16xi32>], vector<16xi32>,
      %mul3A_771 = arith.constant 16 : i32
      %mul3A_772 = arith.muli %scan3A_676, %mul3A_771 : i32
      %swap3A_773 = arith.constant 0 : i32
      %swap3A_774 = arith.constant 6 : i32
      %swap3A_775 = arith.index_cast %swap3A_773 : i32 to index
      %swap3A_776 = arith.index_cast %swap3A_774 : i32 to index
      %swap3A_777 = arith.index_cast %mul3A_772 : i32 to index
      %swap3A_778 = tpu.vector_load %arg9[%swap3A_775, %swap3A_776, %swap3A_777] {strides = array<i32>} : memref<2x8x1024xi32, #tpu.memory_space<vmem>>, vector<16xi32>,
      tpu.vector_store %arg9[%swap3A_775, %swap3A_776, %swap3A_777], %gather3A_770 {strides = array<i32>} : memref<2x8x1024xi32, #tpu.memory_space<vmem>>, vector<16xi32>,
      %gather3A_779 = arith.constant 7 : i32
      %gather3A_780 = arith.constant 0 : i32
      %gather3A_781 = tpu.memref_slice %arg8[%gather3A_779, %gather3A_780] : memref<8x10000xi32, #tpu.memory_space<vmem>> -> memref<1x10000xi32, #tpu.memory_space<vmem>>
      %gather3A_782 = tpu.memref_squeeze %gather3A_781 : memref<1x10000xi32, #tpu.memory_space<vmem>> -> memref<10000xi32, #tpu.memory_space<vmem>>
      %gather3A_783 = tpu.vector_load_idx %gather3A_782[%get3A_682] : memref<10000xi32, #tpu.memory_space<vmem>>[vector<16xi32>], vector<16xi32>,
      %gather3A_784 = tpu.vector_load_idx %arg7[%gather3A_783] : memref<10000xi32, #tpu.memory_space<vmem>>[vector<16xi32>], vector<16xi32>,
      %mul3A_785 = arith.constant 16 : i32
      %mul3A_786 = arith.muli %scan3A_676, %mul3A_785 : i32
      %swap3A_787 = arith.constant 0 : i32
      %swap3A_788 = arith.constant 7 : i32
      %swap3A_789 = arith.index_cast %swap3A_787 : i32 to index
      %swap3A_790 = arith.index_cast %swap3A_788 : i32 to index
      %swap3A_791 = arith.index_cast %mul3A_786 : i32 to index
      %swap3A_792 = tpu.vector_load %arg9[%swap3A_789, %swap3A_790, %swap3A_791] {strides = array<i32>} : memref<2x8x1024xi32, #tpu.memory_space<vmem>>, vector<16xi32>,
      tpu.vector_store %arg9[%swap3A_789, %swap3A_790, %swap3A_791], %gather3A_784 {strides = array<i32>} : memref<2x8x1024xi32, #tpu.memory_space<vmem>>, vector<16xi32>,
      %scan3A_793 = arith.constant 0 : i32
      scf.yield %scan3A_793 : i32
    }
    %scan3A_67 = arith.constant 64 : i32
    %dma_start3A_68 = arith.constant 0 : i32
    %dma_start3A_69 = arith.constant 0 : i32
    %dma_start3A_70 = arith.constant 0 : i32
    %dma_start3A_71 = tpu.memref_slice %arg9[%dma_start3A_68, %dma_start3A_69, %dma_start3A_70] : memref<2x8x1024xi32, #tpu.memory_space<vmem>> -> memref<1x8x1024xi32, #tpu.memory_space<vmem>>
    %dma_start3A_72 = tpu.memref_squeeze %dma_start3A_71 : memref<1x8x1024xi32, #tpu.memory_space<vmem>> -> memref<8x1024xi32, #tpu.memory_space<vmem>>
    %dma_start3A_73 = arith.constant 2048 : i32
    %dma_start3A_74 = tpu.memref_slice %arg5[%mul3A_2, %dma_start3A_73] : memref<256x10000xi32, #tpu.memory_space<hbm>> -> memref<8x1024xi32, #tpu.memory_space<hbm>>
    %dma_start3A_75 = arith.constant 2048 : i32
    %dma_start3A_76 = tpu.memref_slice %arg5[%mul3A_2, %dma_start3A_75] : memref<256x10000xi32, #tpu.memory_space<hbm>> -> memref<8x1024xi32, #tpu.memory_space<hbm>>
    %dma_start3A_77 = arith.constant 0 : i32
    %dma_start3A_78 = arith.constant 0 : i32
    %dma_start3A_79 = tpu.memref_slice %arg9[%dma_start3A_68, %dma_start3A_77, %dma_start3A_78] : memref<2x8x1024xi32, #tpu.memory_space<vmem>> -> memref<1x8x1024xi32, #tpu.memory_space<vmem>>
    %dma_start3A_80 = tpu.memref_squeeze %dma_start3A_79 : memref<1x8x1024xi32, #tpu.memory_space<vmem>> -> memref<8x1024xi32, #tpu.memory_space<vmem>>
    tpu.enqueue_dma source(%dma_start3A_80 : memref<8x1024xi32, #tpu.memory_space<vmem>>) target(%dma_start3A_76 : memref<8x1024xi32, #tpu.memory_space<hbm>>) target_semaphore(%arg11 : memref<!tpu.dma_semaphore, #tpu.memory_space<semaphore_mem>>)
    %dma_wait3A_81 = arith.constant 1 : i32
    %dma_wait3A_82 = arith.constant 0 : i32
    %dma_wait3A_83 = arith.constant 0 : i32
    %dma_wait3A_84 = tpu.memref_slice %arg9[%dma_wait3A_81, %dma_wait3A_82, %dma_wait3A_83] : memref<2x8x1024xi32, #tpu.memory_space<vmem>> -> memref<1x8x1024xi32, #tpu.memory_space<vmem>>
    %dma_wait3A_85 = tpu.memref_squeeze %dma_wait3A_84 : memref<1x8x1024xi32, #tpu.memory_space<vmem>> -> memref<8x1024xi32, #tpu.memory_space<vmem>>
    %dma_wait3A_86 = arith.constant 1024 : i32
    %dma_wait3A_87 = tpu.memref_slice %arg5[%mul3A_2, %dma_wait3A_86] : memref<256x10000xi32, #tpu.memory_space<hbm>> -> memref<8x1024xi32, #tpu.memory_space<hbm>>
    %dma_wait3A_88 = arith.constant 1024 : i32
    %dma_wait3A_89 = tpu.memref_slice %arg5[%mul3A_2, %dma_wait3A_88] : memref<256x10000xi32, #tpu.memory_space<hbm>> -> memref<8x1024xi32, #tpu.memory_space<hbm>>
    %dma_wait3A_90 = arith.constant 0 : i32
    %dma_wait3A_91 = arith.constant 0 : i32
    %dma_wait3A_92 = tpu.memref_slice %arg9[%dma_wait3A_81, %dma_wait3A_90, %dma_wait3A_91] : memref<2x8x1024xi32, #tpu.memory_space<vmem>> -> memref<1x8x1024xi32, #tpu.memory_space<vmem>>
    %dma_wait3A_93 = tpu.memref_squeeze %dma_wait3A_92 : memref<1x8x1024xi32, #tpu.memory_space<vmem>> -> memref<8x1024xi32, #tpu.memory_space<vmem>>
    tpu.wait_dma2 semaphore(%arg12 : memref<!tpu.dma_semaphore, #tpu.memory_space<semaphore_mem>>) src(%dma_wait3A_93 : memref<8x1024xi32, #tpu.memory_space<vmem>>) dst(%dma_wait3A_89 : memref<8x1024xi32, #tpu.memory_space<hbm>>)
    %scan3A_94 = arith.constant 0 : i32
    %scan3A_95 = arith.constant 0 : i32
    %scan3A_96 = arith.constant 64 : i32
    %scan3A_97 = arith.addi %scan3A_95, %scan3A_96 : i32
    %scan3A_98 = arith.constant 1 : i32
    %scan3A_99 = scf.for %scan3A_676 = %scan3A_95 to %scan3A_97 step %scan3A_98 iter_args(%scan3A_677 = %scan3A_94) -> (i32)  : i32 {
      %mul3A_678 = arith.constant 16 : i32
      %mul3A_679 = arith.muli %scan3A_676, %mul3A_678 : i32
      %add3A_680 = arith.constant 3072 : i32
      %add3A_681 = arith.addi %add3A_680, %mul3A_679 : i32
      %get3A = arith.index_cast %add3A_681 : i32 to index
      %get3A_682 = tpu.vector_load %arg7[%get3A] {strides = array<i32>} : memref<10000xi32, #tpu.memory_space<vmem>>, vector<16xi32>,
      %gather3A = arith.constant 0 : i32
      %gather3A_683 = arith.constant 0 : i32
      %gather3A_684 = tpu.memref_slice %arg8[%gather3A, %gather3A_683] : memref<8x10000xi32, #tpu.memory_space<vmem>> -> memref<1x10000xi32, #tpu.memory_space<vmem>>
      %gather3A_685 = tpu.memref_squeeze %gather3A_684 : memref<1x10000xi32, #tpu.memory_space<vmem>> -> memref<10000xi32, #tpu.memory_space<vmem>>
      %gather3A_686 = tpu.vector_load_idx %gather3A_685[%get3A_682] : memref<10000xi32, #tpu.memory_space<vmem>>[vector<16xi32>], vector<16xi32>,
      %gather3A_687 = tpu.vector_load_idx %arg7[%gather3A_686] : memref<10000xi32, #tpu.memory_space<vmem>>[vector<16xi32>], vector<16xi32>,
      %mul3A_688 = arith.constant 16 : i32
      %mul3A_689 = arith.muli %scan3A_676, %mul3A_688 : i32
      %swap3A = arith.constant 1 : i32
      %swap3A_690 = arith.constant 0 : i32
      %swap3A_691 = arith.index_cast %swap3A : i32 to index
      %swap3A_692 = arith.index_cast %swap3A_690 : i32 to index
      %swap3A_693 = arith.index_cast %mul3A_689 : i32 to index
      %swap3A_694 = tpu.vector_load %arg9[%swap3A_691, %swap3A_692, %swap3A_693] {strides = array<i32>} : memref<2x8x1024xi32, #tpu.memory_space<vmem>>, vector<16xi32>,
      tpu.vector_store %arg9[%swap3A_691, %swap3A_692, %swap3A_693], %gather3A_687 {strides = array<i32>} : memref<2x8x1024xi32, #tpu.memory_space<vmem>>, vector<16xi32>,
      %gather3A_695 = arith.constant 1 : i32
      %gather3A_696 = arith.constant 0 : i32
      %gather3A_697 = tpu.memref_slice %arg8[%gather3A_695, %gather3A_696] : memref<8x10000xi32, #tpu.memory_space<vmem>> -> memref<1x10000xi32, #tpu.memory_space<vmem>>
      %gather3A_698 = tpu.memref_squeeze %gather3A_697 : memref<1x10000xi32, #tpu.memory_space<vmem>> -> memref<10000xi32, #tpu.memory_space<vmem>>
      %gather3A_699 = tpu.vector_load_idx %gather3A_698[%get3A_682] : memref<10000xi32, #tpu.memory_space<vmem>>[vector<16xi32>], vector<16xi32>,
      %gather3A_700 = tpu.vector_load_idx %arg7[%gather3A_699] : memref<10000xi32, #tpu.memory_space<vmem>>[vector<16xi32>], vector<16xi32>,
      %mul3A_701 = arith.constant 16 : i32
      %mul3A_702 = arith.muli %scan3A_676, %mul3A_701 : i32
      %swap3A_703 = arith.constant 1 : i32
      %swap3A_704 = arith.constant 1 : i32
      %swap3A_705 = arith.index_cast %swap3A_703 : i32 to index
      %swap3A_706 = arith.index_cast %swap3A_704 : i32 to index
      %swap3A_707 = arith.index_cast %mul3A_702 : i32 to index
      %swap3A_708 = tpu.vector_load %arg9[%swap3A_705, %swap3A_706, %swap3A_707] {strides = array<i32>} : memref<2x8x1024xi32, #tpu.memory_space<vmem>>, vector<16xi32>,
      tpu.vector_store %arg9[%swap3A_705, %swap3A_706, %swap3A_707], %gather3A_700 {strides = array<i32>} : memref<2x8x1024xi32, #tpu.memory_space<vmem>>, vector<16xi32>,
      %gather3A_709 = arith.constant 2 : i32
      %gather3A_710 = arith.constant 0 : i32
      %gather3A_711 = tpu.memref_slice %arg8[%gather3A_709, %gather3A_710] : memref<8x10000xi32, #tpu.memory_space<vmem>> -> memref<1x10000xi32, #tpu.memory_space<vmem>>
      %gather3A_712 = tpu.memref_squeeze %gather3A_711 : memref<1x10000xi32, #tpu.memory_space<vmem>> -> memref<10000xi32, #tpu.memory_space<vmem>>
      %gather3A_713 = tpu.vector_load_idx %gather3A_712[%get3A_682] : memref<10000xi32, #tpu.memory_space<vmem>>[vector<16xi32>], vector<16xi32>,
      %gather3A_714 = tpu.vector_load_idx %arg7[%gather3A_713] : memref<10000xi32, #tpu.memory_space<vmem>>[vector<16xi32>], vector<16xi32>,
      %mul3A_715 = arith.constant 16 : i32
      %mul3A_716 = arith.muli %scan3A_676, %mul3A_715 : i32
      %swap3A_717 = arith.constant 1 : i32
      %swap3A_718 = arith.constant 2 : i32
      %swap3A_719 = arith.index_cast %swap3A_717 : i32 to index
      %swap3A_720 = arith.index_cast %swap3A_718 : i32 to index
      %swap3A_721 = arith.index_cast %mul3A_716 : i32 to index
      %swap3A_722 = tpu.vector_load %arg9[%swap3A_719, %swap3A_720, %swap3A_721] {strides = array<i32>} : memref<2x8x1024xi32, #tpu.memory_space<vmem>>, vector<16xi32>,
      tpu.vector_store %arg9[%swap3A_719, %swap3A_720, %swap3A_721], %gather3A_714 {strides = array<i32>} : memref<2x8x1024xi32, #tpu.memory_space<vmem>>, vector<16xi32>,
      %gather3A_723 = arith.constant 3 : i32
      %gather3A_724 = arith.constant 0 : i32
      %gather3A_725 = tpu.memref_slice %arg8[%gather3A_723, %gather3A_724] : memref<8x10000xi32, #tpu.memory_space<vmem>> -> memref<1x10000xi32, #tpu.memory_space<vmem>>
      %gather3A_726 = tpu.memref_squeeze %gather3A_725 : memref<1x10000xi32, #tpu.memory_space<vmem>> -> memref<10000xi32, #tpu.memory_space<vmem>>
      %gather3A_727 = tpu.vector_load_idx %gather3A_726[%get3A_682] : memref<10000xi32, #tpu.memory_space<vmem>>[vector<16xi32>], vector<16xi32>,
      %gather3A_728 = tpu.vector_load_idx %arg7[%gather3A_727] : memref<10000xi32, #tpu.memory_space<vmem>>[vector<16xi32>], vector<16xi32>,
      %mul3A_729 = arith.constant 16 : i32
      %mul3A_730 = arith.muli %scan3A_676, %mul3A_729 : i32
      %swap3A_731 = arith.constant 1 : i32
      %swap3A_732 = arith.constant 3 : i32
      %swap3A_733 = arith.index_cast %swap3A_731 : i32 to index
      %swap3A_734 = arith.index_cast %swap3A_732 : i32 to index
      %swap3A_735 = arith.index_cast %mul3A_730 : i32 to index
      %swap3A_736 = tpu.vector_load %arg9[%swap3A_733, %swap3A_734, %swap3A_735] {strides = array<i32>} : memref<2x8x1024xi32, #tpu.memory_space<vmem>>, vector<16xi32>,
      tpu.vector_store %arg9[%swap3A_733, %swap3A_734, %swap3A_735], %gather3A_728 {strides = array<i32>} : memref<2x8x1024xi32, #tpu.memory_space<vmem>>, vector<16xi32>,
      %gather3A_737 = arith.constant 4 : i32
      %gather3A_738 = arith.constant 0 : i32
      %gather3A_739 = tpu.memref_slice %arg8[%gather3A_737, %gather3A_738] : memref<8x10000xi32, #tpu.memory_space<vmem>> -> memref<1x10000xi32, #tpu.memory_space<vmem>>
      %gather3A_740 = tpu.memref_squeeze %gather3A_739 : memref<1x10000xi32, #tpu.memory_space<vmem>> -> memref<10000xi32, #tpu.memory_space<vmem>>
      %gather3A_741 = tpu.vector_load_idx %gather3A_740[%get3A_682] : memref<10000xi32, #tpu.memory_space<vmem>>[vector<16xi32>], vector<16xi32>,
      %gather3A_742 = tpu.vector_load_idx %arg7[%gather3A_741] : memref<10000xi32, #tpu.memory_space<vmem>>[vector<16xi32>], vector<16xi32>,
      %mul3A_743 = arith.constant 16 : i32
      %mul3A_744 = arith.muli %scan3A_676, %mul3A_743 : i32
      %swap3A_745 = arith.constant 1 : i32
      %swap3A_746 = arith.constant 4 : i32
      %swap3A_747 = arith.index_cast %swap3A_745 : i32 to index
      %swap3A_748 = arith.index_cast %swap3A_746 : i32 to index
      %swap3A_749 = arith.index_cast %mul3A_744 : i32 to index
      %swap3A_750 = tpu.vector_load %arg9[%swap3A_747, %swap3A_748, %swap3A_749] {strides = array<i32>} : memref<2x8x1024xi32, #tpu.memory_space<vmem>>, vector<16xi32>,
      tpu.vector_store %arg9[%swap3A_747, %swap3A_748, %swap3A_749], %gather3A_742 {strides = array<i32>} : memref<2x8x1024xi32, #tpu.memory_space<vmem>>, vector<16xi32>,
      %gather3A_751 = arith.constant 5 : i32
      %gather3A_752 = arith.constant 0 : i32
      %gather3A_753 = tpu.memref_slice %arg8[%gather3A_751, %gather3A_752] : memref<8x10000xi32, #tpu.memory_space<vmem>> -> memref<1x10000xi32, #tpu.memory_space<vmem>>
      %gather3A_754 = tpu.memref_squeeze %gather3A_753 : memref<1x10000xi32, #tpu.memory_space<vmem>> -> memref<10000xi32, #tpu.memory_space<vmem>>
      %gather3A_755 = tpu.vector_load_idx %gather3A_754[%get3A_682] : memref<10000xi32, #tpu.memory_space<vmem>>[vector<16xi32>], vector<16xi32>,
      %gather3A_756 = tpu.vector_load_idx %arg7[%gather3A_755] : memref<10000xi32, #tpu.memory_space<vmem>>[vector<16xi32>], vector<16xi32>,
      %mul3A_757 = arith.constant 16 : i32
      %mul3A_758 = arith.muli %scan3A_676, %mul3A_757 : i32
      %swap3A_759 = arith.constant 1 : i32
      %swap3A_760 = arith.constant 5 : i32
      %swap3A_761 = arith.index_cast %swap3A_759 : i32 to index
      %swap3A_762 = arith.index_cast %swap3A_760 : i32 to index
      %swap3A_763 = arith.index_cast %mul3A_758 : i32 to index
      %swap3A_764 = tpu.vector_load %arg9[%swap3A_761, %swap3A_762, %swap3A_763] {strides = array<i32>} : memref<2x8x1024xi32, #tpu.memory_space<vmem>>, vector<16xi32>,
      tpu.vector_store %arg9[%swap3A_761, %swap3A_762, %swap3A_763], %gather3A_756 {strides = array<i32>} : memref<2x8x1024xi32, #tpu.memory_space<vmem>>, vector<16xi32>,
      %gather3A_765 = arith.constant 6 : i32
      %gather3A_766 = arith.constant 0 : i32
      %gather3A_767 = tpu.memref_slice %arg8[%gather3A_765, %gather3A_766] : memref<8x10000xi32, #tpu.memory_space<vmem>> -> memref<1x10000xi32, #tpu.memory_space<vmem>>
      %gather3A_768 = tpu.memref_squeeze %gather3A_767 : memref<1x10000xi32, #tpu.memory_space<vmem>> -> memref<10000xi32, #tpu.memory_space<vmem>>
      %gather3A_769 = tpu.vector_load_idx %gather3A_768[%get3A_682] : memref<10000xi32, #tpu.memory_space<vmem>>[vector<16xi32>], vector<16xi32>,
      %gather3A_770 = tpu.vector_load_idx %arg7[%gather3A_769] : memref<10000xi32, #tpu.memory_space<vmem>>[vector<16xi32>], vector<16xi32>,
      %mul3A_771 = arith.constant 16 : i32
      %mul3A_772 = arith.muli %scan3A_676, %mul3A_771 : i32
      %swap3A_773 = arith.constant 1 : i32
      %swap3A_774 = arith.constant 6 : i32
      %swap3A_775 = arith.index_cast %swap3A_773 : i32 to index
      %swap3A_776 = arith.index_cast %swap3A_774 : i32 to index
      %swap3A_777 = arith.index_cast %mul3A_772 : i32 to index
      %swap3A_778 = tpu.vector_load %arg9[%swap3A_775, %swap3A_776, %swap3A_777] {strides = array<i32>} : memref<2x8x1024xi32, #tpu.memory_space<vmem>>, vector<16xi32>,
      tpu.vector_store %arg9[%swap3A_775, %swap3A_776, %swap3A_777], %gather3A_770 {strides = array<i32>} : memref<2x8x1024xi32, #tpu.memory_space<vmem>>, vector<16xi32>,
      %gather3A_779 = arith.constant 7 : i32
      %gather3A_780 = arith.constant 0 : i32
      %gather3A_781 = tpu.memref_slice %arg8[%gather3A_779, %gather3A_780] : memref<8x10000xi32, #tpu.memory_space<vmem>> -> memref<1x10000xi32, #tpu.memory_space<vmem>>
      %gather3A_782 = tpu.memref_squeeze %gather3A_781 : memref<1x10000xi32, #tpu.memory_space<vmem>> -> memref<10000xi32, #tpu.memory_space<vmem>>
      %gather3A_783 = tpu.vector_load_idx %gather3A_782[%get3A_682] : memref<10000xi32, #tpu.memory_space<vmem>>[vector<16xi32>], vector<16xi32>,
      %gather3A_784 = tpu.vector_load_idx %arg7[%gather3A_783] : memref<10000xi32, #tpu.memory_space<vmem>>[vector<16xi32>], vector<16xi32>,
      %mul3A_785 = arith.constant 16 : i32
      %mul3A_786 = arith.muli %scan3A_676, %mul3A_785 : i32
      %swap3A_787 = arith.constant 1 : i32
      %swap3A_788 = arith.constant 7 : i32
      %swap3A_789 = arith.index_cast %swap3A_787 : i32 to index
      %swap3A_790 = arith.index_cast %swap3A_788 : i32 to index
      %swap3A_791 = arith.index_cast %mul3A_786 : i32 to index
      %swap3A_792 = tpu.vector_load %arg9[%swap3A_789, %swap3A_790, %swap3A_791] {strides = array<i32>} : memref<2x8x1024xi32, #tpu.memory_space<vmem>>, vector<16xi32>,
      tpu.vector_store %arg9[%swap3A_789, %swap3A_790, %swap3A_791], %gather3A_784 {strides = array<i32>} : memref<2x8x1024xi32, #tpu.memory_space<vmem>>, vector<16xi32>,
      %scan3A_793 = arith.constant 0 : i32
      scf.yield %scan3A_793 : i32
    }
    %scan3A_100 = arith.constant 64 : i32
    %dma_start3A_101 = arith.constant 1 : i32
    %dma_start3A_102 = arith.constant 0 : i32
    %dma_start3A_103 = arith.constant 0 : i32
    %dma_start3A_104 = tpu.memref_slice %arg9[%dma_start3A_101, %dma_start3A_102, %dma_start3A_103] : memref<2x8x1024xi32, #tpu.memory_space<vmem>> -> memref<1x8x1024xi32, #tpu.memory_space<vmem>>
    %dma_start3A_105 = tpu.memref_squeeze %dma_start3A_104 : memref<1x8x1024xi32, #tpu.memory_space<vmem>> -> memref<8x1024xi32, #tpu.memory_space<vmem>>
    %dma_start3A_106 = arith.constant 3072 : i32
    %dma_start3A_107 = tpu.memref_slice %arg5[%mul3A_2, %dma_start3A_106] : memref<256x10000xi32, #tpu.memory_space<hbm>> -> memref<8x1024xi32, #tpu.memory_space<hbm>>
    %dma_start3A_108 = arith.constant 3072 : i32
    %dma_start3A_109 = tpu.memref_slice %arg5[%mul3A_2, %dma_start3A_108] : memref<256x10000xi32, #tpu.memory_space<hbm>> -> memref<8x1024xi32, #tpu.memory_space<hbm>>
    %dma_start3A_110 = arith.constant 0 : i32
    %dma_start3A_111 = arith.constant 0 : i32
    %dma_start3A_112 = tpu.memref_slice %arg9[%dma_start3A_101, %dma_start3A_110, %dma_start3A_111] : memref<2x8x1024xi32, #tpu.memory_space<vmem>> -> memref<1x8x1024xi32, #tpu.memory_space<vmem>>
    %dma_start3A_113 = tpu.memref_squeeze %dma_start3A_112 : memref<1x8x1024xi32, #tpu.memory_space<vmem>> -> memref<8x1024xi32, #tpu.memory_space<vmem>>
    tpu.enqueue_dma source(%dma_start3A_113 : memref<8x1024xi32, #tpu.memory_space<vmem>>) target(%dma_start3A_109 : memref<8x1024xi32, #tpu.memory_space<hbm>>) target_semaphore(%arg12 : memref<!tpu.dma_semaphore, #tpu.memory_space<semaphore_mem>>)
    %dma_wait3A_114 = arith.constant 0 : i32
    %dma_wait3A_115 = arith.constant 0 : i32
    %dma_wait3A_116 = arith.constant 0 : i32
    %dma_wait3A_117 = tpu.memref_slice %arg9[%dma_wait3A_114, %dma_wait3A_115, %dma_wait3A_116] : memref<2x8x1024xi32, #tpu.memory_space<vmem>> -> memref<1x8x1024xi32, #tpu.memory_space<vmem>>
    %dma_wait3A_118 = tpu.memref_squeeze %dma_wait3A_117 : memref<1x8x1024xi32, #tpu.memory_space<vmem>> -> memref<8x1024xi32, #tpu.memory_space<vmem>>
    %dma_wait3A_119 = arith.constant 2048 : i32
    %dma_wait3A_120 = tpu.memref_slice %arg5[%mul3A_2, %dma_wait3A_119] : memref<256x10000xi32, #tpu.memory_space<hbm>> -> memref<8x1024xi32, #tpu.memory_space<hbm>>
    %dma_wait3A_121 = arith.constant 2048 : i32
    %dma_wait3A_122 = tpu.memref_slice %arg5[%mul3A_2, %dma_wait3A_121] : memref<256x10000xi32, #tpu.memory_space<hbm>> -> memref<8x1024xi32, #tpu.memory_space<hbm>>
    %dma_wait3A_123 = arith.constant 0 : i32
    %dma_wait3A_124 = arith.constant 0 : i32
    %dma_wait3A_125 = tpu.memref_slice %arg9[%dma_wait3A_114, %dma_wait3A_123, %dma_wait3A_124] : memref<2x8x1024xi32, #tpu.memory_space<vmem>> -> memref<1x8x1024xi32, #tpu.memory_space<vmem>>
    %dma_wait3A_126 = tpu.memref_squeeze %dma_wait3A_125 : memref<1x8x1024xi32, #tpu.memory_space<vmem>> -> memref<8x1024xi32, #tpu.memory_space<vmem>>
    tpu.wait_dma2 semaphore(%arg11 : memref<!tpu.dma_semaphore, #tpu.memory_space<semaphore_mem>>) src(%dma_wait3A_126 : memref<8x1024xi32, #tpu.memory_space<vmem>>) dst(%dma_wait3A_122 : memref<8x1024xi32, #tpu.memory_space<hbm>>)
    %scan3A_127 = arith.constant 0 : i32
    %scan3A_128 = arith.constant 0 : i32
    %scan3A_129 = arith.constant 64 : i32
    %scan3A_130 = arith.addi %scan3A_128, %scan3A_129 : i32
    %scan3A_131 = arith.constant 1 : i32
    %scan3A_132 = scf.for %scan3A_676 = %scan3A_128 to %scan3A_130 step %scan3A_131 iter_args(%scan3A_677 = %scan3A_127) -> (i32)  : i32 {
      %mul3A_678 = arith.constant 16 : i32
      %mul3A_679 = arith.muli %scan3A_676, %mul3A_678 : i32
      %add3A_680 = arith.constant 4096 : i32
      %add3A_681 = arith.addi %add3A_680, %mul3A_679 : i32
      %get3A = arith.index_cast %add3A_681 : i32 to index
      %get3A_682 = tpu.vector_load %arg7[%get3A] {strides = array<i32>} : memref<10000xi32, #tpu.memory_space<vmem>>, vector<16xi32>,
      %gather3A = arith.constant 0 : i32
      %gather3A_683 = arith.constant 0 : i32
      %gather3A_684 = tpu.memref_slice %arg8[%gather3A, %gather3A_683] : memref<8x10000xi32, #tpu.memory_space<vmem>> -> memref<1x10000xi32, #tpu.memory_space<vmem>>
      %gather3A_685 = tpu.memref_squeeze %gather3A_684 : memref<1x10000xi32, #tpu.memory_space<vmem>> -> memref<10000xi32, #tpu.memory_space<vmem>>
      %gather3A_686 = tpu.vector_load_idx %gather3A_685[%get3A_682] : memref<10000xi32, #tpu.memory_space<vmem>>[vector<16xi32>], vector<16xi32>,
      %gather3A_687 = tpu.vector_load_idx %arg7[%gather3A_686] : memref<10000xi32, #tpu.memory_space<vmem>>[vector<16xi32>], vector<16xi32>,
      %mul3A_688 = arith.constant 16 : i32
      %mul3A_689 = arith.muli %scan3A_676, %mul3A_688 : i32
      %swap3A = arith.constant 0 : i32
      %swap3A_690 = arith.constant 0 : i32
      %swap3A_691 = arith.index_cast %swap3A : i32 to index
      %swap3A_692 = arith.index_cast %swap3A_690 : i32 to index
      %swap3A_693 = arith.index_cast %mul3A_689 : i32 to index
      %swap3A_694 = tpu.vector_load %arg9[%swap3A_691, %swap3A_692, %swap3A_693] {strides = array<i32>} : memref<2x8x1024xi32, #tpu.memory_space<vmem>>, vector<16xi32>,
      tpu.vector_store %arg9[%swap3A_691, %swap3A_692, %swap3A_693], %gather3A_687 {strides = array<i32>} : memref<2x8x1024xi32, #tpu.memory_space<vmem>>, vector<16xi32>,
      %gather3A_695 = arith.constant 1 : i32
      %gather3A_696 = arith.constant 0 : i32
      %gather3A_697 = tpu.memref_slice %arg8[%gather3A_695, %gather3A_696] : memref<8x10000xi32, #tpu.memory_space<vmem>> -> memref<1x10000xi32, #tpu.memory_space<vmem>>
      %gather3A_698 = tpu.memref_squeeze %gather3A_697 : memref<1x10000xi32, #tpu.memory_space<vmem>> -> memref<10000xi32, #tpu.memory_space<vmem>>
      %gather3A_699 = tpu.vector_load_idx %gather3A_698[%get3A_682] : memref<10000xi32, #tpu.memory_space<vmem>>[vector<16xi32>], vector<16xi32>,
      %gather3A_700 = tpu.vector_load_idx %arg7[%gather3A_699] : memref<10000xi32, #tpu.memory_space<vmem>>[vector<16xi32>], vector<16xi32>,
      %mul3A_701 = arith.constant 16 : i32
      %mul3A_702 = arith.muli %scan3A_676, %mul3A_701 : i32
      %swap3A_703 = arith.constant 0 : i32
      %swap3A_704 = arith.constant 1 : i32
      %swap3A_705 = arith.index_cast %swap3A_703 : i32 to index
      %swap3A_706 = arith.index_cast %swap3A_704 : i32 to index
      %swap3A_707 = arith.index_cast %mul3A_702 : i32 to index
      %swap3A_708 = tpu.vector_load %arg9[%swap3A_705, %swap3A_706, %swap3A_707] {strides = array<i32>} : memref<2x8x1024xi32, #tpu.memory_space<vmem>>, vector<16xi32>,
      tpu.vector_store %arg9[%swap3A_705, %swap3A_706, %swap3A_707], %gather3A_700 {strides = array<i32>} : memref<2x8x1024xi32, #tpu.memory_space<vmem>>, vector<16xi32>,
      %gather3A_709 = arith.constant 2 : i32
      %gather3A_710 = arith.constant 0 : i32
      %gather3A_711 = tpu.memref_slice %arg8[%gather3A_709, %gather3A_710] : memref<8x10000xi32, #tpu.memory_space<vmem>> -> memref<1x10000xi32, #tpu.memory_space<vmem>>
      %gather3A_712 = tpu.memref_squeeze %gather3A_711 : memref<1x10000xi32, #tpu.memory_space<vmem>> -> memref<10000xi32, #tpu.memory_space<vmem>>
      %gather3A_713 = tpu.vector_load_idx %gather3A_712[%get3A_682] : memref<10000xi32, #tpu.memory_space<vmem>>[vector<16xi32>], vector<16xi32>,
      %gather3A_714 = tpu.vector_load_idx %arg7[%gather3A_713] : memref<10000xi32, #tpu.memory_space<vmem>>[vector<16xi32>], vector<16xi32>,
      %mul3A_715 = arith.constant 16 : i32
      %mul3A_716 = arith.muli %scan3A_676, %mul3A_715 : i32
      %swap3A_717 = arith.constant 0 : i32
      %swap3A_718 = arith.constant 2 : i32
      %swap3A_719 = arith.index_cast %swap3A_717 : i32 to index
      %swap3A_720 = arith.index_cast %swap3A_718 : i32 to index
      %swap3A_721 = arith.index_cast %mul3A_716 : i32 to index
      %swap3A_722 = tpu.vector_load %arg9[%swap3A_719, %swap3A_720, %swap3A_721] {strides = array<i32>} : memref<2x8x1024xi32, #tpu.memory_space<vmem>>, vector<16xi32>,
      tpu.vector_store %arg9[%swap3A_719, %swap3A_720, %swap3A_721], %gather3A_714 {strides = array<i32>} : memref<2x8x1024xi32, #tpu.memory_space<vmem>>, vector<16xi32>,
      %gather3A_723 = arith.constant 3 : i32
      %gather3A_724 = arith.constant 0 : i32
      %gather3A_725 = tpu.memref_slice %arg8[%gather3A_723, %gather3A_724] : memref<8x10000xi32, #tpu.memory_space<vmem>> -> memref<1x10000xi32, #tpu.memory_space<vmem>>
      %gather3A_726 = tpu.memref_squeeze %gather3A_725 : memref<1x10000xi32, #tpu.memory_space<vmem>> -> memref<10000xi32, #tpu.memory_space<vmem>>
      %gather3A_727 = tpu.vector_load_idx %gather3A_726[%get3A_682] : memref<10000xi32, #tpu.memory_space<vmem>>[vector<16xi32>], vector<16xi32>,
      %gather3A_728 = tpu.vector_load_idx %arg7[%gather3A_727] : memref<10000xi32, #tpu.memory_space<vmem>>[vector<16xi32>], vector<16xi32>,
      %mul3A_729 = arith.constant 16 : i32
      %mul3A_730 = arith.muli %scan3A_676, %mul3A_729 : i32
      %swap3A_731 = arith.constant 0 : i32
      %swap3A_732 = arith.constant 3 : i32
      %swap3A_733 = arith.index_cast %swap3A_731 : i32 to index
      %swap3A_734 = arith.index_cast %swap3A_732 : i32 to index
      %swap3A_735 = arith.index_cast %mul3A_730 : i32 to index
      %swap3A_736 = tpu.vector_load %arg9[%swap3A_733, %swap3A_734, %swap3A_735] {strides = array<i32>} : memref<2x8x1024xi32, #tpu.memory_space<vmem>>, vector<16xi32>,
      tpu.vector_store %arg9[%swap3A_733, %swap3A_734, %swap3A_735], %gather3A_728 {strides = array<i32>} : memref<2x8x1024xi32, #tpu.memory_space<vmem>>, vector<16xi32>,
      %gather3A_737 = arith.constant 4 : i32
      %gather3A_738 = arith.constant 0 : i32
      %gather3A_739 = tpu.memref_slice %arg8[%gather3A_737, %gather3A_738] : memref<8x10000xi32, #tpu.memory_space<vmem>> -> memref<1x10000xi32, #tpu.memory_space<vmem>>
      %gather3A_740 = tpu.memref_squeeze %gather3A_739 : memref<1x10000xi32, #tpu.memory_space<vmem>> -> memref<10000xi32, #tpu.memory_space<vmem>>
      %gather3A_741 = tpu.vector_load_idx %gather3A_740[%get3A_682] : memref<10000xi32, #tpu.memory_space<vmem>>[vector<16xi32>], vector<16xi32>,
      %gather3A_742 = tpu.vector_load_idx %arg7[%gather3A_741] : memref<10000xi32, #tpu.memory_space<vmem>>[vector<16xi32>], vector<16xi32>,
      %mul3A_743 = arith.constant 16 : i32
      %mul3A_744 = arith.muli %scan3A_676, %mul3A_743 : i32
      %swap3A_745 = arith.constant 0 : i32
      %swap3A_746 = arith.constant 4 : i32
      %swap3A_747 = arith.index_cast %swap3A_745 : i32 to index
      %swap3A_748 = arith.index_cast %swap3A_746 : i32 to index
      %swap3A_749 = arith.index_cast %mul3A_744 : i32 to index
      %swap3A_750 = tpu.vector_load %arg9[%swap3A_747, %swap3A_748, %swap3A_749] {strides = array<i32>} : memref<2x8x1024xi32, #tpu.memory_space<vmem>>, vector<16xi32>,
      tpu.vector_store %arg9[%swap3A_747, %swap3A_748, %swap3A_749], %gather3A_742 {strides = array<i32>} : memref<2x8x1024xi32, #tpu.memory_space<vmem>>, vector<16xi32>,
      %gather3A_751 = arith.constant 5 : i32
      %gather3A_752 = arith.constant 0 : i32
      %gather3A_753 = tpu.memref_slice %arg8[%gather3A_751, %gather3A_752] : memref<8x10000xi32, #tpu.memory_space<vmem>> -> memref<1x10000xi32, #tpu.memory_space<vmem>>
      %gather3A_754 = tpu.memref_squeeze %gather3A_753 : memref<1x10000xi32, #tpu.memory_space<vmem>> -> memref<10000xi32, #tpu.memory_space<vmem>>
      %gather3A_755 = tpu.vector_load_idx %gather3A_754[%get3A_682] : memref<10000xi32, #tpu.memory_space<vmem>>[vector<16xi32>], vector<16xi32>,
      %gather3A_756 = tpu.vector_load_idx %arg7[%gather3A_755] : memref<10000xi32, #tpu.memory_space<vmem>>[vector<16xi32>], vector<16xi32>,
      %mul3A_757 = arith.constant 16 : i32
      %mul3A_758 = arith.muli %scan3A_676, %mul3A_757 : i32
      %swap3A_759 = arith.constant 0 : i32
      %swap3A_760 = arith.constant 5 : i32
      %swap3A_761 = arith.index_cast %swap3A_759 : i32 to index
      %swap3A_762 = arith.index_cast %swap3A_760 : i32 to index
      %swap3A_763 = arith.index_cast %mul3A_758 : i32 to index
      %swap3A_764 = tpu.vector_load %arg9[%swap3A_761, %swap3A_762, %swap3A_763] {strides = array<i32>} : memref<2x8x1024xi32, #tpu.memory_space<vmem>>, vector<16xi32>,
      tpu.vector_store %arg9[%swap3A_761, %swap3A_762, %swap3A_763], %gather3A_756 {strides = array<i32>} : memref<2x8x1024xi32, #tpu.memory_space<vmem>>, vector<16xi32>,
      %gather3A_765 = arith.constant 6 : i32
      %gather3A_766 = arith.constant 0 : i32
      %gather3A_767 = tpu.memref_slice %arg8[%gather3A_765, %gather3A_766] : memref<8x10000xi32, #tpu.memory_space<vmem>> -> memref<1x10000xi32, #tpu.memory_space<vmem>>
      %gather3A_768 = tpu.memref_squeeze %gather3A_767 : memref<1x10000xi32, #tpu.memory_space<vmem>> -> memref<10000xi32, #tpu.memory_space<vmem>>
      %gather3A_769 = tpu.vector_load_idx %gather3A_768[%get3A_682] : memref<10000xi32, #tpu.memory_space<vmem>>[vector<16xi32>], vector<16xi32>,
      %gather3A_770 = tpu.vector_load_idx %arg7[%gather3A_769] : memref<10000xi32, #tpu.memory_space<vmem>>[vector<16xi32>], vector<16xi32>,
      %mul3A_771 = arith.constant 16 : i32
      %mul3A_772 = arith.muli %scan3A_676, %mul3A_771 : i32
      %swap3A_773 = arith.constant 0 : i32
      %swap3A_774 = arith.constant 6 : i32
      %swap3A_775 = arith.index_cast %swap3A_773 : i32 to index
      %swap3A_776 = arith.index_cast %swap3A_774 : i32 to index
      %swap3A_777 = arith.index_cast %mul3A_772 : i32 to index
      %swap3A_778 = tpu.vector_load %arg9[%swap3A_775, %swap3A_776, %swap3A_777] {strides = array<i32>} : memref<2x8x1024xi32, #tpu.memory_space<vmem>>, vector<16xi32>,
      tpu.vector_store %arg9[%swap3A_775, %swap3A_776, %swap3A_777], %gather3A_770 {strides = array<i32>} : memref<2x8x1024xi32, #tpu.memory_space<vmem>>, vector<16xi32>,
      %gather3A_779 = arith.constant 7 : i32
      %gather3A_780 = arith.constant 0 : i32
      %gather3A_781 = tpu.memref_slice %arg8[%gather3A_779, %gather3A_780] : memref<8x10000xi32, #tpu.memory_space<vmem>> -> memref<1x10000xi32, #tpu.memory_space<vmem>>
      %gather3A_782 = tpu.memref_squeeze %gather3A_781 : memref<1x10000xi32, #tpu.memory_space<vmem>> -> memref<10000xi32, #tpu.memory_space<vmem>>
      %gather3A_783 = tpu.vector_load_idx %gather3A_782[%get3A_682] : memref<10000xi32, #tpu.memory_space<vmem>>[vector<16xi32>], vector<16xi32>,
      %gather3A_784 = tpu.vector_load_idx %arg7[%gather3A_783] : memref<10000xi32, #tpu.memory_space<vmem>>[vector<16xi32>], vector<16xi32>,
      %mul3A_785 = arith.constant 16 : i32
      %mul3A_786 = arith.muli %scan3A_676, %mul3A_785 : i32
      %swap3A_787 = arith.constant 0 : i32
      %swap3A_788 = arith.constant 7 : i32
      %swap3A_789 = arith.index_cast %swap3A_787 : i32 to index
      %swap3A_790 = arith.index_cast %swap3A_788 : i32 to index
      %swap3A_791 = arith.index_cast %mul3A_786 : i32 to index
      %swap3A_792 = tpu.vector_load %arg9[%swap3A_789, %swap3A_790, %swap3A_791] {strides = array<i32>} : memref<2x8x1024xi32, #tpu.memory_space<vmem>>, vector<16xi32>,
      tpu.vector_store %arg9[%swap3A_789, %swap3A_790, %swap3A_791], %gather3A_784 {strides = array<i32>} : memref<2x8x1024xi32, #tpu.memory_space<vmem>>, vector<16xi32>,
      %scan3A_793 = arith.constant 0 : i32
      scf.yield %scan3A_793 : i32
    }
    %scan3A_133 = arith.constant 64 : i32
    %dma_start3A_134 = arith.constant 0 : i32
    %dma_start3A_135 = arith.constant 0 : i32
    %dma_start3A_136 = arith.constant 0 : i32
    %dma_start3A_137 = tpu.memref_slice %arg9[%dma_start3A_134, %dma_start3A_135, %dma_start3A_136] : memref<2x8x1024xi32, #tpu.memory_space<vmem>> -> memref<1x8x1024xi32, #tpu.memory_space<vmem>>
    %dma_start3A_138 = tpu.memref_squeeze %dma_start3A_137 : memref<1x8x1024xi32, #tpu.memory_space<vmem>> -> memref<8x1024xi32, #tpu.memory_space<vmem>>
    %dma_start3A_139 = arith.constant 4096 : i32
    %dma_start3A_140 = tpu.memref_slice %arg5[%mul3A_2, %dma_start3A_139] : memref<256x10000xi32, #tpu.memory_space<hbm>> -> memref<8x1024xi32, #tpu.memory_space<hbm>>
    %dma_start3A_141 = arith.constant 4096 : i32
    %dma_start3A_142 = tpu.memref_slice %arg5[%mul3A_2, %dma_start3A_141] : memref<256x10000xi32, #tpu.memory_space<hbm>> -> memref<8x1024xi32, #tpu.memory_space<hbm>>
    %dma_start3A_143 = arith.constant 0 : i32
    %dma_start3A_144 = arith.constant 0 : i32
    %dma_start3A_145 = tpu.memref_slice %arg9[%dma_start3A_134, %dma_start3A_143, %dma_start3A_144] : memref<2x8x1024xi32, #tpu.memory_space<vmem>> -> memref<1x8x1024xi32, #tpu.memory_space<vmem>>
    %dma_start3A_146 = tpu.memref_squeeze %dma_start3A_145 : memref<1x8x1024xi32, #tpu.memory_space<vmem>> -> memref<8x1024xi32, #tpu.memory_space<vmem>>
    tpu.enqueue_dma source(%dma_start3A_146 : memref<8x1024xi32, #tpu.memory_space<vmem>>) target(%dma_start3A_142 : memref<8x1024xi32, #tpu.memory_space<hbm>>) target_semaphore(%arg11 : memref<!tpu.dma_semaphore, #tpu.memory_space<semaphore_mem>>)
    %dma_wait3A_147 = arith.constant 1 : i32
    %dma_wait3A_148 = arith.constant 0 : i32
    %dma_wait3A_149 = arith.constant 0 : i32
    %dma_wait3A_150 = tpu.memref_slice %arg9[%dma_wait3A_147, %dma_wait3A_148, %dma_wait3A_149] : memref<2x8x1024xi32, #tpu.memory_space<vmem>> -> memref<1x8x1024xi32, #tpu.memory_space<vmem>>
    %dma_wait3A_151 = tpu.memref_squeeze %dma_wait3A_150 : memref<1x8x1024xi32, #tpu.memory_space<vmem>> -> memref<8x1024xi32, #tpu.memory_space<vmem>>
    %dma_wait3A_152 = arith.constant 3072 : i32
    %dma_wait3A_153 = tpu.memref_slice %arg5[%mul3A_2, %dma_wait3A_152] : memref<256x10000xi32, #tpu.memory_space<hbm>> -> memref<8x1024xi32, #tpu.memory_space<hbm>>
    %dma_wait3A_154 = arith.constant 3072 : i32
    %dma_wait3A_155 = tpu.memref_slice %arg5[%mul3A_2, %dma_wait3A_154] : memref<256x10000xi32, #tpu.memory_space<hbm>> -> memref<8x1024xi32, #tpu.memory_space<hbm>>
    %dma_wait3A_156 = arith.constant 0 : i32
    %dma_wait3A_157 = arith.constant 0 : i32
    %dma_wait3A_158 = tpu.memref_slice %arg9[%dma_wait3A_147, %dma_wait3A_156, %dma_wait3A_157] : memref<2x8x1024xi32, #tpu.memory_space<vmem>> -> memref<1x8x1024xi32, #tpu.memory_space<vmem>>
    %dma_wait3A_159 = tpu.memref_squeeze %dma_wait3A_158 : memref<1x8x1024xi32, #tpu.memory_space<vmem>> -> memref<8x1024xi32, #tpu.memory_space<vmem>>
    tpu.wait_dma2 semaphore(%arg12 : memref<!tpu.dma_semaphore, #tpu.memory_space<semaphore_mem>>) src(%dma_wait3A_159 : memref<8x1024xi32, #tpu.memory_space<vmem>>) dst(%dma_wait3A_155 : memref<8x1024xi32, #tpu.memory_space<hbm>>)
    %scan3A_160 = arith.constant 0 : i32
    %scan3A_161 = arith.constant 0 : i32
    %scan3A_162 = arith.constant 64 : i32
    %scan3A_163 = arith.addi %scan3A_161, %scan3A_162 : i32
    %scan3A_164 = arith.constant 1 : i32
    %scan3A_165 = scf.for %scan3A_676 = %scan3A_161 to %scan3A_163 step %scan3A_164 iter_args(%scan3A_677 = %scan3A_160) -> (i32)  : i32 {
      %mul3A_678 = arith.constant 16 : i32
      %mul3A_679 = arith.muli %scan3A_676, %mul3A_678 : i32
      %add3A_680 = arith.constant 5120 : i32
      %add3A_681 = arith.addi %add3A_680, %mul3A_679 : i32
      %get3A = arith.index_cast %add3A_681 : i32 to index
      %get3A_682 = tpu.vector_load %arg7[%get3A] {strides = array<i32>} : memref<10000xi32, #tpu.memory_space<vmem>>, vector<16xi32>,
      %gather3A = arith.constant 0 : i32
      %gather3A_683 = arith.constant 0 : i32
      %gather3A_684 = tpu.memref_slice %arg8[%gather3A, %gather3A_683] : memref<8x10000xi32, #tpu.memory_space<vmem>> -> memref<1x10000xi32, #tpu.memory_space<vmem>>
      %gather3A_685 = tpu.memref_squeeze %gather3A_684 : memref<1x10000xi32, #tpu.memory_space<vmem>> -> memref<10000xi32, #tpu.memory_space<vmem>>
      %gather3A_686 = tpu.vector_load_idx %gather3A_685[%get3A_682] : memref<10000xi32, #tpu.memory_space<vmem>>[vector<16xi32>], vector<16xi32>,
      %gather3A_687 = tpu.vector_load_idx %arg7[%gather3A_686] : memref<10000xi32, #tpu.memory_space<vmem>>[vector<16xi32>], vector<16xi32>,
      %mul3A_688 = arith.constant 16 : i32
      %mul3A_689 = arith.muli %scan3A_676, %mul3A_688 : i32
      %swap3A = arith.constant 1 : i32
      %swap3A_690 = arith.constant 0 : i32
      %swap3A_691 = arith.index_cast %swap3A : i32 to index
      %swap3A_692 = arith.index_cast %swap3A_690 : i32 to index
      %swap3A_693 = arith.index_cast %mul3A_689 : i32 to index
      %swap3A_694 = tpu.vector_load %arg9[%swap3A_691, %swap3A_692, %swap3A_693] {strides = array<i32>} : memref<2x8x1024xi32, #tpu.memory_space<vmem>>, vector<16xi32>,
      tpu.vector_store %arg9[%swap3A_691, %swap3A_692, %swap3A_693], %gather3A_687 {strides = array<i32>} : memref<2x8x1024xi32, #tpu.memory_space<vmem>>, vector<16xi32>,
      %gather3A_695 = arith.constant 1 : i32
      %gather3A_696 = arith.constant 0 : i32
      %gather3A_697 = tpu.memref_slice %arg8[%gather3A_695, %gather3A_696] : memref<8x10000xi32, #tpu.memory_space<vmem>> -> memref<1x10000xi32, #tpu.memory_space<vmem>>
      %gather3A_698 = tpu.memref_squeeze %gather3A_697 : memref<1x10000xi32, #tpu.memory_space<vmem>> -> memref<10000xi32, #tpu.memory_space<vmem>>
      %gather3A_699 = tpu.vector_load_idx %gather3A_698[%get3A_682] : memref<10000xi32, #tpu.memory_space<vmem>>[vector<16xi32>], vector<16xi32>,
      %gather3A_700 = tpu.vector_load_idx %arg7[%gather3A_699] : memref<10000xi32, #tpu.memory_space<vmem>>[vector<16xi32>], vector<16xi32>,
      %mul3A_701 = arith.constant 16 : i32
      %mul3A_702 = arith.muli %scan3A_676, %mul3A_701 : i32
      %swap3A_703 = arith.constant 1 : i32
      %swap3A_704 = arith.constant 1 : i32
      %swap3A_705 = arith.index_cast %swap3A_703 : i32 to index
      %swap3A_706 = arith.index_cast %swap3A_704 : i32 to index
      %swap3A_707 = arith.index_cast %mul3A_702 : i32 to index
      %swap3A_708 = tpu.vector_load %arg9[%swap3A_705, %swap3A_706, %swap3A_707] {strides = array<i32>} : memref<2x8x1024xi32, #tpu.memory_space<vmem>>, vector<16xi32>,
      tpu.vector_store %arg9[%swap3A_705, %swap3A_706, %swap3A_707], %gather3A_700 {strides = array<i32>} : memref<2x8x1024xi32, #tpu.memory_space<vmem>>, vector<16xi32>,
      %gather3A_709 = arith.constant 2 : i32
      %gather3A_710 = arith.constant 0 : i32
      %gather3A_711 = tpu.memref_slice %arg8[%gather3A_709, %gather3A_710] : memref<8x10000xi32, #tpu.memory_space<vmem>> -> memref<1x10000xi32, #tpu.memory_space<vmem>>
      %gather3A_712 = tpu.memref_squeeze %gather3A_711 : memref<1x10000xi32, #tpu.memory_space<vmem>> -> memref<10000xi32, #tpu.memory_space<vmem>>
      %gather3A_713 = tpu.vector_load_idx %gather3A_712[%get3A_682] : memref<10000xi32, #tpu.memory_space<vmem>>[vector<16xi32>], vector<16xi32>,
      %gather3A_714 = tpu.vector_load_idx %arg7[%gather3A_713] : memref<10000xi32, #tpu.memory_space<vmem>>[vector<16xi32>], vector<16xi32>,
      %mul3A_715 = arith.constant 16 : i32
      %mul3A_716 = arith.muli %scan3A_676, %mul3A_715 : i32
      %swap3A_717 = arith.constant 1 : i32
      %swap3A_718 = arith.constant 2 : i32
      %swap3A_719 = arith.index_cast %swap3A_717 : i32 to index
      %swap3A_720 = arith.index_cast %swap3A_718 : i32 to index
      %swap3A_721 = arith.index_cast %mul3A_716 : i32 to index
      %swap3A_722 = tpu.vector_load %arg9[%swap3A_719, %swap3A_720, %swap3A_721] {strides = array<i32>} : memref<2x8x1024xi32, #tpu.memory_space<vmem>>, vector<16xi32>,
      tpu.vector_store %arg9[%swap3A_719, %swap3A_720, %swap3A_721], %gather3A_714 {strides = array<i32>} : memref<2x8x1024xi32, #tpu.memory_space<vmem>>, vector<16xi32>,
      %gather3A_723 = arith.constant 3 : i32
      %gather3A_724 = arith.constant 0 : i32
      %gather3A_725 = tpu.memref_slice %arg8[%gather3A_723, %gather3A_724] : memref<8x10000xi32, #tpu.memory_space<vmem>> -> memref<1x10000xi32, #tpu.memory_space<vmem>>
      %gather3A_726 = tpu.memref_squeeze %gather3A_725 : memref<1x10000xi32, #tpu.memory_space<vmem>> -> memref<10000xi32, #tpu.memory_space<vmem>>
      %gather3A_727 = tpu.vector_load_idx %gather3A_726[%get3A_682] : memref<10000xi32, #tpu.memory_space<vmem>>[vector<16xi32>], vector<16xi32>,
      %gather3A_728 = tpu.vector_load_idx %arg7[%gather3A_727] : memref<10000xi32, #tpu.memory_space<vmem>>[vector<16xi32>], vector<16xi32>,
      %mul3A_729 = arith.constant 16 : i32
      %mul3A_730 = arith.muli %scan3A_676, %mul3A_729 : i32
      %swap3A_731 = arith.constant 1 : i32
      %swap3A_732 = arith.constant 3 : i32
      %swap3A_733 = arith.index_cast %swap3A_731 : i32 to index
      %swap3A_734 = arith.index_cast %swap3A_732 : i32 to index
      %swap3A_735 = arith.index_cast %mul3A_730 : i32 to index
      %swap3A_736 = tpu.vector_load %arg9[%swap3A_733, %swap3A_734, %swap3A_735] {strides = array<i32>} : memref<2x8x1024xi32, #tpu.memory_space<vmem>>, vector<16xi32>,
      tpu.vector_store %arg9[%swap3A_733, %swap3A_734, %swap3A_735], %gather3A_728 {strides = array<i32>} : memref<2x8x1024xi32, #tpu.memory_space<vmem>>, vector<16xi32>,
      %gather3A_737 = arith.constant 4 : i32
      %gather3A_738 = arith.constant 0 : i32
      %gather3A_739 = tpu.memref_slice %arg8[%gather3A_737, %gather3A_738] : memref<8x10000xi32, #tpu.memory_space<vmem>> -> memref<1x10000xi32, #tpu.memory_space<vmem>>
      %gather3A_740 = tpu.memref_squeeze %gather3A_739 : memref<1x10000xi32, #tpu.memory_space<vmem>> -> memref<10000xi32, #tpu.memory_space<vmem>>
      %gather3A_741 = tpu.vector_load_idx %gather3A_740[%get3A_682] : memref<10000xi32, #tpu.memory_space<vmem>>[vector<16xi32>], vector<16xi32>,
      %gather3A_742 = tpu.vector_load_idx %arg7[%gather3A_741] : memref<10000xi32, #tpu.memory_space<vmem>>[vector<16xi32>], vector<16xi32>,
      %mul3A_743 = arith.constant 16 : i32
      %mul3A_744 = arith.muli %scan3A_676, %mul3A_743 : i32
      %swap3A_745 = arith.constant 1 : i32
      %swap3A_746 = arith.constant 4 : i32
      %swap3A_747 = arith.index_cast %swap3A_745 : i32 to index
      %swap3A_748 = arith.index_cast %swap3A_746 : i32 to index
      %swap3A_749 = arith.index_cast %mul3A_744 : i32 to index
      %swap3A_750 = tpu.vector_load %arg9[%swap3A_747, %swap3A_748, %swap3A_749] {strides = array<i32>} : memref<2x8x1024xi32, #tpu.memory_space<vmem>>, vector<16xi32>,
      tpu.vector_store %arg9[%swap3A_747, %swap3A_748, %swap3A_749], %gather3A_742 {strides = array<i32>} : memref<2x8x1024xi32, #tpu.memory_space<vmem>>, vector<16xi32>,
      %gather3A_751 = arith.constant 5 : i32
      %gather3A_752 = arith.constant 0 : i32
      %gather3A_753 = tpu.memref_slice %arg8[%gather3A_751, %gather3A_752] : memref<8x10000xi32, #tpu.memory_space<vmem>> -> memref<1x10000xi32, #tpu.memory_space<vmem>>
      %gather3A_754 = tpu.memref_squeeze %gather3A_753 : memref<1x10000xi32, #tpu.memory_space<vmem>> -> memref<10000xi32, #tpu.memory_space<vmem>>
      %gather3A_755 = tpu.vector_load_idx %gather3A_754[%get3A_682] : memref<10000xi32, #tpu.memory_space<vmem>>[vector<16xi32>], vector<16xi32>,
      %gather3A_756 = tpu.vector_load_idx %arg7[%gather3A_755] : memref<10000xi32, #tpu.memory_space<vmem>>[vector<16xi32>], vector<16xi32>,
      %mul3A_757 = arith.constant 16 : i32
      %mul3A_758 = arith.muli %scan3A_676, %mul3A_757 : i32
      %swap3A_759 = arith.constant 1 : i32
      %swap3A_760 = arith.constant 5 : i32
      %swap3A_761 = arith.index_cast %swap3A_759 : i32 to index
      %swap3A_762 = arith.index_cast %swap3A_760 : i32 to index
      %swap3A_763 = arith.index_cast %mul3A_758 : i32 to index
      %swap3A_764 = tpu.vector_load %arg9[%swap3A_761, %swap3A_762, %swap3A_763] {strides = array<i32>} : memref<2x8x1024xi32, #tpu.memory_space<vmem>>, vector<16xi32>,
      tpu.vector_store %arg9[%swap3A_761, %swap3A_762, %swap3A_763], %gather3A_756 {strides = array<i32>} : memref<2x8x1024xi32, #tpu.memory_space<vmem>>, vector<16xi32>,
      %gather3A_765 = arith.constant 6 : i32
      %gather3A_766 = arith.constant 0 : i32
      %gather3A_767 = tpu.memref_slice %arg8[%gather3A_765, %gather3A_766] : memref<8x10000xi32, #tpu.memory_space<vmem>> -> memref<1x10000xi32, #tpu.memory_space<vmem>>
      %gather3A_768 = tpu.memref_squeeze %gather3A_767 : memref<1x10000xi32, #tpu.memory_space<vmem>> -> memref<10000xi32, #tpu.memory_space<vmem>>
      %gather3A_769 = tpu.vector_load_idx %gather3A_768[%get3A_682] : memref<10000xi32, #tpu.memory_space<vmem>>[vector<16xi32>], vector<16xi32>,
      %gather3A_770 = tpu.vector_load_idx %arg7[%gather3A_769] : memref<10000xi32, #tpu.memory_space<vmem>>[vector<16xi32>], vector<16xi32>,
      %mul3A_771 = arith.constant 16 : i32
      %mul3A_772 = arith.muli %scan3A_676, %mul3A_771 : i32
      %swap3A_773 = arith.constant 1 : i32
      %swap3A_774 = arith.constant 6 : i32
      %swap3A_775 = arith.index_cast %swap3A_773 : i32 to index
      %swap3A_776 = arith.index_cast %swap3A_774 : i32 to index
      %swap3A_777 = arith.index_cast %mul3A_772 : i32 to index
      %swap3A_778 = tpu.vector_load %arg9[%swap3A_775, %swap3A_776, %swap3A_777] {strides = array<i32>} : memref<2x8x1024xi32, #tpu.memory_space<vmem>>, vector<16xi32>,
      tpu.vector_store %arg9[%swap3A_775, %swap3A_776, %swap3A_777], %gather3A_770 {strides = array<i32>} : memref<2x8x1024xi32, #tpu.memory_space<vmem>>, vector<16xi32>,
      %gather3A_779 = arith.constant 7 : i32
      %gather3A_780 = arith.constant 0 : i32
      %gather3A_781 = tpu.memref_slice %arg8[%gather3A_779, %gather3A_780] : memref<8x10000xi32, #tpu.memory_space<vmem>> -> memref<1x10000xi32, #tpu.memory_space<vmem>>
      %gather3A_782 = tpu.memref_squeeze %gather3A_781 : memref<1x10000xi32, #tpu.memory_space<vmem>> -> memref<10000xi32, #tpu.memory_space<vmem>>
      %gather3A_783 = tpu.vector_load_idx %gather3A_782[%get3A_682] : memref<10000xi32, #tpu.memory_space<vmem>>[vector<16xi32>], vector<16xi32>,
      %gather3A_784 = tpu.vector_load_idx %arg7[%gather3A_783] : memref<10000xi32, #tpu.memory_space<vmem>>[vector<16xi32>], vector<16xi32>,
      %mul3A_785 = arith.constant 16 : i32
      %mul3A_786 = arith.muli %scan3A_676, %mul3A_785 : i32
      %swap3A_787 = arith.constant 1 : i32
      %swap3A_788 = arith.constant 7 : i32
      %swap3A_789 = arith.index_cast %swap3A_787 : i32 to index
      %swap3A_790 = arith.index_cast %swap3A_788 : i32 to index
      %swap3A_791 = arith.index_cast %mul3A_786 : i32 to index
      %swap3A_792 = tpu.vector_load %arg9[%swap3A_789, %swap3A_790, %swap3A_791] {strides = array<i32>} : memref<2x8x1024xi32, #tpu.memory_space<vmem>>, vector<16xi32>,
      tpu.vector_store %arg9[%swap3A_789, %swap3A_790, %swap3A_791], %gather3A_784 {strides = array<i32>} : memref<2x8x1024xi32, #tpu.memory_space<vmem>>, vector<16xi32>,
      %scan3A_793 = arith.constant 0 : i32
      scf.yield %scan3A_793 : i32
    }
    %scan3A_166 = arith.constant 64 : i32
    %dma_start3A_167 = arith.constant 1 : i32
    %dma_start3A_168 = arith.constant 0 : i32
    %dma_start3A_169 = arith.constant 0 : i32
    %dma_start3A_170 = tpu.memref_slice %arg9[%dma_start3A_167, %dma_start3A_168, %dma_start3A_169] : memref<2x8x1024xi32, #tpu.memory_space<vmem>> -> memref<1x8x1024xi32, #tpu.memory_space<vmem>>
    %dma_start3A_171 = tpu.memref_squeeze %dma_start3A_170 : memref<1x8x1024xi32, #tpu.memory_space<vmem>> -> memref<8x1024xi32, #tpu.memory_space<vmem>>
    %dma_start3A_172 = arith.constant 5120 : i32
    %dma_start3A_173 = tpu.memref_slice %arg5[%mul3A_2, %dma_start3A_172] : memref<256x10000xi32, #tpu.memory_space<hbm>> -> memref<8x1024xi32, #tpu.memory_space<hbm>>
    %dma_start3A_174 = arith.constant 5120 : i32
    %dma_start3A_175 = tpu.memref_slice %arg5[%mul3A_2, %dma_start3A_174] : memref<256x10000xi32, #tpu.memory_space<hbm>> -> memref<8x1024xi32, #tpu.memory_space<hbm>>
    %dma_start3A_176 = arith.constant 0 : i32
    %dma_start3A_177 = arith.constant 0 : i32
    %dma_start3A_178 = tpu.memref_slice %arg9[%dma_start3A_167, %dma_start3A_176, %dma_start3A_177] : memref<2x8x1024xi32, #tpu.memory_space<vmem>> -> memref<1x8x1024xi32, #tpu.memory_space<vmem>>
    %dma_start3A_179 = tpu.memref_squeeze %dma_start3A_178 : memref<1x8x1024xi32, #tpu.memory_space<vmem>> -> memref<8x1024xi32, #tpu.memory_space<vmem>>
    tpu.enqueue_dma source(%dma_start3A_179 : memref<8x1024xi32, #tpu.memory_space<vmem>>) target(%dma_start3A_175 : memref<8x1024xi32, #tpu.memory_space<hbm>>) target_semaphore(%arg12 : memref<!tpu.dma_semaphore, #tpu.memory_space<semaphore_mem>>)
    %dma_wait3A_180 = arith.constant 0 : i32
    %dma_wait3A_181 = arith.constant 0 : i32
    %dma_wait3A_182 = arith.constant 0 : i32
    %dma_wait3A_183 = tpu.memref_slice %arg9[%dma_wait3A_180, %dma_wait3A_181, %dma_wait3A_182] : memref<2x8x1024xi32, #tpu.memory_space<vmem>> -> memref<1x8x1024xi32, #tpu.memory_space<vmem>>
    %dma_wait3A_184 = tpu.memref_squeeze %dma_wait3A_183 : memref<1x8x1024xi32, #tpu.memory_space<vmem>> -> memref<8x1024xi32, #tpu.memory_space<vmem>>
    %dma_wait3A_185 = arith.constant 4096 : i32
    %dma_wait3A_186 = tpu.memref_slice %arg5[%mul3A_2, %dma_wait3A_185] : memref<256x10000xi32, #tpu.memory_space<hbm>> -> memref<8x1024xi32, #tpu.memory_space<hbm>>
    %dma_wait3A_187 = arith.constant 4096 : i32
    %dma_wait3A_188 = tpu.memref_slice %arg5[%mul3A_2, %dma_wait3A_187] : memref<256x10000xi32, #tpu.memory_space<hbm>> -> memref<8x1024xi32, #tpu.memory_space<hbm>>
    %dma_wait3A_189 = arith.constant 0 : i32
    %dma_wait3A_190 = arith.constant 0 : i32
    %dma_wait3A_191 = tpu.memref_slice %arg9[%dma_wait3A_180, %dma_wait3A_189, %dma_wait3A_190] : memref<2x8x1024xi32, #tpu.memory_space<vmem>> -> memref<1x8x1024xi32, #tpu.memory_space<vmem>>
    %dma_wait3A_192 = tpu.memref_squeeze %dma_wait3A_191 : memref<1x8x1024xi32, #tpu.memory_space<vmem>> -> memref<8x1024xi32, #tpu.memory_space<vmem>>
    tpu.wait_dma2 semaphore(%arg11 : memref<!tpu.dma_semaphore, #tpu.memory_space<semaphore_mem>>) src(%dma_wait3A_192 : memref<8x1024xi32, #tpu.memory_space<vmem>>) dst(%dma_wait3A_188 : memref<8x1024xi32, #tpu.memory_space<hbm>>)
    %scan3A_193 = arith.constant 0 : i32
    %scan3A_194 = arith.constant 0 : i32
    %scan3A_195 = arith.constant 64 : i32
    %scan3A_196 = arith.addi %scan3A_194, %scan3A_195 : i32
    %scan3A_197 = arith.constant 1 : i32
    %scan3A_198 = scf.for %scan3A_676 = %scan3A_194 to %scan3A_196 step %scan3A_197 iter_args(%scan3A_677 = %scan3A_193) -> (i32)  : i32 {
      %mul3A_678 = arith.constant 16 : i32
      %mul3A_679 = arith.muli %scan3A_676, %mul3A_678 : i32
      %add3A_680 = arith.constant 6144 : i32
      %add3A_681 = arith.addi %add3A_680, %mul3A_679 : i32
      %get3A = arith.index_cast %add3A_681 : i32 to index
      %get3A_682 = tpu.vector_load %arg7[%get3A] {strides = array<i32>} : memref<10000xi32, #tpu.memory_space<vmem>>, vector<16xi32>,
      %gather3A = arith.constant 0 : i32
      %gather3A_683 = arith.constant 0 : i32
      %gather3A_684 = tpu.memref_slice %arg8[%gather3A, %gather3A_683] : memref<8x10000xi32, #tpu.memory_space<vmem>> -> memref<1x10000xi32, #tpu.memory_space<vmem>>
      %gather3A_685 = tpu.memref_squeeze %gather3A_684 : memref<1x10000xi32, #tpu.memory_space<vmem>> -> memref<10000xi32, #tpu.memory_space<vmem>>
      %gather3A_686 = tpu.vector_load_idx %gather3A_685[%get3A_682] : memref<10000xi32, #tpu.memory_space<vmem>>[vector<16xi32>], vector<16xi32>,
      %gather3A_687 = tpu.vector_load_idx %arg7[%gather3A_686] : memref<10000xi32, #tpu.memory_space<vmem>>[vector<16xi32>], vector<16xi32>,
      %mul3A_688 = arith.constant 16 : i32
      %mul3A_689 = arith.muli %scan3A_676, %mul3A_688 : i32
      %swap3A = arith.constant 0 : i32
      %swap3A_690 = arith.constant 0 : i32
      %swap3A_691 = arith.index_cast %swap3A : i32 to index
      %swap3A_692 = arith.index_cast %swap3A_690 : i32 to index
      %swap3A_693 = arith.index_cast %mul3A_689 : i32 to index
      %swap3A_694 = tpu.vector_load %arg9[%swap3A_691, %swap3A_692, %swap3A_693] {strides = array<i32>} : memref<2x8x1024xi32, #tpu.memory_space<vmem>>, vector<16xi32>,
      tpu.vector_store %arg9[%swap3A_691, %swap3A_692, %swap3A_693], %gather3A_687 {strides = array<i32>} : memref<2x8x1024xi32, #tpu.memory_space<vmem>>, vector<16xi32>,
      %gather3A_695 = arith.constant 1 : i32
      %gather3A_696 = arith.constant 0 : i32
      %gather3A_697 = tpu.memref_slice %arg8[%gather3A_695, %gather3A_696] : memref<8x10000xi32, #tpu.memory_space<vmem>> -> memref<1x10000xi32, #tpu.memory_space<vmem>>
      %gather3A_698 = tpu.memref_squeeze %gather3A_697 : memref<1x10000xi32, #tpu.memory_space<vmem>> -> memref<10000xi32, #tpu.memory_space<vmem>>
      %gather3A_699 = tpu.vector_load_idx %gather3A_698[%get3A_682] : memref<10000xi32, #tpu.memory_space<vmem>>[vector<16xi32>], vector<16xi32>,
      %gather3A_700 = tpu.vector_load_idx %arg7[%gather3A_699] : memref<10000xi32, #tpu.memory_space<vmem>>[vector<16xi32>], vector<16xi32>,
      %mul3A_701 = arith.constant 16 : i32
      %mul3A_702 = arith.muli %scan3A_676, %mul3A_701 : i32
      %swap3A_703 = arith.constant 0 : i32
      %swap3A_704 = arith.constant 1 : i32
      %swap3A_705 = arith.index_cast %swap3A_703 : i32 to index
      %swap3A_706 = arith.index_cast %swap3A_704 : i32 to index
      %swap3A_707 = arith.index_cast %mul3A_702 : i32 to index
      %swap3A_708 = tpu.vector_load %arg9[%swap3A_705, %swap3A_706, %swap3A_707] {strides = array<i32>} : memref<2x8x1024xi32, #tpu.memory_space<vmem>>, vector<16xi32>,
      tpu.vector_store %arg9[%swap3A_705, %swap3A_706, %swap3A_707], %gather3A_700 {strides = array<i32>} : memref<2x8x1024xi32, #tpu.memory_space<vmem>>, vector<16xi32>,
      %gather3A_709 = arith.constant 2 : i32
      %gather3A_710 = arith.constant 0 : i32
      %gather3A_711 = tpu.memref_slice %arg8[%gather3A_709, %gather3A_710] : memref<8x10000xi32, #tpu.memory_space<vmem>> -> memref<1x10000xi32, #tpu.memory_space<vmem>>
      %gather3A_712 = tpu.memref_squeeze %gather3A_711 : memref<1x10000xi32, #tpu.memory_space<vmem>> -> memref<10000xi32, #tpu.memory_space<vmem>>
      %gather3A_713 = tpu.vector_load_idx %gather3A_712[%get3A_682] : memref<10000xi32, #tpu.memory_space<vmem>>[vector<16xi32>], vector<16xi32>,
      %gather3A_714 = tpu.vector_load_idx %arg7[%gather3A_713] : memref<10000xi32, #tpu.memory_space<vmem>>[vector<16xi32>], vector<16xi32>,
      %mul3A_715 = arith.constant 16 : i32
      %mul3A_716 = arith.muli %scan3A_676, %mul3A_715 : i32
      %swap3A_717 = arith.constant 0 : i32
      %swap3A_718 = arith.constant 2 : i32
      %swap3A_719 = arith.index_cast %swap3A_717 : i32 to index
      %swap3A_720 = arith.index_cast %swap3A_718 : i32 to index
      %swap3A_721 = arith.index_cast %mul3A_716 : i32 to index
      %swap3A_722 = tpu.vector_load %arg9[%swap3A_719, %swap3A_720, %swap3A_721] {strides = array<i32>} : memref<2x8x1024xi32, #tpu.memory_space<vmem>>, vector<16xi32>,
      tpu.vector_store %arg9[%swap3A_719, %swap3A_720, %swap3A_721], %gather3A_714 {strides = array<i32>} : memref<2x8x1024xi32, #tpu.memory_space<vmem>>, vector<16xi32>,
      %gather3A_723 = arith.constant 3 : i32
      %gather3A_724 = arith.constant 0 : i32
      %gather3A_725 = tpu.memref_slice %arg8[%gather3A_723, %gather3A_724] : memref<8x10000xi32, #tpu.memory_space<vmem>> -> memref<1x10000xi32, #tpu.memory_space<vmem>>
      %gather3A_726 = tpu.memref_squeeze %gather3A_725 : memref<1x10000xi32, #tpu.memory_space<vmem>> -> memref<10000xi32, #tpu.memory_space<vmem>>
      %gather3A_727 = tpu.vector_load_idx %gather3A_726[%get3A_682] : memref<10000xi32, #tpu.memory_space<vmem>>[vector<16xi32>], vector<16xi32>,
      %gather3A_728 = tpu.vector_load_idx %arg7[%gather3A_727] : memref<10000xi32, #tpu.memory_space<vmem>>[vector<16xi32>], vector<16xi32>,
      %mul3A_729 = arith.constant 16 : i32
      %mul3A_730 = arith.muli %scan3A_676, %mul3A_729 : i32
      %swap3A_731 = arith.constant 0 : i32
      %swap3A_732 = arith.constant 3 : i32
      %swap3A_733 = arith.index_cast %swap3A_731 : i32 to index
      %swap3A_734 = arith.index_cast %swap3A_732 : i32 to index
      %swap3A_735 = arith.index_cast %mul3A_730 : i32 to index
      %swap3A_736 = tpu.vector_load %arg9[%swap3A_733, %swap3A_734, %swap3A_735] {strides = array<i32>} : memref<2x8x1024xi32, #tpu.memory_space<vmem>>, vector<16xi32>,
      tpu.vector_store %arg9[%swap3A_733, %swap3A_734, %swap3A_735], %gather3A_728 {strides = array<i32>} : memref<2x8x1024xi32, #tpu.memory_space<vmem>>, vector<16xi32>,
      %gather3A_737 = arith.constant 4 : i32
      %gather3A_738 = arith.constant 0 : i32
      %gather3A_739 = tpu.memref_slice %arg8[%gather3A_737, %gather3A_738] : memref<8x10000xi32, #tpu.memory_space<vmem>> -> memref<1x10000xi32, #tpu.memory_space<vmem>>
      %gather3A_740 = tpu.memref_squeeze %gather3A_739 : memref<1x10000xi32, #tpu.memory_space<vmem>> -> memref<10000xi32, #tpu.memory_space<vmem>>
      %gather3A_741 = tpu.vector_load_idx %gather3A_740[%get3A_682] : memref<10000xi32, #tpu.memory_space<vmem>>[vector<16xi32>], vector<16xi32>,
      %gather3A_742 = tpu.vector_load_idx %arg7[%gather3A_741] : memref<10000xi32, #tpu.memory_space<vmem>>[vector<16xi32>], vector<16xi32>,
      %mul3A_743 = arith.constant 16 : i32
      %mul3A_744 = arith.muli %scan3A_676, %mul3A_743 : i32
      %swap3A_745 = arith.constant 0 : i32
      %swap3A_746 = arith.constant 4 : i32
      %swap3A_747 = arith.index_cast %swap3A_745 : i32 to index
      %swap3A_748 = arith.index_cast %swap3A_746 : i32 to index
      %swap3A_749 = arith.index_cast %mul3A_744 : i32 to index
      %swap3A_750 = tpu.vector_load %arg9[%swap3A_747, %swap3A_748, %swap3A_749] {strides = array<i32>} : memref<2x8x1024xi32, #tpu.memory_space<vmem>>, vector<16xi32>,
      tpu.vector_store %arg9[%swap3A_747, %swap3A_748, %swap3A_749], %gather3A_742 {strides = array<i32>} : memref<2x8x1024xi32, #tpu.memory_space<vmem>>, vector<16xi32>,
      %gather3A_751 = arith.constant 5 : i32
      %gather3A_752 = arith.constant 0 : i32
      %gather3A_753 = tpu.memref_slice %arg8[%gather3A_751, %gather3A_752] : memref<8x10000xi32, #tpu.memory_space<vmem>> -> memref<1x10000xi32, #tpu.memory_space<vmem>>
      %gather3A_754 = tpu.memref_squeeze %gather3A_753 : memref<1x10000xi32, #tpu.memory_space<vmem>> -> memref<10000xi32, #tpu.memory_space<vmem>>
      %gather3A_755 = tpu.vector_load_idx %gather3A_754[%get3A_682] : memref<10000xi32, #tpu.memory_space<vmem>>[vector<16xi32>], vector<16xi32>,
      %gather3A_756 = tpu.vector_load_idx %arg7[%gather3A_755] : memref<10000xi32, #tpu.memory_space<vmem>>[vector<16xi32>], vector<16xi32>,
      %mul3A_757 = arith.constant 16 : i32
      %mul3A_758 = arith.muli %scan3A_676, %mul3A_757 : i32
      %swap3A_759 = arith.constant 0 : i32
      %swap3A_760 = arith.constant 5 : i32
      %swap3A_761 = arith.index_cast %swap3A_759 : i32 to index
      %swap3A_762 = arith.index_cast %swap3A_760 : i32 to index
      %swap3A_763 = arith.index_cast %mul3A_758 : i32 to index
      %swap3A_764 = tpu.vector_load %arg9[%swap3A_761, %swap3A_762, %swap3A_763] {strides = array<i32>} : memref<2x8x1024xi32, #tpu.memory_space<vmem>>, vector<16xi32>,
      tpu.vector_store %arg9[%swap3A_761, %swap3A_762, %swap3A_763], %gather3A_756 {strides = array<i32>} : memref<2x8x1024xi32, #tpu.memory_space<vmem>>, vector<16xi32>,
      %gather3A_765 = arith.constant 6 : i32
      %gather3A_766 = arith.constant 0 : i32
      %gather3A_767 = tpu.memref_slice %arg8[%gather3A_765, %gather3A_766] : memref<8x10000xi32, #tpu.memory_space<vmem>> -> memref<1x10000xi32, #tpu.memory_space<vmem>>
      %gather3A_768 = tpu.memref_squeeze %gather3A_767 : memref<1x10000xi32, #tpu.memory_space<vmem>> -> memref<10000xi32, #tpu.memory_space<vmem>>
      %gather3A_769 = tpu.vector_load_idx %gather3A_768[%get3A_682] : memref<10000xi32, #tpu.memory_space<vmem>>[vector<16xi32>], vector<16xi32>,
      %gather3A_770 = tpu.vector_load_idx %arg7[%gather3A_769] : memref<10000xi32, #tpu.memory_space<vmem>>[vector<16xi32>], vector<16xi32>,
      %mul3A_771 = arith.constant 16 : i32
      %mul3A_772 = arith.muli %scan3A_676, %mul3A_771 : i32
      %swap3A_773 = arith.constant 0 : i32
      %swap3A_774 = arith.constant 6 : i32
      %swap3A_775 = arith.index_cast %swap3A_773 : i32 to index
      %swap3A_776 = arith.index_cast %swap3A_774 : i32 to index
      %swap3A_777 = arith.index_cast %mul3A_772 : i32 to index
      %swap3A_778 = tpu.vector_load %arg9[%swap3A_775, %swap3A_776, %swap3A_777] {strides = array<i32>} : memref<2x8x1024xi32, #tpu.memory_space<vmem>>, vector<16xi32>,
      tpu.vector_store %arg9[%swap3A_775, %swap3A_776, %swap3A_777], %gather3A_770 {strides = array<i32>} : memref<2x8x1024xi32, #tpu.memory_space<vmem>>, vector<16xi32>,
      %gather3A_779 = arith.constant 7 : i32
      %gather3A_780 = arith.constant 0 : i32
      %gather3A_781 = tpu.memref_slice %arg8[%gather3A_779, %gather3A_780] : memref<8x10000xi32, #tpu.memory_space<vmem>> -> memref<1x10000xi32, #tpu.memory_space<vmem>>
      %gather3A_782 = tpu.memref_squeeze %gather3A_781 : memref<1x10000xi32, #tpu.memory_space<vmem>> -> memref<10000xi32, #tpu.memory_space<vmem>>
      %gather3A_783 = tpu.vector_load_idx %gather3A_782[%get3A_682] : memref<10000xi32, #tpu.memory_space<vmem>>[vector<16xi32>], vector<16xi32>,
      %gather3A_784 = tpu.vector_load_idx %arg7[%gather3A_783] : memref<10000xi32, #tpu.memory_space<vmem>>[vector<16xi32>], vector<16xi32>,
      %mul3A_785 = arith.constant 16 : i32
      %mul3A_786 = arith.muli %scan3A_676, %mul3A_785 : i32
      %swap3A_787 = arith.constant 0 : i32
      %swap3A_788 = arith.constant 7 : i32
      %swap3A_789 = arith.index_cast %swap3A_787 : i32 to index
      %swap3A_790 = arith.index_cast %swap3A_788 : i32 to index
      %swap3A_791 = arith.index_cast %mul3A_786 : i32 to index
      %swap3A_792 = tpu.vector_load %arg9[%swap3A_789, %swap3A_790, %swap3A_791] {strides = array<i32>} : memref<2x8x1024xi32, #tpu.memory_space<vmem>>, vector<16xi32>,
      tpu.vector_store %arg9[%swap3A_789, %swap3A_790, %swap3A_791], %gather3A_784 {strides = array<i32>} : memref<2x8x1024xi32, #tpu.memory_space<vmem>>, vector<16xi32>,
      %scan3A_793 = arith.constant 0 : i32
      scf.yield %scan3A_793 : i32
    }
    %scan3A_199 = arith.constant 64 : i32
    %dma_start3A_200 = arith.constant 0 : i32
    %dma_start3A_201 = arith.constant 0 : i32
    %dma_start3A_202 = arith.constant 0 : i32
    %dma_start3A_203 = tpu.memref_slice %arg9[%dma_start3A_200, %dma_start3A_201, %dma_start3A_202] : memref<2x8x1024xi32, #tpu.memory_space<vmem>> -> memref<1x8x1024xi32, #tpu.memory_space<vmem>>
    %dma_start3A_204 = tpu.memref_squeeze %dma_start3A_203 : memref<1x8x1024xi32, #tpu.memory_space<vmem>> -> memref<8x1024xi32, #tpu.memory_space<vmem>>
    %dma_start3A_205 = arith.constant 6144 : i32
    %dma_start3A_206 = tpu.memref_slice %arg5[%mul3A_2, %dma_start3A_205] : memref<256x10000xi32, #tpu.memory_space<hbm>> -> memref<8x1024xi32, #tpu.memory_space<hbm>>
    %dma_start3A_207 = arith.constant 6144 : i32
    %dma_start3A_208 = tpu.memref_slice %arg5[%mul3A_2, %dma_start3A_207] : memref<256x10000xi32, #tpu.memory_space<hbm>> -> memref<8x1024xi32, #tpu.memory_space<hbm>>
    %dma_start3A_209 = arith.constant 0 : i32
    %dma_start3A_210 = arith.constant 0 : i32
    %dma_start3A_211 = tpu.memref_slice %arg9[%dma_start3A_200, %dma_start3A_209, %dma_start3A_210] : memref<2x8x1024xi32, #tpu.memory_space<vmem>> -> memref<1x8x1024xi32, #tpu.memory_space<vmem>>
    %dma_start3A_212 = tpu.memref_squeeze %dma_start3A_211 : memref<1x8x1024xi32, #tpu.memory_space<vmem>> -> memref<8x1024xi32, #tpu.memory_space<vmem>>
    tpu.enqueue_dma source(%dma_start3A_212 : memref<8x1024xi32, #tpu.memory_space<vmem>>) target(%dma_start3A_208 : memref<8x1024xi32, #tpu.memory_space<hbm>>) target_semaphore(%arg11 : memref<!tpu.dma_semaphore, #tpu.memory_space<semaphore_mem>>)
    %dma_wait3A_213 = arith.constant 1 : i32
    %dma_wait3A_214 = arith.constant 0 : i32
    %dma_wait3A_215 = arith.constant 0 : i32
    %dma_wait3A_216 = tpu.memref_slice %arg9[%dma_wait3A_213, %dma_wait3A_214, %dma_wait3A_215] : memref<2x8x1024xi32, #tpu.memory_space<vmem>> -> memref<1x8x1024xi32, #tpu.memory_space<vmem>>
    %dma_wait3A_217 = tpu.memref_squeeze %dma_wait3A_216 : memref<1x8x1024xi32, #tpu.memory_space<vmem>> -> memref<8x1024xi32, #tpu.memory_space<vmem>>
    %dma_wait3A_218 = arith.constant 5120 : i32
    %dma_wait3A_219 = tpu.memref_slice %arg5[%mul3A_2, %dma_wait3A_218] : memref<256x10000xi32, #tpu.memory_space<hbm>> -> memref<8x1024xi32, #tpu.memory_space<hbm>>
    %dma_wait3A_220 = arith.constant 5120 : i32
    %dma_wait3A_221 = tpu.memref_slice %arg5[%mul3A_2, %dma_wait3A_220] : memref<256x10000xi32, #tpu.memory_space<hbm>> -> memref<8x1024xi32, #tpu.memory_space<hbm>>
    %dma_wait3A_222 = arith.constant 0 : i32
    %dma_wait3A_223 = arith.constant 0 : i32
    %dma_wait3A_224 = tpu.memref_slice %arg9[%dma_wait3A_213, %dma_wait3A_222, %dma_wait3A_223] : memref<2x8x1024xi32, #tpu.memory_space<vmem>> -> memref<1x8x1024xi32, #tpu.memory_space<vmem>>
    %dma_wait3A_225 = tpu.memref_squeeze %dma_wait3A_224 : memref<1x8x1024xi32, #tpu.memory_space<vmem>> -> memref<8x1024xi32, #tpu.memory_space<vmem>>
    tpu.wait_dma2 semaphore(%arg12 : memref<!tpu.dma_semaphore, #tpu.memory_space<semaphore_mem>>) src(%dma_wait3A_225 : memref<8x1024xi32, #tpu.memory_space<vmem>>) dst(%dma_wait3A_221 : memref<8x1024xi32, #tpu.memory_space<hbm>>)
    %scan3A_226 = arith.constant 0 : i32
    %scan3A_227 = arith.constant 0 : i32
    %scan3A_228 = arith.constant 64 : i32
    %scan3A_229 = arith.addi %scan3A_227, %scan3A_228 : i32
    %scan3A_230 = arith.constant 1 : i32
    %scan3A_231 = scf.for %scan3A_676 = %scan3A_227 to %scan3A_229 step %scan3A_230 iter_args(%scan3A_677 = %scan3A_226) -> (i32)  : i32 {
      %mul3A_678 = arith.constant 16 : i32
      %mul3A_679 = arith.muli %scan3A_676, %mul3A_678 : i32
      %add3A_680 = arith.constant 7168 : i32
      %add3A_681 = arith.addi %add3A_680, %mul3A_679 : i32
      %get3A = arith.index_cast %add3A_681 : i32 to index
      %get3A_682 = tpu.vector_load %arg7[%get3A] {strides = array<i32>} : memref<10000xi32, #tpu.memory_space<vmem>>, vector<16xi32>,
      %gather3A = arith.constant 0 : i32
      %gather3A_683 = arith.constant 0 : i32
      %gather3A_684 = tpu.memref_slice %arg8[%gather3A, %gather3A_683] : memref<8x10000xi32, #tpu.memory_space<vmem>> -> memref<1x10000xi32, #tpu.memory_space<vmem>>
      %gather3A_685 = tpu.memref_squeeze %gather3A_684 : memref<1x10000xi32, #tpu.memory_space<vmem>> -> memref<10000xi32, #tpu.memory_space<vmem>>
      %gather3A_686 = tpu.vector_load_idx %gather3A_685[%get3A_682] : memref<10000xi32, #tpu.memory_space<vmem>>[vector<16xi32>], vector<16xi32>,
      %gather3A_687 = tpu.vector_load_idx %arg7[%gather3A_686] : memref<10000xi32, #tpu.memory_space<vmem>>[vector<16xi32>], vector<16xi32>,
      %mul3A_688 = arith.constant 16 : i32
      %mul3A_689 = arith.muli %scan3A_676, %mul3A_688 : i32
      %swap3A = arith.constant 1 : i32
      %swap3A_690 = arith.constant 0 : i32
      %swap3A_691 = arith.index_cast %swap3A : i32 to index
      %swap3A_692 = arith.index_cast %swap3A_690 : i32 to index
      %swap3A_693 = arith.index_cast %mul3A_689 : i32 to index
      %swap3A_694 = tpu.vector_load %arg9[%swap3A_691, %swap3A_692, %swap3A_693] {strides = array<i32>} : memref<2x8x1024xi32, #tpu.memory_space<vmem>>, vector<16xi32>,
      tpu.vector_store %arg9[%swap3A_691, %swap3A_692, %swap3A_693], %gather3A_687 {strides = array<i32>} : memref<2x8x1024xi32, #tpu.memory_space<vmem>>, vector<16xi32>,
      %gather3A_695 = arith.constant 1 : i32
      %gather3A_696 = arith.constant 0 : i32
      %gather3A_697 = tpu.memref_slice %arg8[%gather3A_695, %gather3A_696] : memref<8x10000xi32, #tpu.memory_space<vmem>> -> memref<1x10000xi32, #tpu.memory_space<vmem>>
      %gather3A_698 = tpu.memref_squeeze %gather3A_697 : memref<1x10000xi32, #tpu.memory_space<vmem>> -> memref<10000xi32, #tpu.memory_space<vmem>>
      %gather3A_699 = tpu.vector_load_idx %gather3A_698[%get3A_682] : memref<10000xi32, #tpu.memory_space<vmem>>[vector<16xi32>], vector<16xi32>,
      %gather3A_700 = tpu.vector_load_idx %arg7[%gather3A_699] : memref<10000xi32, #tpu.memory_space<vmem>>[vector<16xi32>], vector<16xi32>,
      %mul3A_701 = arith.constant 16 : i32
      %mul3A_702 = arith.muli %scan3A_676, %mul3A_701 : i32
      %swap3A_703 = arith.constant 1 : i32
      %swap3A_704 = arith.constant 1 : i32
      %swap3A_705 = arith.index_cast %swap3A_703 : i32 to index
      %swap3A_706 = arith.index_cast %swap3A_704 : i32 to index
      %swap3A_707 = arith.index_cast %mul3A_702 : i32 to index
      %swap3A_708 = tpu.vector_load %arg9[%swap3A_705, %swap3A_706, %swap3A_707] {strides = array<i32>} : memref<2x8x1024xi32, #tpu.memory_space<vmem>>, vector<16xi32>,
      tpu.vector_store %arg9[%swap3A_705, %swap3A_706, %swap3A_707], %gather3A_700 {strides = array<i32>} : memref<2x8x1024xi32, #tpu.memory_space<vmem>>, vector<16xi32>,
      %gather3A_709 = arith.constant 2 : i32
      %gather3A_710 = arith.constant 0 : i32
      %gather3A_711 = tpu.memref_slice %arg8[%gather3A_709, %gather3A_710] : memref<8x10000xi32, #tpu.memory_space<vmem>> -> memref<1x10000xi32, #tpu.memory_space<vmem>>
      %gather3A_712 = tpu.memref_squeeze %gather3A_711 : memref<1x10000xi32, #tpu.memory_space<vmem>> -> memref<10000xi32, #tpu.memory_space<vmem>>
      %gather3A_713 = tpu.vector_load_idx %gather3A_712[%get3A_682] : memref<10000xi32, #tpu.memory_space<vmem>>[vector<16xi32>], vector<16xi32>,
      %gather3A_714 = tpu.vector_load_idx %arg7[%gather3A_713] : memref<10000xi32, #tpu.memory_space<vmem>>[vector<16xi32>], vector<16xi32>,
      %mul3A_715 = arith.constant 16 : i32
      %mul3A_716 = arith.muli %scan3A_676, %mul3A_715 : i32
      %swap3A_717 = arith.constant 1 : i32
      %swap3A_718 = arith.constant 2 : i32
      %swap3A_719 = arith.index_cast %swap3A_717 : i32 to index
      %swap3A_720 = arith.index_cast %swap3A_718 : i32 to index
      %swap3A_721 = arith.index_cast %mul3A_716 : i32 to index
      %swap3A_722 = tpu.vector_load %arg9[%swap3A_719, %swap3A_720, %swap3A_721] {strides = array<i32>} : memref<2x8x1024xi32, #tpu.memory_space<vmem>>, vector<16xi32>,
      tpu.vector_store %arg9[%swap3A_719, %swap3A_720, %swap3A_721], %gather3A_714 {strides = array<i32>} : memref<2x8x1024xi32, #tpu.memory_space<vmem>>, vector<16xi32>,
      %gather3A_723 = arith.constant 3 : i32
      %gather3A_724 = arith.constant 0 : i32
      %gather3A_725 = tpu.memref_slice %arg8[%gather3A_723, %gather3A_724] : memref<8x10000xi32, #tpu.memory_space<vmem>> -> memref<1x10000xi32, #tpu.memory_space<vmem>>
      %gather3A_726 = tpu.memref_squeeze %gather3A_725 : memref<1x10000xi32, #tpu.memory_space<vmem>> -> memref<10000xi32, #tpu.memory_space<vmem>>
      %gather3A_727 = tpu.vector_load_idx %gather3A_726[%get3A_682] : memref<10000xi32, #tpu.memory_space<vmem>>[vector<16xi32>], vector<16xi32>,
      %gather3A_728 = tpu.vector_load_idx %arg7[%gather3A_727] : memref<10000xi32, #tpu.memory_space<vmem>>[vector<16xi32>], vector<16xi32>,
      %mul3A_729 = arith.constant 16 : i32
      %mul3A_730 = arith.muli %scan3A_676, %mul3A_729 : i32
      %swap3A_731 = arith.constant 1 : i32
      %swap3A_732 = arith.constant 3 : i32
      %swap3A_733 = arith.index_cast %swap3A_731 : i32 to index
      %swap3A_734 = arith.index_cast %swap3A_732 : i32 to index
      %swap3A_735 = arith.index_cast %mul3A_730 : i32 to index
      %swap3A_736 = tpu.vector_load %arg9[%swap3A_733, %swap3A_734, %swap3A_735] {strides = array<i32>} : memref<2x8x1024xi32, #tpu.memory_space<vmem>>, vector<16xi32>,
      tpu.vector_store %arg9[%swap3A_733, %swap3A_734, %swap3A_735], %gather3A_728 {strides = array<i32>} : memref<2x8x1024xi32, #tpu.memory_space<vmem>>, vector<16xi32>,
      %gather3A_737 = arith.constant 4 : i32
      %gather3A_738 = arith.constant 0 : i32
      %gather3A_739 = tpu.memref_slice %arg8[%gather3A_737, %gather3A_738] : memref<8x10000xi32, #tpu.memory_space<vmem>> -> memref<1x10000xi32, #tpu.memory_space<vmem>>
      %gather3A_740 = tpu.memref_squeeze %gather3A_739 : memref<1x10000xi32, #tpu.memory_space<vmem>> -> memref<10000xi32, #tpu.memory_space<vmem>>
      %gather3A_741 = tpu.vector_load_idx %gather3A_740[%get3A_682] : memref<10000xi32, #tpu.memory_space<vmem>>[vector<16xi32>], vector<16xi32>,
      %gather3A_742 = tpu.vector_load_idx %arg7[%gather3A_741] : memref<10000xi32, #tpu.memory_space<vmem>>[vector<16xi32>], vector<16xi32>,
      %mul3A_743 = arith.constant 16 : i32
      %mul3A_744 = arith.muli %scan3A_676, %mul3A_743 : i32
      %swap3A_745 = arith.constant 1 : i32
      %swap3A_746 = arith.constant 4 : i32
      %swap3A_747 = arith.index_cast %swap3A_745 : i32 to index
      %swap3A_748 = arith.index_cast %swap3A_746 : i32 to index
      %swap3A_749 = arith.index_cast %mul3A_744 : i32 to index
      %swap3A_750 = tpu.vector_load %arg9[%swap3A_747, %swap3A_748, %swap3A_749] {strides = array<i32>} : memref<2x8x1024xi32, #tpu.memory_space<vmem>>, vector<16xi32>,
      tpu.vector_store %arg9[%swap3A_747, %swap3A_748, %swap3A_749], %gather3A_742 {strides = array<i32>} : memref<2x8x1024xi32, #tpu.memory_space<vmem>>, vector<16xi32>,
      %gather3A_751 = arith.constant 5 : i32
      %gather3A_752 = arith.constant 0 : i32
      %gather3A_753 = tpu.memref_slice %arg8[%gather3A_751, %gather3A_752] : memref<8x10000xi32, #tpu.memory_space<vmem>> -> memref<1x10000xi32, #tpu.memory_space<vmem>>
      %gather3A_754 = tpu.memref_squeeze %gather3A_753 : memref<1x10000xi32, #tpu.memory_space<vmem>> -> memref<10000xi32, #tpu.memory_space<vmem>>
      %gather3A_755 = tpu.vector_load_idx %gather3A_754[%get3A_682] : memref<10000xi32, #tpu.memory_space<vmem>>[vector<16xi32>], vector<16xi32>,
      %gather3A_756 = tpu.vector_load_idx %arg7[%gather3A_755] : memref<10000xi32, #tpu.memory_space<vmem>>[vector<16xi32>], vector<16xi32>,
      %mul3A_757 = arith.constant 16 : i32
      %mul3A_758 = arith.muli %scan3A_676, %mul3A_757 : i32
      %swap3A_759 = arith.constant 1 : i32
      %swap3A_760 = arith.constant 5 : i32
      %swap3A_761 = arith.index_cast %swap3A_759 : i32 to index
      %swap3A_762 = arith.index_cast %swap3A_760 : i32 to index
      %swap3A_763 = arith.index_cast %mul3A_758 : i32 to index
      %swap3A_764 = tpu.vector_load %arg9[%swap3A_761, %swap3A_762, %swap3A_763] {strides = array<i32>} : memref<2x8x1024xi32, #tpu.memory_space<vmem>>, vector<16xi32>,
      tpu.vector_store %arg9[%swap3A_761, %swap3A_762, %swap3A_763], %gather3A_756 {strides = array<i32>} : memref<2x8x1024xi32, #tpu.memory_space<vmem>>, vector<16xi32>,
      %gather3A_765 = arith.constant 6 : i32
      %gather3A_766 = arith.constant 0 : i32
      %gather3A_767 = tpu.memref_slice %arg8[%gather3A_765, %gather3A_766] : memref<8x10000xi32, #tpu.memory_space<vmem>> -> memref<1x10000xi32, #tpu.memory_space<vmem>>
      %gather3A_768 = tpu.memref_squeeze %gather3A_767 : memref<1x10000xi32, #tpu.memory_space<vmem>> -> memref<10000xi32, #tpu.memory_space<vmem>>
      %gather3A_769 = tpu.vector_load_idx %gather3A_768[%get3A_682] : memref<10000xi32, #tpu.memory_space<vmem>>[vector<16xi32>], vector<16xi32>,
      %gather3A_770 = tpu.vector_load_idx %arg7[%gather3A_769] : memref<10000xi32, #tpu.memory_space<vmem>>[vector<16xi32>], vector<16xi32>,
      %mul3A_771 = arith.constant 16 : i32
      %mul3A_772 = arith.muli %scan3A_676, %mul3A_771 : i32
      %swap3A_773 = arith.constant 1 : i32
      %swap3A_774 = arith.constant 6 : i32
      %swap3A_775 = arith.index_cast %swap3A_773 : i32 to index
      %swap3A_776 = arith.index_cast %swap3A_774 : i32 to index
      %swap3A_777 = arith.index_cast %mul3A_772 : i32 to index
      %swap3A_778 = tpu.vector_load %arg9[%swap3A_775, %swap3A_776, %swap3A_777] {strides = array<i32>} : memref<2x8x1024xi32, #tpu.memory_space<vmem>>, vector<16xi32>,
      tpu.vector_store %arg9[%swap3A_775, %swap3A_776, %swap3A_777], %gather3A_770 {strides = array<i32>} : memref<2x8x1024xi32, #tpu.memory_space<vmem>>, vector<16xi32>,
      %gather3A_779 = arith.constant 7 : i32
      %gather3A_780 = arith.constant 0 : i32
      %gather3A_781 = tpu.memref_slice %arg8[%gather3A_779, %gather3A_780] : memref<8x10000xi32, #tpu.memory_space<vmem>> -> memref<1x10000xi32, #tpu.memory_space<vmem>>
      %gather3A_782 = tpu.memref_squeeze %gather3A_781 : memref<1x10000xi32, #tpu.memory_space<vmem>> -> memref<10000xi32, #tpu.memory_space<vmem>>
      %gather3A_783 = tpu.vector_load_idx %gather3A_782[%get3A_682] : memref<10000xi32, #tpu.memory_space<vmem>>[vector<16xi32>], vector<16xi32>,
      %gather3A_784 = tpu.vector_load_idx %arg7[%gather3A_783] : memref<10000xi32, #tpu.memory_space<vmem>>[vector<16xi32>], vector<16xi32>,
      %mul3A_785 = arith.constant 16 : i32
      %mul3A_786 = arith.muli %scan3A_676, %mul3A_785 : i32
      %swap3A_787 = arith.constant 1 : i32
      %swap3A_788 = arith.constant 7 : i32
      %swap3A_789 = arith.index_cast %swap3A_787 : i32 to index
      %swap3A_790 = arith.index_cast %swap3A_788 : i32 to index
      %swap3A_791 = arith.index_cast %mul3A_786 : i32 to index
      %swap3A_792 = tpu.vector_load %arg9[%swap3A_789, %swap3A_790, %swap3A_791] {strides = array<i32>} : memref<2x8x1024xi32, #tpu.memory_space<vmem>>, vector<16xi32>,
      tpu.vector_store %arg9[%swap3A_789, %swap3A_790, %swap3A_791], %gather3A_784 {strides = array<i32>} : memref<2x8x1024xi32, #tpu.memory_space<vmem>>, vector<16xi32>,
      %scan3A_793 = arith.constant 0 : i32
      scf.yield %scan3A_793 : i32
    }
    %scan3A_232 = arith.constant 64 : i32
    %dma_start3A_233 = arith.constant 1 : i32
    %dma_start3A_234 = arith.constant 0 : i32
    %dma_start3A_235 = arith.constant 0 : i32
    %dma_start3A_236 = tpu.memref_slice %arg9[%dma_start3A_233, %dma_start3A_234, %dma_start3A_235] : memref<2x8x1024xi32, #tpu.memory_space<vmem>> -> memref<1x8x1024xi32, #tpu.memory_space<vmem>>
    %dma_start3A_237 = tpu.memref_squeeze %dma_start3A_236 : memref<1x8x1024xi32, #tpu.memory_space<vmem>> -> memref<8x1024xi32, #tpu.memory_space<vmem>>
    %dma_start3A_238 = arith.constant 7168 : i32
    %dma_start3A_239 = tpu.memref_slice %arg5[%mul3A_2, %dma_start3A_238] : memref<256x10000xi32, #tpu.memory_space<hbm>> -> memref<8x1024xi32, #tpu.memory_space<hbm>>
    %dma_start3A_240 = arith.constant 7168 : i32
    %dma_start3A_241 = tpu.memref_slice %arg5[%mul3A_2, %dma_start3A_240] : memref<256x10000xi32, #tpu.memory_space<hbm>> -> memref<8x1024xi32, #tpu.memory_space<hbm>>
    %dma_start3A_242 = arith.constant 0 : i32
    %dma_start3A_243 = arith.constant 0 : i32
    %dma_start3A_244 = tpu.memref_slice %arg9[%dma_start3A_233, %dma_start3A_242, %dma_start3A_243] : memref<2x8x1024xi32, #tpu.memory_space<vmem>> -> memref<1x8x1024xi32, #tpu.memory_space<vmem>>
    %dma_start3A_245 = tpu.memref_squeeze %dma_start3A_244 : memref<1x8x1024xi32, #tpu.memory_space<vmem>> -> memref<8x1024xi32, #tpu.memory_space<vmem>>
    tpu.enqueue_dma source(%dma_start3A_245 : memref<8x1024xi32, #tpu.memory_space<vmem>>) target(%dma_start3A_241 : memref<8x1024xi32, #tpu.memory_space<hbm>>) target_semaphore(%arg12 : memref<!tpu.dma_semaphore, #tpu.memory_space<semaphore_mem>>)
    %dma_wait3A_246 = arith.constant 0 : i32
    %dma_wait3A_247 = arith.constant 0 : i32
    %dma_wait3A_248 = arith.constant 0 : i32
    %dma_wait3A_249 = tpu.memref_slice %arg9[%dma_wait3A_246, %dma_wait3A_247, %dma_wait3A_248] : memref<2x8x1024xi32, #tpu.memory_space<vmem>> -> memref<1x8x1024xi32, #tpu.memory_space<vmem>>
    %dma_wait3A_250 = tpu.memref_squeeze %dma_wait3A_249 : memref<1x8x1024xi32, #tpu.memory_space<vmem>> -> memref<8x1024xi32, #tpu.memory_space<vmem>>
    %dma_wait3A_251 = arith.constant 6144 : i32
    %dma_wait3A_252 = tpu.memref_slice %arg5[%mul3A_2, %dma_wait3A_251] : memref<256x10000xi32, #tpu.memory_space<hbm>> -> memref<8x1024xi32, #tpu.memory_space<hbm>>
    %dma_wait3A_253 = arith.constant 6144 : i32
    %dma_wait3A_254 = tpu.memref_slice %arg5[%mul3A_2, %dma_wait3A_253] : memref<256x10000xi32, #tpu.memory_space<hbm>> -> memref<8x1024xi32, #tpu.memory_space<hbm>>
    %dma_wait3A_255 = arith.constant 0 : i32
    %dma_wait3A_256 = arith.constant 0 : i32
    %dma_wait3A_257 = tpu.memref_slice %arg9[%dma_wait3A_246, %dma_wait3A_255, %dma_wait3A_256] : memref<2x8x1024xi32, #tpu.memory_space<vmem>> -> memref<1x8x1024xi32, #tpu.memory_space<vmem>>
    %dma_wait3A_258 = tpu.memref_squeeze %dma_wait3A_257 : memref<1x8x1024xi32, #tpu.memory_space<vmem>> -> memref<8x1024xi32, #tpu.memory_space<vmem>>
    tpu.wait_dma2 semaphore(%arg11 : memref<!tpu.dma_semaphore, #tpu.memory_space<semaphore_mem>>) src(%dma_wait3A_258 : memref<8x1024xi32, #tpu.memory_space<vmem>>) dst(%dma_wait3A_254 : memref<8x1024xi32, #tpu.memory_space<hbm>>)
    %scan3A_259 = arith.constant 0 : i32
    %scan3A_260 = arith.constant 0 : i32
    %scan3A_261 = arith.constant 64 : i32
    %scan3A_262 = arith.addi %scan3A_260, %scan3A_261 : i32
    %scan3A_263 = arith.constant 1 : i32
    %scan3A_264 = scf.for %scan3A_676 = %scan3A_260 to %scan3A_262 step %scan3A_263 iter_args(%scan3A_677 = %scan3A_259) -> (i32)  : i32 {
      %mul3A_678 = arith.constant 16 : i32
      %mul3A_679 = arith.muli %scan3A_676, %mul3A_678 : i32
      %add3A_680 = arith.constant 8192 : i32
      %add3A_681 = arith.addi %add3A_680, %mul3A_679 : i32
      %get3A = arith.index_cast %add3A_681 : i32 to index
      %get3A_682 = tpu.vector_load %arg7[%get3A] {strides = array<i32>} : memref<10000xi32, #tpu.memory_space<vmem>>, vector<16xi32>,
      %gather3A = arith.constant 0 : i32
      %gather3A_683 = arith.constant 0 : i32
      %gather3A_684 = tpu.memref_slice %arg8[%gather3A, %gather3A_683] : memref<8x10000xi32, #tpu.memory_space<vmem>> -> memref<1x10000xi32, #tpu.memory_space<vmem>>
      %gather3A_685 = tpu.memref_squeeze %gather3A_684 : memref<1x10000xi32, #tpu.memory_space<vmem>> -> memref<10000xi32, #tpu.memory_space<vmem>>
      %gather3A_686 = tpu.vector_load_idx %gather3A_685[%get3A_682] : memref<10000xi32, #tpu.memory_space<vmem>>[vector<16xi32>], vector<16xi32>,
      %gather3A_687 = tpu.vector_load_idx %arg7[%gather3A_686] : memref<10000xi32, #tpu.memory_space<vmem>>[vector<16xi32>], vector<16xi32>,
      %mul3A_688 = arith.constant 16 : i32
      %mul3A_689 = arith.muli %scan3A_676, %mul3A_688 : i32
      %swap3A = arith.constant 0 : i32
      %swap3A_690 = arith.constant 0 : i32
      %swap3A_691 = arith.index_cast %swap3A : i32 to index
      %swap3A_692 = arith.index_cast %swap3A_690 : i32 to index
      %swap3A_693 = arith.index_cast %mul3A_689 : i32 to index
      %swap3A_694 = tpu.vector_load %arg9[%swap3A_691, %swap3A_692, %swap3A_693] {strides = array<i32>} : memref<2x8x1024xi32, #tpu.memory_space<vmem>>, vector<16xi32>,
      tpu.vector_store %arg9[%swap3A_691, %swap3A_692, %swap3A_693], %gather3A_687 {strides = array<i32>} : memref<2x8x1024xi32, #tpu.memory_space<vmem>>, vector<16xi32>,
      %gather3A_695 = arith.constant 1 : i32
      %gather3A_696 = arith.constant 0 : i32
      %gather3A_697 = tpu.memref_slice %arg8[%gather3A_695, %gather3A_696] : memref<8x10000xi32, #tpu.memory_space<vmem>> -> memref<1x10000xi32, #tpu.memory_space<vmem>>
      %gather3A_698 = tpu.memref_squeeze %gather3A_697 : memref<1x10000xi32, #tpu.memory_space<vmem>> -> memref<10000xi32, #tpu.memory_space<vmem>>
      %gather3A_699 = tpu.vector_load_idx %gather3A_698[%get3A_682] : memref<10000xi32, #tpu.memory_space<vmem>>[vector<16xi32>], vector<16xi32>,
      %gather3A_700 = tpu.vector_load_idx %arg7[%gather3A_699] : memref<10000xi32, #tpu.memory_space<vmem>>[vector<16xi32>], vector<16xi32>,
      %mul3A_701 = arith.constant 16 : i32
      %mul3A_702 = arith.muli %scan3A_676, %mul3A_701 : i32
      %swap3A_703 = arith.constant 0 : i32
      %swap3A_704 = arith.constant 1 : i32
      %swap3A_705 = arith.index_cast %swap3A_703 : i32 to index
      %swap3A_706 = arith.index_cast %swap3A_704 : i32 to index
      %swap3A_707 = arith.index_cast %mul3A_702 : i32 to index
      %swap3A_708 = tpu.vector_load %arg9[%swap3A_705, %swap3A_706, %swap3A_707] {strides = array<i32>} : memref<2x8x1024xi32, #tpu.memory_space<vmem>>, vector<16xi32>,
      tpu.vector_store %arg9[%swap3A_705, %swap3A_706, %swap3A_707], %gather3A_700 {strides = array<i32>} : memref<2x8x1024xi32, #tpu.memory_space<vmem>>, vector<16xi32>,
      %gather3A_709 = arith.constant 2 : i32
      %gather3A_710 = arith.constant 0 : i32
      %gather3A_711 = tpu.memref_slice %arg8[%gather3A_709, %gather3A_710] : memref<8x10000xi32, #tpu.memory_space<vmem>> -> memref<1x10000xi32, #tpu.memory_space<vmem>>
      %gather3A_712 = tpu.memref_squeeze %gather3A_711 : memref<1x10000xi32, #tpu.memory_space<vmem>> -> memref<10000xi32, #tpu.memory_space<vmem>>
      %gather3A_713 = tpu.vector_load_idx %gather3A_712[%get3A_682] : memref<10000xi32, #tpu.memory_space<vmem>>[vector<16xi32>], vector<16xi32>,
      %gather3A_714 = tpu.vector_load_idx %arg7[%gather3A_713] : memref<10000xi32, #tpu.memory_space<vmem>>[vector<16xi32>], vector<16xi32>,
      %mul3A_715 = arith.constant 16 : i32
      %mul3A_716 = arith.muli %scan3A_676, %mul3A_715 : i32
      %swap3A_717 = arith.constant 0 : i32
      %swap3A_718 = arith.constant 2 : i32
      %swap3A_719 = arith.index_cast %swap3A_717 : i32 to index
      %swap3A_720 = arith.index_cast %swap3A_718 : i32 to index
      %swap3A_721 = arith.index_cast %mul3A_716 : i32 to index
      %swap3A_722 = tpu.vector_load %arg9[%swap3A_719, %swap3A_720, %swap3A_721] {strides = array<i32>} : memref<2x8x1024xi32, #tpu.memory_space<vmem>>, vector<16xi32>,
      tpu.vector_store %arg9[%swap3A_719, %swap3A_720, %swap3A_721], %gather3A_714 {strides = array<i32>} : memref<2x8x1024xi32, #tpu.memory_space<vmem>>, vector<16xi32>,
      %gather3A_723 = arith.constant 3 : i32
      %gather3A_724 = arith.constant 0 : i32
      %gather3A_725 = tpu.memref_slice %arg8[%gather3A_723, %gather3A_724] : memref<8x10000xi32, #tpu.memory_space<vmem>> -> memref<1x10000xi32, #tpu.memory_space<vmem>>
      %gather3A_726 = tpu.memref_squeeze %gather3A_725 : memref<1x10000xi32, #tpu.memory_space<vmem>> -> memref<10000xi32, #tpu.memory_space<vmem>>
      %gather3A_727 = tpu.vector_load_idx %gather3A_726[%get3A_682] : memref<10000xi32, #tpu.memory_space<vmem>>[vector<16xi32>], vector<16xi32>,
      %gather3A_728 = tpu.vector_load_idx %arg7[%gather3A_727] : memref<10000xi32, #tpu.memory_space<vmem>>[vector<16xi32>], vector<16xi32>,
      %mul3A_729 = arith.constant 16 : i32
      %mul3A_730 = arith.muli %scan3A_676, %mul3A_729 : i32
      %swap3A_731 = arith.constant 0 : i32
      %swap3A_732 = arith.constant 3 : i32
      %swap3A_733 = arith.index_cast %swap3A_731 : i32 to index
      %swap3A_734 = arith.index_cast %swap3A_732 : i32 to index
      %swap3A_735 = arith.index_cast %mul3A_730 : i32 to index
      %swap3A_736 = tpu.vector_load %arg9[%swap3A_733, %swap3A_734, %swap3A_735] {strides = array<i32>} : memref<2x8x1024xi32, #tpu.memory_space<vmem>>, vector<16xi32>,
      tpu.vector_store %arg9[%swap3A_733, %swap3A_734, %swap3A_735], %gather3A_728 {strides = array<i32>} : memref<2x8x1024xi32, #tpu.memory_space<vmem>>, vector<16xi32>,
      %gather3A_737 = arith.constant 4 : i32
      %gather3A_738 = arith.constant 0 : i32
      %gather3A_739 = tpu.memref_slice %arg8[%gather3A_737, %gather3A_738] : memref<8x10000xi32, #tpu.memory_space<vmem>> -> memref<1x10000xi32, #tpu.memory_space<vmem>>
      %gather3A_740 = tpu.memref_squeeze %gather3A_739 : memref<1x10000xi32, #tpu.memory_space<vmem>> -> memref<10000xi32, #tpu.memory_space<vmem>>
      %gather3A_741 = tpu.vector_load_idx %gather3A_740[%get3A_682] : memref<10000xi32, #tpu.memory_space<vmem>>[vector<16xi32>], vector<16xi32>,
      %gather3A_742 = tpu.vector_load_idx %arg7[%gather3A_741] : memref<10000xi32, #tpu.memory_space<vmem>>[vector<16xi32>], vector<16xi32>,
      %mul3A_743 = arith.constant 16 : i32
      %mul3A_744 = arith.muli %scan3A_676, %mul3A_743 : i32
      %swap3A_745 = arith.constant 0 : i32
      %swap3A_746 = arith.constant 4 : i32
      %swap3A_747 = arith.index_cast %swap3A_745 : i32 to index
      %swap3A_748 = arith.index_cast %swap3A_746 : i32 to index
      %swap3A_749 = arith.index_cast %mul3A_744 : i32 to index
      %swap3A_750 = tpu.vector_load %arg9[%swap3A_747, %swap3A_748, %swap3A_749] {strides = array<i32>} : memref<2x8x1024xi32, #tpu.memory_space<vmem>>, vector<16xi32>,
      tpu.vector_store %arg9[%swap3A_747, %swap3A_748, %swap3A_749], %gather3A_742 {strides = array<i32>} : memref<2x8x1024xi32, #tpu.memory_space<vmem>>, vector<16xi32>,
      %gather3A_751 = arith.constant 5 : i32
      %gather3A_752 = arith.constant 0 : i32
      %gather3A_753 = tpu.memref_slice %arg8[%gather3A_751, %gather3A_752] : memref<8x10000xi32, #tpu.memory_space<vmem>> -> memref<1x10000xi32, #tpu.memory_space<vmem>>
      %gather3A_754 = tpu.memref_squeeze %gather3A_753 : memref<1x10000xi32, #tpu.memory_space<vmem>> -> memref<10000xi32, #tpu.memory_space<vmem>>
      %gather3A_755 = tpu.vector_load_idx %gather3A_754[%get3A_682] : memref<10000xi32, #tpu.memory_space<vmem>>[vector<16xi32>], vector<16xi32>,
      %gather3A_756 = tpu.vector_load_idx %arg7[%gather3A_755] : memref<10000xi32, #tpu.memory_space<vmem>>[vector<16xi32>], vector<16xi32>,
      %mul3A_757 = arith.constant 16 : i32
      %mul3A_758 = arith.muli %scan3A_676, %mul3A_757 : i32
      %swap3A_759 = arith.constant 0 : i32
      %swap3A_760 = arith.constant 5 : i32
      %swap3A_761 = arith.index_cast %swap3A_759 : i32 to index
      %swap3A_762 = arith.index_cast %swap3A_760 : i32 to index
      %swap3A_763 = arith.index_cast %mul3A_758 : i32 to index
      %swap3A_764 = tpu.vector_load %arg9[%swap3A_761, %swap3A_762, %swap3A_763] {strides = array<i32>} : memref<2x8x1024xi32, #tpu.memory_space<vmem>>, vector<16xi32>,
      tpu.vector_store %arg9[%swap3A_761, %swap3A_762, %swap3A_763], %gather3A_756 {strides = array<i32>} : memref<2x8x1024xi32, #tpu.memory_space<vmem>>, vector<16xi32>,
      %gather3A_765 = arith.constant 6 : i32
      %gather3A_766 = arith.constant 0 : i32
      %gather3A_767 = tpu.memref_slice %arg8[%gather3A_765, %gather3A_766] : memref<8x10000xi32, #tpu.memory_space<vmem>> -> memref<1x10000xi32, #tpu.memory_space<vmem>>
      %gather3A_768 = tpu.memref_squeeze %gather3A_767 : memref<1x10000xi32, #tpu.memory_space<vmem>> -> memref<10000xi32, #tpu.memory_space<vmem>>
      %gather3A_769 = tpu.vector_load_idx %gather3A_768[%get3A_682] : memref<10000xi32, #tpu.memory_space<vmem>>[vector<16xi32>], vector<16xi32>,
      %gather3A_770 = tpu.vector_load_idx %arg7[%gather3A_769] : memref<10000xi32, #tpu.memory_space<vmem>>[vector<16xi32>], vector<16xi32>,
      %mul3A_771 = arith.constant 16 : i32
      %mul3A_772 = arith.muli %scan3A_676, %mul3A_771 : i32
      %swap3A_773 = arith.constant 0 : i32
      %swap3A_774 = arith.constant 6 : i32
      %swap3A_775 = arith.index_cast %swap3A_773 : i32 to index
      %swap3A_776 = arith.index_cast %swap3A_774 : i32 to index
      %swap3A_777 = arith.index_cast %mul3A_772 : i32 to index
      %swap3A_778 = tpu.vector_load %arg9[%swap3A_775, %swap3A_776, %swap3A_777] {strides = array<i32>} : memref<2x8x1024xi32, #tpu.memory_space<vmem>>, vector<16xi32>,
      tpu.vector_store %arg9[%swap3A_775, %swap3A_776, %swap3A_777], %gather3A_770 {strides = array<i32>} : memref<2x8x1024xi32, #tpu.memory_space<vmem>>, vector<16xi32>,
      %gather3A_779 = arith.constant 7 : i32
      %gather3A_780 = arith.constant 0 : i32
      %gather3A_781 = tpu.memref_slice %arg8[%gather3A_779, %gather3A_780] : memref<8x10000xi32, #tpu.memory_space<vmem>> -> memref<1x10000xi32, #tpu.memory_space<vmem>>
      %gather3A_782 = tpu.memref_squeeze %gather3A_781 : memref<1x10000xi32, #tpu.memory_space<vmem>> -> memref<10000xi32, #tpu.memory_space<vmem>>
      %gather3A_783 = tpu.vector_load_idx %gather3A_782[%get3A_682] : memref<10000xi32, #tpu.memory_space<vmem>>[vector<16xi32>], vector<16xi32>,
      %gather3A_784 = tpu.vector_load_idx %arg7[%gather3A_783] : memref<10000xi32, #tpu.memory_space<vmem>>[vector<16xi32>], vector<16xi32>,
      %mul3A_785 = arith.constant 16 : i32
      %mul3A_786 = arith.muli %scan3A_676, %mul3A_785 : i32
      %swap3A_787 = arith.constant 0 : i32
      %swap3A_788 = arith.constant 7 : i32
      %swap3A_789 = arith.index_cast %swap3A_787 : i32 to index
      %swap3A_790 = arith.index_cast %swap3A_788 : i32 to index
      %swap3A_791 = arith.index_cast %mul3A_786 : i32 to index
      %swap3A_792 = tpu.vector_load %arg9[%swap3A_789, %swap3A_790, %swap3A_791] {strides = array<i32>} : memref<2x8x1024xi32, #tpu.memory_space<vmem>>, vector<16xi32>,
      tpu.vector_store %arg9[%swap3A_789, %swap3A_790, %swap3A_791], %gather3A_784 {strides = array<i32>} : memref<2x8x1024xi32, #tpu.memory_space<vmem>>, vector<16xi32>,
      %scan3A_793 = arith.constant 0 : i32
      scf.yield %scan3A_793 : i32
    }
    %scan3A_265 = arith.constant 64 : i32
    %dma_start3A_266 = arith.constant 0 : i32
    %dma_start3A_267 = arith.constant 0 : i32
    %dma_start3A_268 = arith.constant 0 : i32
    %dma_start3A_269 = tpu.memref_slice %arg9[%dma_start3A_266, %dma_start3A_267, %dma_start3A_268] : memref<2x8x1024xi32, #tpu.memory_space<vmem>> -> memref<1x8x1024xi32, #tpu.memory_space<vmem>>
    %dma_start3A_270 = tpu.memref_squeeze %dma_start3A_269 : memref<1x8x1024xi32, #tpu.memory_space<vmem>> -> memref<8x1024xi32, #tpu.memory_space<vmem>>
    %dma_start3A_271 = arith.constant 8192 : i32
    %dma_start3A_272 = tpu.memref_slice %arg5[%mul3A_2, %dma_start3A_271] : memref<256x10000xi32, #tpu.memory_space<hbm>> -> memref<8x1024xi32, #tpu.memory_space<hbm>>
    %dma_start3A_273 = arith.constant 8192 : i32
    %dma_start3A_274 = tpu.memref_slice %arg5[%mul3A_2, %dma_start3A_273] : memref<256x10000xi32, #tpu.memory_space<hbm>> -> memref<8x1024xi32, #tpu.memory_space<hbm>>
    %dma_start3A_275 = arith.constant 0 : i32
    %dma_start3A_276 = arith.constant 0 : i32
    %dma_start3A_277 = tpu.memref_slice %arg9[%dma_start3A_266, %dma_start3A_275, %dma_start3A_276] : memref<2x8x1024xi32, #tpu.memory_space<vmem>> -> memref<1x8x1024xi32, #tpu.memory_space<vmem>>
    %dma_start3A_278 = tpu.memref_squeeze %dma_start3A_277 : memref<1x8x1024xi32, #tpu.memory_space<vmem>> -> memref<8x1024xi32, #tpu.memory_space<vmem>>
    tpu.enqueue_dma source(%dma_start3A_278 : memref<8x1024xi32, #tpu.memory_space<vmem>>) target(%dma_start3A_274 : memref<8x1024xi32, #tpu.memory_space<hbm>>) target_semaphore(%arg11 : memref<!tpu.dma_semaphore, #tpu.memory_space<semaphore_mem>>)
    %dma_wait3A_279 = arith.constant 1 : i32
    %dma_wait3A_280 = arith.constant 0 : i32
    %dma_wait3A_281 = arith.constant 0 : i32
    %dma_wait3A_282 = tpu.memref_slice %arg9[%dma_wait3A_279, %dma_wait3A_280, %dma_wait3A_281] : memref<2x8x1024xi32, #tpu.memory_space<vmem>> -> memref<1x8x1024xi32, #tpu.memory_space<vmem>>
    %dma_wait3A_283 = tpu.memref_squeeze %dma_wait3A_282 : memref<1x8x1024xi32, #tpu.memory_space<vmem>> -> memref<8x1024xi32, #tpu.memory_space<vmem>>
    %dma_wait3A_284 = arith.constant 7168 : i32
    %dma_wait3A_285 = tpu.memref_slice %arg5[%mul3A_2, %dma_wait3A_284] : memref<256x10000xi32, #tpu.memory_space<hbm>> -> memref<8x1024xi32, #tpu.memory_space<hbm>>
    %dma_wait3A_286 = arith.constant 7168 : i32
    %dma_wait3A_287 = tpu.memref_slice %arg5[%mul3A_2, %dma_wait3A_286] : memref<256x10000xi32, #tpu.memory_space<hbm>> -> memref<8x1024xi32, #tpu.memory_space<hbm>>
    %dma_wait3A_288 = arith.constant 0 : i32
    %dma_wait3A_289 = arith.constant 0 : i32
    %dma_wait3A_290 = tpu.memref_slice %arg9[%dma_wait3A_279, %dma_wait3A_288, %dma_wait3A_289] : memref<2x8x1024xi32, #tpu.memory_space<vmem>> -> memref<1x8x1024xi32, #tpu.memory_space<vmem>>
    %dma_wait3A_291 = tpu.memref_squeeze %dma_wait3A_290 : memref<1x8x1024xi32, #tpu.memory_space<vmem>> -> memref<8x1024xi32, #tpu.memory_space<vmem>>
    tpu.wait_dma2 semaphore(%arg12 : memref<!tpu.dma_semaphore, #tpu.memory_space<semaphore_mem>>) src(%dma_wait3A_291 : memref<8x1024xi32, #tpu.memory_space<vmem>>) dst(%dma_wait3A_287 : memref<8x1024xi32, #tpu.memory_space<hbm>>)
    %scan3A_292 = arith.constant 0 : i32
    %scan3A_293 = arith.constant 0 : i32
    %scan3A_294 = arith.constant 49 : i32
    %scan3A_295 = arith.addi %scan3A_293, %scan3A_294 : i32
    %scan3A_296 = arith.constant 1 : i32
    %scan3A_297 = scf.for %scan3A_676 = %scan3A_293 to %scan3A_295 step %scan3A_296 iter_args(%scan3A_677 = %scan3A_292) -> (i32)  : i32 {
      %mul3A_678 = arith.constant 16 : i32
      %mul3A_679 = arith.muli %scan3A_676, %mul3A_678 : i32
      %add3A_680 = arith.constant 9216 : i32
      %add3A_681 = arith.addi %add3A_680, %mul3A_679 : i32
      %get3A = arith.index_cast %add3A_681 : i32 to index
      %get3A_682 = tpu.vector_load %arg7[%get3A] {strides = array<i32>} : memref<10000xi32, #tpu.memory_space<vmem>>, vector<16xi32>,
      %gather3A = arith.constant 0 : i32
      %gather3A_683 = arith.constant 0 : i32
      %gather3A_684 = tpu.memref_slice %arg8[%gather3A, %gather3A_683] : memref<8x10000xi32, #tpu.memory_space<vmem>> -> memref<1x10000xi32, #tpu.memory_space<vmem>>
      %gather3A_685 = tpu.memref_squeeze %gather3A_684 : memref<1x10000xi32, #tpu.memory_space<vmem>> -> memref<10000xi32, #tpu.memory_space<vmem>>
      %gather3A_686 = tpu.vector_load_idx %gather3A_685[%get3A_682] : memref<10000xi32, #tpu.memory_space<vmem>>[vector<16xi32>], vector<16xi32>,
      %gather3A_687 = tpu.vector_load_idx %arg7[%gather3A_686] : memref<10000xi32, #tpu.memory_space<vmem>>[vector<16xi32>], vector<16xi32>,
      %mul3A_688 = arith.constant 16 : i32
      %mul3A_689 = arith.muli %scan3A_676, %mul3A_688 : i32
      %swap3A = arith.constant 1 : i32
      %swap3A_690 = arith.constant 0 : i32
      %swap3A_691 = arith.index_cast %swap3A : i32 to index
      %swap3A_692 = arith.index_cast %swap3A_690 : i32 to index
      %swap3A_693 = arith.index_cast %mul3A_689 : i32 to index
      %swap3A_694 = tpu.vector_load %arg9[%swap3A_691, %swap3A_692, %swap3A_693] {strides = array<i32>} : memref<2x8x1024xi32, #tpu.memory_space<vmem>>, vector<16xi32>,
      tpu.vector_store %arg9[%swap3A_691, %swap3A_692, %swap3A_693], %gather3A_687 {strides = array<i32>} : memref<2x8x1024xi32, #tpu.memory_space<vmem>>, vector<16xi32>,
      %gather3A_695 = arith.constant 1 : i32
      %gather3A_696 = arith.constant 0 : i32
      %gather3A_697 = tpu.memref_slice %arg8[%gather3A_695, %gather3A_696] : memref<8x10000xi32, #tpu.memory_space<vmem>> -> memref<1x10000xi32, #tpu.memory_space<vmem>>
      %gather3A_698 = tpu.memref_squeeze %gather3A_697 : memref<1x10000xi32, #tpu.memory_space<vmem>> -> memref<10000xi32, #tpu.memory_space<vmem>>
      %gather3A_699 = tpu.vector_load_idx %gather3A_698[%get3A_682] : memref<10000xi32, #tpu.memory_space<vmem>>[vector<16xi32>], vector<16xi32>,
      %gather3A_700 = tpu.vector_load_idx %arg7[%gather3A_699] : memref<10000xi32, #tpu.memory_space<vmem>>[vector<16xi32>], vector<16xi32>,
      %mul3A_701 = arith.constant 16 : i32
      %mul3A_702 = arith.muli %scan3A_676, %mul3A_701 : i32
      %swap3A_703 = arith.constant 1 : i32
      %swap3A_704 = arith.constant 1 : i32
      %swap3A_705 = arith.index_cast %swap3A_703 : i32 to index
      %swap3A_706 = arith.index_cast %swap3A_704 : i32 to index
      %swap3A_707 = arith.index_cast %mul3A_702 : i32 to index
      %swap3A_708 = tpu.vector_load %arg9[%swap3A_705, %swap3A_706, %swap3A_707] {strides = array<i32>} : memref<2x8x1024xi32, #tpu.memory_space<vmem>>, vector<16xi32>,
      tpu.vector_store %arg9[%swap3A_705, %swap3A_706, %swap3A_707], %gather3A_700 {strides = array<i32>} : memref<2x8x1024xi32, #tpu.memory_space<vmem>>, vector<16xi32>,
      %gather3A_709 = arith.constant 2 : i32
      %gather3A_710 = arith.constant 0 : i32
      %gather3A_711 = tpu.memref_slice %arg8[%gather3A_709, %gather3A_710] : memref<8x10000xi32, #tpu.memory_space<vmem>> -> memref<1x10000xi32, #tpu.memory_space<vmem>>
      %gather3A_712 = tpu.memref_squeeze %gather3A_711 : memref<1x10000xi32, #tpu.memory_space<vmem>> -> memref<10000xi32, #tpu.memory_space<vmem>>
      %gather3A_713 = tpu.vector_load_idx %gather3A_712[%get3A_682] : memref<10000xi32, #tpu.memory_space<vmem>>[vector<16xi32>], vector<16xi32>,
      %gather3A_714 = tpu.vector_load_idx %arg7[%gather3A_713] : memref<10000xi32, #tpu.memory_space<vmem>>[vector<16xi32>], vector<16xi32>,
      %mul3A_715 = arith.constant 16 : i32
      %mul3A_716 = arith.muli %scan3A_676, %mul3A_715 : i32
      %swap3A_717 = arith.constant 1 : i32
      %swap3A_718 = arith.constant 2 : i32
      %swap3A_719 = arith.index_cast %swap3A_717 : i32 to index
      %swap3A_720 = arith.index_cast %swap3A_718 : i32 to index
      %swap3A_721 = arith.index_cast %mul3A_716 : i32 to index
      %swap3A_722 = tpu.vector_load %arg9[%swap3A_719, %swap3A_720, %swap3A_721] {strides = array<i32>} : memref<2x8x1024xi32, #tpu.memory_space<vmem>>, vector<16xi32>,
      tpu.vector_store %arg9[%swap3A_719, %swap3A_720, %swap3A_721], %gather3A_714 {strides = array<i32>} : memref<2x8x1024xi32, #tpu.memory_space<vmem>>, vector<16xi32>,
      %gather3A_723 = arith.constant 3 : i32
      %gather3A_724 = arith.constant 0 : i32
      %gather3A_725 = tpu.memref_slice %arg8[%gather3A_723, %gather3A_724] : memref<8x10000xi32, #tpu.memory_space<vmem>> -> memref<1x10000xi32, #tpu.memory_space<vmem>>
      %gather3A_726 = tpu.memref_squeeze %gather3A_725 : memref<1x10000xi32, #tpu.memory_space<vmem>> -> memref<10000xi32, #tpu.memory_space<vmem>>
      %gather3A_727 = tpu.vector_load_idx %gather3A_726[%get3A_682] : memref<10000xi32, #tpu.memory_space<vmem>>[vector<16xi32>], vector<16xi32>,
      %gather3A_728 = tpu.vector_load_idx %arg7[%gather3A_727] : memref<10000xi32, #tpu.memory_space<vmem>>[vector<16xi32>], vector<16xi32>,
      %mul3A_729 = arith.constant 16 : i32
      %mul3A_730 = arith.muli %scan3A_676, %mul3A_729 : i32
      %swap3A_731 = arith.constant 1 : i32
      %swap3A_732 = arith.constant 3 : i32
      %swap3A_733 = arith.index_cast %swap3A_731 : i32 to index
      %swap3A_734 = arith.index_cast %swap3A_732 : i32 to index
      %swap3A_735 = arith.index_cast %mul3A_730 : i32 to index
      %swap3A_736 = tpu.vector_load %arg9[%swap3A_733, %swap3A_734, %swap3A_735] {strides = array<i32>} : memref<2x8x1024xi32, #tpu.memory_space<vmem>>, vector<16xi32>,
      tpu.vector_store %arg9[%swap3A_733, %swap3A_734, %swap3A_735], %gather3A_728 {strides = array<i32>} : memref<2x8x1024xi32, #tpu.memory_space<vmem>>, vector<16xi32>,
      %gather3A_737 = arith.constant 4 : i32
      %gather3A_738 = arith.constant 0 : i32
      %gather3A_739 = tpu.memref_slice %arg8[%gather3A_737, %gather3A_738] : memref<8x10000xi32, #tpu.memory_space<vmem>> -> memref<1x10000xi32, #tpu.memory_space<vmem>>
      %gather3A_740 = tpu.memref_squeeze %gather3A_739 : memref<1x10000xi32, #tpu.memory_space<vmem>> -> memref<10000xi32, #tpu.memory_space<vmem>>
      %gather3A_741 = tpu.vector_load_idx %gather3A_740[%get3A_682] : memref<10000xi32, #tpu.memory_space<vmem>>[vector<16xi32>], vector<16xi32>,
      %gather3A_742 = tpu.vector_load_idx %arg7[%gather3A_741] : memref<10000xi32, #tpu.memory_space<vmem>>[vector<16xi32>], vector<16xi32>,
      %mul3A_743 = arith.constant 16 : i32
      %mul3A_744 = arith.muli %scan3A_676, %mul3A_743 : i32
      %swap3A_745 = arith.constant 1 : i32
      %swap3A_746 = arith.constant 4 : i32
      %swap3A_747 = arith.index_cast %swap3A_745 : i32 to index
      %swap3A_748 = arith.index_cast %swap3A_746 : i32 to index
      %swap3A_749 = arith.index_cast %mul3A_744 : i32 to index
      %swap3A_750 = tpu.vector_load %arg9[%swap3A_747, %swap3A_748, %swap3A_749] {strides = array<i32>} : memref<2x8x1024xi32, #tpu.memory_space<vmem>>, vector<16xi32>,
      tpu.vector_store %arg9[%swap3A_747, %swap3A_748, %swap3A_749], %gather3A_742 {strides = array<i32>} : memref<2x8x1024xi32, #tpu.memory_space<vmem>>, vector<16xi32>,
      %gather3A_751 = arith.constant 5 : i32
      %gather3A_752 = arith.constant 0 : i32
      %gather3A_753 = tpu.memref_slice %arg8[%gather3A_751, %gather3A_752] : memref<8x10000xi32, #tpu.memory_space<vmem>> -> memref<1x10000xi32, #tpu.memory_space<vmem>>
      %gather3A_754 = tpu.memref_squeeze %gather3A_753 : memref<1x10000xi32, #tpu.memory_space<vmem>> -> memref<10000xi32, #tpu.memory_space<vmem>>
      %gather3A_755 = tpu.vector_load_idx %gather3A_754[%get3A_682] : memref<10000xi32, #tpu.memory_space<vmem>>[vector<16xi32>], vector<16xi32>,
      %gather3A_756 = tpu.vector_load_idx %arg7[%gather3A_755] : memref<10000xi32, #tpu.memory_space<vmem>>[vector<16xi32>], vector<16xi32>,
      %mul3A_757 = arith.constant 16 : i32
      %mul3A_758 = arith.muli %scan3A_676, %mul3A_757 : i32
      %swap3A_759 = arith.constant 1 : i32
      %swap3A_760 = arith.constant 5 : i32
      %swap3A_761 = arith.index_cast %swap3A_759 : i32 to index
      %swap3A_762 = arith.index_cast %swap3A_760 : i32 to index
      %swap3A_763 = arith.index_cast %mul3A_758 : i32 to index
      %swap3A_764 = tpu.vector_load %arg9[%swap3A_761, %swap3A_762, %swap3A_763] {strides = array<i32>} : memref<2x8x1024xi32, #tpu.memory_space<vmem>>, vector<16xi32>,
      tpu.vector_store %arg9[%swap3A_761, %swap3A_762, %swap3A_763], %gather3A_756 {strides = array<i32>} : memref<2x8x1024xi32, #tpu.memory_space<vmem>>, vector<16xi32>,
      %gather3A_765 = arith.constant 6 : i32
      %gather3A_766 = arith.constant 0 : i32
      %gather3A_767 = tpu.memref_slice %arg8[%gather3A_765, %gather3A_766] : memref<8x10000xi32, #tpu.memory_space<vmem>> -> memref<1x10000xi32, #tpu.memory_space<vmem>>
      %gather3A_768 = tpu.memref_squeeze %gather3A_767 : memref<1x10000xi32, #tpu.memory_space<vmem>> -> memref<10000xi32, #tpu.memory_space<vmem>>
      %gather3A_769 = tpu.vector_load_idx %gather3A_768[%get3A_682] : memref<10000xi32, #tpu.memory_space<vmem>>[vector<16xi32>], vector<16xi32>,
      %gather3A_770 = tpu.vector_load_idx %arg7[%gather3A_769] : memref<10000xi32, #tpu.memory_space<vmem>>[vector<16xi32>], vector<16xi32>,
      %mul3A_771 = arith.constant 16 : i32
      %mul3A_772 = arith.muli %scan3A_676, %mul3A_771 : i32
      %swap3A_773 = arith.constant 1 : i32
      %swap3A_774 = arith.constant 6 : i32
      %swap3A_775 = arith.index_cast %swap3A_773 : i32 to index
      %swap3A_776 = arith.index_cast %swap3A_774 : i32 to index
      %swap3A_777 = arith.index_cast %mul3A_772 : i32 to index
      %swap3A_778 = tpu.vector_load %arg9[%swap3A_775, %swap3A_776, %swap3A_777] {strides = array<i32>} : memref<2x8x1024xi32, #tpu.memory_space<vmem>>, vector<16xi32>,
      tpu.vector_store %arg9[%swap3A_775, %swap3A_776, %swap3A_777], %gather3A_770 {strides = array<i32>} : memref<2x8x1024xi32, #tpu.memory_space<vmem>>, vector<16xi32>,
      %gather3A_779 = arith.constant 7 : i32
      %gather3A_780 = arith.constant 0 : i32
      %gather3A_781 = tpu.memref_slice %arg8[%gather3A_779, %gather3A_780] : memref<8x10000xi32, #tpu.memory_space<vmem>> -> memref<1x10000xi32, #tpu.memory_space<vmem>>
      %gather3A_782 = tpu.memref_squeeze %gather3A_781 : memref<1x10000xi32, #tpu.memory_space<vmem>> -> memref<10000xi32, #tpu.memory_space<vmem>>
      %gather3A_783 = tpu.vector_load_idx %gather3A_782[%get3A_682] : memref<10000xi32, #tpu.memory_space<vmem>>[vector<16xi32>], vector<16xi32>,
      %gather3A_784 = tpu.vector_load_idx %arg7[%gather3A_783] : memref<10000xi32, #tpu.memory_space<vmem>>[vector<16xi32>], vector<16xi32>,
      %mul3A_785 = arith.constant 16 : i32
      %mul3A_786 = arith.muli %scan3A_676, %mul3A_785 : i32
      %swap3A_787 = arith.constant 1 : i32
      %swap3A_788 = arith.constant 7 : i32
      %swap3A_789 = arith.index_cast %swap3A_787 : i32 to index
      %swap3A_790 = arith.index_cast %swap3A_788 : i32 to index
      %swap3A_791 = arith.index_cast %mul3A_786 : i32 to index
      %swap3A_792 = tpu.vector_load %arg9[%swap3A_789, %swap3A_790, %swap3A_791] {strides = array<i32>} : memref<2x8x1024xi32, #tpu.memory_space<vmem>>, vector<16xi32>,
      tpu.vector_store %arg9[%swap3A_789, %swap3A_790, %swap3A_791], %gather3A_784 {strides = array<i32>} : memref<2x8x1024xi32, #tpu.memory_space<vmem>>, vector<16xi32>,
      %scan3A_793 = arith.constant 0 : i32
      scf.yield %scan3A_793 : i32
    }
    %scan3A_298 = arith.constant 49 : i32
    %dma_start3A_299 = arith.constant 1 : i32
    %dma_start3A_300 = arith.constant 0 : i32
    %dma_start3A_301 = arith.constant 0 : i32
    %dma_start3A_302 = tpu.memref_slice %arg9[%dma_start3A_299, %dma_start3A_300, %dma_start3A_301] : memref<2x8x1024xi32, #tpu.memory_space<vmem>> -> memref<1x8x784xi32, #tpu.memory_space<vmem>>
    %dma_start3A_303 = tpu.memref_squeeze %dma_start3A_302 : memref<1x8x784xi32, #tpu.memory_space<vmem>> -> memref<8x784xi32, #tpu.memory_space<vmem>>
    %dma_start3A_304 = arith.constant 9216 : i32
    %dma_start3A_305 = tpu.memref_slice %arg5[%mul3A_2, %dma_start3A_304] : memref<256x10000xi32, #tpu.memory_space<hbm>> -> memref<8x784xi32, #tpu.memory_space<hbm>>
    %dma_start3A_306 = arith.constant 9216 : i32
    %dma_start3A_307 = tpu.memref_slice %arg5[%mul3A_2, %dma_start3A_306] : memref<256x10000xi32, #tpu.memory_space<hbm>> -> memref<8x784xi32, #tpu.memory_space<hbm>>
    %dma_start3A_308 = arith.constant 0 : i32
    %dma_start3A_309 = arith.constant 0 : i32
    %dma_start3A_310 = tpu.memref_slice %arg9[%dma_start3A_299, %dma_start3A_308, %dma_start3A_309] : memref<2x8x1024xi32, #tpu.memory_space<vmem>> -> memref<1x8x784xi32, #tpu.memory_space<vmem>>
    %dma_start3A_311 = tpu.memref_squeeze %dma_start3A_310 : memref<1x8x784xi32, #tpu.memory_space<vmem>> -> memref<8x784xi32, #tpu.memory_space<vmem>>
    tpu.enqueue_dma source(%dma_start3A_311 : memref<8x784xi32, #tpu.memory_space<vmem>>) target(%dma_start3A_307 : memref<8x784xi32, #tpu.memory_space<hbm>>) target_semaphore(%arg12 : memref<!tpu.dma_semaphore, #tpu.memory_space<semaphore_mem>>)
    %dma_start3A_312 = arith.constant 0 : i32
    %dma_start3A_313 = tpu.memref_slice %arg3[%mul3A_2, %dma_start3A_312] : memref<256x10000xi32, #tpu.memory_space<hbm>> -> memref<8x10000xi32, #tpu.memory_space<hbm>>
    %dma_start3A_314 = arith.constant 0 : i32
    %dma_start3A_315 = tpu.memref_slice %arg3[%mul3A_2, %dma_start3A_314] : memref<256x10000xi32, #tpu.memory_space<hbm>> -> memref<8x10000xi32, #tpu.memory_space<hbm>>
    tpu.enqueue_dma source(%dma_start3A_315 : memref<8x10000xi32, #tpu.memory_space<hbm>>) target(%arg8 : memref<8x10000xi32, #tpu.memory_space<vmem>>) target_semaphore(%arg10 : memref<!tpu.dma_semaphore, #tpu.memory_space<semaphore_mem>>)
    %dma_wait3A_316 = arith.constant 0 : i32
    %dma_wait3A_317 = tpu.memref_slice %arg3[%mul3A_2, %dma_wait3A_316] : memref<256x10000xi32, #tpu.memory_space<hbm>> -> memref<8x10000xi32, #tpu.memory_space<hbm>>
    %dma_wait3A_318 = arith.constant 0 : i32
    %dma_wait3A_319 = tpu.memref_slice %arg3[%mul3A_2, %dma_wait3A_318] : memref<256x10000xi32, #tpu.memory_space<hbm>> -> memref<8x10000xi32, #tpu.memory_space<hbm>>
    tpu.wait_dma2 semaphore(%arg10 : memref<!tpu.dma_semaphore, #tpu.memory_space<semaphore_mem>>) src(%dma_wait3A_319 : memref<8x10000xi32, #tpu.memory_space<hbm>>) dst(%arg8 : memref<8x10000xi32, #tpu.memory_space<vmem>>)
    %dma_wait3A_320 = arith.constant 0 : i32
    %dma_wait3A_321 = arith.constant 0 : i32
    %dma_wait3A_322 = arith.constant 0 : i32
    %dma_wait3A_323 = tpu.memref_slice %arg9[%dma_wait3A_320, %dma_wait3A_321, %dma_wait3A_322] : memref<2x8x1024xi32, #tpu.memory_space<vmem>> -> memref<1x8x1024xi32, #tpu.memory_space<vmem>>
    %dma_wait3A_324 = tpu.memref_squeeze %dma_wait3A_323 : memref<1x8x1024xi32, #tpu.memory_space<vmem>> -> memref<8x1024xi32, #tpu.memory_space<vmem>>
    %dma_wait3A_325 = arith.constant 8192 : i32
    %dma_wait3A_326 = tpu.memref_slice %arg5[%mul3A_2, %dma_wait3A_325] : memref<256x10000xi32, #tpu.memory_space<hbm>> -> memref<8x1024xi32, #tpu.memory_space<hbm>>
    %dma_wait3A_327 = arith.constant 8192 : i32
    %dma_wait3A_328 = tpu.memref_slice %arg5[%mul3A_2, %dma_wait3A_327] : memref<256x10000xi32, #tpu.memory_space<hbm>> -> memref<8x1024xi32, #tpu.memory_space<hbm>>
    %dma_wait3A_329 = arith.constant 0 : i32
    %dma_wait3A_330 = arith.constant 0 : i32
    %dma_wait3A_331 = tpu.memref_slice %arg9[%dma_wait3A_320, %dma_wait3A_329, %dma_wait3A_330] : memref<2x8x1024xi32, #tpu.memory_space<vmem>> -> memref<1x8x1024xi32, #tpu.memory_space<vmem>>
    %dma_wait3A_332 = tpu.memref_squeeze %dma_wait3A_331 : memref<1x8x1024xi32, #tpu.memory_space<vmem>> -> memref<8x1024xi32, #tpu.memory_space<vmem>>
    tpu.wait_dma2 semaphore(%arg11 : memref<!tpu.dma_semaphore, #tpu.memory_space<semaphore_mem>>) src(%dma_wait3A_332 : memref<8x1024xi32, #tpu.memory_space<vmem>>) dst(%dma_wait3A_328 : memref<8x1024xi32, #tpu.memory_space<hbm>>)
    %scan3A_333 = arith.constant 0 : i32
    %scan3A_334 = arith.constant 0 : i32
    %scan3A_335 = arith.constant 64 : i32
    %scan3A_336 = arith.addi %scan3A_334, %scan3A_335 : i32
    %scan3A_337 = arith.constant 1 : i32
    %scan3A_338 = scf.for %scan3A_676 = %scan3A_334 to %scan3A_336 step %scan3A_337 iter_args(%scan3A_677 = %scan3A_333) -> (i32)  : i32 {
      %mul3A_678 = arith.constant 16 : i32
      %mul3A_679 = arith.muli %scan3A_676, %mul3A_678 : i32
      %add3A_680 = arith.constant 0 : i32
      %add3A_681 = arith.addi %add3A_680, %mul3A_679 : i32
      %get3A = arith.index_cast %add3A_681 : i32 to index
      %get3A_682 = tpu.vector_load %arg7[%get3A] {strides = array<i32>} : memref<10000xi32, #tpu.memory_space<vmem>>, vector<16xi32>,
      %gather3A = arith.constant 0 : i32
      %gather3A_683 = arith.constant 0 : i32
      %gather3A_684 = tpu.memref_slice %arg8[%gather3A, %gather3A_683] : memref<8x10000xi32, #tpu.memory_space<vmem>> -> memref<1x10000xi32, #tpu.memory_space<vmem>>
      %gather3A_685 = tpu.memref_squeeze %gather3A_684 : memref<1x10000xi32, #tpu.memory_space<vmem>> -> memref<10000xi32, #tpu.memory_space<vmem>>
      %gather3A_686 = tpu.vector_load_idx %gather3A_685[%get3A_682] : memref<10000xi32, #tpu.memory_space<vmem>>[vector<16xi32>], vector<16xi32>,
      %mul3A_687 = arith.constant 16 : i32
      %mul3A_688 = arith.muli %scan3A_676, %mul3A_687 : i32
      %swap3A = arith.constant 0 : i32
      %swap3A_689 = arith.constant 0 : i32
      %swap3A_690 = arith.index_cast %swap3A : i32 to index
      %swap3A_691 = arith.index_cast %swap3A_689 : i32 to index
      %swap3A_692 = arith.index_cast %mul3A_688 : i32 to index
      %swap3A_693 = tpu.vector_load %arg9[%swap3A_690, %swap3A_691, %swap3A_692] {strides = array<i32>} : memref<2x8x1024xi32, #tpu.memory_space<vmem>>, vector<16xi32>,
      tpu.vector_store %arg9[%swap3A_690, %swap3A_691, %swap3A_692], %gather3A_686 {strides = array<i32>} : memref<2x8x1024xi32, #tpu.memory_space<vmem>>, vector<16xi32>,
      %gather3A_694 = arith.constant 1 : i32
      %gather3A_695 = arith.constant 0 : i32
      %gather3A_696 = tpu.memref_slice %arg8[%gather3A_694, %gather3A_695] : memref<8x10000xi32, #tpu.memory_space<vmem>> -> memref<1x10000xi32, #tpu.memory_space<vmem>>
      %gather3A_697 = tpu.memref_squeeze %gather3A_696 : memref<1x10000xi32, #tpu.memory_space<vmem>> -> memref<10000xi32, #tpu.memory_space<vmem>>
      %gather3A_698 = tpu.vector_load_idx %gather3A_697[%get3A_682] : memref<10000xi32, #tpu.memory_space<vmem>>[vector<16xi32>], vector<16xi32>,
      %mul3A_699 = arith.constant 16 : i32
      %mul3A_700 = arith.muli %scan3A_676, %mul3A_699 : i32
      %swap3A_701 = arith.constant 0 : i32
      %swap3A_702 = arith.constant 1 : i32
      %swap3A_703 = arith.index_cast %swap3A_701 : i32 to index
      %swap3A_704 = arith.index_cast %swap3A_702 : i32 to index
      %swap3A_705 = arith.index_cast %mul3A_700 : i32 to index
      %swap3A_706 = tpu.vector_load %arg9[%swap3A_703, %swap3A_704, %swap3A_705] {strides = array<i32>} : memref<2x8x1024xi32, #tpu.memory_space<vmem>>, vector<16xi32>,
      tpu.vector_store %arg9[%swap3A_703, %swap3A_704, %swap3A_705], %gather3A_698 {strides = array<i32>} : memref<2x8x1024xi32, #tpu.memory_space<vmem>>, vector<16xi32>,
      %gather3A_707 = arith.constant 2 : i32
      %gather3A_708 = arith.constant 0 : i32
      %gather3A_709 = tpu.memref_slice %arg8[%gather3A_707, %gather3A_708] : memref<8x10000xi32, #tpu.memory_space<vmem>> -> memref<1x10000xi32, #tpu.memory_space<vmem>>
      %gather3A_710 = tpu.memref_squeeze %gather3A_709 : memref<1x10000xi32, #tpu.memory_space<vmem>> -> memref<10000xi32, #tpu.memory_space<vmem>>
      %gather3A_711 = tpu.vector_load_idx %gather3A_710[%get3A_682] : memref<10000xi32, #tpu.memory_space<vmem>>[vector<16xi32>], vector<16xi32>,
      %mul3A_712 = arith.constant 16 : i32
      %mul3A_713 = arith.muli %scan3A_676, %mul3A_712 : i32
      %swap3A_714 = arith.constant 0 : i32
      %swap3A_715 = arith.constant 2 : i32
      %swap3A_716 = arith.index_cast %swap3A_714 : i32 to index
      %swap3A_717 = arith.index_cast %swap3A_715 : i32 to index
      %swap3A_718 = arith.index_cast %mul3A_713 : i32 to index
      %swap3A_719 = tpu.vector_load %arg9[%swap3A_716, %swap3A_717, %swap3A_718] {strides = array<i32>} : memref<2x8x1024xi32, #tpu.memory_space<vmem>>, vector<16xi32>,
      tpu.vector_store %arg9[%swap3A_716, %swap3A_717, %swap3A_718], %gather3A_711 {strides = array<i32>} : memref<2x8x1024xi32, #tpu.memory_space<vmem>>, vector<16xi32>,
      %gather3A_720 = arith.constant 3 : i32
      %gather3A_721 = arith.constant 0 : i32
      %gather3A_722 = tpu.memref_slice %arg8[%gather3A_720, %gather3A_721] : memref<8x10000xi32, #tpu.memory_space<vmem>> -> memref<1x10000xi32, #tpu.memory_space<vmem>>
      %gather3A_723 = tpu.memref_squeeze %gather3A_722 : memref<1x10000xi32, #tpu.memory_space<vmem>> -> memref<10000xi32, #tpu.memory_space<vmem>>
      %gather3A_724 = tpu.vector_load_idx %gather3A_723[%get3A_682] : memref<10000xi32, #tpu.memory_space<vmem>>[vector<16xi32>], vector<16xi32>,
      %mul3A_725 = arith.constant 16 : i32
      %mul3A_726 = arith.muli %scan3A_676, %mul3A_725 : i32
      %swap3A_727 = arith.constant 0 : i32
      %swap3A_728 = arith.constant 3 : i32
      %swap3A_729 = arith.index_cast %swap3A_727 : i32 to index
      %swap3A_730 = arith.index_cast %swap3A_728 : i32 to index
      %swap3A_731 = arith.index_cast %mul3A_726 : i32 to index
      %swap3A_732 = tpu.vector_load %arg9[%swap3A_729, %swap3A_730, %swap3A_731] {strides = array<i32>} : memref<2x8x1024xi32, #tpu.memory_space<vmem>>, vector<16xi32>,
      tpu.vector_store %arg9[%swap3A_729, %swap3A_730, %swap3A_731], %gather3A_724 {strides = array<i32>} : memref<2x8x1024xi32, #tpu.memory_space<vmem>>, vector<16xi32>,
      %gather3A_733 = arith.constant 4 : i32
      %gather3A_734 = arith.constant 0 : i32
      %gather3A_735 = tpu.memref_slice %arg8[%gather3A_733, %gather3A_734] : memref<8x10000xi32, #tpu.memory_space<vmem>> -> memref<1x10000xi32, #tpu.memory_space<vmem>>
      %gather3A_736 = tpu.memref_squeeze %gather3A_735 : memref<1x10000xi32, #tpu.memory_space<vmem>> -> memref<10000xi32, #tpu.memory_space<vmem>>
      %gather3A_737 = tpu.vector_load_idx %gather3A_736[%get3A_682] : memref<10000xi32, #tpu.memory_space<vmem>>[vector<16xi32>], vector<16xi32>,
      %mul3A_738 = arith.constant 16 : i32
      %mul3A_739 = arith.muli %scan3A_676, %mul3A_738 : i32
      %swap3A_740 = arith.constant 0 : i32
      %swap3A_741 = arith.constant 4 : i32
      %swap3A_742 = arith.index_cast %swap3A_740 : i32 to index
      %swap3A_743 = arith.index_cast %swap3A_741 : i32 to index
      %swap3A_744 = arith.index_cast %mul3A_739 : i32 to index
      %swap3A_745 = tpu.vector_load %arg9[%swap3A_742, %swap3A_743, %swap3A_744] {strides = array<i32>} : memref<2x8x1024xi32, #tpu.memory_space<vmem>>, vector<16xi32>,
      tpu.vector_store %arg9[%swap3A_742, %swap3A_743, %swap3A_744], %gather3A_737 {strides = array<i32>} : memref<2x8x1024xi32, #tpu.memory_space<vmem>>, vector<16xi32>,
      %gather3A_746 = arith.constant 5 : i32
      %gather3A_747 = arith.constant 0 : i32
      %gather3A_748 = tpu.memref_slice %arg8[%gather3A_746, %gather3A_747] : memref<8x10000xi32, #tpu.memory_space<vmem>> -> memref<1x10000xi32, #tpu.memory_space<vmem>>
      %gather3A_749 = tpu.memref_squeeze %gather3A_748 : memref<1x10000xi32, #tpu.memory_space<vmem>> -> memref<10000xi32, #tpu.memory_space<vmem>>
      %gather3A_750 = tpu.vector_load_idx %gather3A_749[%get3A_682] : memref<10000xi32, #tpu.memory_space<vmem>>[vector<16xi32>], vector<16xi32>,
      %mul3A_751 = arith.constant 16 : i32
      %mul3A_752 = arith.muli %scan3A_676, %mul3A_751 : i32
      %swap3A_753 = arith.constant 0 : i32
      %swap3A_754 = arith.constant 5 : i32
      %swap3A_755 = arith.index_cast %swap3A_753 : i32 to index
      %swap3A_756 = arith.index_cast %swap3A_754 : i32 to index
      %swap3A_757 = arith.index_cast %mul3A_752 : i32 to index
      %swap3A_758 = tpu.vector_load %arg9[%swap3A_755, %swap3A_756, %swap3A_757] {strides = array<i32>} : memref<2x8x1024xi32, #tpu.memory_space<vmem>>, vector<16xi32>,
      tpu.vector_store %arg9[%swap3A_755, %swap3A_756, %swap3A_757], %gather3A_750 {strides = array<i32>} : memref<2x8x1024xi32, #tpu.memory_space<vmem>>, vector<16xi32>,
      %gather3A_759 = arith.constant 6 : i32
      %gather3A_760 = arith.constant 0 : i32
      %gather3A_761 = tpu.memref_slice %arg8[%gather3A_759, %gather3A_760] : memref<8x10000xi32, #tpu.memory_space<vmem>> -> memref<1x10000xi32, #tpu.memory_space<vmem>>
      %gather3A_762 = tpu.memref_squeeze %gather3A_761 : memref<1x10000xi32, #tpu.memory_space<vmem>> -> memref<10000xi32, #tpu.memory_space<vmem>>
      %gather3A_763 = tpu.vector_load_idx %gather3A_762[%get3A_682] : memref<10000xi32, #tpu.memory_space<vmem>>[vector<16xi32>], vector<16xi32>,
      %mul3A_764 = arith.constant 16 : i32
      %mul3A_765 = arith.muli %scan3A_676, %mul3A_764 : i32
      %swap3A_766 = arith.constant 0 : i32
      %swap3A_767 = arith.constant 6 : i32
      %swap3A_768 = arith.index_cast %swap3A_766 : i32 to index
      %swap3A_769 = arith.index_cast %swap3A_767 : i32 to index
      %swap3A_770 = arith.index_cast %mul3A_765 : i32 to index
      %swap3A_771 = tpu.vector_load %arg9[%swap3A_768, %swap3A_769, %swap3A_770] {strides = array<i32>} : memref<2x8x1024xi32, #tpu.memory_space<vmem>>, vector<16xi32>,
      tpu.vector_store %arg9[%swap3A_768, %swap3A_769, %swap3A_770], %gather3A_763 {strides = array<i32>} : memref<2x8x1024xi32, #tpu.memory_space<vmem>>, vector<16xi32>,
      %gather3A_772 = arith.constant 7 : i32
      %gather3A_773 = arith.constant 0 : i32
      %gather3A_774 = tpu.memref_slice %arg8[%gather3A_772, %gather3A_773] : memref<8x10000xi32, #tpu.memory_space<vmem>> -> memref<1x10000xi32, #tpu.memory_space<vmem>>
      %gather3A_775 = tpu.memref_squeeze %gather3A_774 : memref<1x10000xi32, #tpu.memory_space<vmem>> -> memref<10000xi32, #tpu.memory_space<vmem>>
      %gather3A_776 = tpu.vector_load_idx %gather3A_775[%get3A_682] : memref<10000xi32, #tpu.memory_space<vmem>>[vector<16xi32>], vector<16xi32>,
      %mul3A_777 = arith.constant 16 : i32
      %mul3A_778 = arith.muli %scan3A_676, %mul3A_777 : i32
      %swap3A_779 = arith.constant 0 : i32
      %swap3A_780 = arith.constant 7 : i32
      %swap3A_781 = arith.index_cast %swap3A_779 : i32 to index
      %swap3A_782 = arith.index_cast %swap3A_780 : i32 to index
      %swap3A_783 = arith.index_cast %mul3A_778 : i32 to index
      %swap3A_784 = tpu.vector_load %arg9[%swap3A_781, %swap3A_782, %swap3A_783] {strides = array<i32>} : memref<2x8x1024xi32, #tpu.memory_space<vmem>>, vector<16xi32>,
      tpu.vector_store %arg9[%swap3A_781, %swap3A_782, %swap3A_783], %gather3A_776 {strides = array<i32>} : memref<2x8x1024xi32, #tpu.memory_space<vmem>>, vector<16xi32>,
      %scan3A_785 = arith.constant 0 : i32
      scf.yield %scan3A_785 : i32
    }
    %scan3A_339 = arith.constant 64 : i32
    %dma_start3A_340 = arith.constant 0 : i32
    %dma_start3A_341 = arith.constant 0 : i32
    %dma_start3A_342 = arith.constant 0 : i32
    %dma_start3A_343 = tpu.memref_slice %arg9[%dma_start3A_340, %dma_start3A_341, %dma_start3A_342] : memref<2x8x1024xi32, #tpu.memory_space<vmem>> -> memref<1x8x1024xi32, #tpu.memory_space<vmem>>
    %dma_start3A_344 = tpu.memref_squeeze %dma_start3A_343 : memref<1x8x1024xi32, #tpu.memory_space<vmem>> -> memref<8x1024xi32, #tpu.memory_space<vmem>>
    %dma_start3A_345 = arith.constant 0 : i32
    %dma_start3A_346 = tpu.memref_slice %arg6[%mul3A_2, %dma_start3A_345] : memref<256x10000xi32, #tpu.memory_space<hbm>> -> memref<8x1024xi32, #tpu.memory_space<hbm>>
    %dma_start3A_347 = arith.constant 0 : i32
    %dma_start3A_348 = tpu.memref_slice %arg6[%mul3A_2, %dma_start3A_347] : memref<256x10000xi32, #tpu.memory_space<hbm>> -> memref<8x1024xi32, #tpu.memory_space<hbm>>
    %dma_start3A_349 = arith.constant 0 : i32
    %dma_start3A_350 = arith.constant 0 : i32
    %dma_start3A_351 = tpu.memref_slice %arg9[%dma_start3A_340, %dma_start3A_349, %dma_start3A_350] : memref<2x8x1024xi32, #tpu.memory_space<vmem>> -> memref<1x8x1024xi32, #tpu.memory_space<vmem>>
    %dma_start3A_352 = tpu.memref_squeeze %dma_start3A_351 : memref<1x8x1024xi32, #tpu.memory_space<vmem>> -> memref<8x1024xi32, #tpu.memory_space<vmem>>
    tpu.enqueue_dma source(%dma_start3A_352 : memref<8x1024xi32, #tpu.memory_space<vmem>>) target(%dma_start3A_348 : memref<8x1024xi32, #tpu.memory_space<hbm>>) target_semaphore(%arg11 : memref<!tpu.dma_semaphore, #tpu.memory_space<semaphore_mem>>)
    %dma_wait3A_353 = arith.constant 1 : i32
    %dma_wait3A_354 = arith.constant 0 : i32
    %dma_wait3A_355 = arith.constant 0 : i32
    %dma_wait3A_356 = tpu.memref_slice %arg9[%dma_wait3A_353, %dma_wait3A_354, %dma_wait3A_355] : memref<2x8x1024xi32, #tpu.memory_space<vmem>> -> memref<1x8x784xi32, #tpu.memory_space<vmem>>
    %dma_wait3A_357 = tpu.memref_squeeze %dma_wait3A_356 : memref<1x8x784xi32, #tpu.memory_space<vmem>> -> memref<8x784xi32, #tpu.memory_space<vmem>>
    %dma_wait3A_358 = arith.constant 9216 : i32
    %dma_wait3A_359 = tpu.memref_slice %arg5[%mul3A_2, %dma_wait3A_358] : memref<256x10000xi32, #tpu.memory_space<hbm>> -> memref<8x784xi32, #tpu.memory_space<hbm>>
    %dma_wait3A_360 = arith.constant 9216 : i32
    %dma_wait3A_361 = tpu.memref_slice %arg5[%mul3A_2, %dma_wait3A_360] : memref<256x10000xi32, #tpu.memory_space<hbm>> -> memref<8x784xi32, #tpu.memory_space<hbm>>
    %dma_wait3A_362 = arith.constant 0 : i32
    %dma_wait3A_363 = arith.constant 0 : i32
    %dma_wait3A_364 = tpu.memref_slice %arg9[%dma_wait3A_353, %dma_wait3A_362, %dma_wait3A_363] : memref<2x8x1024xi32, #tpu.memory_space<vmem>> -> memref<1x8x784xi32, #tpu.memory_space<vmem>>
    %dma_wait3A_365 = tpu.memref_squeeze %dma_wait3A_364 : memref<1x8x784xi32, #tpu.memory_space<vmem>> -> memref<8x784xi32, #tpu.memory_space<vmem>>
    tpu.wait_dma2 semaphore(%arg12 : memref<!tpu.dma_semaphore, #tpu.memory_space<semaphore_mem>>) src(%dma_wait3A_365 : memref<8x784xi32, #tpu.memory_space<vmem>>) dst(%dma_wait3A_361 : memref<8x784xi32, #tpu.memory_space<hbm>>)
    %scan3A_366 = arith.constant 0 : i32
    %scan3A_367 = arith.constant 0 : i32
    %scan3A_368 = arith.constant 64 : i32
    %scan3A_369 = arith.addi %scan3A_367, %scan3A_368 : i32
    %scan3A_370 = arith.constant 1 : i32
    %scan3A_371 = scf.for %scan3A_676 = %scan3A_367 to %scan3A_369 step %scan3A_370 iter_args(%scan3A_677 = %scan3A_366) -> (i32)  : i32 {
      %mul3A_678 = arith.constant 16 : i32
      %mul3A_679 = arith.muli %scan3A_676, %mul3A_678 : i32
      %add3A_680 = arith.constant 1024 : i32
      %add3A_681 = arith.addi %add3A_680, %mul3A_679 : i32
      %get3A = arith.index_cast %add3A_681 : i32 to index
      %get3A_682 = tpu.vector_load %arg7[%get3A] {strides = array<i32>} : memref<10000xi32, #tpu.memory_space<vmem>>, vector<16xi32>,
      %gather3A = arith.constant 0 : i32
      %gather3A_683 = arith.constant 0 : i32
      %gather3A_684 = tpu.memref_slice %arg8[%gather3A, %gather3A_683] : memref<8x10000xi32, #tpu.memory_space<vmem>> -> memref<1x10000xi32, #tpu.memory_space<vmem>>
      %gather3A_685 = tpu.memref_squeeze %gather3A_684 : memref<1x10000xi32, #tpu.memory_space<vmem>> -> memref<10000xi32, #tpu.memory_space<vmem>>
      %gather3A_686 = tpu.vector_load_idx %gather3A_685[%get3A_682] : memref<10000xi32, #tpu.memory_space<vmem>>[vector<16xi32>], vector<16xi32>,
      %mul3A_687 = arith.constant 16 : i32
      %mul3A_688 = arith.muli %scan3A_676, %mul3A_687 : i32
      %swap3A = arith.constant 1 : i32
      %swap3A_689 = arith.constant 0 : i32
      %swap3A_690 = arith.index_cast %swap3A : i32 to index
      %swap3A_691 = arith.index_cast %swap3A_689 : i32 to index
      %swap3A_692 = arith.index_cast %mul3A_688 : i32 to index
      %swap3A_693 = tpu.vector_load %arg9[%swap3A_690, %swap3A_691, %swap3A_692] {strides = array<i32>} : memref<2x8x1024xi32, #tpu.memory_space<vmem>>, vector<16xi32>,
      tpu.vector_store %arg9[%swap3A_690, %swap3A_691, %swap3A_692], %gather3A_686 {strides = array<i32>} : memref<2x8x1024xi32, #tpu.memory_space<vmem>>, vector<16xi32>,
      %gather3A_694 = arith.constant 1 : i32
      %gather3A_695 = arith.constant 0 : i32
      %gather3A_696 = tpu.memref_slice %arg8[%gather3A_694, %gather3A_695] : memref<8x10000xi32, #tpu.memory_space<vmem>> -> memref<1x10000xi32, #tpu.memory_space<vmem>>
      %gather3A_697 = tpu.memref_squeeze %gather3A_696 : memref<1x10000xi32, #tpu.memory_space<vmem>> -> memref<10000xi32, #tpu.memory_space<vmem>>
      %gather3A_698 = tpu.vector_load_idx %gather3A_697[%get3A_682] : memref<10000xi32, #tpu.memory_space<vmem>>[vector<16xi32>], vector<16xi32>,
      %mul3A_699 = arith.constant 16 : i32
      %mul3A_700 = arith.muli %scan3A_676, %mul3A_699 : i32
      %swap3A_701 = arith.constant 1 : i32
      %swap3A_702 = arith.constant 1 : i32
      %swap3A_703 = arith.index_cast %swap3A_701 : i32 to index
      %swap3A_704 = arith.index_cast %swap3A_702 : i32 to index
      %swap3A_705 = arith.index_cast %mul3A_700 : i32 to index
      %swap3A_706 = tpu.vector_load %arg9[%swap3A_703, %swap3A_704, %swap3A_705] {strides = array<i32>} : memref<2x8x1024xi32, #tpu.memory_space<vmem>>, vector<16xi32>,
      tpu.vector_store %arg9[%swap3A_703, %swap3A_704, %swap3A_705], %gather3A_698 {strides = array<i32>} : memref<2x8x1024xi32, #tpu.memory_space<vmem>>, vector<16xi32>,
      %gather3A_707 = arith.constant 2 : i32
      %gather3A_708 = arith.constant 0 : i32
      %gather3A_709 = tpu.memref_slice %arg8[%gather3A_707, %gather3A_708] : memref<8x10000xi32, #tpu.memory_space<vmem>> -> memref<1x10000xi32, #tpu.memory_space<vmem>>
      %gather3A_710 = tpu.memref_squeeze %gather3A_709 : memref<1x10000xi32, #tpu.memory_space<vmem>> -> memref<10000xi32, #tpu.memory_space<vmem>>
      %gather3A_711 = tpu.vector_load_idx %gather3A_710[%get3A_682] : memref<10000xi32, #tpu.memory_space<vmem>>[vector<16xi32>], vector<16xi32>,
      %mul3A_712 = arith.constant 16 : i32
      %mul3A_713 = arith.muli %scan3A_676, %mul3A_712 : i32
      %swap3A_714 = arith.constant 1 : i32
      %swap3A_715 = arith.constant 2 : i32
      %swap3A_716 = arith.index_cast %swap3A_714 : i32 to index
      %swap3A_717 = arith.index_cast %swap3A_715 : i32 to index
      %swap3A_718 = arith.index_cast %mul3A_713 : i32 to index
      %swap3A_719 = tpu.vector_load %arg9[%swap3A_716, %swap3A_717, %swap3A_718] {strides = array<i32>} : memref<2x8x1024xi32, #tpu.memory_space<vmem>>, vector<16xi32>,
      tpu.vector_store %arg9[%swap3A_716, %swap3A_717, %swap3A_718], %gather3A_711 {strides = array<i32>} : memref<2x8x1024xi32, #tpu.memory_space<vmem>>, vector<16xi32>,
      %gather3A_720 = arith.constant 3 : i32
      %gather3A_721 = arith.constant 0 : i32
      %gather3A_722 = tpu.memref_slice %arg8[%gather3A_720, %gather3A_721] : memref<8x10000xi32, #tpu.memory_space<vmem>> -> memref<1x10000xi32, #tpu.memory_space<vmem>>
      %gather3A_723 = tpu.memref_squeeze %gather3A_722 : memref<1x10000xi32, #tpu.memory_space<vmem>> -> memref<10000xi32, #tpu.memory_space<vmem>>
      %gather3A_724 = tpu.vector_load_idx %gather3A_723[%get3A_682] : memref<10000xi32, #tpu.memory_space<vmem>>[vector<16xi32>], vector<16xi32>,
      %mul3A_725 = arith.constant 16 : i32
      %mul3A_726 = arith.muli %scan3A_676, %mul3A_725 : i32
      %swap3A_727 = arith.constant 1 : i32
      %swap3A_728 = arith.constant 3 : i32
      %swap3A_729 = arith.index_cast %swap3A_727 : i32 to index
      %swap3A_730 = arith.index_cast %swap3A_728 : i32 to index
      %swap3A_731 = arith.index_cast %mul3A_726 : i32 to index
      %swap3A_732 = tpu.vector_load %arg9[%swap3A_729, %swap3A_730, %swap3A_731] {strides = array<i32>} : memref<2x8x1024xi32, #tpu.memory_space<vmem>>, vector<16xi32>,
      tpu.vector_store %arg9[%swap3A_729, %swap3A_730, %swap3A_731], %gather3A_724 {strides = array<i32>} : memref<2x8x1024xi32, #tpu.memory_space<vmem>>, vector<16xi32>,
      %gather3A_733 = arith.constant 4 : i32
      %gather3A_734 = arith.constant 0 : i32
      %gather3A_735 = tpu.memref_slice %arg8[%gather3A_733, %gather3A_734] : memref<8x10000xi32, #tpu.memory_space<vmem>> -> memref<1x10000xi32, #tpu.memory_space<vmem>>
      %gather3A_736 = tpu.memref_squeeze %gather3A_735 : memref<1x10000xi32, #tpu.memory_space<vmem>> -> memref<10000xi32, #tpu.memory_space<vmem>>
      %gather3A_737 = tpu.vector_load_idx %gather3A_736[%get3A_682] : memref<10000xi32, #tpu.memory_space<vmem>>[vector<16xi32>], vector<16xi32>,
      %mul3A_738 = arith.constant 16 : i32
      %mul3A_739 = arith.muli %scan3A_676, %mul3A_738 : i32
      %swap3A_740 = arith.constant 1 : i32
      %swap3A_741 = arith.constant 4 : i32
      %swap3A_742 = arith.index_cast %swap3A_740 : i32 to index
      %swap3A_743 = arith.index_cast %swap3A_741 : i32 to index
      %swap3A_744 = arith.index_cast %mul3A_739 : i32 to index
      %swap3A_745 = tpu.vector_load %arg9[%swap3A_742, %swap3A_743, %swap3A_744] {strides = array<i32>} : memref<2x8x1024xi32, #tpu.memory_space<vmem>>, vector<16xi32>,
      tpu.vector_store %arg9[%swap3A_742, %swap3A_743, %swap3A_744], %gather3A_737 {strides = array<i32>} : memref<2x8x1024xi32, #tpu.memory_space<vmem>>, vector<16xi32>,
      %gather3A_746 = arith.constant 5 : i32
      %gather3A_747 = arith.constant 0 : i32
      %gather3A_748 = tpu.memref_slice %arg8[%gather3A_746, %gather3A_747] : memref<8x10000xi32, #tpu.memory_space<vmem>> -> memref<1x10000xi32, #tpu.memory_space<vmem>>
      %gather3A_749 = tpu.memref_squeeze %gather3A_748 : memref<1x10000xi32, #tpu.memory_space<vmem>> -> memref<10000xi32, #tpu.memory_space<vmem>>
      %gather3A_750 = tpu.vector_load_idx %gather3A_749[%get3A_682] : memref<10000xi32, #tpu.memory_space<vmem>>[vector<16xi32>], vector<16xi32>,
      %mul3A_751 = arith.constant 16 : i32
      %mul3A_752 = arith.muli %scan3A_676, %mul3A_751 : i32
      %swap3A_753 = arith.constant 1 : i32
      %swap3A_754 = arith.constant 5 : i32
      %swap3A_755 = arith.index_cast %swap3A_753 : i32 to index
      %swap3A_756 = arith.index_cast %swap3A_754 : i32 to index
      %swap3A_757 = arith.index_cast %mul3A_752 : i32 to index
      %swap3A_758 = tpu.vector_load %arg9[%swap3A_755, %swap3A_756, %swap3A_757] {strides = array<i32>} : memref<2x8x1024xi32, #tpu.memory_space<vmem>>, vector<16xi32>,
      tpu.vector_store %arg9[%swap3A_755, %swap3A_756, %swap3A_757], %gather3A_750 {strides = array<i32>} : memref<2x8x1024xi32, #tpu.memory_space<vmem>>, vector<16xi32>,
      %gather3A_759 = arith.constant 6 : i32
      %gather3A_760 = arith.constant 0 : i32
      %gather3A_761 = tpu.memref_slice %arg8[%gather3A_759, %gather3A_760] : memref<8x10000xi32, #tpu.memory_space<vmem>> -> memref<1x10000xi32, #tpu.memory_space<vmem>>
      %gather3A_762 = tpu.memref_squeeze %gather3A_761 : memref<1x10000xi32, #tpu.memory_space<vmem>> -> memref<10000xi32, #tpu.memory_space<vmem>>
      %gather3A_763 = tpu.vector_load_idx %gather3A_762[%get3A_682] : memref<10000xi32, #tpu.memory_space<vmem>>[vector<16xi32>], vector<16xi32>,
      %mul3A_764 = arith.constant 16 : i32
      %mul3A_765 = arith.muli %scan3A_676, %mul3A_764 : i32
      %swap3A_766 = arith.constant 1 : i32
      %swap3A_767 = arith.constant 6 : i32
      %swap3A_768 = arith.index_cast %swap3A_766 : i32 to index
      %swap3A_769 = arith.index_cast %swap3A_767 : i32 to index
      %swap3A_770 = arith.index_cast %mul3A_765 : i32 to index
      %swap3A_771 = tpu.vector_load %arg9[%swap3A_768, %swap3A_769, %swap3A_770] {strides = array<i32>} : memref<2x8x1024xi32, #tpu.memory_space<vmem>>, vector<16xi32>,
      tpu.vector_store %arg9[%swap3A_768, %swap3A_769, %swap3A_770], %gather3A_763 {strides = array<i32>} : memref<2x8x1024xi32, #tpu.memory_space<vmem>>, vector<16xi32>,
      %gather3A_772 = arith.constant 7 : i32
      %gather3A_773 = arith.constant 0 : i32
      %gather3A_774 = tpu.memref_slice %arg8[%gather3A_772, %gather3A_773] : memref<8x10000xi32, #tpu.memory_space<vmem>> -> memref<1x10000xi32, #tpu.memory_space<vmem>>
      %gather3A_775 = tpu.memref_squeeze %gather3A_774 : memref<1x10000xi32, #tpu.memory_space<vmem>> -> memref<10000xi32, #tpu.memory_space<vmem>>
      %gather3A_776 = tpu.vector_load_idx %gather3A_775[%get3A_682] : memref<10000xi32, #tpu.memory_space<vmem>>[vector<16xi32>], vector<16xi32>,
      %mul3A_777 = arith.constant 16 : i32
      %mul3A_778 = arith.muli %scan3A_676, %mul3A_777 : i32
      %swap3A_779 = arith.constant 1 : i32
      %swap3A_780 = arith.constant 7 : i32
      %swap3A_781 = arith.index_cast %swap3A_779 : i32 to index
      %swap3A_782 = arith.index_cast %swap3A_780 : i32 to index
      %swap3A_783 = arith.index_cast %mul3A_778 : i32 to index
      %swap3A_784 = tpu.vector_load %arg9[%swap3A_781, %swap3A_782, %swap3A_783] {strides = array<i32>} : memref<2x8x1024xi32, #tpu.memory_space<vmem>>, vector<16xi32>,
      tpu.vector_store %arg9[%swap3A_781, %swap3A_782, %swap3A_783], %gather3A_776 {strides = array<i32>} : memref<2x8x1024xi32, #tpu.memory_space<vmem>>, vector<16xi32>,
      %scan3A_785 = arith.constant 0 : i32
      scf.yield %scan3A_785 : i32
    }
    %scan3A_372 = arith.constant 64 : i32
    %dma_start3A_373 = arith.constant 1 : i32
    %dma_start3A_374 = arith.constant 0 : i32
    %dma_start3A_375 = arith.constant 0 : i32
    %dma_start3A_376 = tpu.memref_slice %arg9[%dma_start3A_373, %dma_start3A_374, %dma_start3A_375] : memref<2x8x1024xi32, #tpu.memory_space<vmem>> -> memref<1x8x1024xi32, #tpu.memory_space<vmem>>
    %dma_start3A_377 = tpu.memref_squeeze %dma_start3A_376 : memref<1x8x1024xi32, #tpu.memory_space<vmem>> -> memref<8x1024xi32, #tpu.memory_space<vmem>>
    %dma_start3A_378 = arith.constant 1024 : i32
    %dma_start3A_379 = tpu.memref_slice %arg6[%mul3A_2, %dma_start3A_378] : memref<256x10000xi32, #tpu.memory_space<hbm>> -> memref<8x1024xi32, #tpu.memory_space<hbm>>
    %dma_start3A_380 = arith.constant 1024 : i32
    %dma_start3A_381 = tpu.memref_slice %arg6[%mul3A_2, %dma_start3A_380] : memref<256x10000xi32, #tpu.memory_space<hbm>> -> memref<8x1024xi32, #tpu.memory_space<hbm>>
    %dma_start3A_382 = arith.constant 0 : i32
    %dma_start3A_383 = arith.constant 0 : i32
    %dma_start3A_384 = tpu.memref_slice %arg9[%dma_start3A_373, %dma_start3A_382, %dma_start3A_383] : memref<2x8x1024xi32, #tpu.memory_space<vmem>> -> memref<1x8x1024xi32, #tpu.memory_space<vmem>>
    %dma_start3A_385 = tpu.memref_squeeze %dma_start3A_384 : memref<1x8x1024xi32, #tpu.memory_space<vmem>> -> memref<8x1024xi32, #tpu.memory_space<vmem>>
    tpu.enqueue_dma source(%dma_start3A_385 : memref<8x1024xi32, #tpu.memory_space<vmem>>) target(%dma_start3A_381 : memref<8x1024xi32, #tpu.memory_space<hbm>>) target_semaphore(%arg12 : memref<!tpu.dma_semaphore, #tpu.memory_space<semaphore_mem>>)
    %dma_wait3A_386 = arith.constant 0 : i32
    %dma_wait3A_387 = arith.constant 0 : i32
    %dma_wait3A_388 = arith.constant 0 : i32
    %dma_wait3A_389 = tpu.memref_slice %arg9[%dma_wait3A_386, %dma_wait3A_387, %dma_wait3A_388] : memref<2x8x1024xi32, #tpu.memory_space<vmem>> -> memref<1x8x1024xi32, #tpu.memory_space<vmem>>
    %dma_wait3A_390 = tpu.memref_squeeze %dma_wait3A_389 : memref<1x8x1024xi32, #tpu.memory_space<vmem>> -> memref<8x1024xi32, #tpu.memory_space<vmem>>
    %dma_wait3A_391 = arith.constant 0 : i32
    %dma_wait3A_392 = tpu.memref_slice %arg6[%mul3A_2, %dma_wait3A_391] : memref<256x10000xi32, #tpu.memory_space<hbm>> -> memref<8x1024xi32, #tpu.memory_space<hbm>>
    %dma_wait3A_393 = arith.constant 0 : i32
    %dma_wait3A_394 = tpu.memref_slice %arg6[%mul3A_2, %dma_wait3A_393] : memref<256x10000xi32, #tpu.memory_space<hbm>> -> memref<8x1024xi32, #tpu.memory_space<hbm>>
    %dma_wait3A_395 = arith.constant 0 : i32
    %dma_wait3A_396 = arith.constant 0 : i32
    %dma_wait3A_397 = tpu.memref_slice %arg9[%dma_wait3A_386, %dma_wait3A_395, %dma_wait3A_396] : memref<2x8x1024xi32, #tpu.memory_space<vmem>> -> memref<1x8x1024xi32, #tpu.memory_space<vmem>>
    %dma_wait3A_398 = tpu.memref_squeeze %dma_wait3A_397 : memref<1x8x1024xi32, #tpu.memory_space<vmem>> -> memref<8x1024xi32, #tpu.memory_space<vmem>>
    tpu.wait_dma2 semaphore(%arg11 : memref<!tpu.dma_semaphore, #tpu.memory_space<semaphore_mem>>) src(%dma_wait3A_398 : memref<8x1024xi32, #tpu.memory_space<vmem>>) dst(%dma_wait3A_394 : memref<8x1024xi32, #tpu.memory_space<hbm>>)
    %scan3A_399 = arith.constant 0 : i32
    %scan3A_400 = arith.constant 0 : i32
    %scan3A_401 = arith.constant 64 : i32
    %scan3A_402 = arith.addi %scan3A_400, %scan3A_401 : i32
    %scan3A_403 = arith.constant 1 : i32
    %scan3A_404 = scf.for %scan3A_676 = %scan3A_400 to %scan3A_402 step %scan3A_403 iter_args(%scan3A_677 = %scan3A_399) -> (i32)  : i32 {
      %mul3A_678 = arith.constant 16 : i32
      %mul3A_679 = arith.muli %scan3A_676, %mul3A_678 : i32
      %add3A_680 = arith.constant 2048 : i32
      %add3A_681 = arith.addi %add3A_680, %mul3A_679 : i32
      %get3A = arith.index_cast %add3A_681 : i32 to index
      %get3A_682 = tpu.vector_load %arg7[%get3A] {strides = array<i32>} : memref<10000xi32, #tpu.memory_space<vmem>>, vector<16xi32>,
      %gather3A = arith.constant 0 : i32
      %gather3A_683 = arith.constant 0 : i32
      %gather3A_684 = tpu.memref_slice %arg8[%gather3A, %gather3A_683] : memref<8x10000xi32, #tpu.memory_space<vmem>> -> memref<1x10000xi32, #tpu.memory_space<vmem>>
      %gather3A_685 = tpu.memref_squeeze %gather3A_684 : memref<1x10000xi32, #tpu.memory_space<vmem>> -> memref<10000xi32, #tpu.memory_space<vmem>>
      %gather3A_686 = tpu.vector_load_idx %gather3A_685[%get3A_682] : memref<10000xi32, #tpu.memory_space<vmem>>[vector<16xi32>], vector<16xi32>,
      %mul3A_687 = arith.constant 16 : i32
      %mul3A_688 = arith.muli %scan3A_676, %mul3A_687 : i32
      %swap3A = arith.constant 0 : i32
      %swap3A_689 = arith.constant 0 : i32
      %swap3A_690 = arith.index_cast %swap3A : i32 to index
      %swap3A_691 = arith.index_cast %swap3A_689 : i32 to index
      %swap3A_692 = arith.index_cast %mul3A_688 : i32 to index
      %swap3A_693 = tpu.vector_load %arg9[%swap3A_690, %swap3A_691, %swap3A_692] {strides = array<i32>} : memref<2x8x1024xi32, #tpu.memory_space<vmem>>, vector<16xi32>,
      tpu.vector_store %arg9[%swap3A_690, %swap3A_691, %swap3A_692], %gather3A_686 {strides = array<i32>} : memref<2x8x1024xi32, #tpu.memory_space<vmem>>, vector<16xi32>,
      %gather3A_694 = arith.constant 1 : i32
      %gather3A_695 = arith.constant 0 : i32
      %gather3A_696 = tpu.memref_slice %arg8[%gather3A_694, %gather3A_695] : memref<8x10000xi32, #tpu.memory_space<vmem>> -> memref<1x10000xi32, #tpu.memory_space<vmem>>
      %gather3A_697 = tpu.memref_squeeze %gather3A_696 : memref<1x10000xi32, #tpu.memory_space<vmem>> -> memref<10000xi32, #tpu.memory_space<vmem>>
      %gather3A_698 = tpu.vector_load_idx %gather3A_697[%get3A_682] : memref<10000xi32, #tpu.memory_space<vmem>>[vector<16xi32>], vector<16xi32>,
      %mul3A_699 = arith.constant 16 : i32
      %mul3A_700 = arith.muli %scan3A_676, %mul3A_699 : i32
      %swap3A_701 = arith.constant 0 : i32
      %swap3A_702 = arith.constant 1 : i32
      %swap3A_703 = arith.index_cast %swap3A_701 : i32 to index
      %swap3A_704 = arith.index_cast %swap3A_702 : i32 to index
      %swap3A_705 = arith.index_cast %mul3A_700 : i32 to index
      %swap3A_706 = tpu.vector_load %arg9[%swap3A_703, %swap3A_704, %swap3A_705] {strides = array<i32>} : memref<2x8x1024xi32, #tpu.memory_space<vmem>>, vector<16xi32>,
      tpu.vector_store %arg9[%swap3A_703, %swap3A_704, %swap3A_705], %gather3A_698 {strides = array<i32>} : memref<2x8x1024xi32, #tpu.memory_space<vmem>>, vector<16xi32>,
      %gather3A_707 = arith.constant 2 : i32
      %gather3A_708 = arith.constant 0 : i32
      %gather3A_709 = tpu.memref_slice %arg8[%gather3A_707, %gather3A_708] : memref<8x10000xi32, #tpu.memory_space<vmem>> -> memref<1x10000xi32, #tpu.memory_space<vmem>>
      %gather3A_710 = tpu.memref_squeeze %gather3A_709 : memref<1x10000xi32, #tpu.memory_space<vmem>> -> memref<10000xi32, #tpu.memory_space<vmem>>
      %gather3A_711 = tpu.vector_load_idx %gather3A_710[%get3A_682] : memref<10000xi32, #tpu.memory_space<vmem>>[vector<16xi32>], vector<16xi32>,
      %mul3A_712 = arith.constant 16 : i32
      %mul3A_713 = arith.muli %scan3A_676, %mul3A_712 : i32
      %swap3A_714 = arith.constant 0 : i32
      %swap3A_715 = arith.constant 2 : i32
      %swap3A_716 = arith.index_cast %swap3A_714 : i32 to index
      %swap3A_717 = arith.index_cast %swap3A_715 : i32 to index
      %swap3A_718 = arith.index_cast %mul3A_713 : i32 to index
      %swap3A_719 = tpu.vector_load %arg9[%swap3A_716, %swap3A_717, %swap3A_718] {strides = array<i32>} : memref<2x8x1024xi32, #tpu.memory_space<vmem>>, vector<16xi32>,
      tpu.vector_store %arg9[%swap3A_716, %swap3A_717, %swap3A_718], %gather3A_711 {strides = array<i32>} : memref<2x8x1024xi32, #tpu.memory_space<vmem>>, vector<16xi32>,
      %gather3A_720 = arith.constant 3 : i32
      %gather3A_721 = arith.constant 0 : i32
      %gather3A_722 = tpu.memref_slice %arg8[%gather3A_720, %gather3A_721] : memref<8x10000xi32, #tpu.memory_space<vmem>> -> memref<1x10000xi32, #tpu.memory_space<vmem>>
      %gather3A_723 = tpu.memref_squeeze %gather3A_722 : memref<1x10000xi32, #tpu.memory_space<vmem>> -> memref<10000xi32, #tpu.memory_space<vmem>>
      %gather3A_724 = tpu.vector_load_idx %gather3A_723[%get3A_682] : memref<10000xi32, #tpu.memory_space<vmem>>[vector<16xi32>], vector<16xi32>,
      %mul3A_725 = arith.constant 16 : i32
      %mul3A_726 = arith.muli %scan3A_676, %mul3A_725 : i32
      %swap3A_727 = arith.constant 0 : i32
      %swap3A_728 = arith.constant 3 : i32
      %swap3A_729 = arith.index_cast %swap3A_727 : i32 to index
      %swap3A_730 = arith.index_cast %swap3A_728 : i32 to index
      %swap3A_731 = arith.index_cast %mul3A_726 : i32 to index
      %swap3A_732 = tpu.vector_load %arg9[%swap3A_729, %swap3A_730, %swap3A_731] {strides = array<i32>} : memref<2x8x1024xi32, #tpu.memory_space<vmem>>, vector<16xi32>,
      tpu.vector_store %arg9[%swap3A_729, %swap3A_730, %swap3A_731], %gather3A_724 {strides = array<i32>} : memref<2x8x1024xi32, #tpu.memory_space<vmem>>, vector<16xi32>,
      %gather3A_733 = arith.constant 4 : i32
      %gather3A_734 = arith.constant 0 : i32
      %gather3A_735 = tpu.memref_slice %arg8[%gather3A_733, %gather3A_734] : memref<8x10000xi32, #tpu.memory_space<vmem>> -> memref<1x10000xi32, #tpu.memory_space<vmem>>
      %gather3A_736 = tpu.memref_squeeze %gather3A_735 : memref<1x10000xi32, #tpu.memory_space<vmem>> -> memref<10000xi32, #tpu.memory_space<vmem>>
      %gather3A_737 = tpu.vector_load_idx %gather3A_736[%get3A_682] : memref<10000xi32, #tpu.memory_space<vmem>>[vector<16xi32>], vector<16xi32>,
      %mul3A_738 = arith.constant 16 : i32
      %mul3A_739 = arith.muli %scan3A_676, %mul3A_738 : i32
      %swap3A_740 = arith.constant 0 : i32
      %swap3A_741 = arith.constant 4 : i32
      %swap3A_742 = arith.index_cast %swap3A_740 : i32 to index
      %swap3A_743 = arith.index_cast %swap3A_741 : i32 to index
      %swap3A_744 = arith.index_cast %mul3A_739 : i32 to index
      %swap3A_745 = tpu.vector_load %arg9[%swap3A_742, %swap3A_743, %swap3A_744] {strides = array<i32>} : memref<2x8x1024xi32, #tpu.memory_space<vmem>>, vector<16xi32>,
      tpu.vector_store %arg9[%swap3A_742, %swap3A_743, %swap3A_744], %gather3A_737 {strides = array<i32>} : memref<2x8x1024xi32, #tpu.memory_space<vmem>>, vector<16xi32>,
      %gather3A_746 = arith.constant 5 : i32
      %gather3A_747 = arith.constant 0 : i32
      %gather3A_748 = tpu.memref_slice %arg8[%gather3A_746, %gather3A_747] : memref<8x10000xi32, #tpu.memory_space<vmem>> -> memref<1x10000xi32, #tpu.memory_space<vmem>>
      %gather3A_749 = tpu.memref_squeeze %gather3A_748 : memref<1x10000xi32, #tpu.memory_space<vmem>> -> memref<10000xi32, #tpu.memory_space<vmem>>
      %gather3A_750 = tpu.vector_load_idx %gather3A_749[%get3A_682] : memref<10000xi32, #tpu.memory_space<vmem>>[vector<16xi32>], vector<16xi32>,
      %mul3A_751 = arith.constant 16 : i32
      %mul3A_752 = arith.muli %scan3A_676, %mul3A_751 : i32
      %swap3A_753 = arith.constant 0 : i32
      %swap3A_754 = arith.constant 5 : i32
      %swap3A_755 = arith.index_cast %swap3A_753 : i32 to index
      %swap3A_756 = arith.index_cast %swap3A_754 : i32 to index
      %swap3A_757 = arith.index_cast %mul3A_752 : i32 to index
      %swap3A_758 = tpu.vector_load %arg9[%swap3A_755, %swap3A_756, %swap3A_757] {strides = array<i32>} : memref<2x8x1024xi32, #tpu.memory_space<vmem>>, vector<16xi32>,
      tpu.vector_store %arg9[%swap3A_755, %swap3A_756, %swap3A_757], %gather3A_750 {strides = array<i32>} : memref<2x8x1024xi32, #tpu.memory_space<vmem>>, vector<16xi32>,
      %gather3A_759 = arith.constant 6 : i32
      %gather3A_760 = arith.constant 0 : i32
      %gather3A_761 = tpu.memref_slice %arg8[%gather3A_759, %gather3A_760] : memref<8x10000xi32, #tpu.memory_space<vmem>> -> memref<1x10000xi32, #tpu.memory_space<vmem>>
      %gather3A_762 = tpu.memref_squeeze %gather3A_761 : memref<1x10000xi32, #tpu.memory_space<vmem>> -> memref<10000xi32, #tpu.memory_space<vmem>>
      %gather3A_763 = tpu.vector_load_idx %gather3A_762[%get3A_682] : memref<10000xi32, #tpu.memory_space<vmem>>[vector<16xi32>], vector<16xi32>,
      %mul3A_764 = arith.constant 16 : i32
      %mul3A_765 = arith.muli %scan3A_676, %mul3A_764 : i32
      %swap3A_766 = arith.constant 0 : i32
      %swap3A_767 = arith.constant 6 : i32
      %swap3A_768 = arith.index_cast %swap3A_766 : i32 to index
      %swap3A_769 = arith.index_cast %swap3A_767 : i32 to index
      %swap3A_770 = arith.index_cast %mul3A_765 : i32 to index
      %swap3A_771 = tpu.vector_load %arg9[%swap3A_768, %swap3A_769, %swap3A_770] {strides = array<i32>} : memref<2x8x1024xi32, #tpu.memory_space<vmem>>, vector<16xi32>,
      tpu.vector_store %arg9[%swap3A_768, %swap3A_769, %swap3A_770], %gather3A_763 {strides = array<i32>} : memref<2x8x1024xi32, #tpu.memory_space<vmem>>, vector<16xi32>,
      %gather3A_772 = arith.constant 7 : i32
      %gather3A_773 = arith.constant 0 : i32
      %gather3A_774 = tpu.memref_slice %arg8[%gather3A_772, %gather3A_773] : memref<8x10000xi32, #tpu.memory_space<vmem>> -> memref<1x10000xi32, #tpu.memory_space<vmem>>
      %gather3A_775 = tpu.memref_squeeze %gather3A_774 : memref<1x10000xi32, #tpu.memory_space<vmem>> -> memref<10000xi32, #tpu.memory_space<vmem>>
      %gather3A_776 = tpu.vector_load_idx %gather3A_775[%get3A_682] : memref<10000xi32, #tpu.memory_space<vmem>>[vector<16xi32>], vector<16xi32>,
      %mul3A_777 = arith.constant 16 : i32
      %mul3A_778 = arith.muli %scan3A_676, %mul3A_777 : i32
      %swap3A_779 = arith.constant 0 : i32
      %swap3A_780 = arith.constant 7 : i32
      %swap3A_781 = arith.index_cast %swap3A_779 : i32 to index
      %swap3A_782 = arith.index_cast %swap3A_780 : i32 to index
      %swap3A_783 = arith.index_cast %mul3A_778 : i32 to index
      %swap3A_784 = tpu.vector_load %arg9[%swap3A_781, %swap3A_782, %swap3A_783] {strides = array<i32>} : memref<2x8x1024xi32, #tpu.memory_space<vmem>>, vector<16xi32>,
      tpu.vector_store %arg9[%swap3A_781, %swap3A_782, %swap3A_783], %gather3A_776 {strides = array<i32>} : memref<2x8x1024xi32, #tpu.memory_space<vmem>>, vector<16xi32>,
      %scan3A_785 = arith.constant 0 : i32
      scf.yield %scan3A_785 : i32
    }
    %scan3A_405 = arith.constant 64 : i32
    %dma_start3A_406 = arith.constant 0 : i32
    %dma_start3A_407 = arith.constant 0 : i32
    %dma_start3A_408 = arith.constant 0 : i32
    %dma_start3A_409 = tpu.memref_slice %arg9[%dma_start3A_406, %dma_start3A_407, %dma_start3A_408] : memref<2x8x1024xi32, #tpu.memory_space<vmem>> -> memref<1x8x1024xi32, #tpu.memory_space<vmem>>
    %dma_start3A_410 = tpu.memref_squeeze %dma_start3A_409 : memref<1x8x1024xi32, #tpu.memory_space<vmem>> -> memref<8x1024xi32, #tpu.memory_space<vmem>>
    %dma_start3A_411 = arith.constant 2048 : i32
    %dma_start3A_412 = tpu.memref_slice %arg6[%mul3A_2, %dma_start3A_411] : memref<256x10000xi32, #tpu.memory_space<hbm>> -> memref<8x1024xi32, #tpu.memory_space<hbm>>
    %dma_start3A_413 = arith.constant 2048 : i32
    %dma_start3A_414 = tpu.memref_slice %arg6[%mul3A_2, %dma_start3A_413] : memref<256x10000xi32, #tpu.memory_space<hbm>> -> memref<8x1024xi32, #tpu.memory_space<hbm>>
    %dma_start3A_415 = arith.constant 0 : i32
    %dma_start3A_416 = arith.constant 0 : i32
    %dma_start3A_417 = tpu.memref_slice %arg9[%dma_start3A_406, %dma_start3A_415, %dma_start3A_416] : memref<2x8x1024xi32, #tpu.memory_space<vmem>> -> memref<1x8x1024xi32, #tpu.memory_space<vmem>>
    %dma_start3A_418 = tpu.memref_squeeze %dma_start3A_417 : memref<1x8x1024xi32, #tpu.memory_space<vmem>> -> memref<8x1024xi32, #tpu.memory_space<vmem>>
    tpu.enqueue_dma source(%dma_start3A_418 : memref<8x1024xi32, #tpu.memory_space<vmem>>) target(%dma_start3A_414 : memref<8x1024xi32, #tpu.memory_space<hbm>>) target_semaphore(%arg11 : memref<!tpu.dma_semaphore, #tpu.memory_space<semaphore_mem>>)
    %dma_wait3A_419 = arith.constant 1 : i32
    %dma_wait3A_420 = arith.constant 0 : i32
    %dma_wait3A_421 = arith.constant 0 : i32
    %dma_wait3A_422 = tpu.memref_slice %arg9[%dma_wait3A_419, %dma_wait3A_420, %dma_wait3A_421] : memref<2x8x1024xi32, #tpu.memory_space<vmem>> -> memref<1x8x1024xi32, #tpu.memory_space<vmem>>
    %dma_wait3A_423 = tpu.memref_squeeze %dma_wait3A_422 : memref<1x8x1024xi32, #tpu.memory_space<vmem>> -> memref<8x1024xi32, #tpu.memory_space<vmem>>
    %dma_wait3A_424 = arith.constant 1024 : i32
    %dma_wait3A_425 = tpu.memref_slice %arg6[%mul3A_2, %dma_wait3A_424] : memref<256x10000xi32, #tpu.memory_space<hbm>> -> memref<8x1024xi32, #tpu.memory_space<hbm>>
    %dma_wait3A_426 = arith.constant 1024 : i32
    %dma_wait3A_427 = tpu.memref_slice %arg6[%mul3A_2, %dma_wait3A_426] : memref<256x10000xi32, #tpu.memory_space<hbm>> -> memref<8x1024xi32, #tpu.memory_space<hbm>>
    %dma_wait3A_428 = arith.constant 0 : i32
    %dma_wait3A_429 = arith.constant 0 : i32
    %dma_wait3A_430 = tpu.memref_slice %arg9[%dma_wait3A_419, %dma_wait3A_428, %dma_wait3A_429] : memref<2x8x1024xi32, #tpu.memory_space<vmem>> -> memref<1x8x1024xi32, #tpu.memory_space<vmem>>
    %dma_wait3A_431 = tpu.memref_squeeze %dma_wait3A_430 : memref<1x8x1024xi32, #tpu.memory_space<vmem>> -> memref<8x1024xi32, #tpu.memory_space<vmem>>
    tpu.wait_dma2 semaphore(%arg12 : memref<!tpu.dma_semaphore, #tpu.memory_space<semaphore_mem>>) src(%dma_wait3A_431 : memref<8x1024xi32, #tpu.memory_space<vmem>>) dst(%dma_wait3A_427 : memref<8x1024xi32, #tpu.memory_space<hbm>>)
    %scan3A_432 = arith.constant 0 : i32
    %scan3A_433 = arith.constant 0 : i32
    %scan3A_434 = arith.constant 64 : i32
    %scan3A_435 = arith.addi %scan3A_433, %scan3A_434 : i32
    %scan3A_436 = arith.constant 1 : i32
    %scan3A_437 = scf.for %scan3A_676 = %scan3A_433 to %scan3A_435 step %scan3A_436 iter_args(%scan3A_677 = %scan3A_432) -> (i32)  : i32 {
      %mul3A_678 = arith.constant 16 : i32
      %mul3A_679 = arith.muli %scan3A_676, %mul3A_678 : i32
      %add3A_680 = arith.constant 3072 : i32
      %add3A_681 = arith.addi %add3A_680, %mul3A_679 : i32
      %get3A = arith.index_cast %add3A_681 : i32 to index
      %get3A_682 = tpu.vector_load %arg7[%get3A] {strides = array<i32>} : memref<10000xi32, #tpu.memory_space<vmem>>, vector<16xi32>,
      %gather3A = arith.constant 0 : i32
      %gather3A_683 = arith.constant 0 : i32
      %gather3A_684 = tpu.memref_slice %arg8[%gather3A, %gather3A_683] : memref<8x10000xi32, #tpu.memory_space<vmem>> -> memref<1x10000xi32, #tpu.memory_space<vmem>>
      %gather3A_685 = tpu.memref_squeeze %gather3A_684 : memref<1x10000xi32, #tpu.memory_space<vmem>> -> memref<10000xi32, #tpu.memory_space<vmem>>
      %gather3A_686 = tpu.vector_load_idx %gather3A_685[%get3A_682] : memref<10000xi32, #tpu.memory_space<vmem>>[vector<16xi32>], vector<16xi32>,
      %mul3A_687 = arith.constant 16 : i32
      %mul3A_688 = arith.muli %scan3A_676, %mul3A_687 : i32
      %swap3A = arith.constant 1 : i32
      %swap3A_689 = arith.constant 0 : i32
      %swap3A_690 = arith.index_cast %swap3A : i32 to index
      %swap3A_691 = arith.index_cast %swap3A_689 : i32 to index
      %swap3A_692 = arith.index_cast %mul3A_688 : i32 to index
      %swap3A_693 = tpu.vector_load %arg9[%swap3A_690, %swap3A_691, %swap3A_692] {strides = array<i32>} : memref<2x8x1024xi32, #tpu.memory_space<vmem>>, vector<16xi32>,
      tpu.vector_store %arg9[%swap3A_690, %swap3A_691, %swap3A_692], %gather3A_686 {strides = array<i32>} : memref<2x8x1024xi32, #tpu.memory_space<vmem>>, vector<16xi32>,
      %gather3A_694 = arith.constant 1 : i32
      %gather3A_695 = arith.constant 0 : i32
      %gather3A_696 = tpu.memref_slice %arg8[%gather3A_694, %gather3A_695] : memref<8x10000xi32, #tpu.memory_space<vmem>> -> memref<1x10000xi32, #tpu.memory_space<vmem>>
      %gather3A_697 = tpu.memref_squeeze %gather3A_696 : memref<1x10000xi32, #tpu.memory_space<vmem>> -> memref<10000xi32, #tpu.memory_space<vmem>>
      %gather3A_698 = tpu.vector_load_idx %gather3A_697[%get3A_682] : memref<10000xi32, #tpu.memory_space<vmem>>[vector<16xi32>], vector<16xi32>,
      %mul3A_699 = arith.constant 16 : i32
      %mul3A_700 = arith.muli %scan3A_676, %mul3A_699 : i32
      %swap3A_701 = arith.constant 1 : i32
      %swap3A_702 = arith.constant 1 : i32
      %swap3A_703 = arith.index_cast %swap3A_701 : i32 to index
      %swap3A_704 = arith.index_cast %swap3A_702 : i32 to index
      %swap3A_705 = arith.index_cast %mul3A_700 : i32 to index
      %swap3A_706 = tpu.vector_load %arg9[%swap3A_703, %swap3A_704, %swap3A_705] {strides = array<i32>} : memref<2x8x1024xi32, #tpu.memory_space<vmem>>, vector<16xi32>,
      tpu.vector_store %arg9[%swap3A_703, %swap3A_704, %swap3A_705], %gather3A_698 {strides = array<i32>} : memref<2x8x1024xi32, #tpu.memory_space<vmem>>, vector<16xi32>,
      %gather3A_707 = arith.constant 2 : i32
      %gather3A_708 = arith.constant 0 : i32
      %gather3A_709 = tpu.memref_slice %arg8[%gather3A_707, %gather3A_708] : memref<8x10000xi32, #tpu.memory_space<vmem>> -> memref<1x10000xi32, #tpu.memory_space<vmem>>
      %gather3A_710 = tpu.memref_squeeze %gather3A_709 : memref<1x10000xi32, #tpu.memory_space<vmem>> -> memref<10000xi32, #tpu.memory_space<vmem>>
      %gather3A_711 = tpu.vector_load_idx %gather3A_710[%get3A_682] : memref<10000xi32, #tpu.memory_space<vmem>>[vector<16xi32>], vector<16xi32>,
      %mul3A_712 = arith.constant 16 : i32
      %mul3A_713 = arith.muli %scan3A_676, %mul3A_712 : i32
      %swap3A_714 = arith.constant 1 : i32
      %swap3A_715 = arith.constant 2 : i32
      %swap3A_716 = arith.index_cast %swap3A_714 : i32 to index
      %swap3A_717 = arith.index_cast %swap3A_715 : i32 to index
      %swap3A_718 = arith.index_cast %mul3A_713 : i32 to index
      %swap3A_719 = tpu.vector_load %arg9[%swap3A_716, %swap3A_717, %swap3A_718] {strides = array<i32>} : memref<2x8x1024xi32, #tpu.memory_space<vmem>>, vector<16xi32>,
      tpu.vector_store %arg9[%swap3A_716, %swap3A_717, %swap3A_718], %gather3A_711 {strides = array<i32>} : memref<2x8x1024xi32, #tpu.memory_space<vmem>>, vector<16xi32>,
      %gather3A_720 = arith.constant 3 : i32
      %gather3A_721 = arith.constant 0 : i32
      %gather3A_722 = tpu.memref_slice %arg8[%gather3A_720, %gather3A_721] : memref<8x10000xi32, #tpu.memory_space<vmem>> -> memref<1x10000xi32, #tpu.memory_space<vmem>>
      %gather3A_723 = tpu.memref_squeeze %gather3A_722 : memref<1x10000xi32, #tpu.memory_space<vmem>> -> memref<10000xi32, #tpu.memory_space<vmem>>
      %gather3A_724 = tpu.vector_load_idx %gather3A_723[%get3A_682] : memref<10000xi32, #tpu.memory_space<vmem>>[vector<16xi32>], vector<16xi32>,
      %mul3A_725 = arith.constant 16 : i32
      %mul3A_726 = arith.muli %scan3A_676, %mul3A_725 : i32
      %swap3A_727 = arith.constant 1 : i32
      %swap3A_728 = arith.constant 3 : i32
      %swap3A_729 = arith.index_cast %swap3A_727 : i32 to index
      %swap3A_730 = arith.index_cast %swap3A_728 : i32 to index
      %swap3A_731 = arith.index_cast %mul3A_726 : i32 to index
      %swap3A_732 = tpu.vector_load %arg9[%swap3A_729, %swap3A_730, %swap3A_731] {strides = array<i32>} : memref<2x8x1024xi32, #tpu.memory_space<vmem>>, vector<16xi32>,
      tpu.vector_store %arg9[%swap3A_729, %swap3A_730, %swap3A_731], %gather3A_724 {strides = array<i32>} : memref<2x8x1024xi32, #tpu.memory_space<vmem>>, vector<16xi32>,
      %gather3A_733 = arith.constant 4 : i32
      %gather3A_734 = arith.constant 0 : i32
      %gather3A_735 = tpu.memref_slice %arg8[%gather3A_733, %gather3A_734] : memref<8x10000xi32, #tpu.memory_space<vmem>> -> memref<1x10000xi32, #tpu.memory_space<vmem>>
      %gather3A_736 = tpu.memref_squeeze %gather3A_735 : memref<1x10000xi32, #tpu.memory_space<vmem>> -> memref<10000xi32, #tpu.memory_space<vmem>>
      %gather3A_737 = tpu.vector_load_idx %gather3A_736[%get3A_682] : memref<10000xi32, #tpu.memory_space<vmem>>[vector<16xi32>], vector<16xi32>,
      %mul3A_738 = arith.constant 16 : i32
      %mul3A_739 = arith.muli %scan3A_676, %mul3A_738 : i32
      %swap3A_740 = arith.constant 1 : i32
      %swap3A_741 = arith.constant 4 : i32
      %swap3A_742 = arith.index_cast %swap3A_740 : i32 to index
      %swap3A_743 = arith.index_cast %swap3A_741 : i32 to index
      %swap3A_744 = arith.index_cast %mul3A_739 : i32 to index
      %swap3A_745 = tpu.vector_load %arg9[%swap3A_742, %swap3A_743, %swap3A_744] {strides = array<i32>} : memref<2x8x1024xi32, #tpu.memory_space<vmem>>, vector<16xi32>,
      tpu.vector_store %arg9[%swap3A_742, %swap3A_743, %swap3A_744], %gather3A_737 {strides = array<i32>} : memref<2x8x1024xi32, #tpu.memory_space<vmem>>, vector<16xi32>,
      %gather3A_746 = arith.constant 5 : i32
      %gather3A_747 = arith.constant 0 : i32
      %gather3A_748 = tpu.memref_slice %arg8[%gather3A_746, %gather3A_747] : memref<8x10000xi32, #tpu.memory_space<vmem>> -> memref<1x10000xi32, #tpu.memory_space<vmem>>
      %gather3A_749 = tpu.memref_squeeze %gather3A_748 : memref<1x10000xi32, #tpu.memory_space<vmem>> -> memref<10000xi32, #tpu.memory_space<vmem>>
      %gather3A_750 = tpu.vector_load_idx %gather3A_749[%get3A_682] : memref<10000xi32, #tpu.memory_space<vmem>>[vector<16xi32>], vector<16xi32>,
      %mul3A_751 = arith.constant 16 : i32
      %mul3A_752 = arith.muli %scan3A_676, %mul3A_751 : i32
      %swap3A_753 = arith.constant 1 : i32
      %swap3A_754 = arith.constant 5 : i32
      %swap3A_755 = arith.index_cast %swap3A_753 : i32 to index
      %swap3A_756 = arith.index_cast %swap3A_754 : i32 to index
      %swap3A_757 = arith.index_cast %mul3A_752 : i32 to index
      %swap3A_758 = tpu.vector_load %arg9[%swap3A_755, %swap3A_756, %swap3A_757] {strides = array<i32>} : memref<2x8x1024xi32, #tpu.memory_space<vmem>>, vector<16xi32>,
      tpu.vector_store %arg9[%swap3A_755, %swap3A_756, %swap3A_757], %gather3A_750 {strides = array<i32>} : memref<2x8x1024xi32, #tpu.memory_space<vmem>>, vector<16xi32>,
      %gather3A_759 = arith.constant 6 : i32
      %gather3A_760 = arith.constant 0 : i32
      %gather3A_761 = tpu.memref_slice %arg8[%gather3A_759, %gather3A_760] : memref<8x10000xi32, #tpu.memory_space<vmem>> -> memref<1x10000xi32, #tpu.memory_space<vmem>>
      %gather3A_762 = tpu.memref_squeeze %gather3A_761 : memref<1x10000xi32, #tpu.memory_space<vmem>> -> memref<10000xi32, #tpu.memory_space<vmem>>
      %gather3A_763 = tpu.vector_load_idx %gather3A_762[%get3A_682] : memref<10000xi32, #tpu.memory_space<vmem>>[vector<16xi32>], vector<16xi32>,
      %mul3A_764 = arith.constant 16 : i32
      %mul3A_765 = arith.muli %scan3A_676, %mul3A_764 : i32
      %swap3A_766 = arith.constant 1 : i32
      %swap3A_767 = arith.constant 6 : i32
      %swap3A_768 = arith.index_cast %swap3A_766 : i32 to index
      %swap3A_769 = arith.index_cast %swap3A_767 : i32 to index
      %swap3A_770 = arith.index_cast %mul3A_765 : i32 to index
      %swap3A_771 = tpu.vector_load %arg9[%swap3A_768, %swap3A_769, %swap3A_770] {strides = array<i32>} : memref<2x8x1024xi32, #tpu.memory_space<vmem>>, vector<16xi32>,
      tpu.vector_store %arg9[%swap3A_768, %swap3A_769, %swap3A_770], %gather3A_763 {strides = array<i32>} : memref<2x8x1024xi32, #tpu.memory_space<vmem>>, vector<16xi32>,
      %gather3A_772 = arith.constant 7 : i32
      %gather3A_773 = arith.constant 0 : i32
      %gather3A_774 = tpu.memref_slice %arg8[%gather3A_772, %gather3A_773] : memref<8x10000xi32, #tpu.memory_space<vmem>> -> memref<1x10000xi32, #tpu.memory_space<vmem>>
      %gather3A_775 = tpu.memref_squeeze %gather3A_774 : memref<1x10000xi32, #tpu.memory_space<vmem>> -> memref<10000xi32, #tpu.memory_space<vmem>>
      %gather3A_776 = tpu.vector_load_idx %gather3A_775[%get3A_682] : memref<10000xi32, #tpu.memory_space<vmem>>[vector<16xi32>], vector<16xi32>,
      %mul3A_777 = arith.constant 16 : i32
      %mul3A_778 = arith.muli %scan3A_676, %mul3A_777 : i32
      %swap3A_779 = arith.constant 1 : i32
      %swap3A_780 = arith.constant 7 : i32
      %swap3A_781 = arith.index_cast %swap3A_779 : i32 to index
      %swap3A_782 = arith.index_cast %swap3A_780 : i32 to index
      %swap3A_783 = arith.index_cast %mul3A_778 : i32 to index
      %swap3A_784 = tpu.vector_load %arg9[%swap3A_781, %swap3A_782, %swap3A_783] {strides = array<i32>} : memref<2x8x1024xi32, #tpu.memory_space<vmem>>, vector<16xi32>,
      tpu.vector_store %arg9[%swap3A_781, %swap3A_782, %swap3A_783], %gather3A_776 {strides = array<i32>} : memref<2x8x1024xi32, #tpu.memory_space<vmem>>, vector<16xi32>,
      %scan3A_785 = arith.constant 0 : i32
      scf.yield %scan3A_785 : i32
    }
    %scan3A_438 = arith.constant 64 : i32
    %dma_start3A_439 = arith.constant 1 : i32
    %dma_start3A_440 = arith.constant 0 : i32
    %dma_start3A_441 = arith.constant 0 : i32
    %dma_start3A_442 = tpu.memref_slice %arg9[%dma_start3A_439, %dma_start3A_440, %dma_start3A_441] : memref<2x8x1024xi32, #tpu.memory_space<vmem>> -> memref<1x8x1024xi32, #tpu.memory_space<vmem>>
    %dma_start3A_443 = tpu.memref_squeeze %dma_start3A_442 : memref<1x8x1024xi32, #tpu.memory_space<vmem>> -> memref<8x1024xi32, #tpu.memory_space<vmem>>
    %dma_start3A_444 = arith.constant 3072 : i32
    %dma_start3A_445 = tpu.memref_slice %arg6[%mul3A_2, %dma_start3A_444] : memref<256x10000xi32, #tpu.memory_space<hbm>> -> memref<8x1024xi32, #tpu.memory_space<hbm>>
    %dma_start3A_446 = arith.constant 3072 : i32
    %dma_start3A_447 = tpu.memref_slice %arg6[%mul3A_2, %dma_start3A_446] : memref<256x10000xi32, #tpu.memory_space<hbm>> -> memref<8x1024xi32, #tpu.memory_space<hbm>>
    %dma_start3A_448 = arith.constant 0 : i32
    %dma_start3A_449 = arith.constant 0 : i32
    %dma_start3A_450 = tpu.memref_slice %arg9[%dma_start3A_439, %dma_start3A_448, %dma_start3A_449] : memref<2x8x1024xi32, #tpu.memory_space<vmem>> -> memref<1x8x1024xi32, #tpu.memory_space<vmem>>
    %dma_start3A_451 = tpu.memref_squeeze %dma_start3A_450 : memref<1x8x1024xi32, #tpu.memory_space<vmem>> -> memref<8x1024xi32, #tpu.memory_space<vmem>>
    tpu.enqueue_dma source(%dma_start3A_451 : memref<8x1024xi32, #tpu.memory_space<vmem>>) target(%dma_start3A_447 : memref<8x1024xi32, #tpu.memory_space<hbm>>) target_semaphore(%arg12 : memref<!tpu.dma_semaphore, #tpu.memory_space<semaphore_mem>>)
    %dma_wait3A_452 = arith.constant 0 : i32
    %dma_wait3A_453 = arith.constant 0 : i32
    %dma_wait3A_454 = arith.constant 0 : i32
    %dma_wait3A_455 = tpu.memref_slice %arg9[%dma_wait3A_452, %dma_wait3A_453, %dma_wait3A_454] : memref<2x8x1024xi32, #tpu.memory_space<vmem>> -> memref<1x8x1024xi32, #tpu.memory_space<vmem>>
    %dma_wait3A_456 = tpu.memref_squeeze %dma_wait3A_455 : memref<1x8x1024xi32, #tpu.memory_space<vmem>> -> memref<8x1024xi32, #tpu.memory_space<vmem>>
    %dma_wait3A_457 = arith.constant 2048 : i32
    %dma_wait3A_458 = tpu.memref_slice %arg6[%mul3A_2, %dma_wait3A_457] : memref<256x10000xi32, #tpu.memory_space<hbm>> -> memref<8x1024xi32, #tpu.memory_space<hbm>>
    %dma_wait3A_459 = arith.constant 2048 : i32
    %dma_wait3A_460 = tpu.memref_slice %arg6[%mul3A_2, %dma_wait3A_459] : memref<256x10000xi32, #tpu.memory_space<hbm>> -> memref<8x1024xi32, #tpu.memory_space<hbm>>
    %dma_wait3A_461 = arith.constant 0 : i32
    %dma_wait3A_462 = arith.constant 0 : i32
    %dma_wait3A_463 = tpu.memref_slice %arg9[%dma_wait3A_452, %dma_wait3A_461, %dma_wait3A_462] : memref<2x8x1024xi32, #tpu.memory_space<vmem>> -> memref<1x8x1024xi32, #tpu.memory_space<vmem>>
    %dma_wait3A_464 = tpu.memref_squeeze %dma_wait3A_463 : memref<1x8x1024xi32, #tpu.memory_space<vmem>> -> memref<8x1024xi32, #tpu.memory_space<vmem>>
    tpu.wait_dma2 semaphore(%arg11 : memref<!tpu.dma_semaphore, #tpu.memory_space<semaphore_mem>>) src(%dma_wait3A_464 : memref<8x1024xi32, #tpu.memory_space<vmem>>) dst(%dma_wait3A_460 : memref<8x1024xi32, #tpu.memory_space<hbm>>)
    %scan3A_465 = arith.constant 0 : i32
    %scan3A_466 = arith.constant 0 : i32
    %scan3A_467 = arith.constant 64 : i32
    %scan3A_468 = arith.addi %scan3A_466, %scan3A_467 : i32
    %scan3A_469 = arith.constant 1 : i32
    %scan3A_470 = scf.for %scan3A_676 = %scan3A_466 to %scan3A_468 step %scan3A_469 iter_args(%scan3A_677 = %scan3A_465) -> (i32)  : i32 {
      %mul3A_678 = arith.constant 16 : i32
      %mul3A_679 = arith.muli %scan3A_676, %mul3A_678 : i32
      %add3A_680 = arith.constant 4096 : i32
      %add3A_681 = arith.addi %add3A_680, %mul3A_679 : i32
      %get3A = arith.index_cast %add3A_681 : i32 to index
      %get3A_682 = tpu.vector_load %arg7[%get3A] {strides = array<i32>} : memref<10000xi32, #tpu.memory_space<vmem>>, vector<16xi32>,
      %gather3A = arith.constant 0 : i32
      %gather3A_683 = arith.constant 0 : i32
      %gather3A_684 = tpu.memref_slice %arg8[%gather3A, %gather3A_683] : memref<8x10000xi32, #tpu.memory_space<vmem>> -> memref<1x10000xi32, #tpu.memory_space<vmem>>
      %gather3A_685 = tpu.memref_squeeze %gather3A_684 : memref<1x10000xi32, #tpu.memory_space<vmem>> -> memref<10000xi32, #tpu.memory_space<vmem>>
      %gather3A_686 = tpu.vector_load_idx %gather3A_685[%get3A_682] : memref<10000xi32, #tpu.memory_space<vmem>>[vector<16xi32>], vector<16xi32>,
      %mul3A_687 = arith.constant 16 : i32
      %mul3A_688 = arith.muli %scan3A_676, %mul3A_687 : i32
      %swap3A = arith.constant 0 : i32
      %swap3A_689 = arith.constant 0 : i32
      %swap3A_690 = arith.index_cast %swap3A : i32 to index
      %swap3A_691 = arith.index_cast %swap3A_689 : i32 to index
      %swap3A_692 = arith.index_cast %mul3A_688 : i32 to index
      %swap3A_693 = tpu.vector_load %arg9[%swap3A_690, %swap3A_691, %swap3A_692] {strides = array<i32>} : memref<2x8x1024xi32, #tpu.memory_space<vmem>>, vector<16xi32>,
      tpu.vector_store %arg9[%swap3A_690, %swap3A_691, %swap3A_692], %gather3A_686 {strides = array<i32>} : memref<2x8x1024xi32, #tpu.memory_space<vmem>>, vector<16xi32>,
      %gather3A_694 = arith.constant 1 : i32
      %gather3A_695 = arith.constant 0 : i32
      %gather3A_696 = tpu.memref_slice %arg8[%gather3A_694, %gather3A_695] : memref<8x10000xi32, #tpu.memory_space<vmem>> -> memref<1x10000xi32, #tpu.memory_space<vmem>>
      %gather3A_697 = tpu.memref_squeeze %gather3A_696 : memref<1x10000xi32, #tpu.memory_space<vmem>> -> memref<10000xi32, #tpu.memory_space<vmem>>
      %gather3A_698 = tpu.vector_load_idx %gather3A_697[%get3A_682] : memref<10000xi32, #tpu.memory_space<vmem>>[vector<16xi32>], vector<16xi32>,
      %mul3A_699 = arith.constant 16 : i32
      %mul3A_700 = arith.muli %scan3A_676, %mul3A_699 : i32
      %swap3A_701 = arith.constant 0 : i32
      %swap3A_702 = arith.constant 1 : i32
      %swap3A_703 = arith.index_cast %swap3A_701 : i32 to index
      %swap3A_704 = arith.index_cast %swap3A_702 : i32 to index
      %swap3A_705 = arith.index_cast %mul3A_700 : i32 to index
      %swap3A_706 = tpu.vector_load %arg9[%swap3A_703, %swap3A_704, %swap3A_705] {strides = array<i32>} : memref<2x8x1024xi32, #tpu.memory_space<vmem>>, vector<16xi32>,
      tpu.vector_store %arg9[%swap3A_703, %swap3A_704, %swap3A_705], %gather3A_698 {strides = array<i32>} : memref<2x8x1024xi32, #tpu.memory_space<vmem>>, vector<16xi32>,
      %gather3A_707 = arith.constant 2 : i32
      %gather3A_708 = arith.constant 0 : i32
      %gather3A_709 = tpu.memref_slice %arg8[%gather3A_707, %gather3A_708] : memref<8x10000xi32, #tpu.memory_space<vmem>> -> memref<1x10000xi32, #tpu.memory_space<vmem>>
      %gather3A_710 = tpu.memref_squeeze %gather3A_709 : memref<1x10000xi32, #tpu.memory_space<vmem>> -> memref<10000xi32, #tpu.memory_space<vmem>>
      %gather3A_711 = tpu.vector_load_idx %gather3A_710[%get3A_682] : memref<10000xi32, #tpu.memory_space<vmem>>[vector<16xi32>], vector<16xi32>,
      %mul3A_712 = arith.constant 16 : i32
      %mul3A_713 = arith.muli %scan3A_676, %mul3A_712 : i32
      %swap3A_714 = arith.constant 0 : i32
      %swap3A_715 = arith.constant 2 : i32
      %swap3A_716 = arith.index_cast %swap3A_714 : i32 to index
      %swap3A_717 = arith.index_cast %swap3A_715 : i32 to index
      %swap3A_718 = arith.index_cast %mul3A_713 : i32 to index
      %swap3A_719 = tpu.vector_load %arg9[%swap3A_716, %swap3A_717, %swap3A_718] {strides = array<i32>} : memref<2x8x1024xi32, #tpu.memory_space<vmem>>, vector<16xi32>,
      tpu.vector_store %arg9[%swap3A_716, %swap3A_717, %swap3A_718], %gather3A_711 {strides = array<i32>} : memref<2x8x1024xi32, #tpu.memory_space<vmem>>, vector<16xi32>,
      %gather3A_720 = arith.constant 3 : i32
      %gather3A_721 = arith.constant 0 : i32
      %gather3A_722 = tpu.memref_slice %arg8[%gather3A_720, %gather3A_721] : memref<8x10000xi32, #tpu.memory_space<vmem>> -> memref<1x10000xi32, #tpu.memory_space<vmem>>
      %gather3A_723 = tpu.memref_squeeze %gather3A_722 : memref<1x10000xi32, #tpu.memory_space<vmem>> -> memref<10000xi32, #tpu.memory_space<vmem>>
      %gather3A_724 = tpu.vector_load_idx %gather3A_723[%get3A_682] : memref<10000xi32, #tpu.memory_space<vmem>>[vector<16xi32>], vector<16xi32>,
      %mul3A_725 = arith.constant 16 : i32
      %mul3A_726 = arith.muli %scan3A_676, %mul3A_725 : i32
      %swap3A_727 = arith.constant 0 : i32
      %swap3A_728 = arith.constant 3 : i32
      %swap3A_729 = arith.index_cast %swap3A_727 : i32 to index
      %swap3A_730 = arith.index_cast %swap3A_728 : i32 to index
      %swap3A_731 = arith.index_cast %mul3A_726 : i32 to index
      %swap3A_732 = tpu.vector_load %arg9[%swap3A_729, %swap3A_730, %swap3A_731] {strides = array<i32>} : memref<2x8x1024xi32, #tpu.memory_space<vmem>>, vector<16xi32>,
      tpu.vector_store %arg9[%swap3A_729, %swap3A_730, %swap3A_731], %gather3A_724 {strides = array<i32>} : memref<2x8x1024xi32, #tpu.memory_space<vmem>>, vector<16xi32>,
      %gather3A_733 = arith.constant 4 : i32
      %gather3A_734 = arith.constant 0 : i32
      %gather3A_735 = tpu.memref_slice %arg8[%gather3A_733, %gather3A_734] : memref<8x10000xi32, #tpu.memory_space<vmem>> -> memref<1x10000xi32, #tpu.memory_space<vmem>>
      %gather3A_736 = tpu.memref_squeeze %gather3A_735 : memref<1x10000xi32, #tpu.memory_space<vmem>> -> memref<10000xi32, #tpu.memory_space<vmem>>
      %gather3A_737 = tpu.vector_load_idx %gather3A_736[%get3A_682] : memref<10000xi32, #tpu.memory_space<vmem>>[vector<16xi32>], vector<16xi32>,
      %mul3A_738 = arith.constant 16 : i32
      %mul3A_739 = arith.muli %scan3A_676, %mul3A_738 : i32
      %swap3A_740 = arith.constant 0 : i32
      %swap3A_741 = arith.constant 4 : i32
      %swap3A_742 = arith.index_cast %swap3A_740 : i32 to index
      %swap3A_743 = arith.index_cast %swap3A_741 : i32 to index
      %swap3A_744 = arith.index_cast %mul3A_739 : i32 to index
      %swap3A_745 = tpu.vector_load %arg9[%swap3A_742, %swap3A_743, %swap3A_744] {strides = array<i32>} : memref<2x8x1024xi32, #tpu.memory_space<vmem>>, vector<16xi32>,
      tpu.vector_store %arg9[%swap3A_742, %swap3A_743, %swap3A_744], %gather3A_737 {strides = array<i32>} : memref<2x8x1024xi32, #tpu.memory_space<vmem>>, vector<16xi32>,
      %gather3A_746 = arith.constant 5 : i32
      %gather3A_747 = arith.constant 0 : i32
      %gather3A_748 = tpu.memref_slice %arg8[%gather3A_746, %gather3A_747] : memref<8x10000xi32, #tpu.memory_space<vmem>> -> memref<1x10000xi32, #tpu.memory_space<vmem>>
      %gather3A_749 = tpu.memref_squeeze %gather3A_748 : memref<1x10000xi32, #tpu.memory_space<vmem>> -> memref<10000xi32, #tpu.memory_space<vmem>>
      %gather3A_750 = tpu.vector_load_idx %gather3A_749[%get3A_682] : memref<10000xi32, #tpu.memory_space<vmem>>[vector<16xi32>], vector<16xi32>,
      %mul3A_751 = arith.constant 16 : i32
      %mul3A_752 = arith.muli %scan3A_676, %mul3A_751 : i32
      %swap3A_753 = arith.constant 0 : i32
      %swap3A_754 = arith.constant 5 : i32
      %swap3A_755 = arith.index_cast %swap3A_753 : i32 to index
      %swap3A_756 = arith.index_cast %swap3A_754 : i32 to index
      %swap3A_757 = arith.index_cast %mul3A_752 : i32 to index
      %swap3A_758 = tpu.vector_load %arg9[%swap3A_755, %swap3A_756, %swap3A_757] {strides = array<i32>} : memref<2x8x1024xi32, #tpu.memory_space<vmem>>, vector<16xi32>,
      tpu.vector_store %arg9[%swap3A_755, %swap3A_756, %swap3A_757], %gather3A_750 {strides = array<i32>} : memref<2x8x1024xi32, #tpu.memory_space<vmem>>, vector<16xi32>,
      %gather3A_759 = arith.constant 6 : i32
      %gather3A_760 = arith.constant 0 : i32
      %gather3A_761 = tpu.memref_slice %arg8[%gather3A_759, %gather3A_760] : memref<8x10000xi32, #tpu.memory_space<vmem>> -> memref<1x10000xi32, #tpu.memory_space<vmem>>
      %gather3A_762 = tpu.memref_squeeze %gather3A_761 : memref<1x10000xi32, #tpu.memory_space<vmem>> -> memref<10000xi32, #tpu.memory_space<vmem>>
      %gather3A_763 = tpu.vector_load_idx %gather3A_762[%get3A_682] : memref<10000xi32, #tpu.memory_space<vmem>>[vector<16xi32>], vector<16xi32>,
      %mul3A_764 = arith.constant 16 : i32
      %mul3A_765 = arith.muli %scan3A_676, %mul3A_764 : i32
      %swap3A_766 = arith.constant 0 : i32
      %swap3A_767 = arith.constant 6 : i32
      %swap3A_768 = arith.index_cast %swap3A_766 : i32 to index
      %swap3A_769 = arith.index_cast %swap3A_767 : i32 to index
      %swap3A_770 = arith.index_cast %mul3A_765 : i32 to index
      %swap3A_771 = tpu.vector_load %arg9[%swap3A_768, %swap3A_769, %swap3A_770] {strides = array<i32>} : memref<2x8x1024xi32, #tpu.memory_space<vmem>>, vector<16xi32>,
      tpu.vector_store %arg9[%swap3A_768, %swap3A_769, %swap3A_770], %gather3A_763 {strides = array<i32>} : memref<2x8x1024xi32, #tpu.memory_space<vmem>>, vector<16xi32>,
      %gather3A_772 = arith.constant 7 : i32
      %gather3A_773 = arith.constant 0 : i32
      %gather3A_774 = tpu.memref_slice %arg8[%gather3A_772, %gather3A_773] : memref<8x10000xi32, #tpu.memory_space<vmem>> -> memref<1x10000xi32, #tpu.memory_space<vmem>>
      %gather3A_775 = tpu.memref_squeeze %gather3A_774 : memref<1x10000xi32, #tpu.memory_space<vmem>> -> memref<10000xi32, #tpu.memory_space<vmem>>
      %gather3A_776 = tpu.vector_load_idx %gather3A_775[%get3A_682] : memref<10000xi32, #tpu.memory_space<vmem>>[vector<16xi32>], vector<16xi32>,
      %mul3A_777 = arith.constant 16 : i32
      %mul3A_778 = arith.muli %scan3A_676, %mul3A_777 : i32
      %swap3A_779 = arith.constant 0 : i32
      %swap3A_780 = arith.constant 7 : i32
      %swap3A_781 = arith.index_cast %swap3A_779 : i32 to index
      %swap3A_782 = arith.index_cast %swap3A_780 : i32 to index
      %swap3A_783 = arith.index_cast %mul3A_778 : i32 to index
      %swap3A_784 = tpu.vector_load %arg9[%swap3A_781, %swap3A_782, %swap3A_783] {strides = array<i32>} : memref<2x8x1024xi32, #tpu.memory_space<vmem>>, vector<16xi32>,
      tpu.vector_store %arg9[%swap3A_781, %swap3A_782, %swap3A_783], %gather3A_776 {strides = array<i32>} : memref<2x8x1024xi32, #tpu.memory_space<vmem>>, vector<16xi32>,
      %scan3A_785 = arith.constant 0 : i32
      scf.yield %scan3A_785 : i32
    }
    %scan3A_471 = arith.constant 64 : i32
    %dma_start3A_472 = arith.constant 0 : i32
    %dma_start3A_473 = arith.constant 0 : i32
    %dma_start3A_474 = arith.constant 0 : i32
    %dma_start3A_475 = tpu.memref_slice %arg9[%dma_start3A_472, %dma_start3A_473, %dma_start3A_474] : memref<2x8x1024xi32, #tpu.memory_space<vmem>> -> memref<1x8x1024xi32, #tpu.memory_space<vmem>>
    %dma_start3A_476 = tpu.memref_squeeze %dma_start3A_475 : memref<1x8x1024xi32, #tpu.memory_space<vmem>> -> memref<8x1024xi32, #tpu.memory_space<vmem>>
    %dma_start3A_477 = arith.constant 4096 : i32
    %dma_start3A_478 = tpu.memref_slice %arg6[%mul3A_2, %dma_start3A_477] : memref<256x10000xi32, #tpu.memory_space<hbm>> -> memref<8x1024xi32, #tpu.memory_space<hbm>>
    %dma_start3A_479 = arith.constant 4096 : i32
    %dma_start3A_480 = tpu.memref_slice %arg6[%mul3A_2, %dma_start3A_479] : memref<256x10000xi32, #tpu.memory_space<hbm>> -> memref<8x1024xi32, #tpu.memory_space<hbm>>
    %dma_start3A_481 = arith.constant 0 : i32
    %dma_start3A_482 = arith.constant 0 : i32
    %dma_start3A_483 = tpu.memref_slice %arg9[%dma_start3A_472, %dma_start3A_481, %dma_start3A_482] : memref<2x8x1024xi32, #tpu.memory_space<vmem>> -> memref<1x8x1024xi32, #tpu.memory_space<vmem>>
    %dma_start3A_484 = tpu.memref_squeeze %dma_start3A_483 : memref<1x8x1024xi32, #tpu.memory_space<vmem>> -> memref<8x1024xi32, #tpu.memory_space<vmem>>
    tpu.enqueue_dma source(%dma_start3A_484 : memref<8x1024xi32, #tpu.memory_space<vmem>>) target(%dma_start3A_480 : memref<8x1024xi32, #tpu.memory_space<hbm>>) target_semaphore(%arg11 : memref<!tpu.dma_semaphore, #tpu.memory_space<semaphore_mem>>)
    %dma_wait3A_485 = arith.constant 1 : i32
    %dma_wait3A_486 = arith.constant 0 : i32
    %dma_wait3A_487 = arith.constant 0 : i32
    %dma_wait3A_488 = tpu.memref_slice %arg9[%dma_wait3A_485, %dma_wait3A_486, %dma_wait3A_487] : memref<2x8x1024xi32, #tpu.memory_space<vmem>> -> memref<1x8x1024xi32, #tpu.memory_space<vmem>>
    %dma_wait3A_489 = tpu.memref_squeeze %dma_wait3A_488 : memref<1x8x1024xi32, #tpu.memory_space<vmem>> -> memref<8x1024xi32, #tpu.memory_space<vmem>>
    %dma_wait3A_490 = arith.constant 3072 : i32
    %dma_wait3A_491 = tpu.memref_slice %arg6[%mul3A_2, %dma_wait3A_490] : memref<256x10000xi32, #tpu.memory_space<hbm>> -> memref<8x1024xi32, #tpu.memory_space<hbm>>
    %dma_wait3A_492 = arith.constant 3072 : i32
    %dma_wait3A_493 = tpu.memref_slice %arg6[%mul3A_2, %dma_wait3A_492] : memref<256x10000xi32, #tpu.memory_space<hbm>> -> memref<8x1024xi32, #tpu.memory_space<hbm>>
    %dma_wait3A_494 = arith.constant 0 : i32
    %dma_wait3A_495 = arith.constant 0 : i32
    %dma_wait3A_496 = tpu.memref_slice %arg9[%dma_wait3A_485, %dma_wait3A_494, %dma_wait3A_495] : memref<2x8x1024xi32, #tpu.memory_space<vmem>> -> memref<1x8x1024xi32, #tpu.memory_space<vmem>>
    %dma_wait3A_497 = tpu.memref_squeeze %dma_wait3A_496 : memref<1x8x1024xi32, #tpu.memory_space<vmem>> -> memref<8x1024xi32, #tpu.memory_space<vmem>>
    tpu.wait_dma2 semaphore(%arg12 : memref<!tpu.dma_semaphore, #tpu.memory_space<semaphore_mem>>) src(%dma_wait3A_497 : memref<8x1024xi32, #tpu.memory_space<vmem>>) dst(%dma_wait3A_493 : memref<8x1024xi32, #tpu.memory_space<hbm>>)
    %scan3A_498 = arith.constant 0 : i32
    %scan3A_499 = arith.constant 0 : i32
    %scan3A_500 = arith.constant 64 : i32
    %scan3A_501 = arith.addi %scan3A_499, %scan3A_500 : i32
    %scan3A_502 = arith.constant 1 : i32
    %scan3A_503 = scf.for %scan3A_676 = %scan3A_499 to %scan3A_501 step %scan3A_502 iter_args(%scan3A_677 = %scan3A_498) -> (i32)  : i32 {
      %mul3A_678 = arith.constant 16 : i32
      %mul3A_679 = arith.muli %scan3A_676, %mul3A_678 : i32
      %add3A_680 = arith.constant 5120 : i32
      %add3A_681 = arith.addi %add3A_680, %mul3A_679 : i32
      %get3A = arith.index_cast %add3A_681 : i32 to index
      %get3A_682 = tpu.vector_load %arg7[%get3A] {strides = array<i32>} : memref<10000xi32, #tpu.memory_space<vmem>>, vector<16xi32>,
      %gather3A = arith.constant 0 : i32
      %gather3A_683 = arith.constant 0 : i32
      %gather3A_684 = tpu.memref_slice %arg8[%gather3A, %gather3A_683] : memref<8x10000xi32, #tpu.memory_space<vmem>> -> memref<1x10000xi32, #tpu.memory_space<vmem>>
      %gather3A_685 = tpu.memref_squeeze %gather3A_684 : memref<1x10000xi32, #tpu.memory_space<vmem>> -> memref<10000xi32, #tpu.memory_space<vmem>>
      %gather3A_686 = tpu.vector_load_idx %gather3A_685[%get3A_682] : memref<10000xi32, #tpu.memory_space<vmem>>[vector<16xi32>], vector<16xi32>,
      %mul3A_687 = arith.constant 16 : i32
      %mul3A_688 = arith.muli %scan3A_676, %mul3A_687 : i32
      %swap3A = arith.constant 1 : i32
      %swap3A_689 = arith.constant 0 : i32
      %swap3A_690 = arith.index_cast %swap3A : i32 to index
      %swap3A_691 = arith.index_cast %swap3A_689 : i32 to index
      %swap3A_692 = arith.index_cast %mul3A_688 : i32 to index
      %swap3A_693 = tpu.vector_load %arg9[%swap3A_690, %swap3A_691, %swap3A_692] {strides = array<i32>} : memref<2x8x1024xi32, #tpu.memory_space<vmem>>, vector<16xi32>,
      tpu.vector_store %arg9[%swap3A_690, %swap3A_691, %swap3A_692], %gather3A_686 {strides = array<i32>} : memref<2x8x1024xi32, #tpu.memory_space<vmem>>, vector<16xi32>,
      %gather3A_694 = arith.constant 1 : i32
      %gather3A_695 = arith.constant 0 : i32
      %gather3A_696 = tpu.memref_slice %arg8[%gather3A_694, %gather3A_695] : memref<8x10000xi32, #tpu.memory_space<vmem>> -> memref<1x10000xi32, #tpu.memory_space<vmem>>
      %gather3A_697 = tpu.memref_squeeze %gather3A_696 : memref<1x10000xi32, #tpu.memory_space<vmem>> -> memref<10000xi32, #tpu.memory_space<vmem>>
      %gather3A_698 = tpu.vector_load_idx %gather3A_697[%get3A_682] : memref<10000xi32, #tpu.memory_space<vmem>>[vector<16xi32>], vector<16xi32>,
      %mul3A_699 = arith.constant 16 : i32
      %mul3A_700 = arith.muli %scan3A_676, %mul3A_699 : i32
      %swap3A_701 = arith.constant 1 : i32
      %swap3A_702 = arith.constant 1 : i32
      %swap3A_703 = arith.index_cast %swap3A_701 : i32 to index
      %swap3A_704 = arith.index_cast %swap3A_702 : i32 to index
      %swap3A_705 = arith.index_cast %mul3A_700 : i32 to index
      %swap3A_706 = tpu.vector_load %arg9[%swap3A_703, %swap3A_704, %swap3A_705] {strides = array<i32>} : memref<2x8x1024xi32, #tpu.memory_space<vmem>>, vector<16xi32>,
      tpu.vector_store %arg9[%swap3A_703, %swap3A_704, %swap3A_705], %gather3A_698 {strides = array<i32>} : memref<2x8x1024xi32, #tpu.memory_space<vmem>>, vector<16xi32>,
      %gather3A_707 = arith.constant 2 : i32
      %gather3A_708 = arith.constant 0 : i32
      %gather3A_709 = tpu.memref_slice %arg8[%gather3A_707, %gather3A_708] : memref<8x10000xi32, #tpu.memory_space<vmem>> -> memref<1x10000xi32, #tpu.memory_space<vmem>>
      %gather3A_710 = tpu.memref_squeeze %gather3A_709 : memref<1x10000xi32, #tpu.memory_space<vmem>> -> memref<10000xi32, #tpu.memory_space<vmem>>
      %gather3A_711 = tpu.vector_load_idx %gather3A_710[%get3A_682] : memref<10000xi32, #tpu.memory_space<vmem>>[vector<16xi32>], vector<16xi32>,
      %mul3A_712 = arith.constant 16 : i32
      %mul3A_713 = arith.muli %scan3A_676, %mul3A_712 : i32
      %swap3A_714 = arith.constant 1 : i32
      %swap3A_715 = arith.constant 2 : i32
      %swap3A_716 = arith.index_cast %swap3A_714 : i32 to index
      %swap3A_717 = arith.index_cast %swap3A_715 : i32 to index
      %swap3A_718 = arith.index_cast %mul3A_713 : i32 to index
      %swap3A_719 = tpu.vector_load %arg9[%swap3A_716, %swap3A_717, %swap3A_718] {strides = array<i32>} : memref<2x8x1024xi32, #tpu.memory_space<vmem>>, vector<16xi32>,
      tpu.vector_store %arg9[%swap3A_716, %swap3A_717, %swap3A_718], %gather3A_711 {strides = array<i32>} : memref<2x8x1024xi32, #tpu.memory_space<vmem>>, vector<16xi32>,
      %gather3A_720 = arith.constant 3 : i32
      %gather3A_721 = arith.constant 0 : i32
      %gather3A_722 = tpu.memref_slice %arg8[%gather3A_720, %gather3A_721] : memref<8x10000xi32, #tpu.memory_space<vmem>> -> memref<1x10000xi32, #tpu.memory_space<vmem>>
      %gather3A_723 = tpu.memref_squeeze %gather3A_722 : memref<1x10000xi32, #tpu.memory_space<vmem>> -> memref<10000xi32, #tpu.memory_space<vmem>>
      %gather3A_724 = tpu.vector_load_idx %gather3A_723[%get3A_682] : memref<10000xi32, #tpu.memory_space<vmem>>[vector<16xi32>], vector<16xi32>,
      %mul3A_725 = arith.constant 16 : i32
      %mul3A_726 = arith.muli %scan3A_676, %mul3A_725 : i32
      %swap3A_727 = arith.constant 1 : i32
      %swap3A_728 = arith.constant 3 : i32
      %swap3A_729 = arith.index_cast %swap3A_727 : i32 to index
      %swap3A_730 = arith.index_cast %swap3A_728 : i32 to index
      %swap3A_731 = arith.index_cast %mul3A_726 : i32 to index
      %swap3A_732 = tpu.vector_load %arg9[%swap3A_729, %swap3A_730, %swap3A_731] {strides = array<i32>} : memref<2x8x1024xi32, #tpu.memory_space<vmem>>, vector<16xi32>,
      tpu.vector_store %arg9[%swap3A_729, %swap3A_730, %swap3A_731], %gather3A_724 {strides = array<i32>} : memref<2x8x1024xi32, #tpu.memory_space<vmem>>, vector<16xi32>,
      %gather3A_733 = arith.constant 4 : i32
      %gather3A_734 = arith.constant 0 : i32
      %gather3A_735 = tpu.memref_slice %arg8[%gather3A_733, %gather3A_734] : memref<8x10000xi32, #tpu.memory_space<vmem>> -> memref<1x10000xi32, #tpu.memory_space<vmem>>
      %gather3A_736 = tpu.memref_squeeze %gather3A_735 : memref<1x10000xi32, #tpu.memory_space<vmem>> -> memref<10000xi32, #tpu.memory_space<vmem>>
      %gather3A_737 = tpu.vector_load_idx %gather3A_736[%get3A_682] : memref<10000xi32, #tpu.memory_space<vmem>>[vector<16xi32>], vector<16xi32>,
      %mul3A_738 = arith.constant 16 : i32
      %mul3A_739 = arith.muli %scan3A_676, %mul3A_738 : i32
      %swap3A_740 = arith.constant 1 : i32
      %swap3A_741 = arith.constant 4 : i32
      %swap3A_742 = arith.index_cast %swap3A_740 : i32 to index
      %swap3A_743 = arith.index_cast %swap3A_741 : i32 to index
      %swap3A_744 = arith.index_cast %mul3A_739 : i32 to index
      %swap3A_745 = tpu.vector_load %arg9[%swap3A_742, %swap3A_743, %swap3A_744] {strides = array<i32>} : memref<2x8x1024xi32, #tpu.memory_space<vmem>>, vector<16xi32>,
      tpu.vector_store %arg9[%swap3A_742, %swap3A_743, %swap3A_744], %gather3A_737 {strides = array<i32>} : memref<2x8x1024xi32, #tpu.memory_space<vmem>>, vector<16xi32>,
      %gather3A_746 = arith.constant 5 : i32
      %gather3A_747 = arith.constant 0 : i32
      %gather3A_748 = tpu.memref_slice %arg8[%gather3A_746, %gather3A_747] : memref<8x10000xi32, #tpu.memory_space<vmem>> -> memref<1x10000xi32, #tpu.memory_space<vmem>>
      %gather3A_749 = tpu.memref_squeeze %gather3A_748 : memref<1x10000xi32, #tpu.memory_space<vmem>> -> memref<10000xi32, #tpu.memory_space<vmem>>
      %gather3A_750 = tpu.vector_load_idx %gather3A_749[%get3A_682] : memref<10000xi32, #tpu.memory_space<vmem>>[vector<16xi32>], vector<16xi32>,
      %mul3A_751 = arith.constant 16 : i32
      %mul3A_752 = arith.muli %scan3A_676, %mul3A_751 : i32
      %swap3A_753 = arith.constant 1 : i32
      %swap3A_754 = arith.constant 5 : i32
      %swap3A_755 = arith.index_cast %swap3A_753 : i32 to index
      %swap3A_756 = arith.index_cast %swap3A_754 : i32 to index
      %swap3A_757 = arith.index_cast %mul3A_752 : i32 to index
      %swap3A_758 = tpu.vector_load %arg9[%swap3A_755, %swap3A_756, %swap3A_757] {strides = array<i32>} : memref<2x8x1024xi32, #tpu.memory_space<vmem>>, vector<16xi32>,
      tpu.vector_store %arg9[%swap3A_755, %swap3A_756, %swap3A_757], %gather3A_750 {strides = array<i32>} : memref<2x8x1024xi32, #tpu.memory_space<vmem>>, vector<16xi32>,
      %gather3A_759 = arith.constant 6 : i32
      %gather3A_760 = arith.constant 0 : i32
      %gather3A_761 = tpu.memref_slice %arg8[%gather3A_759, %gather3A_760] : memref<8x10000xi32, #tpu.memory_space<vmem>> -> memref<1x10000xi32, #tpu.memory_space<vmem>>
      %gather3A_762 = tpu.memref_squeeze %gather3A_761 : memref<1x10000xi32, #tpu.memory_space<vmem>> -> memref<10000xi32, #tpu.memory_space<vmem>>
      %gather3A_763 = tpu.vector_load_idx %gather3A_762[%get3A_682] : memref<10000xi32, #tpu.memory_space<vmem>>[vector<16xi32>], vector<16xi32>,
      %mul3A_764 = arith.constant 16 : i32
      %mul3A_765 = arith.muli %scan3A_676, %mul3A_764 : i32
      %swap3A_766 = arith.constant 1 : i32
      %swap3A_767 = arith.constant 6 : i32
      %swap3A_768 = arith.index_cast %swap3A_766 : i32 to index
      %swap3A_769 = arith.index_cast %swap3A_767 : i32 to index
      %swap3A_770 = arith.index_cast %mul3A_765 : i32 to index
      %swap3A_771 = tpu.vector_load %arg9[%swap3A_768, %swap3A_769, %swap3A_770] {strides = array<i32>} : memref<2x8x1024xi32, #tpu.memory_space<vmem>>, vector<16xi32>,
      tpu.vector_store %arg9[%swap3A_768, %swap3A_769, %swap3A_770], %gather3A_763 {strides = array<i32>} : memref<2x8x1024xi32, #tpu.memory_space<vmem>>, vector<16xi32>,
      %gather3A_772 = arith.constant 7 : i32
      %gather3A_773 = arith.constant 0 : i32
      %gather3A_774 = tpu.memref_slice %arg8[%gather3A_772, %gather3A_773] : memref<8x10000xi32, #tpu.memory_space<vmem>> -> memref<1x10000xi32, #tpu.memory_space<vmem>>
      %gather3A_775 = tpu.memref_squeeze %gather3A_774 : memref<1x10000xi32, #tpu.memory_space<vmem>> -> memref<10000xi32, #tpu.memory_space<vmem>>
      %gather3A_776 = tpu.vector_load_idx %gather3A_775[%get3A_682] : memref<10000xi32, #tpu.memory_space<vmem>>[vector<16xi32>], vector<16xi32>,
      %mul3A_777 = arith.constant 16 : i32
      %mul3A_778 = arith.muli %scan3A_676, %mul3A_777 : i32
      %swap3A_779 = arith.constant 1 : i32
      %swap3A_780 = arith.constant 7 : i32
      %swap3A_781 = arith.index_cast %swap3A_779 : i32 to index
      %swap3A_782 = arith.index_cast %swap3A_780 : i32 to index
      %swap3A_783 = arith.index_cast %mul3A_778 : i32 to index
      %swap3A_784 = tpu.vector_load %arg9[%swap3A_781, %swap3A_782, %swap3A_783] {strides = array<i32>} : memref<2x8x1024xi32, #tpu.memory_space<vmem>>, vector<16xi32>,
      tpu.vector_store %arg9[%swap3A_781, %swap3A_782, %swap3A_783], %gather3A_776 {strides = array<i32>} : memref<2x8x1024xi32, #tpu.memory_space<vmem>>, vector<16xi32>,
      %scan3A_785 = arith.constant 0 : i32
      scf.yield %scan3A_785 : i32
    }
    %scan3A_504 = arith.constant 64 : i32
    %dma_start3A_505 = arith.constant 1 : i32
    %dma_start3A_506 = arith.constant 0 : i32
    %dma_start3A_507 = arith.constant 0 : i32
    %dma_start3A_508 = tpu.memref_slice %arg9[%dma_start3A_505, %dma_start3A_506, %dma_start3A_507] : memref<2x8x1024xi32, #tpu.memory_space<vmem>> -> memref<1x8x1024xi32, #tpu.memory_space<vmem>>
    %dma_start3A_509 = tpu.memref_squeeze %dma_start3A_508 : memref<1x8x1024xi32, #tpu.memory_space<vmem>> -> memref<8x1024xi32, #tpu.memory_space<vmem>>
    %dma_start3A_510 = arith.constant 5120 : i32
    %dma_start3A_511 = tpu.memref_slice %arg6[%mul3A_2, %dma_start3A_510] : memref<256x10000xi32, #tpu.memory_space<hbm>> -> memref<8x1024xi32, #tpu.memory_space<hbm>>
    %dma_start3A_512 = arith.constant 5120 : i32
    %dma_start3A_513 = tpu.memref_slice %arg6[%mul3A_2, %dma_start3A_512] : memref<256x10000xi32, #tpu.memory_space<hbm>> -> memref<8x1024xi32, #tpu.memory_space<hbm>>
    %dma_start3A_514 = arith.constant 0 : i32
    %dma_start3A_515 = arith.constant 0 : i32
    %dma_start3A_516 = tpu.memref_slice %arg9[%dma_start3A_505, %dma_start3A_514, %dma_start3A_515] : memref<2x8x1024xi32, #tpu.memory_space<vmem>> -> memref<1x8x1024xi32, #tpu.memory_space<vmem>>
    %dma_start3A_517 = tpu.memref_squeeze %dma_start3A_516 : memref<1x8x1024xi32, #tpu.memory_space<vmem>> -> memref<8x1024xi32, #tpu.memory_space<vmem>>
    tpu.enqueue_dma source(%dma_start3A_517 : memref<8x1024xi32, #tpu.memory_space<vmem>>) target(%dma_start3A_513 : memref<8x1024xi32, #tpu.memory_space<hbm>>) target_semaphore(%arg12 : memref<!tpu.dma_semaphore, #tpu.memory_space<semaphore_mem>>)
    %dma_wait3A_518 = arith.constant 0 : i32
    %dma_wait3A_519 = arith.constant 0 : i32
    %dma_wait3A_520 = arith.constant 0 : i32
    %dma_wait3A_521 = tpu.memref_slice %arg9[%dma_wait3A_518, %dma_wait3A_519, %dma_wait3A_520] : memref<2x8x1024xi32, #tpu.memory_space<vmem>> -> memref<1x8x1024xi32, #tpu.memory_space<vmem>>
    %dma_wait3A_522 = tpu.memref_squeeze %dma_wait3A_521 : memref<1x8x1024xi32, #tpu.memory_space<vmem>> -> memref<8x1024xi32, #tpu.memory_space<vmem>>
    %dma_wait3A_523 = arith.constant 4096 : i32
    %dma_wait3A_524 = tpu.memref_slice %arg6[%mul3A_2, %dma_wait3A_523] : memref<256x10000xi32, #tpu.memory_space<hbm>> -> memref<8x1024xi32, #tpu.memory_space<hbm>>
    %dma_wait3A_525 = arith.constant 4096 : i32
    %dma_wait3A_526 = tpu.memref_slice %arg6[%mul3A_2, %dma_wait3A_525] : memref<256x10000xi32, #tpu.memory_space<hbm>> -> memref<8x1024xi32, #tpu.memory_space<hbm>>
    %dma_wait3A_527 = arith.constant 0 : i32
    %dma_wait3A_528 = arith.constant 0 : i32
    %dma_wait3A_529 = tpu.memref_slice %arg9[%dma_wait3A_518, %dma_wait3A_527, %dma_wait3A_528] : memref<2x8x1024xi32, #tpu.memory_space<vmem>> -> memref<1x8x1024xi32, #tpu.memory_space<vmem>>
    %dma_wait3A_530 = tpu.memref_squeeze %dma_wait3A_529 : memref<1x8x1024xi32, #tpu.memory_space<vmem>> -> memref<8x1024xi32, #tpu.memory_space<vmem>>
    tpu.wait_dma2 semaphore(%arg11 : memref<!tpu.dma_semaphore, #tpu.memory_space<semaphore_mem>>) src(%dma_wait3A_530 : memref<8x1024xi32, #tpu.memory_space<vmem>>) dst(%dma_wait3A_526 : memref<8x1024xi32, #tpu.memory_space<hbm>>)
    %scan3A_531 = arith.constant 0 : i32
    %scan3A_532 = arith.constant 0 : i32
    %scan3A_533 = arith.constant 64 : i32
    %scan3A_534 = arith.addi %scan3A_532, %scan3A_533 : i32
    %scan3A_535 = arith.constant 1 : i32
    %scan3A_536 = scf.for %scan3A_676 = %scan3A_532 to %scan3A_534 step %scan3A_535 iter_args(%scan3A_677 = %scan3A_531) -> (i32)  : i32 {
      %mul3A_678 = arith.constant 16 : i32
      %mul3A_679 = arith.muli %scan3A_676, %mul3A_678 : i32
      %add3A_680 = arith.constant 6144 : i32
      %add3A_681 = arith.addi %add3A_680, %mul3A_679 : i32
      %get3A = arith.index_cast %add3A_681 : i32 to index
      %get3A_682 = tpu.vector_load %arg7[%get3A] {strides = array<i32>} : memref<10000xi32, #tpu.memory_space<vmem>>, vector<16xi32>,
      %gather3A = arith.constant 0 : i32
      %gather3A_683 = arith.constant 0 : i32
      %gather3A_684 = tpu.memref_slice %arg8[%gather3A, %gather3A_683] : memref<8x10000xi32, #tpu.memory_space<vmem>> -> memref<1x10000xi32, #tpu.memory_space<vmem>>
      %gather3A_685 = tpu.memref_squeeze %gather3A_684 : memref<1x10000xi32, #tpu.memory_space<vmem>> -> memref<10000xi32, #tpu.memory_space<vmem>>
      %gather3A_686 = tpu.vector_load_idx %gather3A_685[%get3A_682] : memref<10000xi32, #tpu.memory_space<vmem>>[vector<16xi32>], vector<16xi32>,
      %mul3A_687 = arith.constant 16 : i32
      %mul3A_688 = arith.muli %scan3A_676, %mul3A_687 : i32
      %swap3A = arith.constant 0 : i32
      %swap3A_689 = arith.constant 0 : i32
      %swap3A_690 = arith.index_cast %swap3A : i32 to index
      %swap3A_691 = arith.index_cast %swap3A_689 : i32 to index
      %swap3A_692 = arith.index_cast %mul3A_688 : i32 to index
      %swap3A_693 = tpu.vector_load %arg9[%swap3A_690, %swap3A_691, %swap3A_692] {strides = array<i32>} : memref<2x8x1024xi32, #tpu.memory_space<vmem>>, vector<16xi32>,
      tpu.vector_store %arg9[%swap3A_690, %swap3A_691, %swap3A_692], %gather3A_686 {strides = array<i32>} : memref<2x8x1024xi32, #tpu.memory_space<vmem>>, vector<16xi32>,
      %gather3A_694 = arith.constant 1 : i32
      %gather3A_695 = arith.constant 0 : i32
      %gather3A_696 = tpu.memref_slice %arg8[%gather3A_694, %gather3A_695] : memref<8x10000xi32, #tpu.memory_space<vmem>> -> memref<1x10000xi32, #tpu.memory_space<vmem>>
      %gather3A_697 = tpu.memref_squeeze %gather3A_696 : memref<1x10000xi32, #tpu.memory_space<vmem>> -> memref<10000xi32, #tpu.memory_space<vmem>>
      %gather3A_698 = tpu.vector_load_idx %gather3A_697[%get3A_682] : memref<10000xi32, #tpu.memory_space<vmem>>[vector<16xi32>], vector<16xi32>,
      %mul3A_699 = arith.constant 16 : i32
      %mul3A_700 = arith.muli %scan3A_676, %mul3A_699 : i32
      %swap3A_701 = arith.constant 0 : i32
      %swap3A_702 = arith.constant 1 : i32
      %swap3A_703 = arith.index_cast %swap3A_701 : i32 to index
      %swap3A_704 = arith.index_cast %swap3A_702 : i32 to index
      %swap3A_705 = arith.index_cast %mul3A_700 : i32 to index
      %swap3A_706 = tpu.vector_load %arg9[%swap3A_703, %swap3A_704, %swap3A_705] {strides = array<i32>} : memref<2x8x1024xi32, #tpu.memory_space<vmem>>, vector<16xi32>,
      tpu.vector_store %arg9[%swap3A_703, %swap3A_704, %swap3A_705], %gather3A_698 {strides = array<i32>} : memref<2x8x1024xi32, #tpu.memory_space<vmem>>, vector<16xi32>,
      %gather3A_707 = arith.constant 2 : i32
      %gather3A_708 = arith.constant 0 : i32
      %gather3A_709 = tpu.memref_slice %arg8[%gather3A_707, %gather3A_708] : memref<8x10000xi32, #tpu.memory_space<vmem>> -> memref<1x10000xi32, #tpu.memory_space<vmem>>
      %gather3A_710 = tpu.memref_squeeze %gather3A_709 : memref<1x10000xi32, #tpu.memory_space<vmem>> -> memref<10000xi32, #tpu.memory_space<vmem>>
      %gather3A_711 = tpu.vector_load_idx %gather3A_710[%get3A_682] : memref<10000xi32, #tpu.memory_space<vmem>>[vector<16xi32>], vector<16xi32>,
      %mul3A_712 = arith.constant 16 : i32
      %mul3A_713 = arith.muli %scan3A_676, %mul3A_712 : i32
      %swap3A_714 = arith.constant 0 : i32
      %swap3A_715 = arith.constant 2 : i32
      %swap3A_716 = arith.index_cast %swap3A_714 : i32 to index
      %swap3A_717 = arith.index_cast %swap3A_715 : i32 to index
      %swap3A_718 = arith.index_cast %mul3A_713 : i32 to index
      %swap3A_719 = tpu.vector_load %arg9[%swap3A_716, %swap3A_717, %swap3A_718] {strides = array<i32>} : memref<2x8x1024xi32, #tpu.memory_space<vmem>>, vector<16xi32>,
      tpu.vector_store %arg9[%swap3A_716, %swap3A_717, %swap3A_718], %gather3A_711 {strides = array<i32>} : memref<2x8x1024xi32, #tpu.memory_space<vmem>>, vector<16xi32>,
      %gather3A_720 = arith.constant 3 : i32
      %gather3A_721 = arith.constant 0 : i32
      %gather3A_722 = tpu.memref_slice %arg8[%gather3A_720, %gather3A_721] : memref<8x10000xi32, #tpu.memory_space<vmem>> -> memref<1x10000xi32, #tpu.memory_space<vmem>>
      %gather3A_723 = tpu.memref_squeeze %gather3A_722 : memref<1x10000xi32, #tpu.memory_space<vmem>> -> memref<10000xi32, #tpu.memory_space<vmem>>
      %gather3A_724 = tpu.vector_load_idx %gather3A_723[%get3A_682] : memref<10000xi32, #tpu.memory_space<vmem>>[vector<16xi32>], vector<16xi32>,
      %mul3A_725 = arith.constant 16 : i32
      %mul3A_726 = arith.muli %scan3A_676, %mul3A_725 : i32
      %swap3A_727 = arith.constant 0 : i32
      %swap3A_728 = arith.constant 3 : i32
      %swap3A_729 = arith.index_cast %swap3A_727 : i32 to index
      %swap3A_730 = arith.index_cast %swap3A_728 : i32 to index
      %swap3A_731 = arith.index_cast %mul3A_726 : i32 to index
      %swap3A_732 = tpu.vector_load %arg9[%swap3A_729, %swap3A_730, %swap3A_731] {strides = array<i32>} : memref<2x8x1024xi32, #tpu.memory_space<vmem>>, vector<16xi32>,
      tpu.vector_store %arg9[%swap3A_729, %swap3A_730, %swap3A_731], %gather3A_724 {strides = array<i32>} : memref<2x8x1024xi32, #tpu.memory_space<vmem>>, vector<16xi32>,
      %gather3A_733 = arith.constant 4 : i32
      %gather3A_734 = arith.constant 0 : i32
      %gather3A_735 = tpu.memref_slice %arg8[%gather3A_733, %gather3A_734] : memref<8x10000xi32, #tpu.memory_space<vmem>> -> memref<1x10000xi32, #tpu.memory_space<vmem>>
      %gather3A_736 = tpu.memref_squeeze %gather3A_735 : memref<1x10000xi32, #tpu.memory_space<vmem>> -> memref<10000xi32, #tpu.memory_space<vmem>>
      %gather3A_737 = tpu.vector_load_idx %gather3A_736[%get3A_682] : memref<10000xi32, #tpu.memory_space<vmem>>[vector<16xi32>], vector<16xi32>,
      %mul3A_738 = arith.constant 16 : i32
      %mul3A_739 = arith.muli %scan3A_676, %mul3A_738 : i32
      %swap3A_740 = arith.constant 0 : i32
      %swap3A_741 = arith.constant 4 : i32
      %swap3A_742 = arith.index_cast %swap3A_740 : i32 to index
      %swap3A_743 = arith.index_cast %swap3A_741 : i32 to index
      %swap3A_744 = arith.index_cast %mul3A_739 : i32 to index
      %swap3A_745 = tpu.vector_load %arg9[%swap3A_742, %swap3A_743, %swap3A_744] {strides = array<i32>} : memref<2x8x1024xi32, #tpu.memory_space<vmem>>, vector<16xi32>,
      tpu.vector_store %arg9[%swap3A_742, %swap3A_743, %swap3A_744], %gather3A_737 {strides = array<i32>} : memref<2x8x1024xi32, #tpu.memory_space<vmem>>, vector<16xi32>,
      %gather3A_746 = arith.constant 5 : i32
      %gather3A_747 = arith.constant 0 : i32
      %gather3A_748 = tpu.memref_slice %arg8[%gather3A_746, %gather3A_747] : memref<8x10000xi32, #tpu.memory_space<vmem>> -> memref<1x10000xi32, #tpu.memory_space<vmem>>
      %gather3A_749 = tpu.memref_squeeze %gather3A_748 : memref<1x10000xi32, #tpu.memory_space<vmem>> -> memref<10000xi32, #tpu.memory_space<vmem>>
      %gather3A_750 = tpu.vector_load_idx %gather3A_749[%get3A_682] : memref<10000xi32, #tpu.memory_space<vmem>>[vector<16xi32>], vector<16xi32>,
      %mul3A_751 = arith.constant 16 : i32
      %mul3A_752 = arith.muli %scan3A_676, %mul3A_751 : i32
      %swap3A_753 = arith.constant 0 : i32
      %swap3A_754 = arith.constant 5 : i32
      %swap3A_755 = arith.index_cast %swap3A_753 : i32 to index
      %swap3A_756 = arith.index_cast %swap3A_754 : i32 to index
      %swap3A_757 = arith.index_cast %mul3A_752 : i32 to index
      %swap3A_758 = tpu.vector_load %arg9[%swap3A_755, %swap3A_756, %swap3A_757] {strides = array<i32>} : memref<2x8x1024xi32, #tpu.memory_space<vmem>>, vector<16xi32>,
      tpu.vector_store %arg9[%swap3A_755, %swap3A_756, %swap3A_757], %gather3A_750 {strides = array<i32>} : memref<2x8x1024xi32, #tpu.memory_space<vmem>>, vector<16xi32>,
      %gather3A_759 = arith.constant 6 : i32
      %gather3A_760 = arith.constant 0 : i32
      %gather3A_761 = tpu.memref_slice %arg8[%gather3A_759, %gather3A_760] : memref<8x10000xi32, #tpu.memory_space<vmem>> -> memref<1x10000xi32, #tpu.memory_space<vmem>>
      %gather3A_762 = tpu.memref_squeeze %gather3A_761 : memref<1x10000xi32, #tpu.memory_space<vmem>> -> memref<10000xi32, #tpu.memory_space<vmem>>
      %gather3A_763 = tpu.vector_load_idx %gather3A_762[%get3A_682] : memref<10000xi32, #tpu.memory_space<vmem>>[vector<16xi32>], vector<16xi32>,
      %mul3A_764 = arith.constant 16 : i32
      %mul3A_765 = arith.muli %scan3A_676, %mul3A_764 : i32
      %swap3A_766 = arith.constant 0 : i32
      %swap3A_767 = arith.constant 6 : i32
      %swap3A_768 = arith.index_cast %swap3A_766 : i32 to index
      %swap3A_769 = arith.index_cast %swap3A_767 : i32 to index
      %swap3A_770 = arith.index_cast %mul3A_765 : i32 to index
      %swap3A_771 = tpu.vector_load %arg9[%swap3A_768, %swap3A_769, %swap3A_770] {strides = array<i32>} : memref<2x8x1024xi32, #tpu.memory_space<vmem>>, vector<16xi32>,
      tpu.vector_store %arg9[%swap3A_768, %swap3A_769, %swap3A_770], %gather3A_763 {strides = array<i32>} : memref<2x8x1024xi32, #tpu.memory_space<vmem>>, vector<16xi32>,
      %gather3A_772 = arith.constant 7 : i32
      %gather3A_773 = arith.constant 0 : i32
      %gather3A_774 = tpu.memref_slice %arg8[%gather3A_772, %gather3A_773] : memref<8x10000xi32, #tpu.memory_space<vmem>> -> memref<1x10000xi32, #tpu.memory_space<vmem>>
      %gather3A_775 = tpu.memref_squeeze %gather3A_774 : memref<1x10000xi32, #tpu.memory_space<vmem>> -> memref<10000xi32, #tpu.memory_space<vmem>>
      %gather3A_776 = tpu.vector_load_idx %gather3A_775[%get3A_682] : memref<10000xi32, #tpu.memory_space<vmem>>[vector<16xi32>], vector<16xi32>,
      %mul3A_777 = arith.constant 16 : i32
      %mul3A_778 = arith.muli %scan3A_676, %mul3A_777 : i32
      %swap3A_779 = arith.constant 0 : i32
      %swap3A_780 = arith.constant 7 : i32
      %swap3A_781 = arith.index_cast %swap3A_779 : i32 to index
      %swap3A_782 = arith.index_cast %swap3A_780 : i32 to index
      %swap3A_783 = arith.index_cast %mul3A_778 : i32 to index
      %swap3A_784 = tpu.vector_load %arg9[%swap3A_781, %swap3A_782, %swap3A_783] {strides = array<i32>} : memref<2x8x1024xi32, #tpu.memory_space<vmem>>, vector<16xi32>,
      tpu.vector_store %arg9[%swap3A_781, %swap3A_782, %swap3A_783], %gather3A_776 {strides = array<i32>} : memref<2x8x1024xi32, #tpu.memory_space<vmem>>, vector<16xi32>,
      %scan3A_785 = arith.constant 0 : i32
      scf.yield %scan3A_785 : i32
    }
    %scan3A_537 = arith.constant 64 : i32
    %dma_start3A_538 = arith.constant 0 : i32
    %dma_start3A_539 = arith.constant 0 : i32
    %dma_start3A_540 = arith.constant 0 : i32
    %dma_start3A_541 = tpu.memref_slice %arg9[%dma_start3A_538, %dma_start3A_539, %dma_start3A_540] : memref<2x8x1024xi32, #tpu.memory_space<vmem>> -> memref<1x8x1024xi32, #tpu.memory_space<vmem>>
    %dma_start3A_542 = tpu.memref_squeeze %dma_start3A_541 : memref<1x8x1024xi32, #tpu.memory_space<vmem>> -> memref<8x1024xi32, #tpu.memory_space<vmem>>
    %dma_start3A_543 = arith.constant 6144 : i32
    %dma_start3A_544 = tpu.memref_slice %arg6[%mul3A_2, %dma_start3A_543] : memref<256x10000xi32, #tpu.memory_space<hbm>> -> memref<8x1024xi32, #tpu.memory_space<hbm>>
    %dma_start3A_545 = arith.constant 6144 : i32
    %dma_start3A_546 = tpu.memref_slice %arg6[%mul3A_2, %dma_start3A_545] : memref<256x10000xi32, #tpu.memory_space<hbm>> -> memref<8x1024xi32, #tpu.memory_space<hbm>>
    %dma_start3A_547 = arith.constant 0 : i32
    %dma_start3A_548 = arith.constant 0 : i32
    %dma_start3A_549 = tpu.memref_slice %arg9[%dma_start3A_538, %dma_start3A_547, %dma_start3A_548] : memref<2x8x1024xi32, #tpu.memory_space<vmem>> -> memref<1x8x1024xi32, #tpu.memory_space<vmem>>
    %dma_start3A_550 = tpu.memref_squeeze %dma_start3A_549 : memref<1x8x1024xi32, #tpu.memory_space<vmem>> -> memref<8x1024xi32, #tpu.memory_space<vmem>>
    tpu.enqueue_dma source(%dma_start3A_550 : memref<8x1024xi32, #tpu.memory_space<vmem>>) target(%dma_start3A_546 : memref<8x1024xi32, #tpu.memory_space<hbm>>) target_semaphore(%arg11 : memref<!tpu.dma_semaphore, #tpu.memory_space<semaphore_mem>>)
    %dma_wait3A_551 = arith.constant 1 : i32
    %dma_wait3A_552 = arith.constant 0 : i32
    %dma_wait3A_553 = arith.constant 0 : i32
    %dma_wait3A_554 = tpu.memref_slice %arg9[%dma_wait3A_551, %dma_wait3A_552, %dma_wait3A_553] : memref<2x8x1024xi32, #tpu.memory_space<vmem>> -> memref<1x8x1024xi32, #tpu.memory_space<vmem>>
    %dma_wait3A_555 = tpu.memref_squeeze %dma_wait3A_554 : memref<1x8x1024xi32, #tpu.memory_space<vmem>> -> memref<8x1024xi32, #tpu.memory_space<vmem>>
    %dma_wait3A_556 = arith.constant 5120 : i32
    %dma_wait3A_557 = tpu.memref_slice %arg6[%mul3A_2, %dma_wait3A_556] : memref<256x10000xi32, #tpu.memory_space<hbm>> -> memref<8x1024xi32, #tpu.memory_space<hbm>>
    %dma_wait3A_558 = arith.constant 5120 : i32
    %dma_wait3A_559 = tpu.memref_slice %arg6[%mul3A_2, %dma_wait3A_558] : memref<256x10000xi32, #tpu.memory_space<hbm>> -> memref<8x1024xi32, #tpu.memory_space<hbm>>
    %dma_wait3A_560 = arith.constant 0 : i32
    %dma_wait3A_561 = arith.constant 0 : i32
    %dma_wait3A_562 = tpu.memref_slice %arg9[%dma_wait3A_551, %dma_wait3A_560, %dma_wait3A_561] : memref<2x8x1024xi32, #tpu.memory_space<vmem>> -> memref<1x8x1024xi32, #tpu.memory_space<vmem>>
    %dma_wait3A_563 = tpu.memref_squeeze %dma_wait3A_562 : memref<1x8x1024xi32, #tpu.memory_space<vmem>> -> memref<8x1024xi32, #tpu.memory_space<vmem>>
    tpu.wait_dma2 semaphore(%arg12 : memref<!tpu.dma_semaphore, #tpu.memory_space<semaphore_mem>>) src(%dma_wait3A_563 : memref<8x1024xi32, #tpu.memory_space<vmem>>) dst(%dma_wait3A_559 : memref<8x1024xi32, #tpu.memory_space<hbm>>)
    %scan3A_564 = arith.constant 0 : i32
    %scan3A_565 = arith.constant 0 : i32
    %scan3A_566 = arith.constant 64 : i32
    %scan3A_567 = arith.addi %scan3A_565, %scan3A_566 : i32
    %scan3A_568 = arith.constant 1 : i32
    %scan3A_569 = scf.for %scan3A_676 = %scan3A_565 to %scan3A_567 step %scan3A_568 iter_args(%scan3A_677 = %scan3A_564) -> (i32)  : i32 {
      %mul3A_678 = arith.constant 16 : i32
      %mul3A_679 = arith.muli %scan3A_676, %mul3A_678 : i32
      %add3A_680 = arith.constant 7168 : i32
      %add3A_681 = arith.addi %add3A_680, %mul3A_679 : i32
      %get3A = arith.index_cast %add3A_681 : i32 to index
      %get3A_682 = tpu.vector_load %arg7[%get3A] {strides = array<i32>} : memref<10000xi32, #tpu.memory_space<vmem>>, vector<16xi32>,
      %gather3A = arith.constant 0 : i32
      %gather3A_683 = arith.constant 0 : i32
      %gather3A_684 = tpu.memref_slice %arg8[%gather3A, %gather3A_683] : memref<8x10000xi32, #tpu.memory_space<vmem>> -> memref<1x10000xi32, #tpu.memory_space<vmem>>
      %gather3A_685 = tpu.memref_squeeze %gather3A_684 : memref<1x10000xi32, #tpu.memory_space<vmem>> -> memref<10000xi32, #tpu.memory_space<vmem>>
      %gather3A_686 = tpu.vector_load_idx %gather3A_685[%get3A_682] : memref<10000xi32, #tpu.memory_space<vmem>>[vector<16xi32>], vector<16xi32>,
      %mul3A_687 = arith.constant 16 : i32
      %mul3A_688 = arith.muli %scan3A_676, %mul3A_687 : i32
      %swap3A = arith.constant 1 : i32
      %swap3A_689 = arith.constant 0 : i32
      %swap3A_690 = arith.index_cast %swap3A : i32 to index
      %swap3A_691 = arith.index_cast %swap3A_689 : i32 to index
      %swap3A_692 = arith.index_cast %mul3A_688 : i32 to index
      %swap3A_693 = tpu.vector_load %arg9[%swap3A_690, %swap3A_691, %swap3A_692] {strides = array<i32>} : memref<2x8x1024xi32, #tpu.memory_space<vmem>>, vector<16xi32>,
      tpu.vector_store %arg9[%swap3A_690, %swap3A_691, %swap3A_692], %gather3A_686 {strides = array<i32>} : memref<2x8x1024xi32, #tpu.memory_space<vmem>>, vector<16xi32>,
      %gather3A_694 = arith.constant 1 : i32
      %gather3A_695 = arith.constant 0 : i32
      %gather3A_696 = tpu.memref_slice %arg8[%gather3A_694, %gather3A_695] : memref<8x10000xi32, #tpu.memory_space<vmem>> -> memref<1x10000xi32, #tpu.memory_space<vmem>>
      %gather3A_697 = tpu.memref_squeeze %gather3A_696 : memref<1x10000xi32, #tpu.memory_space<vmem>> -> memref<10000xi32, #tpu.memory_space<vmem>>
      %gather3A_698 = tpu.vector_load_idx %gather3A_697[%get3A_682] : memref<10000xi32, #tpu.memory_space<vmem>>[vector<16xi32>], vector<16xi32>,
      %mul3A_699 = arith.constant 16 : i32
      %mul3A_700 = arith.muli %scan3A_676, %mul3A_699 : i32
      %swap3A_701 = arith.constant 1 : i32
      %swap3A_702 = arith.constant 1 : i32
      %swap3A_703 = arith.index_cast %swap3A_701 : i32 to index
      %swap3A_704 = arith.index_cast %swap3A_702 : i32 to index
      %swap3A_705 = arith.index_cast %mul3A_700 : i32 to index
      %swap3A_706 = tpu.vector_load %arg9[%swap3A_703, %swap3A_704, %swap3A_705] {strides = array<i32>} : memref<2x8x1024xi32, #tpu.memory_space<vmem>>, vector<16xi32>,
      tpu.vector_store %arg9[%swap3A_703, %swap3A_704, %swap3A_705], %gather3A_698 {strides = array<i32>} : memref<2x8x1024xi32, #tpu.memory_space<vmem>>, vector<16xi32>,
      %gather3A_707 = arith.constant 2 : i32
      %gather3A_708 = arith.constant 0 : i32
      %gather3A_709 = tpu.memref_slice %arg8[%gather3A_707, %gather3A_708] : memref<8x10000xi32, #tpu.memory_space<vmem>> -> memref<1x10000xi32, #tpu.memory_space<vmem>>
      %gather3A_710 = tpu.memref_squeeze %gather3A_709 : memref<1x10000xi32, #tpu.memory_space<vmem>> -> memref<10000xi32, #tpu.memory_space<vmem>>
      %gather3A_711 = tpu.vector_load_idx %gather3A_710[%get3A_682] : memref<10000xi32, #tpu.memory_space<vmem>>[vector<16xi32>], vector<16xi32>,
      %mul3A_712 = arith.constant 16 : i32
      %mul3A_713 = arith.muli %scan3A_676, %mul3A_712 : i32
      %swap3A_714 = arith.constant 1 : i32
      %swap3A_715 = arith.constant 2 : i32
      %swap3A_716 = arith.index_cast %swap3A_714 : i32 to index
      %swap3A_717 = arith.index_cast %swap3A_715 : i32 to index
      %swap3A_718 = arith.index_cast %mul3A_713 : i32 to index
      %swap3A_719 = tpu.vector_load %arg9[%swap3A_716, %swap3A_717, %swap3A_718] {strides = array<i32>} : memref<2x8x1024xi32, #tpu.memory_space<vmem>>, vector<16xi32>,
      tpu.vector_store %arg9[%swap3A_716, %swap3A_717, %swap3A_718], %gather3A_711 {strides = array<i32>} : memref<2x8x1024xi32, #tpu.memory_space<vmem>>, vector<16xi32>,
      %gather3A_720 = arith.constant 3 : i32
      %gather3A_721 = arith.constant 0 : i32
      %gather3A_722 = tpu.memref_slice %arg8[%gather3A_720, %gather3A_721] : memref<8x10000xi32, #tpu.memory_space<vmem>> -> memref<1x10000xi32, #tpu.memory_space<vmem>>
      %gather3A_723 = tpu.memref_squeeze %gather3A_722 : memref<1x10000xi32, #tpu.memory_space<vmem>> -> memref<10000xi32, #tpu.memory_space<vmem>>
      %gather3A_724 = tpu.vector_load_idx %gather3A_723[%get3A_682] : memref<10000xi32, #tpu.memory_space<vmem>>[vector<16xi32>], vector<16xi32>,
      %mul3A_725 = arith.constant 16 : i32
      %mul3A_726 = arith.muli %scan3A_676, %mul3A_725 : i32
      %swap3A_727 = arith.constant 1 : i32
      %swap3A_728 = arith.constant 3 : i32
      %swap3A_729 = arith.index_cast %swap3A_727 : i32 to index
      %swap3A_730 = arith.index_cast %swap3A_728 : i32 to index
      %swap3A_731 = arith.index_cast %mul3A_726 : i32 to index
      %swap3A_732 = tpu.vector_load %arg9[%swap3A_729, %swap3A_730, %swap3A_731] {strides = array<i32>} : memref<2x8x1024xi32, #tpu.memory_space<vmem>>, vector<16xi32>,
      tpu.vector_store %arg9[%swap3A_729, %swap3A_730, %swap3A_731], %gather3A_724 {strides = array<i32>} : memref<2x8x1024xi32, #tpu.memory_space<vmem>>, vector<16xi32>,
      %gather3A_733 = arith.constant 4 : i32
      %gather3A_734 = arith.constant 0 : i32
      %gather3A_735 = tpu.memref_slice %arg8[%gather3A_733, %gather3A_734] : memref<8x10000xi32, #tpu.memory_space<vmem>> -> memref<1x10000xi32, #tpu.memory_space<vmem>>
      %gather3A_736 = tpu.memref_squeeze %gather3A_735 : memref<1x10000xi32, #tpu.memory_space<vmem>> -> memref<10000xi32, #tpu.memory_space<vmem>>
      %gather3A_737 = tpu.vector_load_idx %gather3A_736[%get3A_682] : memref<10000xi32, #tpu.memory_space<vmem>>[vector<16xi32>], vector<16xi32>,
      %mul3A_738 = arith.constant 16 : i32
      %mul3A_739 = arith.muli %scan3A_676, %mul3A_738 : i32
      %swap3A_740 = arith.constant 1 : i32
      %swap3A_741 = arith.constant 4 : i32
      %swap3A_742 = arith.index_cast %swap3A_740 : i32 to index
      %swap3A_743 = arith.index_cast %swap3A_741 : i32 to index
      %swap3A_744 = arith.index_cast %mul3A_739 : i32 to index
      %swap3A_745 = tpu.vector_load %arg9[%swap3A_742, %swap3A_743, %swap3A_744] {strides = array<i32>} : memref<2x8x1024xi32, #tpu.memory_space<vmem>>, vector<16xi32>,
      tpu.vector_store %arg9[%swap3A_742, %swap3A_743, %swap3A_744], %gather3A_737 {strides = array<i32>} : memref<2x8x1024xi32, #tpu.memory_space<vmem>>, vector<16xi32>,
      %gather3A_746 = arith.constant 5 : i32
      %gather3A_747 = arith.constant 0 : i32
      %gather3A_748 = tpu.memref_slice %arg8[%gather3A_746, %gather3A_747] : memref<8x10000xi32, #tpu.memory_space<vmem>> -> memref<1x10000xi32, #tpu.memory_space<vmem>>
      %gather3A_749 = tpu.memref_squeeze %gather3A_748 : memref<1x10000xi32, #tpu.memory_space<vmem>> -> memref<10000xi32, #tpu.memory_space<vmem>>
      %gather3A_750 = tpu.vector_load_idx %gather3A_749[%get3A_682] : memref<10000xi32, #tpu.memory_space<vmem>>[vector<16xi32>], vector<16xi32>,
      %mul3A_751 = arith.constant 16 : i32
      %mul3A_752 = arith.muli %scan3A_676, %mul3A_751 : i32
      %swap3A_753 = arith.constant 1 : i32
      %swap3A_754 = arith.constant 5 : i32
      %swap3A_755 = arith.index_cast %swap3A_753 : i32 to index
      %swap3A_756 = arith.index_cast %swap3A_754 : i32 to index
      %swap3A_757 = arith.index_cast %mul3A_752 : i32 to index
      %swap3A_758 = tpu.vector_load %arg9[%swap3A_755, %swap3A_756, %swap3A_757] {strides = array<i32>} : memref<2x8x1024xi32, #tpu.memory_space<vmem>>, vector<16xi32>,
      tpu.vector_store %arg9[%swap3A_755, %swap3A_756, %swap3A_757], %gather3A_750 {strides = array<i32>} : memref<2x8x1024xi32, #tpu.memory_space<vmem>>, vector<16xi32>,
      %gather3A_759 = arith.constant 6 : i32
      %gather3A_760 = arith.constant 0 : i32
      %gather3A_761 = tpu.memref_slice %arg8[%gather3A_759, %gather3A_760] : memref<8x10000xi32, #tpu.memory_space<vmem>> -> memref<1x10000xi32, #tpu.memory_space<vmem>>
      %gather3A_762 = tpu.memref_squeeze %gather3A_761 : memref<1x10000xi32, #tpu.memory_space<vmem>> -> memref<10000xi32, #tpu.memory_space<vmem>>
      %gather3A_763 = tpu.vector_load_idx %gather3A_762[%get3A_682] : memref<10000xi32, #tpu.memory_space<vmem>>[vector<16xi32>], vector<16xi32>,
      %mul3A_764 = arith.constant 16 : i32
      %mul3A_765 = arith.muli %scan3A_676, %mul3A_764 : i32
      %swap3A_766 = arith.constant 1 : i32
      %swap3A_767 = arith.constant 6 : i32
      %swap3A_768 = arith.index_cast %swap3A_766 : i32 to index
      %swap3A_769 = arith.index_cast %swap3A_767 : i32 to index
      %swap3A_770 = arith.index_cast %mul3A_765 : i32 to index
      %swap3A_771 = tpu.vector_load %arg9[%swap3A_768, %swap3A_769, %swap3A_770] {strides = array<i32>} : memref<2x8x1024xi32, #tpu.memory_space<vmem>>, vector<16xi32>,
      tpu.vector_store %arg9[%swap3A_768, %swap3A_769, %swap3A_770], %gather3A_763 {strides = array<i32>} : memref<2x8x1024xi32, #tpu.memory_space<vmem>>, vector<16xi32>,
      %gather3A_772 = arith.constant 7 : i32
      %gather3A_773 = arith.constant 0 : i32
      %gather3A_774 = tpu.memref_slice %arg8[%gather3A_772, %gather3A_773] : memref<8x10000xi32, #tpu.memory_space<vmem>> -> memref<1x10000xi32, #tpu.memory_space<vmem>>
      %gather3A_775 = tpu.memref_squeeze %gather3A_774 : memref<1x10000xi32, #tpu.memory_space<vmem>> -> memref<10000xi32, #tpu.memory_space<vmem>>
      %gather3A_776 = tpu.vector_load_idx %gather3A_775[%get3A_682] : memref<10000xi32, #tpu.memory_space<vmem>>[vector<16xi32>], vector<16xi32>,
      %mul3A_777 = arith.constant 16 : i32
      %mul3A_778 = arith.muli %scan3A_676, %mul3A_777 : i32
      %swap3A_779 = arith.constant 1 : i32
      %swap3A_780 = arith.constant 7 : i32
      %swap3A_781 = arith.index_cast %swap3A_779 : i32 to index
      %swap3A_782 = arith.index_cast %swap3A_780 : i32 to index
      %swap3A_783 = arith.index_cast %mul3A_778 : i32 to index
      %swap3A_784 = tpu.vector_load %arg9[%swap3A_781, %swap3A_782, %swap3A_783] {strides = array<i32>} : memref<2x8x1024xi32, #tpu.memory_space<vmem>>, vector<16xi32>,
      tpu.vector_store %arg9[%swap3A_781, %swap3A_782, %swap3A_783], %gather3A_776 {strides = array<i32>} : memref<2x8x1024xi32, #tpu.memory_space<vmem>>, vector<16xi32>,
      %scan3A_785 = arith.constant 0 : i32
      scf.yield %scan3A_785 : i32
    }
    %scan3A_570 = arith.constant 64 : i32
    %dma_start3A_571 = arith.constant 1 : i32
    %dma_start3A_572 = arith.constant 0 : i32
    %dma_start3A_573 = arith.constant 0 : i32
    %dma_start3A_574 = tpu.memref_slice %arg9[%dma_start3A_571, %dma_start3A_572, %dma_start3A_573] : memref<2x8x1024xi32, #tpu.memory_space<vmem>> -> memref<1x8x1024xi32, #tpu.memory_space<vmem>>
    %dma_start3A_575 = tpu.memref_squeeze %dma_start3A_574 : memref<1x8x1024xi32, #tpu.memory_space<vmem>> -> memref<8x1024xi32, #tpu.memory_space<vmem>>
    %dma_start3A_576 = arith.constant 7168 : i32
    %dma_start3A_577 = tpu.memref_slice %arg6[%mul3A_2, %dma_start3A_576] : memref<256x10000xi32, #tpu.memory_space<hbm>> -> memref<8x1024xi32, #tpu.memory_space<hbm>>
    %dma_start3A_578 = arith.constant 7168 : i32
    %dma_start3A_579 = tpu.memref_slice %arg6[%mul3A_2, %dma_start3A_578] : memref<256x10000xi32, #tpu.memory_space<hbm>> -> memref<8x1024xi32, #tpu.memory_space<hbm>>
    %dma_start3A_580 = arith.constant 0 : i32
    %dma_start3A_581 = arith.constant 0 : i32
    %dma_start3A_582 = tpu.memref_slice %arg9[%dma_start3A_571, %dma_start3A_580, %dma_start3A_581] : memref<2x8x1024xi32, #tpu.memory_space<vmem>> -> memref<1x8x1024xi32, #tpu.memory_space<vmem>>
    %dma_start3A_583 = tpu.memref_squeeze %dma_start3A_582 : memref<1x8x1024xi32, #tpu.memory_space<vmem>> -> memref<8x1024xi32, #tpu.memory_space<vmem>>
    tpu.enqueue_dma source(%dma_start3A_583 : memref<8x1024xi32, #tpu.memory_space<vmem>>) target(%dma_start3A_579 : memref<8x1024xi32, #tpu.memory_space<hbm>>) target_semaphore(%arg12 : memref<!tpu.dma_semaphore, #tpu.memory_space<semaphore_mem>>)
    %dma_wait3A_584 = arith.constant 0 : i32
    %dma_wait3A_585 = arith.constant 0 : i32
    %dma_wait3A_586 = arith.constant 0 : i32
    %dma_wait3A_587 = tpu.memref_slice %arg9[%dma_wait3A_584, %dma_wait3A_585, %dma_wait3A_586] : memref<2x8x1024xi32, #tpu.memory_space<vmem>> -> memref<1x8x1024xi32, #tpu.memory_space<vmem>>
    %dma_wait3A_588 = tpu.memref_squeeze %dma_wait3A_587 : memref<1x8x1024xi32, #tpu.memory_space<vmem>> -> memref<8x1024xi32, #tpu.memory_space<vmem>>
    %dma_wait3A_589 = arith.constant 6144 : i32
    %dma_wait3A_590 = tpu.memref_slice %arg6[%mul3A_2, %dma_wait3A_589] : memref<256x10000xi32, #tpu.memory_space<hbm>> -> memref<8x1024xi32, #tpu.memory_space<hbm>>
    %dma_wait3A_591 = arith.constant 6144 : i32
    %dma_wait3A_592 = tpu.memref_slice %arg6[%mul3A_2, %dma_wait3A_591] : memref<256x10000xi32, #tpu.memory_space<hbm>> -> memref<8x1024xi32, #tpu.memory_space<hbm>>
    %dma_wait3A_593 = arith.constant 0 : i32
    %dma_wait3A_594 = arith.constant 0 : i32
    %dma_wait3A_595 = tpu.memref_slice %arg9[%dma_wait3A_584, %dma_wait3A_593, %dma_wait3A_594] : memref<2x8x1024xi32, #tpu.memory_space<vmem>> -> memref<1x8x1024xi32, #tpu.memory_space<vmem>>
    %dma_wait3A_596 = tpu.memref_squeeze %dma_wait3A_595 : memref<1x8x1024xi32, #tpu.memory_space<vmem>> -> memref<8x1024xi32, #tpu.memory_space<vmem>>
    tpu.wait_dma2 semaphore(%arg11 : memref<!tpu.dma_semaphore, #tpu.memory_space<semaphore_mem>>) src(%dma_wait3A_596 : memref<8x1024xi32, #tpu.memory_space<vmem>>) dst(%dma_wait3A_592 : memref<8x1024xi32, #tpu.memory_space<hbm>>)
    %scan3A_597 = arith.constant 0 : i32
    %scan3A_598 = arith.constant 0 : i32
    %scan3A_599 = arith.constant 64 : i32
    %scan3A_600 = arith.addi %scan3A_598, %scan3A_599 : i32
    %scan3A_601 = arith.constant 1 : i32
    %scan3A_602 = scf.for %scan3A_676 = %scan3A_598 to %scan3A_600 step %scan3A_601 iter_args(%scan3A_677 = %scan3A_597) -> (i32)  : i32 {
      %mul3A_678 = arith.constant 16 : i32
      %mul3A_679 = arith.muli %scan3A_676, %mul3A_678 : i32
      %add3A_680 = arith.constant 8192 : i32
      %add3A_681 = arith.addi %add3A_680, %mul3A_679 : i32
      %get3A = arith.index_cast %add3A_681 : i32 to index
      %get3A_682 = tpu.vector_load %arg7[%get3A] {strides = array<i32>} : memref<10000xi32, #tpu.memory_space<vmem>>, vector<16xi32>,
      %gather3A = arith.constant 0 : i32
      %gather3A_683 = arith.constant 0 : i32
      %gather3A_684 = tpu.memref_slice %arg8[%gather3A, %gather3A_683] : memref<8x10000xi32, #tpu.memory_space<vmem>> -> memref<1x10000xi32, #tpu.memory_space<vmem>>
      %gather3A_685 = tpu.memref_squeeze %gather3A_684 : memref<1x10000xi32, #tpu.memory_space<vmem>> -> memref<10000xi32, #tpu.memory_space<vmem>>
      %gather3A_686 = tpu.vector_load_idx %gather3A_685[%get3A_682] : memref<10000xi32, #tpu.memory_space<vmem>>[vector<16xi32>], vector<16xi32>,
      %mul3A_687 = arith.constant 16 : i32
      %mul3A_688 = arith.muli %scan3A_676, %mul3A_687 : i32
      %swap3A = arith.constant 0 : i32
      %swap3A_689 = arith.constant 0 : i32
      %swap3A_690 = arith.index_cast %swap3A : i32 to index
      %swap3A_691 = arith.index_cast %swap3A_689 : i32 to index
      %swap3A_692 = arith.index_cast %mul3A_688 : i32 to index
      %swap3A_693 = tpu.vector_load %arg9[%swap3A_690, %swap3A_691, %swap3A_692] {strides = array<i32>} : memref<2x8x1024xi32, #tpu.memory_space<vmem>>, vector<16xi32>,
      tpu.vector_store %arg9[%swap3A_690, %swap3A_691, %swap3A_692], %gather3A_686 {strides = array<i32>} : memref<2x8x1024xi32, #tpu.memory_space<vmem>>, vector<16xi32>,
      %gather3A_694 = arith.constant 1 : i32
      %gather3A_695 = arith.constant 0 : i32
      %gather3A_696 = tpu.memref_slice %arg8[%gather3A_694, %gather3A_695] : memref<8x10000xi32, #tpu.memory_space<vmem>> -> memref<1x10000xi32, #tpu.memory_space<vmem>>
      %gather3A_697 = tpu.memref_squeeze %gather3A_696 : memref<1x10000xi32, #tpu.memory_space<vmem>> -> memref<10000xi32, #tpu.memory_space<vmem>>
      %gather3A_698 = tpu.vector_load_idx %gather3A_697[%get3A_682] : memref<10000xi32, #tpu.memory_space<vmem>>[vector<16xi32>], vector<16xi32>,
      %mul3A_699 = arith.constant 16 : i32
      %mul3A_700 = arith.muli %scan3A_676, %mul3A_699 : i32
      %swap3A_701 = arith.constant 0 : i32
      %swap3A_702 = arith.constant 1 : i32
      %swap3A_703 = arith.index_cast %swap3A_701 : i32 to index
      %swap3A_704 = arith.index_cast %swap3A_702 : i32 to index
      %swap3A_705 = arith.index_cast %mul3A_700 : i32 to index
      %swap3A_706 = tpu.vector_load %arg9[%swap3A_703, %swap3A_704, %swap3A_705] {strides = array<i32>} : memref<2x8x1024xi32, #tpu.memory_space<vmem>>, vector<16xi32>,
      tpu.vector_store %arg9[%swap3A_703, %swap3A_704, %swap3A_705], %gather3A_698 {strides = array<i32>} : memref<2x8x1024xi32, #tpu.memory_space<vmem>>, vector<16xi32>,
      %gather3A_707 = arith.constant 2 : i32
      %gather3A_708 = arith.constant 0 : i32
      %gather3A_709 = tpu.memref_slice %arg8[%gather3A_707, %gather3A_708] : memref<8x10000xi32, #tpu.memory_space<vmem>> -> memref<1x10000xi32, #tpu.memory_space<vmem>>
      %gather3A_710 = tpu.memref_squeeze %gather3A_709 : memref<1x10000xi32, #tpu.memory_space<vmem>> -> memref<10000xi32, #tpu.memory_space<vmem>>
      %gather3A_711 = tpu.vector_load_idx %gather3A_710[%get3A_682] : memref<10000xi32, #tpu.memory_space<vmem>>[vector<16xi32>], vector<16xi32>,
      %mul3A_712 = arith.constant 16 : i32
      %mul3A_713 = arith.muli %scan3A_676, %mul3A_712 : i32
      %swap3A_714 = arith.constant 0 : i32
      %swap3A_715 = arith.constant 2 : i32
      %swap3A_716 = arith.index_cast %swap3A_714 : i32 to index
      %swap3A_717 = arith.index_cast %swap3A_715 : i32 to index
      %swap3A_718 = arith.index_cast %mul3A_713 : i32 to index
      %swap3A_719 = tpu.vector_load %arg9[%swap3A_716, %swap3A_717, %swap3A_718] {strides = array<i32>} : memref<2x8x1024xi32, #tpu.memory_space<vmem>>, vector<16xi32>,
      tpu.vector_store %arg9[%swap3A_716, %swap3A_717, %swap3A_718], %gather3A_711 {strides = array<i32>} : memref<2x8x1024xi32, #tpu.memory_space<vmem>>, vector<16xi32>,
      %gather3A_720 = arith.constant 3 : i32
      %gather3A_721 = arith.constant 0 : i32
      %gather3A_722 = tpu.memref_slice %arg8[%gather3A_720, %gather3A_721] : memref<8x10000xi32, #tpu.memory_space<vmem>> -> memref<1x10000xi32, #tpu.memory_space<vmem>>
      %gather3A_723 = tpu.memref_squeeze %gather3A_722 : memref<1x10000xi32, #tpu.memory_space<vmem>> -> memref<10000xi32, #tpu.memory_space<vmem>>
      %gather3A_724 = tpu.vector_load_idx %gather3A_723[%get3A_682] : memref<10000xi32, #tpu.memory_space<vmem>>[vector<16xi32>], vector<16xi32>,
      %mul3A_725 = arith.constant 16 : i32
      %mul3A_726 = arith.muli %scan3A_676, %mul3A_725 : i32
      %swap3A_727 = arith.constant 0 : i32
      %swap3A_728 = arith.constant 3 : i32
      %swap3A_729 = arith.index_cast %swap3A_727 : i32 to index
      %swap3A_730 = arith.index_cast %swap3A_728 : i32 to index
      %swap3A_731 = arith.index_cast %mul3A_726 : i32 to index
      %swap3A_732 = tpu.vector_load %arg9[%swap3A_729, %swap3A_730, %swap3A_731] {strides = array<i32>} : memref<2x8x1024xi32, #tpu.memory_space<vmem>>, vector<16xi32>,
      tpu.vector_store %arg9[%swap3A_729, %swap3A_730, %swap3A_731], %gather3A_724 {strides = array<i32>} : memref<2x8x1024xi32, #tpu.memory_space<vmem>>, vector<16xi32>,
      %gather3A_733 = arith.constant 4 : i32
      %gather3A_734 = arith.constant 0 : i32
      %gather3A_735 = tpu.memref_slice %arg8[%gather3A_733, %gather3A_734] : memref<8x10000xi32, #tpu.memory_space<vmem>> -> memref<1x10000xi32, #tpu.memory_space<vmem>>
      %gather3A_736 = tpu.memref_squeeze %gather3A_735 : memref<1x10000xi32, #tpu.memory_space<vmem>> -> memref<10000xi32, #tpu.memory_space<vmem>>
      %gather3A_737 = tpu.vector_load_idx %gather3A_736[%get3A_682] : memref<10000xi32, #tpu.memory_space<vmem>>[vector<16xi32>], vector<16xi32>,
      %mul3A_738 = arith.constant 16 : i32
      %mul3A_739 = arith.muli %scan3A_676, %mul3A_738 : i32
      %swap3A_740 = arith.constant 0 : i32
      %swap3A_741 = arith.constant 4 : i32
      %swap3A_742 = arith.index_cast %swap3A_740 : i32 to index
      %swap3A_743 = arith.index_cast %swap3A_741 : i32 to index
      %swap3A_744 = arith.index_cast %mul3A_739 : i32 to index
      %swap3A_745 = tpu.vector_load %arg9[%swap3A_742, %swap3A_743, %swap3A_744] {strides = array<i32>} : memref<2x8x1024xi32, #tpu.memory_space<vmem>>, vector<16xi32>,
      tpu.vector_store %arg9[%swap3A_742, %swap3A_743, %swap3A_744], %gather3A_737 {strides = array<i32>} : memref<2x8x1024xi32, #tpu.memory_space<vmem>>, vector<16xi32>,
      %gather3A_746 = arith.constant 5 : i32
      %gather3A_747 = arith.constant 0 : i32
      %gather3A_748 = tpu.memref_slice %arg8[%gather3A_746, %gather3A_747] : memref<8x10000xi32, #tpu.memory_space<vmem>> -> memref<1x10000xi32, #tpu.memory_space<vmem>>
      %gather3A_749 = tpu.memref_squeeze %gather3A_748 : memref<1x10000xi32, #tpu.memory_space<vmem>> -> memref<10000xi32, #tpu.memory_space<vmem>>
      %gather3A_750 = tpu.vector_load_idx %gather3A_749[%get3A_682] : memref<10000xi32, #tpu.memory_space<vmem>>[vector<16xi32>], vector<16xi32>,
      %mul3A_751 = arith.constant 16 : i32
      %mul3A_752 = arith.muli %scan3A_676, %mul3A_751 : i32
      %swap3A_753 = arith.constant 0 : i32
      %swap3A_754 = arith.constant 5 : i32
      %swap3A_755 = arith.index_cast %swap3A_753 : i32 to index
      %swap3A_756 = arith.index_cast %swap3A_754 : i32 to index
      %swap3A_757 = arith.index_cast %mul3A_752 : i32 to index
      %swap3A_758 = tpu.vector_load %arg9[%swap3A_755, %swap3A_756, %swap3A_757] {strides = array<i32>} : memref<2x8x1024xi32, #tpu.memory_space<vmem>>, vector<16xi32>,
      tpu.vector_store %arg9[%swap3A_755, %swap3A_756, %swap3A_757], %gather3A_750 {strides = array<i32>} : memref<2x8x1024xi32, #tpu.memory_space<vmem>>, vector<16xi32>,
      %gather3A_759 = arith.constant 6 : i32
      %gather3A_760 = arith.constant 0 : i32
      %gather3A_761 = tpu.memref_slice %arg8[%gather3A_759, %gather3A_760] : memref<8x10000xi32, #tpu.memory_space<vmem>> -> memref<1x10000xi32, #tpu.memory_space<vmem>>
      %gather3A_762 = tpu.memref_squeeze %gather3A_761 : memref<1x10000xi32, #tpu.memory_space<vmem>> -> memref<10000xi32, #tpu.memory_space<vmem>>
      %gather3A_763 = tpu.vector_load_idx %gather3A_762[%get3A_682] : memref<10000xi32, #tpu.memory_space<vmem>>[vector<16xi32>], vector<16xi32>,
      %mul3A_764 = arith.constant 16 : i32
      %mul3A_765 = arith.muli %scan3A_676, %mul3A_764 : i32
      %swap3A_766 = arith.constant 0 : i32
      %swap3A_767 = arith.constant 6 : i32
      %swap3A_768 = arith.index_cast %swap3A_766 : i32 to index
      %swap3A_769 = arith.index_cast %swap3A_767 : i32 to index
      %swap3A_770 = arith.index_cast %mul3A_765 : i32 to index
      %swap3A_771 = tpu.vector_load %arg9[%swap3A_768, %swap3A_769, %swap3A_770] {strides = array<i32>} : memref<2x8x1024xi32, #tpu.memory_space<vmem>>, vector<16xi32>,
      tpu.vector_store %arg9[%swap3A_768, %swap3A_769, %swap3A_770], %gather3A_763 {strides = array<i32>} : memref<2x8x1024xi32, #tpu.memory_space<vmem>>, vector<16xi32>,
      %gather3A_772 = arith.constant 7 : i32
      %gather3A_773 = arith.constant 0 : i32
      %gather3A_774 = tpu.memref_slice %arg8[%gather3A_772, %gather3A_773] : memref<8x10000xi32, #tpu.memory_space<vmem>> -> memref<1x10000xi32, #tpu.memory_space<vmem>>
      %gather3A_775 = tpu.memref_squeeze %gather3A_774 : memref<1x10000xi32, #tpu.memory_space<vmem>> -> memref<10000xi32, #tpu.memory_space<vmem>>
      %gather3A_776 = tpu.vector_load_idx %gather3A_775[%get3A_682] : memref<10000xi32, #tpu.memory_space<vmem>>[vector<16xi32>], vector<16xi32>,
      %mul3A_777 = arith.constant 16 : i32
      %mul3A_778 = arith.muli %scan3A_676, %mul3A_777 : i32
      %swap3A_779 = arith.constant 0 : i32
      %swap3A_780 = arith.constant 7 : i32
      %swap3A_781 = arith.index_cast %swap3A_779 : i32 to index
      %swap3A_782 = arith.index_cast %swap3A_780 : i32 to index
      %swap3A_783 = arith.index_cast %mul3A_778 : i32 to index
      %swap3A_784 = tpu.vector_load %arg9[%swap3A_781, %swap3A_782, %swap3A_783] {strides = array<i32>} : memref<2x8x1024xi32, #tpu.memory_space<vmem>>, vector<16xi32>,
      tpu.vector_store %arg9[%swap3A_781, %swap3A_782, %swap3A_783], %gather3A_776 {strides = array<i32>} : memref<2x8x1024xi32, #tpu.memory_space<vmem>>, vector<16xi32>,
      %scan3A_785 = arith.constant 0 : i32
      scf.yield %scan3A_785 : i32
    }
    %scan3A_603 = arith.constant 64 : i32
    %dma_start3A_604 = arith.constant 0 : i32
    %dma_start3A_605 = arith.constant 0 : i32
    %dma_start3A_606 = arith.constant 0 : i32
    %dma_start3A_607 = tpu.memref_slice %arg9[%dma_start3A_604, %dma_start3A_605, %dma_start3A_606] : memref<2x8x1024xi32, #tpu.memory_space<vmem>> -> memref<1x8x1024xi32, #tpu.memory_space<vmem>>
    %dma_start3A_608 = tpu.memref_squeeze %dma_start3A_607 : memref<1x8x1024xi32, #tpu.memory_space<vmem>> -> memref<8x1024xi32, #tpu.memory_space<vmem>>
    %dma_start3A_609 = arith.constant 8192 : i32
    %dma_start3A_610 = tpu.memref_slice %arg6[%mul3A_2, %dma_start3A_609] : memref<256x10000xi32, #tpu.memory_space<hbm>> -> memref<8x1024xi32, #tpu.memory_space<hbm>>
    %dma_start3A_611 = arith.constant 8192 : i32
    %dma_start3A_612 = tpu.memref_slice %arg6[%mul3A_2, %dma_start3A_611] : memref<256x10000xi32, #tpu.memory_space<hbm>> -> memref<8x1024xi32, #tpu.memory_space<hbm>>
    %dma_start3A_613 = arith.constant 0 : i32
    %dma_start3A_614 = arith.constant 0 : i32
    %dma_start3A_615 = tpu.memref_slice %arg9[%dma_start3A_604, %dma_start3A_613, %dma_start3A_614] : memref<2x8x1024xi32, #tpu.memory_space<vmem>> -> memref<1x8x1024xi32, #tpu.memory_space<vmem>>
    %dma_start3A_616 = tpu.memref_squeeze %dma_start3A_615 : memref<1x8x1024xi32, #tpu.memory_space<vmem>> -> memref<8x1024xi32, #tpu.memory_space<vmem>>
    tpu.enqueue_dma source(%dma_start3A_616 : memref<8x1024xi32, #tpu.memory_space<vmem>>) target(%dma_start3A_612 : memref<8x1024xi32, #tpu.memory_space<hbm>>) target_semaphore(%arg11 : memref<!tpu.dma_semaphore, #tpu.memory_space<semaphore_mem>>)
    %dma_wait3A_617 = arith.constant 1 : i32
    %dma_wait3A_618 = arith.constant 0 : i32
    %dma_wait3A_619 = arith.constant 0 : i32
    %dma_wait3A_620 = tpu.memref_slice %arg9[%dma_wait3A_617, %dma_wait3A_618, %dma_wait3A_619] : memref<2x8x1024xi32, #tpu.memory_space<vmem>> -> memref<1x8x1024xi32, #tpu.memory_space<vmem>>
    %dma_wait3A_621 = tpu.memref_squeeze %dma_wait3A_620 : memref<1x8x1024xi32, #tpu.memory_space<vmem>> -> memref<8x1024xi32, #tpu.memory_space<vmem>>
    %dma_wait3A_622 = arith.constant 7168 : i32
    %dma_wait3A_623 = tpu.memref_slice %arg6[%mul3A_2, %dma_wait3A_622] : memref<256x10000xi32, #tpu.memory_space<hbm>> -> memref<8x1024xi32, #tpu.memory_space<hbm>>
    %dma_wait3A_624 = arith.constant 7168 : i32
    %dma_wait3A_625 = tpu.memref_slice %arg6[%mul3A_2, %dma_wait3A_624] : memref<256x10000xi32, #tpu.memory_space<hbm>> -> memref<8x1024xi32, #tpu.memory_space<hbm>>
    %dma_wait3A_626 = arith.constant 0 : i32
    %dma_wait3A_627 = arith.constant 0 : i32
    %dma_wait3A_628 = tpu.memref_slice %arg9[%dma_wait3A_617, %dma_wait3A_626, %dma_wait3A_627] : memref<2x8x1024xi32, #tpu.memory_space<vmem>> -> memref<1x8x1024xi32, #tpu.memory_space<vmem>>
    %dma_wait3A_629 = tpu.memref_squeeze %dma_wait3A_628 : memref<1x8x1024xi32, #tpu.memory_space<vmem>> -> memref<8x1024xi32, #tpu.memory_space<vmem>>
    tpu.wait_dma2 semaphore(%arg12 : memref<!tpu.dma_semaphore, #tpu.memory_space<semaphore_mem>>) src(%dma_wait3A_629 : memref<8x1024xi32, #tpu.memory_space<vmem>>) dst(%dma_wait3A_625 : memref<8x1024xi32, #tpu.memory_space<hbm>>)
    %scan3A_630 = arith.constant 0 : i32
    %scan3A_631 = arith.constant 0 : i32
    %scan3A_632 = arith.constant 49 : i32
    %scan3A_633 = arith.addi %scan3A_631, %scan3A_632 : i32
    %scan3A_634 = arith.constant 1 : i32
    %scan3A_635 = scf.for %scan3A_676 = %scan3A_631 to %scan3A_633 step %scan3A_634 iter_args(%scan3A_677 = %scan3A_630) -> (i32)  : i32 {
      %mul3A_678 = arith.constant 16 : i32
      %mul3A_679 = arith.muli %scan3A_676, %mul3A_678 : i32
      %add3A_680 = arith.constant 9216 : i32
      %add3A_681 = arith.addi %add3A_680, %mul3A_679 : i32
      %get3A = arith.index_cast %add3A_681 : i32 to index
      %get3A_682 = tpu.vector_load %arg7[%get3A] {strides = array<i32>} : memref<10000xi32, #tpu.memory_space<vmem>>, vector<16xi32>,
      %gather3A = arith.constant 0 : i32
      %gather3A_683 = arith.constant 0 : i32
      %gather3A_684 = tpu.memref_slice %arg8[%gather3A, %gather3A_683] : memref<8x10000xi32, #tpu.memory_space<vmem>> -> memref<1x10000xi32, #tpu.memory_space<vmem>>
      %gather3A_685 = tpu.memref_squeeze %gather3A_684 : memref<1x10000xi32, #tpu.memory_space<vmem>> -> memref<10000xi32, #tpu.memory_space<vmem>>
      %gather3A_686 = tpu.vector_load_idx %gather3A_685[%get3A_682] : memref<10000xi32, #tpu.memory_space<vmem>>[vector<16xi32>], vector<16xi32>,
      %mul3A_687 = arith.constant 16 : i32
      %mul3A_688 = arith.muli %scan3A_676, %mul3A_687 : i32
      %swap3A = arith.constant 1 : i32
      %swap3A_689 = arith.constant 0 : i32
      %swap3A_690 = arith.index_cast %swap3A : i32 to index
      %swap3A_691 = arith.index_cast %swap3A_689 : i32 to index
      %swap3A_692 = arith.index_cast %mul3A_688 : i32 to index
      %swap3A_693 = tpu.vector_load %arg9[%swap3A_690, %swap3A_691, %swap3A_692] {strides = array<i32>} : memref<2x8x1024xi32, #tpu.memory_space<vmem>>, vector<16xi32>,
      tpu.vector_store %arg9[%swap3A_690, %swap3A_691, %swap3A_692], %gather3A_686 {strides = array<i32>} : memref<2x8x1024xi32, #tpu.memory_space<vmem>>, vector<16xi32>,
      %gather3A_694 = arith.constant 1 : i32
      %gather3A_695 = arith.constant 0 : i32
      %gather3A_696 = tpu.memref_slice %arg8[%gather3A_694, %gather3A_695] : memref<8x10000xi32, #tpu.memory_space<vmem>> -> memref<1x10000xi32, #tpu.memory_space<vmem>>
      %gather3A_697 = tpu.memref_squeeze %gather3A_696 : memref<1x10000xi32, #tpu.memory_space<vmem>> -> memref<10000xi32, #tpu.memory_space<vmem>>
      %gather3A_698 = tpu.vector_load_idx %gather3A_697[%get3A_682] : memref<10000xi32, #tpu.memory_space<vmem>>[vector<16xi32>], vector<16xi32>,
      %mul3A_699 = arith.constant 16 : i32
      %mul3A_700 = arith.muli %scan3A_676, %mul3A_699 : i32
      %swap3A_701 = arith.constant 1 : i32
      %swap3A_702 = arith.constant 1 : i32
      %swap3A_703 = arith.index_cast %swap3A_701 : i32 to index
      %swap3A_704 = arith.index_cast %swap3A_702 : i32 to index
      %swap3A_705 = arith.index_cast %mul3A_700 : i32 to index
      %swap3A_706 = tpu.vector_load %arg9[%swap3A_703, %swap3A_704, %swap3A_705] {strides = array<i32>} : memref<2x8x1024xi32, #tpu.memory_space<vmem>>, vector<16xi32>,
      tpu.vector_store %arg9[%swap3A_703, %swap3A_704, %swap3A_705], %gather3A_698 {strides = array<i32>} : memref<2x8x1024xi32, #tpu.memory_space<vmem>>, vector<16xi32>,
      %gather3A_707 = arith.constant 2 : i32
      %gather3A_708 = arith.constant 0 : i32
      %gather3A_709 = tpu.memref_slice %arg8[%gather3A_707, %gather3A_708] : memref<8x10000xi32, #tpu.memory_space<vmem>> -> memref<1x10000xi32, #tpu.memory_space<vmem>>
      %gather3A_710 = tpu.memref_squeeze %gather3A_709 : memref<1x10000xi32, #tpu.memory_space<vmem>> -> memref<10000xi32, #tpu.memory_space<vmem>>
      %gather3A_711 = tpu.vector_load_idx %gather3A_710[%get3A_682] : memref<10000xi32, #tpu.memory_space<vmem>>[vector<16xi32>], vector<16xi32>,
      %mul3A_712 = arith.constant 16 : i32
      %mul3A_713 = arith.muli %scan3A_676, %mul3A_712 : i32
      %swap3A_714 = arith.constant 1 : i32
      %swap3A_715 = arith.constant 2 : i32
      %swap3A_716 = arith.index_cast %swap3A_714 : i32 to index
      %swap3A_717 = arith.index_cast %swap3A_715 : i32 to index
      %swap3A_718 = arith.index_cast %mul3A_713 : i32 to index
      %swap3A_719 = tpu.vector_load %arg9[%swap3A_716, %swap3A_717, %swap3A_718] {strides = array<i32>} : memref<2x8x1024xi32, #tpu.memory_space<vmem>>, vector<16xi32>,
      tpu.vector_store %arg9[%swap3A_716, %swap3A_717, %swap3A_718], %gather3A_711 {strides = array<i32>} : memref<2x8x1024xi32, #tpu.memory_space<vmem>>, vector<16xi32>,
      %gather3A_720 = arith.constant 3 : i32
      %gather3A_721 = arith.constant 0 : i32
      %gather3A_722 = tpu.memref_slice %arg8[%gather3A_720, %gather3A_721] : memref<8x10000xi32, #tpu.memory_space<vmem>> -> memref<1x10000xi32, #tpu.memory_space<vmem>>
      %gather3A_723 = tpu.memref_squeeze %gather3A_722 : memref<1x10000xi32, #tpu.memory_space<vmem>> -> memref<10000xi32, #tpu.memory_space<vmem>>
      %gather3A_724 = tpu.vector_load_idx %gather3A_723[%get3A_682] : memref<10000xi32, #tpu.memory_space<vmem>>[vector<16xi32>], vector<16xi32>,
      %mul3A_725 = arith.constant 16 : i32
      %mul3A_726 = arith.muli %scan3A_676, %mul3A_725 : i32
      %swap3A_727 = arith.constant 1 : i32
      %swap3A_728 = arith.constant 3 : i32
      %swap3A_729 = arith.index_cast %swap3A_727 : i32 to index
      %swap3A_730 = arith.index_cast %swap3A_728 : i32 to index
      %swap3A_731 = arith.index_cast %mul3A_726 : i32 to index
      %swap3A_732 = tpu.vector_load %arg9[%swap3A_729, %swap3A_730, %swap3A_731] {strides = array<i32>} : memref<2x8x1024xi32, #tpu.memory_space<vmem>>, vector<16xi32>,
      tpu.vector_store %arg9[%swap3A_729, %swap3A_730, %swap3A_731], %gather3A_724 {strides = array<i32>} : memref<2x8x1024xi32, #tpu.memory_space<vmem>>, vector<16xi32>,
      %gather3A_733 = arith.constant 4 : i32
      %gather3A_734 = arith.constant 0 : i32
      %gather3A_735 = tpu.memref_slice %arg8[%gather3A_733, %gather3A_734] : memref<8x10000xi32, #tpu.memory_space<vmem>> -> memref<1x10000xi32, #tpu.memory_space<vmem>>
      %gather3A_736 = tpu.memref_squeeze %gather3A_735 : memref<1x10000xi32, #tpu.memory_space<vmem>> -> memref<10000xi32, #tpu.memory_space<vmem>>
      %gather3A_737 = tpu.vector_load_idx %gather3A_736[%get3A_682] : memref<10000xi32, #tpu.memory_space<vmem>>[vector<16xi32>], vector<16xi32>,
      %mul3A_738 = arith.constant 16 : i32
      %mul3A_739 = arith.muli %scan3A_676, %mul3A_738 : i32
      %swap3A_740 = arith.constant 1 : i32
      %swap3A_741 = arith.constant 4 : i32
      %swap3A_742 = arith.index_cast %swap3A_740 : i32 to index
      %swap3A_743 = arith.index_cast %swap3A_741 : i32 to index
      %swap3A_744 = arith.index_cast %mul3A_739 : i32 to index
      %swap3A_745 = tpu.vector_load %arg9[%swap3A_742, %swap3A_743, %swap3A_744] {strides = array<i32>} : memref<2x8x1024xi32, #tpu.memory_space<vmem>>, vector<16xi32>,
      tpu.vector_store %arg9[%swap3A_742, %swap3A_743, %swap3A_744], %gather3A_737 {strides = array<i32>} : memref<2x8x1024xi32, #tpu.memory_space<vmem>>, vector<16xi32>,
      %gather3A_746 = arith.constant 5 : i32
      %gather3A_747 = arith.constant 0 : i32
      %gather3A_748 = tpu.memref_slice %arg8[%gather3A_746, %gather3A_747] : memref<8x10000xi32, #tpu.memory_space<vmem>> -> memref<1x10000xi32, #tpu.memory_space<vmem>>
      %gather3A_749 = tpu.memref_squeeze %gather3A_748 : memref<1x10000xi32, #tpu.memory_space<vmem>> -> memref<10000xi32, #tpu.memory_space<vmem>>
      %gather3A_750 = tpu.vector_load_idx %gather3A_749[%get3A_682] : memref<10000xi32, #tpu.memory_space<vmem>>[vector<16xi32>], vector<16xi32>,
      %mul3A_751 = arith.constant 16 : i32
      %mul3A_752 = arith.muli %scan3A_676, %mul3A_751 : i32
      %swap3A_753 = arith.constant 1 : i32
      %swap3A_754 = arith.constant 5 : i32
      %swap3A_755 = arith.index_cast %swap3A_753 : i32 to index
      %swap3A_756 = arith.index_cast %swap3A_754 : i32 to index
      %swap3A_757 = arith.index_cast %mul3A_752 : i32 to index
      %swap3A_758 = tpu.vector_load %arg9[%swap3A_755, %swap3A_756, %swap3A_757] {strides = array<i32>} : memref<2x8x1024xi32, #tpu.memory_space<vmem>>, vector<16xi32>,
      tpu.vector_store %arg9[%swap3A_755, %swap3A_756, %swap3A_757], %gather3A_750 {strides = array<i32>} : memref<2x8x1024xi32, #tpu.memory_space<vmem>>, vector<16xi32>,
      %gather3A_759 = arith.constant 6 : i32
      %gather3A_760 = arith.constant 0 : i32
      %gather3A_761 = tpu.memref_slice %arg8[%gather3A_759, %gather3A_760] : memref<8x10000xi32, #tpu.memory_space<vmem>> -> memref<1x10000xi32, #tpu.memory_space<vmem>>
      %gather3A_762 = tpu.memref_squeeze %gather3A_761 : memref<1x10000xi32, #tpu.memory_space<vmem>> -> memref<10000xi32, #tpu.memory_space<vmem>>
      %gather3A_763 = tpu.vector_load_idx %gather3A_762[%get3A_682] : memref<10000xi32, #tpu.memory_space<vmem>>[vector<16xi32>], vector<16xi32>,
      %mul3A_764 = arith.constant 16 : i32
      %mul3A_765 = arith.muli %scan3A_676, %mul3A_764 : i32
      %swap3A_766 = arith.constant 1 : i32
      %swap3A_767 = arith.constant 6 : i32
      %swap3A_768 = arith.index_cast %swap3A_766 : i32 to index
      %swap3A_769 = arith.index_cast %swap3A_767 : i32 to index
      %swap3A_770 = arith.index_cast %mul3A_765 : i32 to index
      %swap3A_771 = tpu.vector_load %arg9[%swap3A_768, %swap3A_769, %swap3A_770] {strides = array<i32>} : memref<2x8x1024xi32, #tpu.memory_space<vmem>>, vector<16xi32>,
      tpu.vector_store %arg9[%swap3A_768, %swap3A_769, %swap3A_770], %gather3A_763 {strides = array<i32>} : memref<2x8x1024xi32, #tpu.memory_space<vmem>>, vector<16xi32>,
      %gather3A_772 = arith.constant 7 : i32
      %gather3A_773 = arith.constant 0 : i32
      %gather3A_774 = tpu.memref_slice %arg8[%gather3A_772, %gather3A_773] : memref<8x10000xi32, #tpu.memory_space<vmem>> -> memref<1x10000xi32, #tpu.memory_space<vmem>>
      %gather3A_775 = tpu.memref_squeeze %gather3A_774 : memref<1x10000xi32, #tpu.memory_space<vmem>> -> memref<10000xi32, #tpu.memory_space<vmem>>
      %gather3A_776 = tpu.vector_load_idx %gather3A_775[%get3A_682] : memref<10000xi32, #tpu.memory_space<vmem>>[vector<16xi32>], vector<16xi32>,
      %mul3A_777 = arith.constant 16 : i32
      %mul3A_778 = arith.muli %scan3A_676, %mul3A_777 : i32
      %swap3A_779 = arith.constant 1 : i32
      %swap3A_780 = arith.constant 7 : i32
      %swap3A_781 = arith.index_cast %swap3A_779 : i32 to index
      %swap3A_782 = arith.index_cast %swap3A_780 : i32 to index
      %swap3A_783 = arith.index_cast %mul3A_778 : i32 to index
      %swap3A_784 = tpu.vector_load %arg9[%swap3A_781, %swap3A_782, %swap3A_783] {strides = array<i32>} : memref<2x8x1024xi32, #tpu.memory_space<vmem>>, vector<16xi32>,
      tpu.vector_store %arg9[%swap3A_781, %swap3A_782, %swap3A_783], %gather3A_776 {strides = array<i32>} : memref<2x8x1024xi32, #tpu.memory_space<vmem>>, vector<16xi32>,
      %scan3A_785 = arith.constant 0 : i32
      scf.yield %scan3A_785 : i32
    }
    %scan3A_636 = arith.constant 49 : i32
    %dma_start3A_637 = arith.constant 1 : i32
    %dma_start3A_638 = arith.constant 0 : i32
    %dma_start3A_639 = arith.constant 0 : i32
    %dma_start3A_640 = tpu.memref_slice %arg9[%dma_start3A_637, %dma_start3A_638, %dma_start3A_639] : memref<2x8x1024xi32, #tpu.memory_space<vmem>> -> memref<1x8x784xi32, #tpu.memory_space<vmem>>
    %dma_start3A_641 = tpu.memref_squeeze %dma_start3A_640 : memref<1x8x784xi32, #tpu.memory_space<vmem>> -> memref<8x784xi32, #tpu.memory_space<vmem>>
    %dma_start3A_642 = arith.constant 9216 : i32
    %dma_start3A_643 = tpu.memref_slice %arg6[%mul3A_2, %dma_start3A_642] : memref<256x10000xi32, #tpu.memory_space<hbm>> -> memref<8x784xi32, #tpu.memory_space<hbm>>
    %dma_start3A_644 = arith.constant 9216 : i32
    %dma_start3A_645 = tpu.memref_slice %arg6[%mul3A_2, %dma_start3A_644] : memref<256x10000xi32, #tpu.memory_space<hbm>> -> memref<8x784xi32, #tpu.memory_space<hbm>>
    %dma_start3A_646 = arith.constant 0 : i32
    %dma_start3A_647 = arith.constant 0 : i32
    %dma_start3A_648 = tpu.memref_slice %arg9[%dma_start3A_637, %dma_start3A_646, %dma_start3A_647] : memref<2x8x1024xi32, #tpu.memory_space<vmem>> -> memref<1x8x784xi32, #tpu.memory_space<vmem>>
    %dma_start3A_649 = tpu.memref_squeeze %dma_start3A_648 : memref<1x8x784xi32, #tpu.memory_space<vmem>> -> memref<8x784xi32, #tpu.memory_space<vmem>>
    tpu.enqueue_dma source(%dma_start3A_649 : memref<8x784xi32, #tpu.memory_space<vmem>>) target(%dma_start3A_645 : memref<8x784xi32, #tpu.memory_space<hbm>>) target_semaphore(%arg12 : memref<!tpu.dma_semaphore, #tpu.memory_space<semaphore_mem>>)
    %dma_wait3A_650 = arith.constant 0 : i32
    %dma_wait3A_651 = arith.constant 0 : i32
    %dma_wait3A_652 = arith.constant 0 : i32
    %dma_wait3A_653 = tpu.memref_slice %arg9[%dma_wait3A_650, %dma_wait3A_651, %dma_wait3A_652] : memref<2x8x1024xi32, #tpu.memory_space<vmem>> -> memref<1x8x1024xi32, #tpu.memory_space<vmem>>
    %dma_wait3A_654 = tpu.memref_squeeze %dma_wait3A_653 : memref<1x8x1024xi32, #tpu.memory_space<vmem>> -> memref<8x1024xi32, #tpu.memory_space<vmem>>
    %dma_wait3A_655 = arith.constant 8192 : i32
    %dma_wait3A_656 = tpu.memref_slice %arg6[%mul3A_2, %dma_wait3A_655] : memref<256x10000xi32, #tpu.memory_space<hbm>> -> memref<8x1024xi32, #tpu.memory_space<hbm>>
    %dma_wait3A_657 = arith.constant 8192 : i32
    %dma_wait3A_658 = tpu.memref_slice %arg6[%mul3A_2, %dma_wait3A_657] : memref<256x10000xi32, #tpu.memory_space<hbm>> -> memref<8x1024xi32, #tpu.memory_space<hbm>>
    %dma_wait3A_659 = arith.constant 0 : i32
    %dma_wait3A_660 = arith.constant 0 : i32
    %dma_wait3A_661 = tpu.memref_slice %arg9[%dma_wait3A_650, %dma_wait3A_659, %dma_wait3A_660] : memref<2x8x1024xi32, #tpu.memory_space<vmem>> -> memref<1x8x1024xi32, #tpu.memory_space<vmem>>
    %dma_wait3A_662 = tpu.memref_squeeze %dma_wait3A_661 : memref<1x8x1024xi32, #tpu.memory_space<vmem>> -> memref<8x1024xi32, #tpu.memory_space<vmem>>
    tpu.wait_dma2 semaphore(%arg11 : memref<!tpu.dma_semaphore, #tpu.memory_space<semaphore_mem>>) src(%dma_wait3A_662 : memref<8x1024xi32, #tpu.memory_space<vmem>>) dst(%dma_wait3A_658 : memref<8x1024xi32, #tpu.memory_space<hbm>>)
    %dma_wait3A_663 = arith.constant 1 : i32
    %dma_wait3A_664 = arith.constant 0 : i32
    %dma_wait3A_665 = arith.constant 0 : i32
    %dma_wait3A_666 = tpu.memref_slice %arg9[%dma_wait3A_663, %dma_wait3A_664, %dma_wait3A_665] : memref<2x8x1024xi32, #tpu.memory_space<vmem>> -> memref<1x8x784xi32, #tpu.memory_space<vmem>>
    %dma_wait3A_667 = tpu.memref_squeeze %dma_wait3A_666 : memref<1x8x784xi32, #tpu.memory_space<vmem>> -> memref<8x784xi32, #tpu.memory_space<vmem>>
    %dma_wait3A_668 = arith.constant 9216 : i32
    %dma_wait3A_669 = tpu.memref_slice %arg6[%mul3A_2, %dma_wait3A_668] : memref<256x10000xi32, #tpu.memory_space<hbm>> -> memref<8x784xi32, #tpu.memory_space<hbm>>
    %dma_wait3A_670 = arith.constant 9216 : i32
    %dma_wait3A_671 = tpu.memref_slice %arg6[%mul3A_2, %dma_wait3A_670] : memref<256x10000xi32, #tpu.memory_space<hbm>> -> memref<8x784xi32, #tpu.memory_space<hbm>>
    %dma_wait3A_672 = arith.constant 0 : i32
    %dma_wait3A_673 = arith.constant 0 : i32
    %dma_wait3A_674 = tpu.memref_slice %arg9[%dma_wait3A_663, %dma_wait3A_672, %dma_wait3A_673] : memref<2x8x1024xi32, #tpu.memory_space<vmem>> -> memref<1x8x784xi32, #tpu.memory_space<vmem>>
    %dma_wait3A_675 = tpu.memref_squeeze %dma_wait3A_674 : memref<1x8x784xi32, #tpu.memory_space<vmem>> -> memref<8x784xi32, #tpu.memory_space<vmem>>
    tpu.wait_dma2 semaphore(%arg12 : memref<!tpu.dma_semaphore, #tpu.memory_space<semaphore_mem>>) src(%dma_wait3A_675 : memref<8x784xi32, #tpu.memory_space<vmem>>) dst(%dma_wait3A_671 : memref<8x784xi32, #tpu.memory_space<hbm>>)
    return
  }
}

#map = affine_map<(d0, d1) -> (0, 0)>
#map1 = affine_map<(d0, d1) -> (0, 0, 0)>
module attributes {stable_mosaic.version = 14 : i64} {
  func.func @_shuffle_y(%arg0: i32, %arg1: i32, %arg2: memref<40000x128xf32, #tpu.memory_space<hbm>>, %arg3: memref<32x10x125xi32, #tpu.memory_space<hbm>>, %arg4: memref<40000x128xf32, #tpu.memory_space<hbm>>, %arg5: memref<10x125xi32, #tpu.memory_space<vmem>>, %arg6: memref<3x125x128xf32, #tpu.memory_space<vmem>>, %arg7: memref<!tpu.dma_semaphore, #tpu.memory_space<semaphore_mem>>, %arg8: memref<!tpu.dma_semaphore, #tpu.memory_space<semaphore_mem>>, %arg9: memref<!tpu.dma_semaphore, #tpu.memory_space<semaphore_mem>>, %arg10: memref<!tpu.dma_semaphore, #tpu.memory_space<semaphore_mem>>, %arg11: memref<!tpu.dma_semaphore, #tpu.memory_space<semaphore_mem>>, %arg12: memref<!tpu.dma_semaphore, #tpu.memory_space<semaphore_mem>>) attributes {dimension_semantics = [#tpu.dimension_semantics<core_parallel>, #tpu.dimension_semantics<subcore_parallel>], iteration_bounds = array<i64: 2, 16>, scalar_prefetch = 0 : i64, scratch_operands = 8 : i64, tpu.core_type = #tpu.core_type<sc_vector_subcore>, window_params = [{transform_indices = #map}, {transform_indices = #map1}, {transform_indices = #map}]} {
    %mul3A = arith.constant 2 : i32
    %mul3A_0 = arith.muli %arg1, %mul3A : i32
    %add3A = arith.addi %mul3A_0, %arg0 : i32
    %mul3A_1 = arith.constant 1250 : i32
    %mul3A_2 = arith.muli %add3A, %mul3A_1 : i32
    "tpu.region"() ({
      %run_scoped3A = tpu.sem_alloc : memref<!tpu.dma_semaphore, #tpu.memory_space<semaphore_mem>>
      %dma_start3A_521 = arith.constant 0 : i32
      %dma_start3A_522 = arith.constant 0 : i32
      %dma_start3A_523 = tpu.memref_slice %arg3[%add3A, %dma_start3A_521, %dma_start3A_522] : memref<32x10x125xi32, #tpu.memory_space<hbm>> -> memref<1x10x125xi32, #tpu.memory_space<hbm>>
      %dma_start3A_524 = tpu.memref_squeeze %dma_start3A_523 : memref<1x10x125xi32, #tpu.memory_space<hbm>> -> memref<10x125xi32, #tpu.memory_space<hbm>>
      %dma_start3A_525 = arith.constant 0 : i32
      %dma_start3A_526 = arith.constant 0 : i32
      %dma_start3A_527 = tpu.memref_slice %arg3[%add3A, %dma_start3A_525, %dma_start3A_526] : memref<32x10x125xi32, #tpu.memory_space<hbm>> -> memref<1x10x125xi32, #tpu.memory_space<hbm>>
      %dma_start3A_528 = tpu.memref_squeeze %dma_start3A_527 : memref<1x10x125xi32, #tpu.memory_space<hbm>> -> memref<10x125xi32, #tpu.memory_space<hbm>>
      tpu.enqueue_dma source(%dma_start3A_528 : memref<10x125xi32, #tpu.memory_space<hbm>>) target(%arg5 : memref<10x125xi32, #tpu.memory_space<vmem>>) target_semaphore(%run_scoped3A : memref<!tpu.dma_semaphore, #tpu.memory_space<semaphore_mem>>)
      %dma_wait3A_529 = arith.constant 0 : i32
      %dma_wait3A_530 = arith.constant 0 : i32
      %dma_wait3A_531 = tpu.memref_slice %arg3[%add3A, %dma_wait3A_529, %dma_wait3A_530] : memref<32x10x125xi32, #tpu.memory_space<hbm>> -> memref<1x10x125xi32, #tpu.memory_space<hbm>>
      %dma_wait3A_532 = tpu.memref_squeeze %dma_wait3A_531 : memref<1x10x125xi32, #tpu.memory_space<hbm>> -> memref<10x125xi32, #tpu.memory_space<hbm>>
      %dma_wait3A_533 = arith.constant 0 : i32
      %dma_wait3A_534 = arith.constant 0 : i32
      %dma_wait3A_535 = tpu.memref_slice %arg3[%add3A, %dma_wait3A_533, %dma_wait3A_534] : memref<32x10x125xi32, #tpu.memory_space<hbm>> -> memref<1x10x125xi32, #tpu.memory_space<hbm>>
      %dma_wait3A_536 = tpu.memref_squeeze %dma_wait3A_535 : memref<1x10x125xi32, #tpu.memory_space<hbm>> -> memref<10x125xi32, #tpu.memory_space<hbm>>
      tpu.wait_dma2 semaphore(%run_scoped3A : memref<!tpu.dma_semaphore, #tpu.memory_space<semaphore_mem>>) src(%dma_wait3A_536 : memref<10x125xi32, #tpu.memory_space<hbm>>) dst(%arg5 : memref<10x125xi32, #tpu.memory_space<vmem>>)
      tpu.yield
    }) : () -> ()
    %dma_start3A = arith.constant 0 : i32
    %dma_start3A_3 = arith.constant 0 : i32
    %dma_start3A_4 = arith.constant 0 : i32
    %dma_start3A_5 = arith.constant 0 : i32
    %dma_start3A_6 = tpu.memref_slice %arg6[%dma_start3A_3, %dma_start3A_4, %dma_start3A_5] : memref<3x125x128xf32, #tpu.memory_space<vmem>> -> memref<1x125x128xf32, #tpu.memory_space<vmem>>
    %dma_start3A_7 = tpu.memref_squeeze %dma_start3A_6 : memref<1x125x128xf32, #tpu.memory_space<vmem>> -> memref<125x128xf32, #tpu.memory_space<vmem>>
    %dma_start3A_8 = arith.constant 0 : i32
    %dma_start3A_9 = tpu.memref_slice %arg5[%dma_start3A, %dma_start3A_8] : memref<10x125xi32, #tpu.memory_space<vmem>> -> memref<1x125xi32, #tpu.memory_space<vmem>>
    %dma_start3A_10 = tpu.memref_squeeze %dma_start3A_9 : memref<1x125xi32, #tpu.memory_space<vmem>> -> memref<125xi32, #tpu.memory_space<vmem>>
    %dma_start3A_11 = arith.constant 0 : i32
    %dma_start3A_12 = arith.constant 0 : i32
    %dma_start3A_13 = tpu.memref_slice %arg2[%dma_start3A_11, %dma_start3A_12] : memref<40000x128xf32, #tpu.memory_space<hbm>> -> memref<40000x128xf32, #tpu.memory_space<hbm>>
    tpu.enqueue_indirect_dma source(%dma_start3A_13 : memref<40000x128xf32, #tpu.memory_space<hbm>>) target(%dma_start3A_7 : memref<125x128xf32, #tpu.memory_space<vmem>>) offsets(%dma_start3A_10 : memref<125xi32, #tpu.memory_space<vmem>>) semaphore(%arg7 : memref<!tpu.dma_semaphore, #tpu.memory_space<semaphore_mem>>)
    %dma_start3A_14 = arith.constant 1 : i32
    %dma_start3A_15 = arith.constant 1 : i32
    %dma_start3A_16 = arith.constant 0 : i32
    %dma_start3A_17 = arith.constant 0 : i32
    %dma_start3A_18 = tpu.memref_slice %arg6[%dma_start3A_15, %dma_start3A_16, %dma_start3A_17] : memref<3x125x128xf32, #tpu.memory_space<vmem>> -> memref<1x125x128xf32, #tpu.memory_space<vmem>>
    %dma_start3A_19 = tpu.memref_squeeze %dma_start3A_18 : memref<1x125x128xf32, #tpu.memory_space<vmem>> -> memref<125x128xf32, #tpu.memory_space<vmem>>
    %dma_start3A_20 = arith.constant 0 : i32
    %dma_start3A_21 = tpu.memref_slice %arg5[%dma_start3A_14, %dma_start3A_20] : memref<10x125xi32, #tpu.memory_space<vmem>> -> memref<1x125xi32, #tpu.memory_space<vmem>>
    %dma_start3A_22 = tpu.memref_squeeze %dma_start3A_21 : memref<1x125xi32, #tpu.memory_space<vmem>> -> memref<125xi32, #tpu.memory_space<vmem>>
    %dma_start3A_23 = arith.constant 0 : i32
    %dma_start3A_24 = arith.constant 0 : i32
    %dma_start3A_25 = tpu.memref_slice %arg2[%dma_start3A_23, %dma_start3A_24] : memref<40000x128xf32, #tpu.memory_space<hbm>> -> memref<40000x128xf32, #tpu.memory_space<hbm>>
    tpu.enqueue_indirect_dma source(%dma_start3A_25 : memref<40000x128xf32, #tpu.memory_space<hbm>>) target(%dma_start3A_19 : memref<125x128xf32, #tpu.memory_space<vmem>>) offsets(%dma_start3A_22 : memref<125xi32, #tpu.memory_space<vmem>>) semaphore(%arg8 : memref<!tpu.dma_semaphore, #tpu.memory_space<semaphore_mem>>)
    %dma_wait3A = arith.constant 0 : i32
    %dma_wait3A_26 = arith.constant 0 : i32
    %dma_wait3A_27 = arith.constant 0 : i32
    %dma_wait3A_28 = arith.constant 0 : i32
    %dma_wait3A_29 = tpu.memref_slice %arg6[%dma_wait3A_26, %dma_wait3A_27, %dma_wait3A_28] : memref<3x125x128xf32, #tpu.memory_space<vmem>> -> memref<1x125x128xf32, #tpu.memory_space<vmem>>
    %dma_wait3A_30 = tpu.memref_squeeze %dma_wait3A_29 : memref<1x125x128xf32, #tpu.memory_space<vmem>> -> memref<125x128xf32, #tpu.memory_space<vmem>>
    %dma_wait3A_31 = arith.constant 0 : i32
    %dma_wait3A_32 = tpu.memref_slice %arg5[%dma_wait3A, %dma_wait3A_31] : memref<10x125xi32, #tpu.memory_space<vmem>> -> memref<1x125xi32, #tpu.memory_space<vmem>>
    %dma_wait3A_33 = tpu.memref_squeeze %dma_wait3A_32 : memref<1x125xi32, #tpu.memory_space<vmem>> -> memref<125xi32, #tpu.memory_space<vmem>>
    %dma_wait3A_34 = arith.constant 0 : i32
    %dma_wait3A_35 = arith.constant 0 : i32
    %dma_wait3A_36 = tpu.memref_slice %arg2[%dma_wait3A_34, %dma_wait3A_35] : memref<40000x128xf32, #tpu.memory_space<hbm>> -> memref<40000x128xf32, #tpu.memory_space<hbm>>
    tpu.wait_indirect_dma semaphore(%arg7 : memref<!tpu.dma_semaphore, #tpu.memory_space<semaphore_mem>>) src(%dma_wait3A_36 : memref<40000x128xf32, #tpu.memory_space<hbm>>) dst(%dma_wait3A_30 : memref<125x128xf32, #tpu.memory_space<vmem>>)
    %add3A_37 = arith.constant 0 : i32
    %add3A_38 = arith.addi %mul3A_2, %add3A_37 : i32
    %dma_start3A_39 = arith.constant 0 : i32
    %dma_start3A_40 = arith.constant 0 : i32
    %dma_start3A_41 = arith.constant 0 : i32
    %dma_start3A_42 = tpu.memref_slice %arg6[%dma_start3A_39, %dma_start3A_40, %dma_start3A_41] : memref<3x125x128xf32, #tpu.memory_space<vmem>> -> memref<1x125x128xf32, #tpu.memory_space<vmem>>
    %dma_start3A_43 = tpu.memref_squeeze %dma_start3A_42 : memref<1x125x128xf32, #tpu.memory_space<vmem>> -> memref<125x128xf32, #tpu.memory_space<vmem>>
    %dma_start3A_44 = arith.constant 0 : i32
    %dma_start3A_45 = tpu.memref_slice %arg4[%add3A_38, %dma_start3A_44] : memref<40000x128xf32, #tpu.memory_space<hbm>> -> memref<125x128xf32, #tpu.memory_space<hbm>>
    %dma_start3A_46 = arith.constant 0 : i32
    %dma_start3A_47 = tpu.memref_slice %arg4[%add3A_38, %dma_start3A_46] : memref<40000x128xf32, #tpu.memory_space<hbm>> -> memref<125x128xf32, #tpu.memory_space<hbm>>
    %dma_start3A_48 = arith.constant 0 : i32
    %dma_start3A_49 = arith.constant 0 : i32
    %dma_start3A_50 = tpu.memref_slice %arg6[%dma_start3A_39, %dma_start3A_48, %dma_start3A_49] : memref<3x125x128xf32, #tpu.memory_space<vmem>> -> memref<1x125x128xf32, #tpu.memory_space<vmem>>
    %dma_start3A_51 = tpu.memref_squeeze %dma_start3A_50 : memref<1x125x128xf32, #tpu.memory_space<vmem>> -> memref<125x128xf32, #tpu.memory_space<vmem>>
    tpu.enqueue_dma source(%dma_start3A_51 : memref<125x128xf32, #tpu.memory_space<vmem>>) target(%dma_start3A_47 : memref<125x128xf32, #tpu.memory_space<hbm>>) target_semaphore(%arg10 : memref<!tpu.dma_semaphore, #tpu.memory_space<semaphore_mem>>)
    %dma_start3A_52 = arith.constant 2 : i32
    %dma_start3A_53 = arith.constant 2 : i32
    %dma_start3A_54 = arith.constant 0 : i32
    %dma_start3A_55 = arith.constant 0 : i32
    %dma_start3A_56 = tpu.memref_slice %arg6[%dma_start3A_53, %dma_start3A_54, %dma_start3A_55] : memref<3x125x128xf32, #tpu.memory_space<vmem>> -> memref<1x125x128xf32, #tpu.memory_space<vmem>>
    %dma_start3A_57 = tpu.memref_squeeze %dma_start3A_56 : memref<1x125x128xf32, #tpu.memory_space<vmem>> -> memref<125x128xf32, #tpu.memory_space<vmem>>
    %dma_start3A_58 = arith.constant 0 : i32
    %dma_start3A_59 = tpu.memref_slice %arg5[%dma_start3A_52, %dma_start3A_58] : memref<10x125xi32, #tpu.memory_space<vmem>> -> memref<1x125xi32, #tpu.memory_space<vmem>>
    %dma_start3A_60 = tpu.memref_squeeze %dma_start3A_59 : memref<1x125xi32, #tpu.memory_space<vmem>> -> memref<125xi32, #tpu.memory_space<vmem>>
    %dma_start3A_61 = arith.constant 0 : i32
    %dma_start3A_62 = arith.constant 0 : i32
    %dma_start3A_63 = tpu.memref_slice %arg2[%dma_start3A_61, %dma_start3A_62] : memref<40000x128xf32, #tpu.memory_space<hbm>> -> memref<40000x128xf32, #tpu.memory_space<hbm>>
    tpu.enqueue_indirect_dma source(%dma_start3A_63 : memref<40000x128xf32, #tpu.memory_space<hbm>>) target(%dma_start3A_57 : memref<125x128xf32, #tpu.memory_space<vmem>>) offsets(%dma_start3A_60 : memref<125xi32, #tpu.memory_space<vmem>>) semaphore(%arg9 : memref<!tpu.dma_semaphore, #tpu.memory_space<semaphore_mem>>)
    %dma_wait3A_64 = arith.constant 1 : i32
    %dma_wait3A_65 = arith.constant 1 : i32
    %dma_wait3A_66 = arith.constant 0 : i32
    %dma_wait3A_67 = arith.constant 0 : i32
    %dma_wait3A_68 = tpu.memref_slice %arg6[%dma_wait3A_65, %dma_wait3A_66, %dma_wait3A_67] : memref<3x125x128xf32, #tpu.memory_space<vmem>> -> memref<1x125x128xf32, #tpu.memory_space<vmem>>
    %dma_wait3A_69 = tpu.memref_squeeze %dma_wait3A_68 : memref<1x125x128xf32, #tpu.memory_space<vmem>> -> memref<125x128xf32, #tpu.memory_space<vmem>>
    %dma_wait3A_70 = arith.constant 0 : i32
    %dma_wait3A_71 = tpu.memref_slice %arg5[%dma_wait3A_64, %dma_wait3A_70] : memref<10x125xi32, #tpu.memory_space<vmem>> -> memref<1x125xi32, #tpu.memory_space<vmem>>
    %dma_wait3A_72 = tpu.memref_squeeze %dma_wait3A_71 : memref<1x125xi32, #tpu.memory_space<vmem>> -> memref<125xi32, #tpu.memory_space<vmem>>
    %dma_wait3A_73 = arith.constant 0 : i32
    %dma_wait3A_74 = arith.constant 0 : i32
    %dma_wait3A_75 = tpu.memref_slice %arg2[%dma_wait3A_73, %dma_wait3A_74] : memref<40000x128xf32, #tpu.memory_space<hbm>> -> memref<40000x128xf32, #tpu.memory_space<hbm>>
    tpu.wait_indirect_dma semaphore(%arg8 : memref<!tpu.dma_semaphore, #tpu.memory_space<semaphore_mem>>) src(%dma_wait3A_75 : memref<40000x128xf32, #tpu.memory_space<hbm>>) dst(%dma_wait3A_69 : memref<125x128xf32, #tpu.memory_space<vmem>>)
    %add3A_76 = arith.constant 125 : i32
    %add3A_77 = arith.addi %mul3A_2, %add3A_76 : i32
    %dma_start3A_78 = arith.constant 1 : i32
    %dma_start3A_79 = arith.constant 0 : i32
    %dma_start3A_80 = arith.constant 0 : i32
    %dma_start3A_81 = tpu.memref_slice %arg6[%dma_start3A_78, %dma_start3A_79, %dma_start3A_80] : memref<3x125x128xf32, #tpu.memory_space<vmem>> -> memref<1x125x128xf32, #tpu.memory_space<vmem>>
    %dma_start3A_82 = tpu.memref_squeeze %dma_start3A_81 : memref<1x125x128xf32, #tpu.memory_space<vmem>> -> memref<125x128xf32, #tpu.memory_space<vmem>>
    %dma_start3A_83 = arith.constant 0 : i32
    %dma_start3A_84 = tpu.memref_slice %arg4[%add3A_77, %dma_start3A_83] : memref<40000x128xf32, #tpu.memory_space<hbm>> -> memref<125x128xf32, #tpu.memory_space<hbm>>
    %dma_start3A_85 = arith.constant 0 : i32
    %dma_start3A_86 = tpu.memref_slice %arg4[%add3A_77, %dma_start3A_85] : memref<40000x128xf32, #tpu.memory_space<hbm>> -> memref<125x128xf32, #tpu.memory_space<hbm>>
    %dma_start3A_87 = arith.constant 0 : i32
    %dma_start3A_88 = arith.constant 0 : i32
    %dma_start3A_89 = tpu.memref_slice %arg6[%dma_start3A_78, %dma_start3A_87, %dma_start3A_88] : memref<3x125x128xf32, #tpu.memory_space<vmem>> -> memref<1x125x128xf32, #tpu.memory_space<vmem>>
    %dma_start3A_90 = tpu.memref_squeeze %dma_start3A_89 : memref<1x125x128xf32, #tpu.memory_space<vmem>> -> memref<125x128xf32, #tpu.memory_space<vmem>>
    tpu.enqueue_dma source(%dma_start3A_90 : memref<125x128xf32, #tpu.memory_space<vmem>>) target(%dma_start3A_86 : memref<125x128xf32, #tpu.memory_space<hbm>>) target_semaphore(%arg11 : memref<!tpu.dma_semaphore, #tpu.memory_space<semaphore_mem>>)
    %dma_wait3A_91 = arith.constant 0 : i32
    %dma_wait3A_92 = arith.constant 0 : i32
    %dma_wait3A_93 = arith.constant 0 : i32
    %dma_wait3A_94 = tpu.memref_slice %arg6[%dma_wait3A_91, %dma_wait3A_92, %dma_wait3A_93] : memref<3x125x128xf32, #tpu.memory_space<vmem>> -> memref<1x125x128xf32, #tpu.memory_space<vmem>>
    %dma_wait3A_95 = tpu.memref_squeeze %dma_wait3A_94 : memref<1x125x128xf32, #tpu.memory_space<vmem>> -> memref<125x128xf32, #tpu.memory_space<vmem>>
    %dma_wait3A_96 = arith.constant 0 : i32
    %dma_wait3A_97 = tpu.memref_slice %arg4[%add3A_38, %dma_wait3A_96] : memref<40000x128xf32, #tpu.memory_space<hbm>> -> memref<125x128xf32, #tpu.memory_space<hbm>>
    %dma_wait3A_98 = arith.constant 0 : i32
    %dma_wait3A_99 = tpu.memref_slice %arg4[%add3A_38, %dma_wait3A_98] : memref<40000x128xf32, #tpu.memory_space<hbm>> -> memref<125x128xf32, #tpu.memory_space<hbm>>
    %dma_wait3A_100 = arith.constant 0 : i32
    %dma_wait3A_101 = arith.constant 0 : i32
    %dma_wait3A_102 = tpu.memref_slice %arg6[%dma_wait3A_91, %dma_wait3A_100, %dma_wait3A_101] : memref<3x125x128xf32, #tpu.memory_space<vmem>> -> memref<1x125x128xf32, #tpu.memory_space<vmem>>
    %dma_wait3A_103 = tpu.memref_squeeze %dma_wait3A_102 : memref<1x125x128xf32, #tpu.memory_space<vmem>> -> memref<125x128xf32, #tpu.memory_space<vmem>>
    tpu.wait_dma2 semaphore(%arg10 : memref<!tpu.dma_semaphore, #tpu.memory_space<semaphore_mem>>) src(%dma_wait3A_103 : memref<125x128xf32, #tpu.memory_space<vmem>>) dst(%dma_wait3A_99 : memref<125x128xf32, #tpu.memory_space<hbm>>)
    %dma_start3A_104 = arith.constant 3 : i32
    %dma_start3A_105 = arith.constant 0 : i32
    %dma_start3A_106 = arith.constant 0 : i32
    %dma_start3A_107 = arith.constant 0 : i32
    %dma_start3A_108 = tpu.memref_slice %arg6[%dma_start3A_105, %dma_start3A_106, %dma_start3A_107] : memref<3x125x128xf32, #tpu.memory_space<vmem>> -> memref<1x125x128xf32, #tpu.memory_space<vmem>>
    %dma_start3A_109 = tpu.memref_squeeze %dma_start3A_108 : memref<1x125x128xf32, #tpu.memory_space<vmem>> -> memref<125x128xf32, #tpu.memory_space<vmem>>
    %dma_start3A_110 = arith.constant 0 : i32
    %dma_start3A_111 = tpu.memref_slice %arg5[%dma_start3A_104, %dma_start3A_110] : memref<10x125xi32, #tpu.memory_space<vmem>> -> memref<1x125xi32, #tpu.memory_space<vmem>>
    %dma_start3A_112 = tpu.memref_squeeze %dma_start3A_111 : memref<1x125xi32, #tpu.memory_space<vmem>> -> memref<125xi32, #tpu.memory_space<vmem>>
    %dma_start3A_113 = arith.constant 0 : i32
    %dma_start3A_114 = arith.constant 0 : i32
    %dma_start3A_115 = tpu.memref_slice %arg2[%dma_start3A_113, %dma_start3A_114] : memref<40000x128xf32, #tpu.memory_space<hbm>> -> memref<40000x128xf32, #tpu.memory_space<hbm>>
    tpu.enqueue_indirect_dma source(%dma_start3A_115 : memref<40000x128xf32, #tpu.memory_space<hbm>>) target(%dma_start3A_109 : memref<125x128xf32, #tpu.memory_space<vmem>>) offsets(%dma_start3A_112 : memref<125xi32, #tpu.memory_space<vmem>>) semaphore(%arg7 : memref<!tpu.dma_semaphore, #tpu.memory_space<semaphore_mem>>)
    %dma_wait3A_116 = arith.constant 2 : i32
    %dma_wait3A_117 = arith.constant 2 : i32
    %dma_wait3A_118 = arith.constant 0 : i32
    %dma_wait3A_119 = arith.constant 0 : i32
    %dma_wait3A_120 = tpu.memref_slice %arg6[%dma_wait3A_117, %dma_wait3A_118, %dma_wait3A_119] : memref<3x125x128xf32, #tpu.memory_space<vmem>> -> memref<1x125x128xf32, #tpu.memory_space<vmem>>
    %dma_wait3A_121 = tpu.memref_squeeze %dma_wait3A_120 : memref<1x125x128xf32, #tpu.memory_space<vmem>> -> memref<125x128xf32, #tpu.memory_space<vmem>>
    %dma_wait3A_122 = arith.constant 0 : i32
    %dma_wait3A_123 = tpu.memref_slice %arg5[%dma_wait3A_116, %dma_wait3A_122] : memref<10x125xi32, #tpu.memory_space<vmem>> -> memref<1x125xi32, #tpu.memory_space<vmem>>
    %dma_wait3A_124 = tpu.memref_squeeze %dma_wait3A_123 : memref<1x125xi32, #tpu.memory_space<vmem>> -> memref<125xi32, #tpu.memory_space<vmem>>
    %dma_wait3A_125 = arith.constant 0 : i32
    %dma_wait3A_126 = arith.constant 0 : i32
    %dma_wait3A_127 = tpu.memref_slice %arg2[%dma_wait3A_125, %dma_wait3A_126] : memref<40000x128xf32, #tpu.memory_space<hbm>> -> memref<40000x128xf32, #tpu.memory_space<hbm>>
    tpu.wait_indirect_dma semaphore(%arg9 : memref<!tpu.dma_semaphore, #tpu.memory_space<semaphore_mem>>) src(%dma_wait3A_127 : memref<40000x128xf32, #tpu.memory_space<hbm>>) dst(%dma_wait3A_121 : memref<125x128xf32, #tpu.memory_space<vmem>>)
    %add3A_128 = arith.constant 250 : i32
    %add3A_129 = arith.addi %mul3A_2, %add3A_128 : i32
    %dma_start3A_130 = arith.constant 2 : i32
    %dma_start3A_131 = arith.constant 0 : i32
    %dma_start3A_132 = arith.constant 0 : i32
    %dma_start3A_133 = tpu.memref_slice %arg6[%dma_start3A_130, %dma_start3A_131, %dma_start3A_132] : memref<3x125x128xf32, #tpu.memory_space<vmem>> -> memref<1x125x128xf32, #tpu.memory_space<vmem>>
    %dma_start3A_134 = tpu.memref_squeeze %dma_start3A_133 : memref<1x125x128xf32, #tpu.memory_space<vmem>> -> memref<125x128xf32, #tpu.memory_space<vmem>>
    %dma_start3A_135 = arith.constant 0 : i32
    %dma_start3A_136 = tpu.memref_slice %arg4[%add3A_129, %dma_start3A_135] : memref<40000x128xf32, #tpu.memory_space<hbm>> -> memref<125x128xf32, #tpu.memory_space<hbm>>
    %dma_start3A_137 = arith.constant 0 : i32
    %dma_start3A_138 = tpu.memref_slice %arg4[%add3A_129, %dma_start3A_137] : memref<40000x128xf32, #tpu.memory_space<hbm>> -> memref<125x128xf32, #tpu.memory_space<hbm>>
    %dma_start3A_139 = arith.constant 0 : i32
    %dma_start3A_140 = arith.constant 0 : i32
    %dma_start3A_141 = tpu.memref_slice %arg6[%dma_start3A_130, %dma_start3A_139, %dma_start3A_140] : memref<3x125x128xf32, #tpu.memory_space<vmem>> -> memref<1x125x128xf32, #tpu.memory_space<vmem>>
    %dma_start3A_142 = tpu.memref_squeeze %dma_start3A_141 : memref<1x125x128xf32, #tpu.memory_space<vmem>> -> memref<125x128xf32, #tpu.memory_space<vmem>>
    tpu.enqueue_dma source(%dma_start3A_142 : memref<125x128xf32, #tpu.memory_space<vmem>>) target(%dma_start3A_138 : memref<125x128xf32, #tpu.memory_space<hbm>>) target_semaphore(%arg12 : memref<!tpu.dma_semaphore, #tpu.memory_space<semaphore_mem>>)
    %dma_wait3A_143 = arith.constant 1 : i32
    %dma_wait3A_144 = arith.constant 0 : i32
    %dma_wait3A_145 = arith.constant 0 : i32
    %dma_wait3A_146 = tpu.memref_slice %arg6[%dma_wait3A_143, %dma_wait3A_144, %dma_wait3A_145] : memref<3x125x128xf32, #tpu.memory_space<vmem>> -> memref<1x125x128xf32, #tpu.memory_space<vmem>>
    %dma_wait3A_147 = tpu.memref_squeeze %dma_wait3A_146 : memref<1x125x128xf32, #tpu.memory_space<vmem>> -> memref<125x128xf32, #tpu.memory_space<vmem>>
    %dma_wait3A_148 = arith.constant 0 : i32
    %dma_wait3A_149 = tpu.memref_slice %arg4[%add3A_77, %dma_wait3A_148] : memref<40000x128xf32, #tpu.memory_space<hbm>> -> memref<125x128xf32, #tpu.memory_space<hbm>>
    %dma_wait3A_150 = arith.constant 0 : i32
    %dma_wait3A_151 = tpu.memref_slice %arg4[%add3A_77, %dma_wait3A_150] : memref<40000x128xf32, #tpu.memory_space<hbm>> -> memref<125x128xf32, #tpu.memory_space<hbm>>
    %dma_wait3A_152 = arith.constant 0 : i32
    %dma_wait3A_153 = arith.constant 0 : i32
    %dma_wait3A_154 = tpu.memref_slice %arg6[%dma_wait3A_143, %dma_wait3A_152, %dma_wait3A_153] : memref<3x125x128xf32, #tpu.memory_space<vmem>> -> memref<1x125x128xf32, #tpu.memory_space<vmem>>
    %dma_wait3A_155 = tpu.memref_squeeze %dma_wait3A_154 : memref<1x125x128xf32, #tpu.memory_space<vmem>> -> memref<125x128xf32, #tpu.memory_space<vmem>>
    tpu.wait_dma2 semaphore(%arg11 : memref<!tpu.dma_semaphore, #tpu.memory_space<semaphore_mem>>) src(%dma_wait3A_155 : memref<125x128xf32, #tpu.memory_space<vmem>>) dst(%dma_wait3A_151 : memref<125x128xf32, #tpu.memory_space<hbm>>)
    %dma_start3A_156 = arith.constant 4 : i32
    %dma_start3A_157 = arith.constant 1 : i32
    %dma_start3A_158 = arith.constant 0 : i32
    %dma_start3A_159 = arith.constant 0 : i32
    %dma_start3A_160 = tpu.memref_slice %arg6[%dma_start3A_157, %dma_start3A_158, %dma_start3A_159] : memref<3x125x128xf32, #tpu.memory_space<vmem>> -> memref<1x125x128xf32, #tpu.memory_space<vmem>>
    %dma_start3A_161 = tpu.memref_squeeze %dma_start3A_160 : memref<1x125x128xf32, #tpu.memory_space<vmem>> -> memref<125x128xf32, #tpu.memory_space<vmem>>
    %dma_start3A_162 = arith.constant 0 : i32
    %dma_start3A_163 = tpu.memref_slice %arg5[%dma_start3A_156, %dma_start3A_162] : memref<10x125xi32, #tpu.memory_space<vmem>> -> memref<1x125xi32, #tpu.memory_space<vmem>>
    %dma_start3A_164 = tpu.memref_squeeze %dma_start3A_163 : memref<1x125xi32, #tpu.memory_space<vmem>> -> memref<125xi32, #tpu.memory_space<vmem>>
    %dma_start3A_165 = arith.constant 0 : i32
    %dma_start3A_166 = arith.constant 0 : i32
    %dma_start3A_167 = tpu.memref_slice %arg2[%dma_start3A_165, %dma_start3A_166] : memref<40000x128xf32, #tpu.memory_space<hbm>> -> memref<40000x128xf32, #tpu.memory_space<hbm>>
    tpu.enqueue_indirect_dma source(%dma_start3A_167 : memref<40000x128xf32, #tpu.memory_space<hbm>>) target(%dma_start3A_161 : memref<125x128xf32, #tpu.memory_space<vmem>>) offsets(%dma_start3A_164 : memref<125xi32, #tpu.memory_space<vmem>>) semaphore(%arg8 : memref<!tpu.dma_semaphore, #tpu.memory_space<semaphore_mem>>)
    %dma_wait3A_168 = arith.constant 3 : i32
    %dma_wait3A_169 = arith.constant 0 : i32
    %dma_wait3A_170 = arith.constant 0 : i32
    %dma_wait3A_171 = arith.constant 0 : i32
    %dma_wait3A_172 = tpu.memref_slice %arg6[%dma_wait3A_169, %dma_wait3A_170, %dma_wait3A_171] : memref<3x125x128xf32, #tpu.memory_space<vmem>> -> memref<1x125x128xf32, #tpu.memory_space<vmem>>
    %dma_wait3A_173 = tpu.memref_squeeze %dma_wait3A_172 : memref<1x125x128xf32, #tpu.memory_space<vmem>> -> memref<125x128xf32, #tpu.memory_space<vmem>>
    %dma_wait3A_174 = arith.constant 0 : i32
    %dma_wait3A_175 = tpu.memref_slice %arg5[%dma_wait3A_168, %dma_wait3A_174] : memref<10x125xi32, #tpu.memory_space<vmem>> -> memref<1x125xi32, #tpu.memory_space<vmem>>
    %dma_wait3A_176 = tpu.memref_squeeze %dma_wait3A_175 : memref<1x125xi32, #tpu.memory_space<vmem>> -> memref<125xi32, #tpu.memory_space<vmem>>
    %dma_wait3A_177 = arith.constant 0 : i32
    %dma_wait3A_178 = arith.constant 0 : i32
    %dma_wait3A_179 = tpu.memref_slice %arg2[%dma_wait3A_177, %dma_wait3A_178] : memref<40000x128xf32, #tpu.memory_space<hbm>> -> memref<40000x128xf32, #tpu.memory_space<hbm>>
    tpu.wait_indirect_dma semaphore(%arg7 : memref<!tpu.dma_semaphore, #tpu.memory_space<semaphore_mem>>) src(%dma_wait3A_179 : memref<40000x128xf32, #tpu.memory_space<hbm>>) dst(%dma_wait3A_173 : memref<125x128xf32, #tpu.memory_space<vmem>>)
    %add3A_180 = arith.constant 375 : i32
    %add3A_181 = arith.addi %mul3A_2, %add3A_180 : i32
    %dma_start3A_182 = arith.constant 0 : i32
    %dma_start3A_183 = arith.constant 0 : i32
    %dma_start3A_184 = arith.constant 0 : i32
    %dma_start3A_185 = tpu.memref_slice %arg6[%dma_start3A_182, %dma_start3A_183, %dma_start3A_184] : memref<3x125x128xf32, #tpu.memory_space<vmem>> -> memref<1x125x128xf32, #tpu.memory_space<vmem>>
    %dma_start3A_186 = tpu.memref_squeeze %dma_start3A_185 : memref<1x125x128xf32, #tpu.memory_space<vmem>> -> memref<125x128xf32, #tpu.memory_space<vmem>>
    %dma_start3A_187 = arith.constant 0 : i32
    %dma_start3A_188 = tpu.memref_slice %arg4[%add3A_181, %dma_start3A_187] : memref<40000x128xf32, #tpu.memory_space<hbm>> -> memref<125x128xf32, #tpu.memory_space<hbm>>
    %dma_start3A_189 = arith.constant 0 : i32
    %dma_start3A_190 = tpu.memref_slice %arg4[%add3A_181, %dma_start3A_189] : memref<40000x128xf32, #tpu.memory_space<hbm>> -> memref<125x128xf32, #tpu.memory_space<hbm>>
    %dma_start3A_191 = arith.constant 0 : i32
    %dma_start3A_192 = arith.constant 0 : i32
    %dma_start3A_193 = tpu.memref_slice %arg6[%dma_start3A_182, %dma_start3A_191, %dma_start3A_192] : memref<3x125x128xf32, #tpu.memory_space<vmem>> -> memref<1x125x128xf32, #tpu.memory_space<vmem>>
    %dma_start3A_194 = tpu.memref_squeeze %dma_start3A_193 : memref<1x125x128xf32, #tpu.memory_space<vmem>> -> memref<125x128xf32, #tpu.memory_space<vmem>>
    tpu.enqueue_dma source(%dma_start3A_194 : memref<125x128xf32, #tpu.memory_space<vmem>>) target(%dma_start3A_190 : memref<125x128xf32, #tpu.memory_space<hbm>>) target_semaphore(%arg10 : memref<!tpu.dma_semaphore, #tpu.memory_space<semaphore_mem>>)
    %dma_wait3A_195 = arith.constant 2 : i32
    %dma_wait3A_196 = arith.constant 0 : i32
    %dma_wait3A_197 = arith.constant 0 : i32
    %dma_wait3A_198 = tpu.memref_slice %arg6[%dma_wait3A_195, %dma_wait3A_196, %dma_wait3A_197] : memref<3x125x128xf32, #tpu.memory_space<vmem>> -> memref<1x125x128xf32, #tpu.memory_space<vmem>>
    %dma_wait3A_199 = tpu.memref_squeeze %dma_wait3A_198 : memref<1x125x128xf32, #tpu.memory_space<vmem>> -> memref<125x128xf32, #tpu.memory_space<vmem>>
    %dma_wait3A_200 = arith.constant 0 : i32
    %dma_wait3A_201 = tpu.memref_slice %arg4[%add3A_129, %dma_wait3A_200] : memref<40000x128xf32, #tpu.memory_space<hbm>> -> memref<125x128xf32, #tpu.memory_space<hbm>>
    %dma_wait3A_202 = arith.constant 0 : i32
    %dma_wait3A_203 = tpu.memref_slice %arg4[%add3A_129, %dma_wait3A_202] : memref<40000x128xf32, #tpu.memory_space<hbm>> -> memref<125x128xf32, #tpu.memory_space<hbm>>
    %dma_wait3A_204 = arith.constant 0 : i32
    %dma_wait3A_205 = arith.constant 0 : i32
    %dma_wait3A_206 = tpu.memref_slice %arg6[%dma_wait3A_195, %dma_wait3A_204, %dma_wait3A_205] : memref<3x125x128xf32, #tpu.memory_space<vmem>> -> memref<1x125x128xf32, #tpu.memory_space<vmem>>
    %dma_wait3A_207 = tpu.memref_squeeze %dma_wait3A_206 : memref<1x125x128xf32, #tpu.memory_space<vmem>> -> memref<125x128xf32, #tpu.memory_space<vmem>>
    tpu.wait_dma2 semaphore(%arg12 : memref<!tpu.dma_semaphore, #tpu.memory_space<semaphore_mem>>) src(%dma_wait3A_207 : memref<125x128xf32, #tpu.memory_space<vmem>>) dst(%dma_wait3A_203 : memref<125x128xf32, #tpu.memory_space<hbm>>)
    %dma_start3A_208 = arith.constant 5 : i32
    %dma_start3A_209 = arith.constant 2 : i32
    %dma_start3A_210 = arith.constant 0 : i32
    %dma_start3A_211 = arith.constant 0 : i32
    %dma_start3A_212 = tpu.memref_slice %arg6[%dma_start3A_209, %dma_start3A_210, %dma_start3A_211] : memref<3x125x128xf32, #tpu.memory_space<vmem>> -> memref<1x125x128xf32, #tpu.memory_space<vmem>>
    %dma_start3A_213 = tpu.memref_squeeze %dma_start3A_212 : memref<1x125x128xf32, #tpu.memory_space<vmem>> -> memref<125x128xf32, #tpu.memory_space<vmem>>
    %dma_start3A_214 = arith.constant 0 : i32
    %dma_start3A_215 = tpu.memref_slice %arg5[%dma_start3A_208, %dma_start3A_214] : memref<10x125xi32, #tpu.memory_space<vmem>> -> memref<1x125xi32, #tpu.memory_space<vmem>>
    %dma_start3A_216 = tpu.memref_squeeze %dma_start3A_215 : memref<1x125xi32, #tpu.memory_space<vmem>> -> memref<125xi32, #tpu.memory_space<vmem>>
    %dma_start3A_217 = arith.constant 0 : i32
    %dma_start3A_218 = arith.constant 0 : i32
    %dma_start3A_219 = tpu.memref_slice %arg2[%dma_start3A_217, %dma_start3A_218] : memref<40000x128xf32, #tpu.memory_space<hbm>> -> memref<40000x128xf32, #tpu.memory_space<hbm>>
    tpu.enqueue_indirect_dma source(%dma_start3A_219 : memref<40000x128xf32, #tpu.memory_space<hbm>>) target(%dma_start3A_213 : memref<125x128xf32, #tpu.memory_space<vmem>>) offsets(%dma_start3A_216 : memref<125xi32, #tpu.memory_space<vmem>>) semaphore(%arg9 : memref<!tpu.dma_semaphore, #tpu.memory_space<semaphore_mem>>)
    %dma_wait3A_220 = arith.constant 4 : i32
    %dma_wait3A_221 = arith.constant 1 : i32
    %dma_wait3A_222 = arith.constant 0 : i32
    %dma_wait3A_223 = arith.constant 0 : i32
    %dma_wait3A_224 = tpu.memref_slice %arg6[%dma_wait3A_221, %dma_wait3A_222, %dma_wait3A_223] : memref<3x125x128xf32, #tpu.memory_space<vmem>> -> memref<1x125x128xf32, #tpu.memory_space<vmem>>
    %dma_wait3A_225 = tpu.memref_squeeze %dma_wait3A_224 : memref<1x125x128xf32, #tpu.memory_space<vmem>> -> memref<125x128xf32, #tpu.memory_space<vmem>>
    %dma_wait3A_226 = arith.constant 0 : i32
    %dma_wait3A_227 = tpu.memref_slice %arg5[%dma_wait3A_220, %dma_wait3A_226] : memref<10x125xi32, #tpu.memory_space<vmem>> -> memref<1x125xi32, #tpu.memory_space<vmem>>
    %dma_wait3A_228 = tpu.memref_squeeze %dma_wait3A_227 : memref<1x125xi32, #tpu.memory_space<vmem>> -> memref<125xi32, #tpu.memory_space<vmem>>
    %dma_wait3A_229 = arith.constant 0 : i32
    %dma_wait3A_230 = arith.constant 0 : i32
    %dma_wait3A_231 = tpu.memref_slice %arg2[%dma_wait3A_229, %dma_wait3A_230] : memref<40000x128xf32, #tpu.memory_space<hbm>> -> memref<40000x128xf32, #tpu.memory_space<hbm>>
    tpu.wait_indirect_dma semaphore(%arg8 : memref<!tpu.dma_semaphore, #tpu.memory_space<semaphore_mem>>) src(%dma_wait3A_231 : memref<40000x128xf32, #tpu.memory_space<hbm>>) dst(%dma_wait3A_225 : memref<125x128xf32, #tpu.memory_space<vmem>>)
    %add3A_232 = arith.constant 500 : i32
    %add3A_233 = arith.addi %mul3A_2, %add3A_232 : i32
    %dma_start3A_234 = arith.constant 1 : i32
    %dma_start3A_235 = arith.constant 0 : i32
    %dma_start3A_236 = arith.constant 0 : i32
    %dma_start3A_237 = tpu.memref_slice %arg6[%dma_start3A_234, %dma_start3A_235, %dma_start3A_236] : memref<3x125x128xf32, #tpu.memory_space<vmem>> -> memref<1x125x128xf32, #tpu.memory_space<vmem>>
    %dma_start3A_238 = tpu.memref_squeeze %dma_start3A_237 : memref<1x125x128xf32, #tpu.memory_space<vmem>> -> memref<125x128xf32, #tpu.memory_space<vmem>>
    %dma_start3A_239 = arith.constant 0 : i32
    %dma_start3A_240 = tpu.memref_slice %arg4[%add3A_233, %dma_start3A_239] : memref<40000x128xf32, #tpu.memory_space<hbm>> -> memref<125x128xf32, #tpu.memory_space<hbm>>
    %dma_start3A_241 = arith.constant 0 : i32
    %dma_start3A_242 = tpu.memref_slice %arg4[%add3A_233, %dma_start3A_241] : memref<40000x128xf32, #tpu.memory_space<hbm>> -> memref<125x128xf32, #tpu.memory_space<hbm>>
    %dma_start3A_243 = arith.constant 0 : i32
    %dma_start3A_244 = arith.constant 0 : i32
    %dma_start3A_245 = tpu.memref_slice %arg6[%dma_start3A_234, %dma_start3A_243, %dma_start3A_244] : memref<3x125x128xf32, #tpu.memory_space<vmem>> -> memref<1x125x128xf32, #tpu.memory_space<vmem>>
    %dma_start3A_246 = tpu.memref_squeeze %dma_start3A_245 : memref<1x125x128xf32, #tpu.memory_space<vmem>> -> memref<125x128xf32, #tpu.memory_space<vmem>>
    tpu.enqueue_dma source(%dma_start3A_246 : memref<125x128xf32, #tpu.memory_space<vmem>>) target(%dma_start3A_242 : memref<125x128xf32, #tpu.memory_space<hbm>>) target_semaphore(%arg11 : memref<!tpu.dma_semaphore, #tpu.memory_space<semaphore_mem>>)
    %dma_wait3A_247 = arith.constant 0 : i32
    %dma_wait3A_248 = arith.constant 0 : i32
    %dma_wait3A_249 = arith.constant 0 : i32
    %dma_wait3A_250 = tpu.memref_slice %arg6[%dma_wait3A_247, %dma_wait3A_248, %dma_wait3A_249] : memref<3x125x128xf32, #tpu.memory_space<vmem>> -> memref<1x125x128xf32, #tpu.memory_space<vmem>>
    %dma_wait3A_251 = tpu.memref_squeeze %dma_wait3A_250 : memref<1x125x128xf32, #tpu.memory_space<vmem>> -> memref<125x128xf32, #tpu.memory_space<vmem>>
    %dma_wait3A_252 = arith.constant 0 : i32
    %dma_wait3A_253 = tpu.memref_slice %arg4[%add3A_181, %dma_wait3A_252] : memref<40000x128xf32, #tpu.memory_space<hbm>> -> memref<125x128xf32, #tpu.memory_space<hbm>>
    %dma_wait3A_254 = arith.constant 0 : i32
    %dma_wait3A_255 = tpu.memref_slice %arg4[%add3A_181, %dma_wait3A_254] : memref<40000x128xf32, #tpu.memory_space<hbm>> -> memref<125x128xf32, #tpu.memory_space<hbm>>
    %dma_wait3A_256 = arith.constant 0 : i32
    %dma_wait3A_257 = arith.constant 0 : i32
    %dma_wait3A_258 = tpu.memref_slice %arg6[%dma_wait3A_247, %dma_wait3A_256, %dma_wait3A_257] : memref<3x125x128xf32, #tpu.memory_space<vmem>> -> memref<1x125x128xf32, #tpu.memory_space<vmem>>
    %dma_wait3A_259 = tpu.memref_squeeze %dma_wait3A_258 : memref<1x125x128xf32, #tpu.memory_space<vmem>> -> memref<125x128xf32, #tpu.memory_space<vmem>>
    tpu.wait_dma2 semaphore(%arg10 : memref<!tpu.dma_semaphore, #tpu.memory_space<semaphore_mem>>) src(%dma_wait3A_259 : memref<125x128xf32, #tpu.memory_space<vmem>>) dst(%dma_wait3A_255 : memref<125x128xf32, #tpu.memory_space<hbm>>)
    %dma_start3A_260 = arith.constant 6 : i32
    %dma_start3A_261 = arith.constant 0 : i32
    %dma_start3A_262 = arith.constant 0 : i32
    %dma_start3A_263 = arith.constant 0 : i32
    %dma_start3A_264 = tpu.memref_slice %arg6[%dma_start3A_261, %dma_start3A_262, %dma_start3A_263] : memref<3x125x128xf32, #tpu.memory_space<vmem>> -> memref<1x125x128xf32, #tpu.memory_space<vmem>>
    %dma_start3A_265 = tpu.memref_squeeze %dma_start3A_264 : memref<1x125x128xf32, #tpu.memory_space<vmem>> -> memref<125x128xf32, #tpu.memory_space<vmem>>
    %dma_start3A_266 = arith.constant 0 : i32
    %dma_start3A_267 = tpu.memref_slice %arg5[%dma_start3A_260, %dma_start3A_266] : memref<10x125xi32, #tpu.memory_space<vmem>> -> memref<1x125xi32, #tpu.memory_space<vmem>>
    %dma_start3A_268 = tpu.memref_squeeze %dma_start3A_267 : memref<1x125xi32, #tpu.memory_space<vmem>> -> memref<125xi32, #tpu.memory_space<vmem>>
    %dma_start3A_269 = arith.constant 0 : i32
    %dma_start3A_270 = arith.constant 0 : i32
    %dma_start3A_271 = tpu.memref_slice %arg2[%dma_start3A_269, %dma_start3A_270] : memref<40000x128xf32, #tpu.memory_space<hbm>> -> memref<40000x128xf32, #tpu.memory_space<hbm>>
    tpu.enqueue_indirect_dma source(%dma_start3A_271 : memref<40000x128xf32, #tpu.memory_space<hbm>>) target(%dma_start3A_265 : memref<125x128xf32, #tpu.memory_space<vmem>>) offsets(%dma_start3A_268 : memref<125xi32, #tpu.memory_space<vmem>>) semaphore(%arg7 : memref<!tpu.dma_semaphore, #tpu.memory_space<semaphore_mem>>)
    %dma_wait3A_272 = arith.constant 5 : i32
    %dma_wait3A_273 = arith.constant 2 : i32
    %dma_wait3A_274 = arith.constant 0 : i32
    %dma_wait3A_275 = arith.constant 0 : i32
    %dma_wait3A_276 = tpu.memref_slice %arg6[%dma_wait3A_273, %dma_wait3A_274, %dma_wait3A_275] : memref<3x125x128xf32, #tpu.memory_space<vmem>> -> memref<1x125x128xf32, #tpu.memory_space<vmem>>
    %dma_wait3A_277 = tpu.memref_squeeze %dma_wait3A_276 : memref<1x125x128xf32, #tpu.memory_space<vmem>> -> memref<125x128xf32, #tpu.memory_space<vmem>>
    %dma_wait3A_278 = arith.constant 0 : i32
    %dma_wait3A_279 = tpu.memref_slice %arg5[%dma_wait3A_272, %dma_wait3A_278] : memref<10x125xi32, #tpu.memory_space<vmem>> -> memref<1x125xi32, #tpu.memory_space<vmem>>
    %dma_wait3A_280 = tpu.memref_squeeze %dma_wait3A_279 : memref<1x125xi32, #tpu.memory_space<vmem>> -> memref<125xi32, #tpu.memory_space<vmem>>
    %dma_wait3A_281 = arith.constant 0 : i32
    %dma_wait3A_282 = arith.constant 0 : i32
    %dma_wait3A_283 = tpu.memref_slice %arg2[%dma_wait3A_281, %dma_wait3A_282] : memref<40000x128xf32, #tpu.memory_space<hbm>> -> memref<40000x128xf32, #tpu.memory_space<hbm>>
    tpu.wait_indirect_dma semaphore(%arg9 : memref<!tpu.dma_semaphore, #tpu.memory_space<semaphore_mem>>) src(%dma_wait3A_283 : memref<40000x128xf32, #tpu.memory_space<hbm>>) dst(%dma_wait3A_277 : memref<125x128xf32, #tpu.memory_space<vmem>>)
    %add3A_284 = arith.constant 625 : i32
    %add3A_285 = arith.addi %mul3A_2, %add3A_284 : i32
    %dma_start3A_286 = arith.constant 2 : i32
    %dma_start3A_287 = arith.constant 0 : i32
    %dma_start3A_288 = arith.constant 0 : i32
    %dma_start3A_289 = tpu.memref_slice %arg6[%dma_start3A_286, %dma_start3A_287, %dma_start3A_288] : memref<3x125x128xf32, #tpu.memory_space<vmem>> -> memref<1x125x128xf32, #tpu.memory_space<vmem>>
    %dma_start3A_290 = tpu.memref_squeeze %dma_start3A_289 : memref<1x125x128xf32, #tpu.memory_space<vmem>> -> memref<125x128xf32, #tpu.memory_space<vmem>>
    %dma_start3A_291 = arith.constant 0 : i32
    %dma_start3A_292 = tpu.memref_slice %arg4[%add3A_285, %dma_start3A_291] : memref<40000x128xf32, #tpu.memory_space<hbm>> -> memref<125x128xf32, #tpu.memory_space<hbm>>
    %dma_start3A_293 = arith.constant 0 : i32
    %dma_start3A_294 = tpu.memref_slice %arg4[%add3A_285, %dma_start3A_293] : memref<40000x128xf32, #tpu.memory_space<hbm>> -> memref<125x128xf32, #tpu.memory_space<hbm>>
    %dma_start3A_295 = arith.constant 0 : i32
    %dma_start3A_296 = arith.constant 0 : i32
    %dma_start3A_297 = tpu.memref_slice %arg6[%dma_start3A_286, %dma_start3A_295, %dma_start3A_296] : memref<3x125x128xf32, #tpu.memory_space<vmem>> -> memref<1x125x128xf32, #tpu.memory_space<vmem>>
    %dma_start3A_298 = tpu.memref_squeeze %dma_start3A_297 : memref<1x125x128xf32, #tpu.memory_space<vmem>> -> memref<125x128xf32, #tpu.memory_space<vmem>>
    tpu.enqueue_dma source(%dma_start3A_298 : memref<125x128xf32, #tpu.memory_space<vmem>>) target(%dma_start3A_294 : memref<125x128xf32, #tpu.memory_space<hbm>>) target_semaphore(%arg12 : memref<!tpu.dma_semaphore, #tpu.memory_space<semaphore_mem>>)
    %dma_wait3A_299 = arith.constant 1 : i32
    %dma_wait3A_300 = arith.constant 0 : i32
    %dma_wait3A_301 = arith.constant 0 : i32
    %dma_wait3A_302 = tpu.memref_slice %arg6[%dma_wait3A_299, %dma_wait3A_300, %dma_wait3A_301] : memref<3x125x128xf32, #tpu.memory_space<vmem>> -> memref<1x125x128xf32, #tpu.memory_space<vmem>>
    %dma_wait3A_303 = tpu.memref_squeeze %dma_wait3A_302 : memref<1x125x128xf32, #tpu.memory_space<vmem>> -> memref<125x128xf32, #tpu.memory_space<vmem>>
    %dma_wait3A_304 = arith.constant 0 : i32
    %dma_wait3A_305 = tpu.memref_slice %arg4[%add3A_233, %dma_wait3A_304] : memref<40000x128xf32, #tpu.memory_space<hbm>> -> memref<125x128xf32, #tpu.memory_space<hbm>>
    %dma_wait3A_306 = arith.constant 0 : i32
    %dma_wait3A_307 = tpu.memref_slice %arg4[%add3A_233, %dma_wait3A_306] : memref<40000x128xf32, #tpu.memory_space<hbm>> -> memref<125x128xf32, #tpu.memory_space<hbm>>
    %dma_wait3A_308 = arith.constant 0 : i32
    %dma_wait3A_309 = arith.constant 0 : i32
    %dma_wait3A_310 = tpu.memref_slice %arg6[%dma_wait3A_299, %dma_wait3A_308, %dma_wait3A_309] : memref<3x125x128xf32, #tpu.memory_space<vmem>> -> memref<1x125x128xf32, #tpu.memory_space<vmem>>
    %dma_wait3A_311 = tpu.memref_squeeze %dma_wait3A_310 : memref<1x125x128xf32, #tpu.memory_space<vmem>> -> memref<125x128xf32, #tpu.memory_space<vmem>>
    tpu.wait_dma2 semaphore(%arg11 : memref<!tpu.dma_semaphore, #tpu.memory_space<semaphore_mem>>) src(%dma_wait3A_311 : memref<125x128xf32, #tpu.memory_space<vmem>>) dst(%dma_wait3A_307 : memref<125x128xf32, #tpu.memory_space<hbm>>)
    %dma_start3A_312 = arith.constant 7 : i32
    %dma_start3A_313 = arith.constant 1 : i32
    %dma_start3A_314 = arith.constant 0 : i32
    %dma_start3A_315 = arith.constant 0 : i32
    %dma_start3A_316 = tpu.memref_slice %arg6[%dma_start3A_313, %dma_start3A_314, %dma_start3A_315] : memref<3x125x128xf32, #tpu.memory_space<vmem>> -> memref<1x125x128xf32, #tpu.memory_space<vmem>>
    %dma_start3A_317 = tpu.memref_squeeze %dma_start3A_316 : memref<1x125x128xf32, #tpu.memory_space<vmem>> -> memref<125x128xf32, #tpu.memory_space<vmem>>
    %dma_start3A_318 = arith.constant 0 : i32
    %dma_start3A_319 = tpu.memref_slice %arg5[%dma_start3A_312, %dma_start3A_318] : memref<10x125xi32, #tpu.memory_space<vmem>> -> memref<1x125xi32, #tpu.memory_space<vmem>>
    %dma_start3A_320 = tpu.memref_squeeze %dma_start3A_319 : memref<1x125xi32, #tpu.memory_space<vmem>> -> memref<125xi32, #tpu.memory_space<vmem>>
    %dma_start3A_321 = arith.constant 0 : i32
    %dma_start3A_322 = arith.constant 0 : i32
    %dma_start3A_323 = tpu.memref_slice %arg2[%dma_start3A_321, %dma_start3A_322] : memref<40000x128xf32, #tpu.memory_space<hbm>> -> memref<40000x128xf32, #tpu.memory_space<hbm>>
    tpu.enqueue_indirect_dma source(%dma_start3A_323 : memref<40000x128xf32, #tpu.memory_space<hbm>>) target(%dma_start3A_317 : memref<125x128xf32, #tpu.memory_space<vmem>>) offsets(%dma_start3A_320 : memref<125xi32, #tpu.memory_space<vmem>>) semaphore(%arg8 : memref<!tpu.dma_semaphore, #tpu.memory_space<semaphore_mem>>)
    %dma_wait3A_324 = arith.constant 6 : i32
    %dma_wait3A_325 = arith.constant 0 : i32
    %dma_wait3A_326 = arith.constant 0 : i32
    %dma_wait3A_327 = arith.constant 0 : i32
    %dma_wait3A_328 = tpu.memref_slice %arg6[%dma_wait3A_325, %dma_wait3A_326, %dma_wait3A_327] : memref<3x125x128xf32, #tpu.memory_space<vmem>> -> memref<1x125x128xf32, #tpu.memory_space<vmem>>
    %dma_wait3A_329 = tpu.memref_squeeze %dma_wait3A_328 : memref<1x125x128xf32, #tpu.memory_space<vmem>> -> memref<125x128xf32, #tpu.memory_space<vmem>>
    %dma_wait3A_330 = arith.constant 0 : i32
    %dma_wait3A_331 = tpu.memref_slice %arg5[%dma_wait3A_324, %dma_wait3A_330] : memref<10x125xi32, #tpu.memory_space<vmem>> -> memref<1x125xi32, #tpu.memory_space<vmem>>
    %dma_wait3A_332 = tpu.memref_squeeze %dma_wait3A_331 : memref<1x125xi32, #tpu.memory_space<vmem>> -> memref<125xi32, #tpu.memory_space<vmem>>
    %dma_wait3A_333 = arith.constant 0 : i32
    %dma_wait3A_334 = arith.constant 0 : i32
    %dma_wait3A_335 = tpu.memref_slice %arg2[%dma_wait3A_333, %dma_wait3A_334] : memref<40000x128xf32, #tpu.memory_space<hbm>> -> memref<40000x128xf32, #tpu.memory_space<hbm>>
    tpu.wait_indirect_dma semaphore(%arg7 : memref<!tpu.dma_semaphore, #tpu.memory_space<semaphore_mem>>) src(%dma_wait3A_335 : memref<40000x128xf32, #tpu.memory_space<hbm>>) dst(%dma_wait3A_329 : memref<125x128xf32, #tpu.memory_space<vmem>>)
    %add3A_336 = arith.constant 750 : i32
    %add3A_337 = arith.addi %mul3A_2, %add3A_336 : i32
    %dma_start3A_338 = arith.constant 0 : i32
    %dma_start3A_339 = arith.constant 0 : i32
    %dma_start3A_340 = arith.constant 0 : i32
    %dma_start3A_341 = tpu.memref_slice %arg6[%dma_start3A_338, %dma_start3A_339, %dma_start3A_340] : memref<3x125x128xf32, #tpu.memory_space<vmem>> -> memref<1x125x128xf32, #tpu.memory_space<vmem>>
    %dma_start3A_342 = tpu.memref_squeeze %dma_start3A_341 : memref<1x125x128xf32, #tpu.memory_space<vmem>> -> memref<125x128xf32, #tpu.memory_space<vmem>>
    %dma_start3A_343 = arith.constant 0 : i32
    %dma_start3A_344 = tpu.memref_slice %arg4[%add3A_337, %dma_start3A_343] : memref<40000x128xf32, #tpu.memory_space<hbm>> -> memref<125x128xf32, #tpu.memory_space<hbm>>
    %dma_start3A_345 = arith.constant 0 : i32
    %dma_start3A_346 = tpu.memref_slice %arg4[%add3A_337, %dma_start3A_345] : memref<40000x128xf32, #tpu.memory_space<hbm>> -> memref<125x128xf32, #tpu.memory_space<hbm>>
    %dma_start3A_347 = arith.constant 0 : i32
    %dma_start3A_348 = arith.constant 0 : i32
    %dma_start3A_349 = tpu.memref_slice %arg6[%dma_start3A_338, %dma_start3A_347, %dma_start3A_348] : memref<3x125x128xf32, #tpu.memory_space<vmem>> -> memref<1x125x128xf32, #tpu.memory_space<vmem>>
    %dma_start3A_350 = tpu.memref_squeeze %dma_start3A_349 : memref<1x125x128xf32, #tpu.memory_space<vmem>> -> memref<125x128xf32, #tpu.memory_space<vmem>>
    tpu.enqueue_dma source(%dma_start3A_350 : memref<125x128xf32, #tpu.memory_space<vmem>>) target(%dma_start3A_346 : memref<125x128xf32, #tpu.memory_space<hbm>>) target_semaphore(%arg10 : memref<!tpu.dma_semaphore, #tpu.memory_space<semaphore_mem>>)
    %dma_wait3A_351 = arith.constant 2 : i32
    %dma_wait3A_352 = arith.constant 0 : i32
    %dma_wait3A_353 = arith.constant 0 : i32
    %dma_wait3A_354 = tpu.memref_slice %arg6[%dma_wait3A_351, %dma_wait3A_352, %dma_wait3A_353] : memref<3x125x128xf32, #tpu.memory_space<vmem>> -> memref<1x125x128xf32, #tpu.memory_space<vmem>>
    %dma_wait3A_355 = tpu.memref_squeeze %dma_wait3A_354 : memref<1x125x128xf32, #tpu.memory_space<vmem>> -> memref<125x128xf32, #tpu.memory_space<vmem>>
    %dma_wait3A_356 = arith.constant 0 : i32
    %dma_wait3A_357 = tpu.memref_slice %arg4[%add3A_285, %dma_wait3A_356] : memref<40000x128xf32, #tpu.memory_space<hbm>> -> memref<125x128xf32, #tpu.memory_space<hbm>>
    %dma_wait3A_358 = arith.constant 0 : i32
    %dma_wait3A_359 = tpu.memref_slice %arg4[%add3A_285, %dma_wait3A_358] : memref<40000x128xf32, #tpu.memory_space<hbm>> -> memref<125x128xf32, #tpu.memory_space<hbm>>
    %dma_wait3A_360 = arith.constant 0 : i32
    %dma_wait3A_361 = arith.constant 0 : i32
    %dma_wait3A_362 = tpu.memref_slice %arg6[%dma_wait3A_351, %dma_wait3A_360, %dma_wait3A_361] : memref<3x125x128xf32, #tpu.memory_space<vmem>> -> memref<1x125x128xf32, #tpu.memory_space<vmem>>
    %dma_wait3A_363 = tpu.memref_squeeze %dma_wait3A_362 : memref<1x125x128xf32, #tpu.memory_space<vmem>> -> memref<125x128xf32, #tpu.memory_space<vmem>>
    tpu.wait_dma2 semaphore(%arg12 : memref<!tpu.dma_semaphore, #tpu.memory_space<semaphore_mem>>) src(%dma_wait3A_363 : memref<125x128xf32, #tpu.memory_space<vmem>>) dst(%dma_wait3A_359 : memref<125x128xf32, #tpu.memory_space<hbm>>)
    %dma_start3A_364 = arith.constant 8 : i32
    %dma_start3A_365 = arith.constant 2 : i32
    %dma_start3A_366 = arith.constant 0 : i32
    %dma_start3A_367 = arith.constant 0 : i32
    %dma_start3A_368 = tpu.memref_slice %arg6[%dma_start3A_365, %dma_start3A_366, %dma_start3A_367] : memref<3x125x128xf32, #tpu.memory_space<vmem>> -> memref<1x125x128xf32, #tpu.memory_space<vmem>>
    %dma_start3A_369 = tpu.memref_squeeze %dma_start3A_368 : memref<1x125x128xf32, #tpu.memory_space<vmem>> -> memref<125x128xf32, #tpu.memory_space<vmem>>
    %dma_start3A_370 = arith.constant 0 : i32
    %dma_start3A_371 = tpu.memref_slice %arg5[%dma_start3A_364, %dma_start3A_370] : memref<10x125xi32, #tpu.memory_space<vmem>> -> memref<1x125xi32, #tpu.memory_space<vmem>>
    %dma_start3A_372 = tpu.memref_squeeze %dma_start3A_371 : memref<1x125xi32, #tpu.memory_space<vmem>> -> memref<125xi32, #tpu.memory_space<vmem>>
    %dma_start3A_373 = arith.constant 0 : i32
    %dma_start3A_374 = arith.constant 0 : i32
    %dma_start3A_375 = tpu.memref_slice %arg2[%dma_start3A_373, %dma_start3A_374] : memref<40000x128xf32, #tpu.memory_space<hbm>> -> memref<40000x128xf32, #tpu.memory_space<hbm>>
    tpu.enqueue_indirect_dma source(%dma_start3A_375 : memref<40000x128xf32, #tpu.memory_space<hbm>>) target(%dma_start3A_369 : memref<125x128xf32, #tpu.memory_space<vmem>>) offsets(%dma_start3A_372 : memref<125xi32, #tpu.memory_space<vmem>>) semaphore(%arg9 : memref<!tpu.dma_semaphore, #tpu.memory_space<semaphore_mem>>)
    %dma_wait3A_376 = arith.constant 7 : i32
    %dma_wait3A_377 = arith.constant 1 : i32
    %dma_wait3A_378 = arith.constant 0 : i32
    %dma_wait3A_379 = arith.constant 0 : i32
    %dma_wait3A_380 = tpu.memref_slice %arg6[%dma_wait3A_377, %dma_wait3A_378, %dma_wait3A_379] : memref<3x125x128xf32, #tpu.memory_space<vmem>> -> memref<1x125x128xf32, #tpu.memory_space<vmem>>
    %dma_wait3A_381 = tpu.memref_squeeze %dma_wait3A_380 : memref<1x125x128xf32, #tpu.memory_space<vmem>> -> memref<125x128xf32, #tpu.memory_space<vmem>>
    %dma_wait3A_382 = arith.constant 0 : i32
    %dma_wait3A_383 = tpu.memref_slice %arg5[%dma_wait3A_376, %dma_wait3A_382] : memref<10x125xi32, #tpu.memory_space<vmem>> -> memref<1x125xi32, #tpu.memory_space<vmem>>
    %dma_wait3A_384 = tpu.memref_squeeze %dma_wait3A_383 : memref<1x125xi32, #tpu.memory_space<vmem>> -> memref<125xi32, #tpu.memory_space<vmem>>
    %dma_wait3A_385 = arith.constant 0 : i32
    %dma_wait3A_386 = arith.constant 0 : i32
    %dma_wait3A_387 = tpu.memref_slice %arg2[%dma_wait3A_385, %dma_wait3A_386] : memref<40000x128xf32, #tpu.memory_space<hbm>> -> memref<40000x128xf32, #tpu.memory_space<hbm>>
    tpu.wait_indirect_dma semaphore(%arg8 : memref<!tpu.dma_semaphore, #tpu.memory_space<semaphore_mem>>) src(%dma_wait3A_387 : memref<40000x128xf32, #tpu.memory_space<hbm>>) dst(%dma_wait3A_381 : memref<125x128xf32, #tpu.memory_space<vmem>>)
    %add3A_388 = arith.constant 875 : i32
    %add3A_389 = arith.addi %mul3A_2, %add3A_388 : i32
    %dma_start3A_390 = arith.constant 1 : i32
    %dma_start3A_391 = arith.constant 0 : i32
    %dma_start3A_392 = arith.constant 0 : i32
    %dma_start3A_393 = tpu.memref_slice %arg6[%dma_start3A_390, %dma_start3A_391, %dma_start3A_392] : memref<3x125x128xf32, #tpu.memory_space<vmem>> -> memref<1x125x128xf32, #tpu.memory_space<vmem>>
    %dma_start3A_394 = tpu.memref_squeeze %dma_start3A_393 : memref<1x125x128xf32, #tpu.memory_space<vmem>> -> memref<125x128xf32, #tpu.memory_space<vmem>>
    %dma_start3A_395 = arith.constant 0 : i32
    %dma_start3A_396 = tpu.memref_slice %arg4[%add3A_389, %dma_start3A_395] : memref<40000x128xf32, #tpu.memory_space<hbm>> -> memref<125x128xf32, #tpu.memory_space<hbm>>
    %dma_start3A_397 = arith.constant 0 : i32
    %dma_start3A_398 = tpu.memref_slice %arg4[%add3A_389, %dma_start3A_397] : memref<40000x128xf32, #tpu.memory_space<hbm>> -> memref<125x128xf32, #tpu.memory_space<hbm>>
    %dma_start3A_399 = arith.constant 0 : i32
    %dma_start3A_400 = arith.constant 0 : i32
    %dma_start3A_401 = tpu.memref_slice %arg6[%dma_start3A_390, %dma_start3A_399, %dma_start3A_400] : memref<3x125x128xf32, #tpu.memory_space<vmem>> -> memref<1x125x128xf32, #tpu.memory_space<vmem>>
    %dma_start3A_402 = tpu.memref_squeeze %dma_start3A_401 : memref<1x125x128xf32, #tpu.memory_space<vmem>> -> memref<125x128xf32, #tpu.memory_space<vmem>>
    tpu.enqueue_dma source(%dma_start3A_402 : memref<125x128xf32, #tpu.memory_space<vmem>>) target(%dma_start3A_398 : memref<125x128xf32, #tpu.memory_space<hbm>>) target_semaphore(%arg11 : memref<!tpu.dma_semaphore, #tpu.memory_space<semaphore_mem>>)
    %dma_wait3A_403 = arith.constant 0 : i32
    %dma_wait3A_404 = arith.constant 0 : i32
    %dma_wait3A_405 = arith.constant 0 : i32
    %dma_wait3A_406 = tpu.memref_slice %arg6[%dma_wait3A_403, %dma_wait3A_404, %dma_wait3A_405] : memref<3x125x128xf32, #tpu.memory_space<vmem>> -> memref<1x125x128xf32, #tpu.memory_space<vmem>>
    %dma_wait3A_407 = tpu.memref_squeeze %dma_wait3A_406 : memref<1x125x128xf32, #tpu.memory_space<vmem>> -> memref<125x128xf32, #tpu.memory_space<vmem>>
    %dma_wait3A_408 = arith.constant 0 : i32
    %dma_wait3A_409 = tpu.memref_slice %arg4[%add3A_337, %dma_wait3A_408] : memref<40000x128xf32, #tpu.memory_space<hbm>> -> memref<125x128xf32, #tpu.memory_space<hbm>>
    %dma_wait3A_410 = arith.constant 0 : i32
    %dma_wait3A_411 = tpu.memref_slice %arg4[%add3A_337, %dma_wait3A_410] : memref<40000x128xf32, #tpu.memory_space<hbm>> -> memref<125x128xf32, #tpu.memory_space<hbm>>
    %dma_wait3A_412 = arith.constant 0 : i32
    %dma_wait3A_413 = arith.constant 0 : i32
    %dma_wait3A_414 = tpu.memref_slice %arg6[%dma_wait3A_403, %dma_wait3A_412, %dma_wait3A_413] : memref<3x125x128xf32, #tpu.memory_space<vmem>> -> memref<1x125x128xf32, #tpu.memory_space<vmem>>
    %dma_wait3A_415 = tpu.memref_squeeze %dma_wait3A_414 : memref<1x125x128xf32, #tpu.memory_space<vmem>> -> memref<125x128xf32, #tpu.memory_space<vmem>>
    tpu.wait_dma2 semaphore(%arg10 : memref<!tpu.dma_semaphore, #tpu.memory_space<semaphore_mem>>) src(%dma_wait3A_415 : memref<125x128xf32, #tpu.memory_space<vmem>>) dst(%dma_wait3A_411 : memref<125x128xf32, #tpu.memory_space<hbm>>)
    %dma_start3A_416 = arith.constant 9 : i32
    %dma_start3A_417 = arith.constant 0 : i32
    %dma_start3A_418 = arith.constant 0 : i32
    %dma_start3A_419 = arith.constant 0 : i32
    %dma_start3A_420 = tpu.memref_slice %arg6[%dma_start3A_417, %dma_start3A_418, %dma_start3A_419] : memref<3x125x128xf32, #tpu.memory_space<vmem>> -> memref<1x125x128xf32, #tpu.memory_space<vmem>>
    %dma_start3A_421 = tpu.memref_squeeze %dma_start3A_420 : memref<1x125x128xf32, #tpu.memory_space<vmem>> -> memref<125x128xf32, #tpu.memory_space<vmem>>
    %dma_start3A_422 = arith.constant 0 : i32
    %dma_start3A_423 = tpu.memref_slice %arg5[%dma_start3A_416, %dma_start3A_422] : memref<10x125xi32, #tpu.memory_space<vmem>> -> memref<1x125xi32, #tpu.memory_space<vmem>>
    %dma_start3A_424 = tpu.memref_squeeze %dma_start3A_423 : memref<1x125xi32, #tpu.memory_space<vmem>> -> memref<125xi32, #tpu.memory_space<vmem>>
    %dma_start3A_425 = arith.constant 0 : i32
    %dma_start3A_426 = arith.constant 0 : i32
    %dma_start3A_427 = tpu.memref_slice %arg2[%dma_start3A_425, %dma_start3A_426] : memref<40000x128xf32, #tpu.memory_space<hbm>> -> memref<40000x128xf32, #tpu.memory_space<hbm>>
    tpu.enqueue_indirect_dma source(%dma_start3A_427 : memref<40000x128xf32, #tpu.memory_space<hbm>>) target(%dma_start3A_421 : memref<125x128xf32, #tpu.memory_space<vmem>>) offsets(%dma_start3A_424 : memref<125xi32, #tpu.memory_space<vmem>>) semaphore(%arg7 : memref<!tpu.dma_semaphore, #tpu.memory_space<semaphore_mem>>)
    %dma_wait3A_428 = arith.constant 8 : i32
    %dma_wait3A_429 = arith.constant 2 : i32
    %dma_wait3A_430 = arith.constant 0 : i32
    %dma_wait3A_431 = arith.constant 0 : i32
    %dma_wait3A_432 = tpu.memref_slice %arg6[%dma_wait3A_429, %dma_wait3A_430, %dma_wait3A_431] : memref<3x125x128xf32, #tpu.memory_space<vmem>> -> memref<1x125x128xf32, #tpu.memory_space<vmem>>
    %dma_wait3A_433 = tpu.memref_squeeze %dma_wait3A_432 : memref<1x125x128xf32, #tpu.memory_space<vmem>> -> memref<125x128xf32, #tpu.memory_space<vmem>>
    %dma_wait3A_434 = arith.constant 0 : i32
    %dma_wait3A_435 = tpu.memref_slice %arg5[%dma_wait3A_428, %dma_wait3A_434] : memref<10x125xi32, #tpu.memory_space<vmem>> -> memref<1x125xi32, #tpu.memory_space<vmem>>
    %dma_wait3A_436 = tpu.memref_squeeze %dma_wait3A_435 : memref<1x125xi32, #tpu.memory_space<vmem>> -> memref<125xi32, #tpu.memory_space<vmem>>
    %dma_wait3A_437 = arith.constant 0 : i32
    %dma_wait3A_438 = arith.constant 0 : i32
    %dma_wait3A_439 = tpu.memref_slice %arg2[%dma_wait3A_437, %dma_wait3A_438] : memref<40000x128xf32, #tpu.memory_space<hbm>> -> memref<40000x128xf32, #tpu.memory_space<hbm>>
    tpu.wait_indirect_dma semaphore(%arg9 : memref<!tpu.dma_semaphore, #tpu.memory_space<semaphore_mem>>) src(%dma_wait3A_439 : memref<40000x128xf32, #tpu.memory_space<hbm>>) dst(%dma_wait3A_433 : memref<125x128xf32, #tpu.memory_space<vmem>>)
    %add3A_440 = arith.constant 1000 : i32
    %add3A_441 = arith.addi %mul3A_2, %add3A_440 : i32
    %dma_start3A_442 = arith.constant 2 : i32
    %dma_start3A_443 = arith.constant 0 : i32
    %dma_start3A_444 = arith.constant 0 : i32
    %dma_start3A_445 = tpu.memref_slice %arg6[%dma_start3A_442, %dma_start3A_443, %dma_start3A_444] : memref<3x125x128xf32, #tpu.memory_space<vmem>> -> memref<1x125x128xf32, #tpu.memory_space<vmem>>
    %dma_start3A_446 = tpu.memref_squeeze %dma_start3A_445 : memref<1x125x128xf32, #tpu.memory_space<vmem>> -> memref<125x128xf32, #tpu.memory_space<vmem>>
    %dma_start3A_447 = arith.constant 0 : i32
    %dma_start3A_448 = tpu.memref_slice %arg4[%add3A_441, %dma_start3A_447] : memref<40000x128xf32, #tpu.memory_space<hbm>> -> memref<125x128xf32, #tpu.memory_space<hbm>>
    %dma_start3A_449 = arith.constant 0 : i32
    %dma_start3A_450 = tpu.memref_slice %arg4[%add3A_441, %dma_start3A_449] : memref<40000x128xf32, #tpu.memory_space<hbm>> -> memref<125x128xf32, #tpu.memory_space<hbm>>
    %dma_start3A_451 = arith.constant 0 : i32
    %dma_start3A_452 = arith.constant 0 : i32
    %dma_start3A_453 = tpu.memref_slice %arg6[%dma_start3A_442, %dma_start3A_451, %dma_start3A_452] : memref<3x125x128xf32, #tpu.memory_space<vmem>> -> memref<1x125x128xf32, #tpu.memory_space<vmem>>
    %dma_start3A_454 = tpu.memref_squeeze %dma_start3A_453 : memref<1x125x128xf32, #tpu.memory_space<vmem>> -> memref<125x128xf32, #tpu.memory_space<vmem>>
    tpu.enqueue_dma source(%dma_start3A_454 : memref<125x128xf32, #tpu.memory_space<vmem>>) target(%dma_start3A_450 : memref<125x128xf32, #tpu.memory_space<hbm>>) target_semaphore(%arg12 : memref<!tpu.dma_semaphore, #tpu.memory_space<semaphore_mem>>)
    %dma_wait3A_455 = arith.constant 9 : i32
    %dma_wait3A_456 = arith.constant 0 : i32
    %dma_wait3A_457 = arith.constant 0 : i32
    %dma_wait3A_458 = arith.constant 0 : i32
    %dma_wait3A_459 = tpu.memref_slice %arg6[%dma_wait3A_456, %dma_wait3A_457, %dma_wait3A_458] : memref<3x125x128xf32, #tpu.memory_space<vmem>> -> memref<1x125x128xf32, #tpu.memory_space<vmem>>
    %dma_wait3A_460 = tpu.memref_squeeze %dma_wait3A_459 : memref<1x125x128xf32, #tpu.memory_space<vmem>> -> memref<125x128xf32, #tpu.memory_space<vmem>>
    %dma_wait3A_461 = arith.constant 0 : i32
    %dma_wait3A_462 = tpu.memref_slice %arg5[%dma_wait3A_455, %dma_wait3A_461] : memref<10x125xi32, #tpu.memory_space<vmem>> -> memref<1x125xi32, #tpu.memory_space<vmem>>
    %dma_wait3A_463 = tpu.memref_squeeze %dma_wait3A_462 : memref<1x125xi32, #tpu.memory_space<vmem>> -> memref<125xi32, #tpu.memory_space<vmem>>
    %dma_wait3A_464 = arith.constant 0 : i32
    %dma_wait3A_465 = arith.constant 0 : i32
    %dma_wait3A_466 = tpu.memref_slice %arg2[%dma_wait3A_464, %dma_wait3A_465] : memref<40000x128xf32, #tpu.memory_space<hbm>> -> memref<40000x128xf32, #tpu.memory_space<hbm>>
    tpu.wait_indirect_dma semaphore(%arg7 : memref<!tpu.dma_semaphore, #tpu.memory_space<semaphore_mem>>) src(%dma_wait3A_466 : memref<40000x128xf32, #tpu.memory_space<hbm>>) dst(%dma_wait3A_460 : memref<125x128xf32, #tpu.memory_space<vmem>>)
    %add3A_467 = arith.constant 1125 : i32
    %add3A_468 = arith.addi %mul3A_2, %add3A_467 : i32
    %dma_start3A_469 = arith.constant 0 : i32
    %dma_start3A_470 = arith.constant 0 : i32
    %dma_start3A_471 = arith.constant 0 : i32
    %dma_start3A_472 = tpu.memref_slice %arg6[%dma_start3A_469, %dma_start3A_470, %dma_start3A_471] : memref<3x125x128xf32, #tpu.memory_space<vmem>> -> memref<1x125x128xf32, #tpu.memory_space<vmem>>
    %dma_start3A_473 = tpu.memref_squeeze %dma_start3A_472 : memref<1x125x128xf32, #tpu.memory_space<vmem>> -> memref<125x128xf32, #tpu.memory_space<vmem>>
    %dma_start3A_474 = arith.constant 0 : i32
    %dma_start3A_475 = tpu.memref_slice %arg4[%add3A_468, %dma_start3A_474] : memref<40000x128xf32, #tpu.memory_space<hbm>> -> memref<125x128xf32, #tpu.memory_space<hbm>>
    %dma_start3A_476 = arith.constant 0 : i32
    %dma_start3A_477 = tpu.memref_slice %arg4[%add3A_468, %dma_start3A_476] : memref<40000x128xf32, #tpu.memory_space<hbm>> -> memref<125x128xf32, #tpu.memory_space<hbm>>
    %dma_start3A_478 = arith.constant 0 : i32
    %dma_start3A_479 = arith.constant 0 : i32
    %dma_start3A_480 = tpu.memref_slice %arg6[%dma_start3A_469, %dma_start3A_478, %dma_start3A_479] : memref<3x125x128xf32, #tpu.memory_space<vmem>> -> memref<1x125x128xf32, #tpu.memory_space<vmem>>
    %dma_start3A_481 = tpu.memref_squeeze %dma_start3A_480 : memref<1x125x128xf32, #tpu.memory_space<vmem>> -> memref<125x128xf32, #tpu.memory_space<vmem>>
    tpu.enqueue_dma source(%dma_start3A_481 : memref<125x128xf32, #tpu.memory_space<vmem>>) target(%dma_start3A_477 : memref<125x128xf32, #tpu.memory_space<hbm>>) target_semaphore(%arg10 : memref<!tpu.dma_semaphore, #tpu.memory_space<semaphore_mem>>)
    %dma_wait3A_482 = arith.constant 1 : i32
    %dma_wait3A_483 = arith.constant 0 : i32
    %dma_wait3A_484 = arith.constant 0 : i32
    %dma_wait3A_485 = tpu.memref_slice %arg6[%dma_wait3A_482, %dma_wait3A_483, %dma_wait3A_484] : memref<3x125x128xf32, #tpu.memory_space<vmem>> -> memref<1x125x128xf32, #tpu.memory_space<vmem>>
    %dma_wait3A_486 = tpu.memref_squeeze %dma_wait3A_485 : memref<1x125x128xf32, #tpu.memory_space<vmem>> -> memref<125x128xf32, #tpu.memory_space<vmem>>
    %dma_wait3A_487 = arith.constant 0 : i32
    %dma_wait3A_488 = tpu.memref_slice %arg4[%add3A_389, %dma_wait3A_487] : memref<40000x128xf32, #tpu.memory_space<hbm>> -> memref<125x128xf32, #tpu.memory_space<hbm>>
    %dma_wait3A_489 = arith.constant 0 : i32
    %dma_wait3A_490 = tpu.memref_slice %arg4[%add3A_389, %dma_wait3A_489] : memref<40000x128xf32, #tpu.memory_space<hbm>> -> memref<125x128xf32, #tpu.memory_space<hbm>>
    %dma_wait3A_491 = arith.constant 0 : i32
    %dma_wait3A_492 = arith.constant 0 : i32
    %dma_wait3A_493 = tpu.memref_slice %arg6[%dma_wait3A_482, %dma_wait3A_491, %dma_wait3A_492] : memref<3x125x128xf32, #tpu.memory_space<vmem>> -> memref<1x125x128xf32, #tpu.memory_space<vmem>>
    %dma_wait3A_494 = tpu.memref_squeeze %dma_wait3A_493 : memref<1x125x128xf32, #tpu.memory_space<vmem>> -> memref<125x128xf32, #tpu.memory_space<vmem>>
    tpu.wait_dma2 semaphore(%arg11 : memref<!tpu.dma_semaphore, #tpu.memory_space<semaphore_mem>>) src(%dma_wait3A_494 : memref<125x128xf32, #tpu.memory_space<vmem>>) dst(%dma_wait3A_490 : memref<125x128xf32, #tpu.memory_space<hbm>>)
    %dma_wait3A_495 = arith.constant 2 : i32
    %dma_wait3A_496 = arith.constant 0 : i32
    %dma_wait3A_497 = arith.constant 0 : i32
    %dma_wait3A_498 = tpu.memref_slice %arg6[%dma_wait3A_495, %dma_wait3A_496, %dma_wait3A_497] : memref<3x125x128xf32, #tpu.memory_space<vmem>> -> memref<1x125x128xf32, #tpu.memory_space<vmem>>
    %dma_wait3A_499 = tpu.memref_squeeze %dma_wait3A_498 : memref<1x125x128xf32, #tpu.memory_space<vmem>> -> memref<125x128xf32, #tpu.memory_space<vmem>>
    %dma_wait3A_500 = arith.constant 0 : i32
    %dma_wait3A_501 = tpu.memref_slice %arg4[%add3A_441, %dma_wait3A_500] : memref<40000x128xf32, #tpu.memory_space<hbm>> -> memref<125x128xf32, #tpu.memory_space<hbm>>
    %dma_wait3A_502 = arith.constant 0 : i32
    %dma_wait3A_503 = tpu.memref_slice %arg4[%add3A_441, %dma_wait3A_502] : memref<40000x128xf32, #tpu.memory_space<hbm>> -> memref<125x128xf32, #tpu.memory_space<hbm>>
    %dma_wait3A_504 = arith.constant 0 : i32
    %dma_wait3A_505 = arith.constant 0 : i32
    %dma_wait3A_506 = tpu.memref_slice %arg6[%dma_wait3A_495, %dma_wait3A_504, %dma_wait3A_505] : memref<3x125x128xf32, #tpu.memory_space<vmem>> -> memref<1x125x128xf32, #tpu.memory_space<vmem>>
    %dma_wait3A_507 = tpu.memref_squeeze %dma_wait3A_506 : memref<1x125x128xf32, #tpu.memory_space<vmem>> -> memref<125x128xf32, #tpu.memory_space<vmem>>
    tpu.wait_dma2 semaphore(%arg12 : memref<!tpu.dma_semaphore, #tpu.memory_space<semaphore_mem>>) src(%dma_wait3A_507 : memref<125x128xf32, #tpu.memory_space<vmem>>) dst(%dma_wait3A_503 : memref<125x128xf32, #tpu.memory_space<hbm>>)
    %dma_wait3A_508 = arith.constant 0 : i32
    %dma_wait3A_509 = arith.constant 0 : i32
    %dma_wait3A_510 = arith.constant 0 : i32
    %dma_wait3A_511 = tpu.memref_slice %arg6[%dma_wait3A_508, %dma_wait3A_509, %dma_wait3A_510] : memref<3x125x128xf32, #tpu.memory_space<vmem>> -> memref<1x125x128xf32, #tpu.memory_space<vmem>>
    %dma_wait3A_512 = tpu.memref_squeeze %dma_wait3A_511 : memref<1x125x128xf32, #tpu.memory_space<vmem>> -> memref<125x128xf32, #tpu.memory_space<vmem>>
    %dma_wait3A_513 = arith.constant 0 : i32
    %dma_wait3A_514 = tpu.memref_slice %arg4[%add3A_468, %dma_wait3A_513] : memref<40000x128xf32, #tpu.memory_space<hbm>> -> memref<125x128xf32, #tpu.memory_space<hbm>>
    %dma_wait3A_515 = arith.constant 0 : i32
    %dma_wait3A_516 = tpu.memref_slice %arg4[%add3A_468, %dma_wait3A_515] : memref<40000x128xf32, #tpu.memory_space<hbm>> -> memref<125x128xf32, #tpu.memory_space<hbm>>
    %dma_wait3A_517 = arith.constant 0 : i32
    %dma_wait3A_518 = arith.constant 0 : i32
    %dma_wait3A_519 = tpu.memref_slice %arg6[%dma_wait3A_508, %dma_wait3A_517, %dma_wait3A_518] : memref<3x125x128xf32, #tpu.memory_space<vmem>> -> memref<1x125x128xf32, #tpu.memory_space<vmem>>
    %dma_wait3A_520 = tpu.memref_squeeze %dma_wait3A_519 : memref<1x125x128xf32, #tpu.memory_space<vmem>> -> memref<125x128xf32, #tpu.memory_space<vmem>>
    tpu.wait_dma2 semaphore(%arg10 : memref<!tpu.dma_semaphore, #tpu.memory_space<semaphore_mem>>) src(%dma_wait3A_520 : memref<125x128xf32, #tpu.memory_space<vmem>>) dst(%dma_wait3A_516 : memref<125x128xf32, #tpu.memory_space<hbm>>)
    return
  }
}

</mosaic_0001>

<sc_bundles>
// kernel: kernel.4.cloned.1.call-start
scs
__scs_entry_jumppad:
0x0: {  	(pc) =	sbr.rel $0x88, $3  }
0x1: {  	(tag) =	ssettag $0x0;
	lr =	simm.s32 $0x1  }
0x2: {  	[smem:$0x3F9E] =	sst lr;
	_ =	strace $0xD0000000  }
0x3: {  	_ = 	snop  }
0x4: {  	_ = 	snop  }
0x5: {  	_ = 	snop  }
0x6: {  	_ = 	snop  }
0x7: {  	_ = 	snop  }
__scs_overlays_trampoline_lowered:
0x8: {  	[smem:$0x3FAD] =	sst s0  }
0x9: {  	[smem:$0x3FAE] =	sst s1  }
0xa: {  	[smem:$0x3FAF] =	sst s2  }
0xb: {  	[smem:$0x3FB0] =	sst s3  }
0xc: {  	[smem:$0x3FB1] =	sst s4  }
0xd: {  	[smem:$0x3FB2] =	sst s5  }
0xe: {  	[smem:$0x3FB3] =	sst s6  }
0xf: {  	[smem:$0x3FB4] =	sst s7  }
0x10: {  	[smem:$0x3FB5] =	sst s8  }
0x11: {  	[smem:$0x3FB6] =	sst s9;
	s0 =	simm.s32 @!p0 $0x0  }
0x12: {  	s1 =	sld [smem:$0x3F9C];
	s0 =	simm.s32 @p0 $0x1  }
0x13: {  	[smem:$0x3FB7] =	sst s0;
	s0 =	simm.s32 @!p1 $0x0  }
0x14: {  	s2 =	sld [smem:$0x3F9B];
	s0 =	simm.s32 @p1 $0x1  }
0x15: {  	[smem:$0x3FB8] =	sst s0;
	s0 =	simm.s32 @!p2 $0x0  }
0x16: {  	s3 =	sld [smem:$0x3FDB];
	s0 =	simm.s32 @p2 $0x1  }
0x17: {  	s4 =	simm.s32 $0x1BF5;
	[smem:$0x3FBA] =	sst s0  }
0x18: {  	s0 =	sld [smem:$0x3F9D];
	_ =	swait.ge [sflag:s4], $0x0  }
0x19: {  	s7 =	sld [smem:$0x3F9E]  }
0x1a: {  	s8 =	sadd.s32 $0xFFFFE003, lr  }
0x1b: {  	s9 =	sadd.s32 $0xFFFFFEF7, lr;
	s5 =	simm.s32 $0xFFFFFFFF;
	p2 =	slt.u32 s8, $0xFFFFF086  }
0x1c: {  	p1 =	slt.u32 s9, $0xF7A;
	s5 =	simm.s32 @!p2 $0x0  }
0x1d: {  	s5 =	simm.s32 @p1 $0x1;
	p0 =	seq.s32 s7, s2  }
0x1e: {  	s7 =	smul.u32 @!p0 $0xF7A, s2;
	p2 =	seq.s32 @!p0 s5, $0x0  }
0x1f: {  	s9 =	smul.u32 $0xF7A, s1;
	s8 =	simm.s32 @!p0 $0x1BF5;
	p2 =	por !p2, p0  }
0x20: {  	[sflag:s8] =	ssyncset.s32 @!p0 $0xFFFFF086;
	s6 =	sadd.s32 @!p0 s3, s7;
	s7 =	simm.s32 @!p0 $0x108  }
0x21: {  	s3 =	sadd.s32 s3, s9;
	s6 =	sadd.s32 @!p0 $0x88, s6;
	s7 =	simm.s32 @p2 $0x1082  }
0x22: {  	[simem:s7], [sflag:s8] =	dma.local @!p0 [hbm:s6], $0xF7A  }
0x23: {  	s9 =	sor.u32 $0xD0000000, s2;
	s6 =	simm.s32 $0x108;
	_ =	swait.ge @!p0 [sflag:s8], $0x0  }
0x24: {  	s3 =	sadd.s32 $0x88, s3;
	s6 =	simm.s32 @!p1 $0x1082;
	[sflag:s4] =	ssyncset.s32 $0xFFFFF086  }
0x25: {  	[simem:s6], [sflag:s4] =	dma.local [hbm:s3], $0xF7A  }
0x26: {  	[smem:$0x3F9E] =	sst s1;
	(tag) =	ssettag s2;
	_ =	strace s9  }
0x27: {  	s1 =	sld [smem:$0x3FAE]  }
0x28: {  	s2 =	sld [smem:$0x3FAF]  }
0x29: {  	s4 =	sld [smem:$0x3FB1]  }
0x2a: {  	p0 =	seq.s32 s5, $0x0;
	s5 =	sld [smem:$0x3FB2]  }
0x2b: {  	s6 =	sld [smem:$0x3FB3]  }
0x2c: {  	s7 =	sld [smem:$0x3FB4]  }
0x2d: {  	s3 =	simm.s32 $0x108;
	s8 =	sld [smem:$0x3FB5]  }
0x2e: {  	s3 =	simm.s32 @!p0 $0x1082;
	s9 =	sld [smem:$0x3FB6]  }
0x2f: {  	lr =	sadd.s32 s0, s3;
	s0 =	sld [smem:$0x3FAD]  }
0x30: {  	s3 =	sld [smem:$0x3FB0]  }
0x31: {  	[smem:$0x3FB9] =	sst s10  }
0x32: {  	s10 =	sld [smem:$0x3FB7];
	_ =	sdelay $0x3  }
0x33: {  	p0 =	seq.s32 s10, $0x1;
	s10 =	sld [smem:$0x3FB9];
	_ =	sdelay $0x3  }
0x34: {  	[smem:$0x3FB9] =	sst s10  }
0x35: {  	s10 =	sld [smem:$0x3FB8];
	_ =	sdelay $0x3  }
0x36: {  	p1 =	seq.s32 s10, $0x1;
	s10 =	sld [smem:$0x3FB9];
	_ =	sdelay $0x3  }
0x37: {  	[smem:$0x3FB9] =	sst s10  }
0x38: {  	s10 =	sld [smem:$0x3FBA]  }
0x39: {  	_ = 	snop;
	(pc) =	sbr.ind lr, $3  }
0x3a: {  	_ = 	snop  }
0x3b: {  	_ = 	snop  }
0x3c: {  	p2 =	seq.s32 s10, $0x1;
	s10 =	sld [smem:$0x3FB9]  }
0x3d: {  	_ =	shalt  }
0x3e: {  	_ =	shalt  }
0x3f: {  	_ =	shalt  }
0x40: {  	_ =	shalt  }
0x41: {  	_ =	shalt  }
0x42: {  	_ =	shalt  }
0x43: {  	_ =	shalt  }
0x44: {  	_ =	shalt  }
0x45: {  	_ =	shalt  }
0x46: {  	_ =	shalt  }
0x47: {  	_ =	shalt  }
0x48: {  	_ =	shalt  }
0x49: {  	_ =	shalt  }
0x4a: {  	_ =	shalt  }
0x4b: {  	_ =	shalt  }
0x4c: {  	_ =	shalt  }
0x4d: {  	_ =	shalt  }
0x4e: {  	_ =	shalt  }
0x4f: {  	_ =	shalt  }
0x50: {  	_ =	shalt  }
0x51: {  	_ =	shalt  }
0x52: {  	_ =	shalt  }
0x53: {  	_ =	shalt  }
0x54: {  	_ =	shalt  }
0x55: {  	_ =	shalt  }
0x56: {  	_ =	shalt  }
0x57: {  	_ =	shalt  }
0x58: {  	_ =	shalt  }
0x59: {  	_ =	shalt  }
0x5a: {  	_ =	shalt  }
0x5b: {  	_ =	shalt  }
0x5c: {  	_ =	shalt  }
0x5d: {  	_ =	shalt  }
0x5e: {  	_ =	shalt  }
0x5f: {  	_ =	shalt  }
0x60: {  	_ =	shalt  }
0x61: {  	_ =	shalt  }
0x62: {  	_ =	shalt  }
0x63: {  	_ =	shalt  }
0x64: {  	_ =	shalt  }
0x65: {  	_ =	shalt  }
0x66: {  	_ =	shalt  }
0x67: {  	_ =	shalt  }
0x68: {  	_ =	shalt  }
0x69: {  	_ =	shalt  }
0x6a: {  	_ =	shalt  }
0x6b: {  	_ =	shalt  }
0x6c: {  	_ =	shalt  }
0x6d: {  	_ =	shalt  }
0x6e: {  	_ =	shalt  }
0x6f: {  	_ =	shalt  }
0x70: {  	_ =	shalt  }
0x71: {  	_ =	shalt  }
0x72: {  	_ =	shalt  }
0x73: {  	_ =	shalt  }
0x74: {  	_ =	shalt  }
0x75: {  	_ =	shalt  }
0x76: {  	_ =	shalt  }
0x77: {  	_ =	shalt  }
0x78: {  	_ =	shalt  }
0x79: {  	_ =	shalt  }
0x7a: {  	_ =	shalt  }
0x7b: {  	_ =	shalt  }
0x7c: {  	_ =	shalt  }
0x7d: {  	_ =	shalt  }
0x7e: {  	_ =	shalt  }
0x7f: {  	_ =	shalt  }
0x80: {  	_ =	shalt  }
0x81: {  	_ =	shalt  }
0x82: {  	_ =	shalt  }
0x83: {  	_ =	shalt  }
0x84: {  	_ =	shalt  }
0x85: {  	_ =	shalt  }
0x86: {  	_ =	shalt  }
0x87: {  	_ =	shalt  }
.Lfunc_end0:
.L_simem_size_0:
called_computation_lowered:
.L_overlay_start_0:
0x88: {  	s2 =	sld [smem:$0x3FD9]  }
0x89: {  	s3 =	sld [smem:$0x3FFE];
	_ =	sdelay $0x1  }
0x8a: {  	s1 =	srdreg.scid  }
0x8b: {  	s0 =	sand.u32 $0x1, s1  }
0x8c: {  	s15 =	sshll.u32 s0, $0xA;
	s2 =	sadd.s32 s3, s2  }
0x8d: {  	s2 =	sadd.s32 s2, s15  }
0x8e: {  	[smem:$0x3FC5] =	sst s2  }
0x8f: {  	_ = 	snop  }
0x90: {  	s16 =	sld [smem:$0x3FD0];
	_ =	sdelay $0x2  }
0x91: {  	s4 =	simm.s32 $0xB;
	s5 =	simm.s32 $0x10;
	s2 =	sld [smem:$0x3FC9]  }
0x92: {  	[smem:s5], [sflag:s4] =	dma.local [hbm:s16], $0x1  }
0x93: {  	_ =	swait.eq [sflag:s4], $0x1  }
0x94: {  	[sflag:s4] =	ssyncset.done $0x0  }
0x95: {  	[sflag:s4] =	ssyncadd.s32 $0xFFFFFFFF  }
0x96: {  	s17 =	sld [smem:$0x10];
	(tm) =	ssettm $0x1  }
0x97: {  	s18 =	sld [smem:$0x3FFB];
	_ =	sdelay $0x3  }
0x98: {  	_ =	strace s18  }
0x99: {  	s3 =	sld [smem:$0x3FFC];
	_ =	sdelay $0x3  }
0x9a: {  	_ =	strace s3  }
0x9b: {  	s3 =	sld [smem:$0x3FFD];
	_ =	sdelay $0x3  }
0x9c: {  	_ =	strace s3  }
0x9d: {  	_ =	strace $0x8FFFFFFF  }
0x9e: {  	s19 =	sld [smem:$0x3FDB];
	_ =	sdelay $0x1  }
0x9f: {  	s20 =	simm.s32 $_scs_section_size  }
0xa0: {  	s6 =	simm.s32 $_size__tile_overlayer_lowered;
	s7 =	simm.s32 $_tile_overlayer_lowered  }
0xa1: {  	s8 =	simm.s32 $0x1BFF;
	s21 =	sshll.u32 s7, $0x1;
	s5 =	sadd.s32 s20, s19  }
0xa2: {  	s22 =	simm.s32 $0x0;
	s6 =	sshll.u32 s6, $0x1;
	s7 =	sadd.s32 s21, s5  }
0xa3: {  	[timem:s22], [sflag:s8] =	dma.local [hbm:s7], s6  }
0xa4: {  	_ =	swait.ge [sflag:s8], s6  }
0xa5: {  	s6 =	ssub.s32 $0x0, s6;
	[sflag:s8] =	ssyncset.done $0x0  }
0xa6: {  	[sflag:s8] =	ssyncadd.s32 s6;
	_ =	sdelay $0x1  }
0xa7: {  	s23 =	simm.s32 $0x1B8B  }
0xa8: {  	_ =	swait.ge [sflag:s23], $0x1  }
0xa9: {  	[sflag:s23] =	ssyncset.done $0x0  }
0xaa: {  	[sflag:s23] =	ssyncadd.s32 $0xFFFFFFFF  }
0xab: {  	s6 =	sld [smem:$0x0]  }
0xac: {  	s7 =	sand.u32 $0xFFFFFFFE, s1  }
0xad: {  	p0 =	sne.s32 s1, s7  }
0xae: {  	s7 =	sshll.u32 @p0 s7, $0xE  }
0xaf: {  	s7 =	sadd.s32 @p0 $0x11B8D, s7;
	s8 =	sshll.u32 @p0 s6, $0x11  }
0xb0: {  	s7 =	sor.u32 @p0 s8, s7  }
0xb1: {  	[sflag:s7] =	ssyncadd.remote.s32 @p0 $0x1;
	_ =	sdelay $0x1  }
0xb2: {  	s7 =	simm.s32 @p0 $0x1B8D  }
0xb3: {  	_ =	swait.eq @p0 [sflag:s7], $0x1  }
0xb4: {  	[sflag:s7] =	ssyncadd.s32 @p0 $0xFFFFFFFF  }
0xb5: {  	s8 =	sshll.u32 @!p0 s1, $0xE  }
0xb6: {  	s8 =	sor.u32 @!p0 $0x4000, s8;
	s7 =	simm.s32 @!p0 $0x1B8D  }
0xb7: {  	s6 =	sshll.u32 @!p0 s6, $0x11;
	s8 =	sadd.s32 @!p0 $0x11B8D, s8;
	_ =	swait.eq @!p0 [sflag:s7], $0x1  }
0xb8: {  	s6 =	sor.u32 @!p0 s6, s8;
	[sflag:s7] =	ssyncadd.s32 @!p0 $0xFFFFFFFF  }
0xb9: {  	s25 =	simm.s32 $0x1B8E;
	s24 =	sld [smem:$0x3FFE];
	[sflag:s6] =	ssyncadd.remote.s32 @!p0 $0x1  }
0xba: {  	s26 =	simm.s32 $execute0_lowered;
	[smem:$0x3FD2] =	sst s25  }
0xbb: {  	s7 =	sshll.u32 s26, $0x1;
	_ =	strace $0x80000049;
	[dreg:$0x1] =	wrdreg $0xFFFFFFFF  }
0xbc: {  	s28 =	simm.s32 $_size_execute0_lowered;
	s5 =	sadd.s32 s5, s7;
	[dreg:$0x0] =	wrdreg $0x0  }
0xbd: {  	s7 =	sshll.u32 s28, $0x1;
	[dreg:$0x2] =	wrdreg s5  }
0xbe: {  	[dreg:$0x3] =	wrdreg s7  }
0xbf: {  	[dreg:$0x4] =	wrdreg $0xC0  }
0xc0: {  	_ =	task [dreg:s22], $0x5FFFF  }
0xc1: {  	[dreg:$0x1] =	wrdreg $0xFFFFFFFF  }
0xc2: {  	[dreg:$0x0] =	wrdreg $0x60  }
0xc3: {  	[dreg:$0x2] =	wrdreg s2  }
0xc4: {  	[dreg:$0x3] =	wrdreg s24  }
0xc5: {  	[dreg:$0x4] =	wrdreg s17  }
0xc6: {  	[dreg:$0x5] =	wrdreg $0x9  }
0xc7: {  	_ =	task.clear_ibuf [dreg:s22], $0x6FFFF;
	_ =	strace $0x90000049  }
0xc8: {  	s29 =	simm.s32 $0x9;
	_ =	strace $0x8000004B  }
0xc9: {  	_ =	swait.ge [sflag:s29], $0x1  }
0xca: {  	[sflag:s29] =	ssyncadd.s32 $0xFFFFFFFF  }
0xcb: {  	_ =	strace $0x9000004B  }
0xcc: {  	_ =	sfence  }
0xcd: {  	s30 =	sld [smem:$0x0];
	_ =	sdelay $0x2  }
0xce: {  	s31 =	sshll.u32 s1, $0xD;
	s1 =	sshrl.u32 s1, $0x2  }
0xcf: {  	s4 =	sand.u32 $0x4000, s31;
	s1 =	sadd.s32 s1, s30  }
0xd0: {  	s0 =	sor.u32 s4, s0;
	s1 =	sshll.u32 s1, $0x11  }
0xd1: {  	s0 =	sor.u32 s1, s0  }
0xd2: {  	s0 =	sadd.s32 $0x8F2B, s0  }
0xd3: {  	[sflag:s0] =	ssyncadd.remote.s32 $0x1  }
0xd4: {  	_ =	sfence.sel $0xFFFF  }
0xd5: {  	[dreg:$0x0] =	wrdreg $0xFFFFFFFF;
	(pc) =	sbr.abs _section_cstart, $3  }
0xd6: {  	[dreg:$0x1] =	wrdreg $0xFFFFFFFF  }
0xd7: {  	_ =	task.clear_ibuf [dreg:s22], $0x2FFFF;
	_ =	strace $0x9FFFFFFF  }
0xd8: {  	(tm) =	ssettm $0x7FFFFFFF  }
0xd9: {  	_ =	shalt  }
tec
execute0_lowered:
.L_overlay_start_1:
0x0: {  	(tag) =	ssettag $0x1  }
0x1: {  	s1 =	srdreg.scid;
	s0 =	stileid.u32  }
0x2: {  	s1 =	sand.u32 $0x1, s1;
	s3 =	sshll.u32 s0, $0x1  }
0x3: {  	s2 =	rddreg [dreg:$0x0];
	s5 =	sor.u32 s1, s3  }
0x4: {  	s4 =	rddreg [dreg:$0x1];
	s7 =	smul.u32 $0xA0, s5  }
0x5: {  	s6 =	rddreg [dreg:$0x2];
	s3 =	simm.s32 $0x0;
	s8 =	smul.u32 $0x4E20, s5  }
0x6: {  	[smem:$0x7FF] =	sst s3;
	s5 =	smul.u32 $0x27100, s5  }
0x7: {  	_ =	strace $0x8000004A;
	s4 =	sadd.s32 s7, s4;
	s23 =	sadd.s32 s6, s8  }
0x8: {  	s5 =	sshrl.u32 s5, $0x3;
	s4 =	sadd.s32 $0x9C600, s4;
	[dreg:$0x5] =	wrdreg s23  }
0x9: {  	s31 =	sadd.s32 s6, s5;
	[dreg:$0x4] =	wrdreg s4  }
0xa: {  	s24 =	sadd.s32 $0x7D0, s31;
	s25 =	rddreg [dreg:$0x4]  }
0xb: {  	s26 =	sadd.s32 $0xFA0, s31;
	[dreg:$0x6] =	wrdreg s24  }
0xc: {  	s4 =	simm.s32 $0x7;
	[dreg:$0x7] =	wrdreg s26  }
0xd: {  	[tilespmem:s3], [sflag:$0x7] =	stream.linear.gather [hbm4b:s25+s3], $0x500, $0x38;
	[tilespmem:$0xC080] =	vst v63  }
0xe: {  	_ =	swait.ge [sflag:s4], $0x500  }
0xf: {  	[sflag:s4] =	ssyncset.done $0x0  }
0x10: {  	s5 =	simm.s32 $0x7D;
	s6 =	simm.s32 $0x500;
	[sflag:s4] =	ssyncadd.s32 $0xFFFFFB00  }
0x11: {  	[tilespmem:s6], [sflag:$0x1] =	stream.indirect.gather [hbm4b:s2+s5], $0x80, s3, s5, $0xb8;
	[tilespmem:$0xC080] =	vst v63  }
0x12: {  	s9 =	simm.s32 $0x1;
	s7 =	simm.s32 $0x80;
	s8 =	simm.s32 $0x4380  }
0x13: {  	[tilespmem:s8], [sflag:$0x2] =	stream.indirect.gather [hbm4b:s2+s5], $0x80, s7, s5, $0xb8;
	[tilespmem:$0xC080] =	vst v63  }
0x14: {  	_ =	swait.ge [sflag:s9], $0x3E80  }
0x15: {  	[sflag:s9] =	ssyncset.done $0x0  }
0x16: {  	s10 =	rddreg [dreg:$0x5];
	[sflag:s9] =	ssyncadd.s32 $0xFFFFC180  }
0x17: {  	[hbm4b:s10+s3] =	stream.linear.scatter [tilespmem:s6], [sflag:$0x4], $0x3E80, $0x38;
	[tilespmem:$0xC080] =	vst v63  }
0x18: {  	s11 =	simm.s32 $0x8200;
	s12 =	simm.s32 $0x2;
	s10 =	simm.s32 $0x100  }
0x19: {  	[tilespmem:s11], [sflag:$0x3] =	stream.indirect.gather [hbm4b:s2+s5], $0x80, s10, s5, $0xb8;
	[tilespmem:$0xC080] =	vst v63  }
0x1a: {  	_ =	swait.ge [sflag:s12], $0x3E80  }
0x1b: {  	[sflag:s12] =	ssyncset.done $0x0  }
0x1c: {  	s13 =	simm.s32 $0x4;
	s14 =	rddreg [dreg:$0x6];
	[sflag:s12] =	ssyncadd.s32 $0xFFFFC180  }
0x1d: {  	[hbm4b:s14+s3] =	stream.linear.scatter [tilespmem:s8], [sflag:$0x5], $0x3E80, $0x38;
	[tilespmem:$0xC080] =	vst v63  }
0x1e: {  	_ =	swait.ge [sflag:s13], $0x3E80  }
0x1f: {  	[sflag:s13] =	ssyncset.done $0x0  }
0x20: {  	s15 =	simm.s32 $0x3;
	s14 =	simm.s32 $0x180;
	[sflag:s13] =	ssyncadd.s32 $0xFFFFC180  }
0x21: {  	[tilespmem:s6], [sflag:$0x1] =	stream.indirect.gather [hbm4b:s2+s5], $0x80, s14, s5, $0xb8;
	[tilespmem:$0xC080] =	vst v63  }
0x22: {  	_ =	swait.ge [sflag:s15], $0x3E80  }
0x23: {  	[sflag:s15] =	ssyncset.done $0x0  }
0x24: {  	s16 =	simm.s32 $0x5;
	s17 =	rddreg [dreg:$0x7];
	[sflag:s15] =	ssyncadd.s32 $0xFFFFC180  }
0x25: {  	[hbm4b:s17+s3] =	stream.linear.scatter [tilespmem:s11], [sflag:$0x6], $0x3E80, $0x38;
	[tilespmem:$0xC080] =	vst v63  }
0x26: {  	_ =	swait.ge [sflag:s16], $0x3E80  }
0x27: {  	[sflag:s16] =	ssyncset.done $0x0  }
0x28: {  	s17 =	simm.s32 $0x200;
	[sflag:s16] =	ssyncadd.s32 $0xFFFFC180  }
0x29: {  	[tilespmem:s8], [sflag:$0x2] =	stream.indirect.gather [hbm4b:s2+s5], $0x80, s17, s5, $0xb8;
	[tilespmem:$0xC080] =	vst v63  }
0x2a: {  	_ =	swait.ge [sflag:s9], $0x3E80  }
0x2b: {  	[sflag:s9] =	ssyncset.done $0x0  }
0x2c: {  	s19 =	simm.s32 $0x6;
	s18 =	sadd.s32 $0x1770, s31;
	[sflag:s9] =	ssyncadd.s32 $0xFFFFC180  }
0x2d: {  	[hbm4b:s18+s3] =	stream.linear.scatter [tilespmem:s6], [sflag:$0x4], $0x3E80, $0x38;
	[tilespmem:$0xC080] =	vst v63  }
0x2e: {  	_ =	swait.ge [sflag:s19], $0x3E80  }
0x2f: {  	[sflag:s19] =	ssyncset.done $0x0  }
0x30: {  	s20 =	simm.s32 $0x280;
	[sflag:s19] =	ssyncadd.s32 $0xFFFFC180  }
0x31: {  	[tilespmem:s11], [sflag:$0x3] =	stream.indirect.gather [hbm4b:s2+s5], $0x80, s20, s5, $0xb8;
	[tilespmem:$0xC080] =	vst v63  }
0x32: {  	_ =	swait.ge [sflag:s12], $0x3E80  }
0x33: {  	[sflag:s12] =	ssyncset.done $0x0  }
0x34: {  	s21 =	sadd.s32 $0x1F40, s31;
	[sflag:s12] =	ssyncadd.s32 $0xFFFFC180  }
0x35: {  	[hbm4b:s21+s3] =	stream.linear.scatter [tilespmem:s8], [sflag:$0x5], $0x3E80, $0x38;
	[tilespmem:$0xC080] =	vst v63  }
0x36: {  	_ =	swait.ge [sflag:s13], $0x3E80  }
0x37: {  	[sflag:s13] =	ssyncset.done $0x0  }
0x38: {  	s22 =	simm.s32 $0x300;
	[sflag:s13] =	ssyncadd.s32 $0xFFFFC180  }
0x39: {  	[tilespmem:s6], [sflag:$0x1] =	stream.indirect.gather [hbm4b:s2+s5], $0x80, s22, s5, $0xb8;
	[tilespmem:$0xC080] =	vst v63  }
0x3a: {  	_ =	swait.ge [sflag:s15], $0x3E80  }
0x3b: {  	[sflag:s15] =	ssyncset.done $0x0  }
0x3c: {  	s23 =	sadd.s32 $0x2710, s31;
	[sflag:s15] =	ssyncadd.s32 $0xFFFFC180  }
0x3d: {  	[hbm4b:s23+s3] =	stream.linear.scatter [tilespmem:s11], [sflag:$0x6], $0x3E80, $0x38;
	[tilespmem:$0xC080] =	vst v63  }
0x3e: {  	_ =	swait.ge [sflag:s16], $0x3E80  }
0x3f: {  	[sflag:s16] =	ssyncset.done $0x0  }
0x40: {  	s24 =	simm.s32 $0x380;
	[sflag:s16] =	ssyncadd.s32 $0xFFFFC180  }
0x41: {  	[tilespmem:s8], [sflag:$0x2] =	stream.indirect.gather [hbm4b:s2+s5], $0x80, s24, s5, $0xb8;
	[tilespmem:$0xC080] =	vst v63  }
0x42: {  	_ =	swait.ge [sflag:s9], $0x3E80  }
0x43: {  	[sflag:s9] =	ssyncset.done $0x0  }
0x44: {  	s25 =	sadd.s32 $0x2EE0, s31;
	[sflag:s9] =	ssyncadd.s32 $0xFFFFC180  }
0x45: {  	[hbm4b:s25+s3] =	stream.linear.scatter [tilespmem:s6], [sflag:$0x4], $0x3E80, $0x38;
	[tilespmem:$0xC080] =	vst v63  }
0x46: {  	_ =	swait.ge [sflag:s19], $0x3E80  }
0x47: {  	[sflag:s19] =	ssyncset.done $0x0  }
0x48: {  	s26 =	simm.s32 $0x400;
	[sflag:s19] =	ssyncadd.s32 $0xFFFFC180  }
0x49: {  	[tilespmem:s11], [sflag:$0x3] =	stream.indirect.gather [hbm4b:s2+s5], $0x80, s26, s5, $0xb8;
	[tilespmem:$0xC080] =	vst v63  }
0x4a: {  	_ =	swait.ge [sflag:s12], $0x3E80  }
0x4b: {  	[sflag:s12] =	ssyncset.done $0x0  }
0x4c: {  	s28 =	sadd.s32 $0x36B0, s31;
	[sflag:s12] =	ssyncadd.s32 $0xFFFFC180  }
0x4d: {  	[hbm4b:s28+s3] =	stream.linear.scatter [tilespmem:s8], [sflag:$0x5], $0x3E80, $0x38;
	[tilespmem:$0xC080] =	vst v63  }
0x4e: {  	_ =	swait.ge [sflag:s13], $0x3E80  }
0x4f: {  	[sflag:s13] =	ssyncset.done $0x0  }
0x50: {  	s29 =	simm.s32 $0x480;
	[sflag:s13] =	ssyncadd.s32 $0xFFFFC180  }
0x51: {  	[tilespmem:s6], [sflag:$0x1] =	stream.indirect.gather [hbm4b:s2+s5], $0x80, s29, s5, $0xb8;
	[tilespmem:$0xC080] =	vst v63  }
0x52: {  	_ =	swait.ge [sflag:s15], $0x3E80  }
0x53: {  	[sflag:s15] =	ssyncset.done $0x0  }
0x54: {  	s30 =	sadd.s32 $0x3E80, s31;
	[sflag:s15] =	ssyncadd.s32 $0xFFFFC180  }
0x55: {  	[hbm4b:s30+s3] =	stream.linear.scatter [tilespmem:s11], [sflag:$0x6], $0x3E80, $0x38;
	[tilespmem:$0xC080] =	vst v63  }
0x56: {  	s1 =	ssub.s32 $0x2, s1;
	_ =	swait.ge [sflag:s9], $0x3E80  }
0x57: {  	s0 =	sshrl.u32 s1, $0x1;
	[sflag:s9] =	ssyncset.done $0x0  }
0x58: {  	s0 =	ssub.s32 s1, s0;
	s31 =	sadd.s32 $0x4650, s31;
	[sflag:s9] =	ssyncadd.s32 $0xFFFFC180  }
0x59: {  	[hbm4b:s31+s3] =	stream.linear.scatter [tilespmem:s6], [sflag:$0x4], $0x3E80, $0x38;
	[tilespmem:$0xC080] =	vst v63  }
0x5a: {  	s0 =	smax.u32 s0, $0x1;
	_ =	swait.ge [sflag:s16], $0x3E80  }
0x5b: {  	p0 =	sne.s32 s0, $0x1;
	[sflag:s16] =	ssyncset.done $0x0  }
.Ltmp0:
0x5c: {  	[sflag:s16] =	ssyncadd.s32 $0xFFFFC180;
	(pc) =	sbr.rel @!p0 .LBB2_2-.Ltmp0, $4  }
0x5d: {  	_ =	swait.ge [sflag:s19], $0x3E80  }
0x5e: {  	[sflag:s19] =	ssyncset.done $0x0  }
0x5f: {  	[sflag:s19] =	ssyncadd.s32 $0xFFFFC180  }
0x60: {  	s1 =	sadd.s32 $0xFFFFFFFF, s0;
	_ =	swait.ge [sflag:s13], $0x3E80  }
.LBB2_1:
0x61: {  	[sflag:s13] =	ssyncset.done $0x0  }
0x62: {  	s0 =	rddreg [dreg:$0x4];
	[sflag:s13] =	ssyncadd.s32 $0xFFFFC180  }
0x63: {  	[tilespmem:s3], [sflag:$0x7] =	stream.linear.gather [hbm4b:s0+s3], $0x500, $0x38;
	[tilespmem:$0xC080] =	vst v63  }
0x64: {  	_ =	swait.ge [sflag:s4], $0x500  }
0x65: {  	[sflag:s4] =	ssyncset.done $0x0  }
0x66: {  	[sflag:s4] =	ssyncadd.s32 $0xFFFFFB00  }
0x67: {  	[tilespmem:s6], [sflag:$0x1] =	stream.indirect.gather [hbm4b:s2+s5], $0x80, s3, s5, $0xb8;
	[tilespmem:$0xC080] =	vst v63  }
0x68: {  	_ = 	snop  }
0x69: {  	[tilespmem:s8], [sflag:$0x2] =	stream.indirect.gather [hbm4b:s2+s5], $0x80, s7, s5, $0xb8;
	[tilespmem:$0xC080] =	vst v63  }
0x6a: {  	_ =	swait.ge [sflag:s9], $0x3E80  }
0x6b: {  	[sflag:s9] =	ssyncset.done $0x0  }
0x6c: {  	s0 =	rddreg [dreg:$0x5];
	[sflag:s9] =	ssyncadd.s32 $0xFFFFC180  }
0x6d: {  	[hbm4b:s0+s3] =	stream.linear.scatter [tilespmem:s6], [sflag:$0x4], $0x3E80, $0x38;
	[tilespmem:$0xC080] =	vst v63  }
0x6e: {  	_ = 	snop  }
0x6f: {  	[tilespmem:s11], [sflag:$0x3] =	stream.indirect.gather [hbm4b:s2+s5], $0x80, s10, s5, $0xb8;
	[tilespmem:$0xC080] =	vst v63  }
0x70: {  	_ =	swait.ge [sflag:s12], $0x3E80  }
0x71: {  	[sflag:s12] =	ssyncset.done $0x0  }
0x72: {  	s0 =	rddreg [dreg:$0x6];
	[sflag:s12] =	ssyncadd.s32 $0xFFFFC180  }
0x73: {  	[hbm4b:s0+s3] =	stream.linear.scatter [tilespmem:s8], [sflag:$0x5], $0x3E80, $0x38;
	[tilespmem:$0xC080] =	vst v63  }
0x74: {  	_ =	swait.ge [sflag:s13], $0x3E80  }
0x75: {  	[sflag:s13] =	ssyncset.done $0x0  }
0x76: {  	[sflag:s13] =	ssyncadd.s32 $0xFFFFC180  }
0x77: {  	[tilespmem:s6], [sflag:$0x1] =	stream.indirect.gather [hbm4b:s2+s5], $0x80, s14, s5, $0xb8;
	[tilespmem:$0xC080] =	vst v63  }
0x78: {  	_ =	swait.ge [sflag:s15], $0x3E80  }
0x79: {  	[sflag:s15] =	ssyncset.done $0x0  }
0x7a: {  	s0 =	rddreg [dreg:$0x7];
	[sflag:s15] =	ssyncadd.s32 $0xFFFFC180  }
0x7b: {  	[hbm4b:s0+s3] =	stream.linear.scatter [tilespmem:s11], [sflag:$0x6], $0x3E80, $0x38;
	[tilespmem:$0xC080] =	vst v63  }
0x7c: {  	_ =	swait.ge [sflag:s16], $0x3E80  }
0x7d: {  	[sflag:s16] =	ssyncset.done $0x0  }
0x7e: {  	[sflag:s16] =	ssyncadd.s32 $0xFFFFC180  }
0x7f: {  	[tilespmem:s8], [sflag:$0x2] =	stream.indirect.gather [hbm4b:s2+s5], $0x80, s17, s5, $0xb8;
	[tilespmem:$0xC080] =	vst v63  }
0x80: {  	_ =	swait.ge [sflag:s9], $0x3E80  }
0x81: {  	[sflag:s9] =	ssyncset.done $0x0  }
0x82: {  	[sflag:s9] =	ssyncadd.s32 $0xFFFFC180  }
0x83: {  	[hbm4b:s18+s3] =	stream.linear.scatter [tilespmem:s6], [sflag:$0x4], $0x3E80, $0x38;
	[tilespmem:$0xC080] =	vst v63  }
0x84: {  	_ =	swait.ge [sflag:s19], $0x3E80  }
0x85: {  	[sflag:s19] =	ssyncset.done $0x0  }
0x86: {  	[sflag:s19] =	ssyncadd.s32 $0xFFFFC180  }
0x87: {  	[tilespmem:s11], [sflag:$0x3] =	stream.indirect.gather [hbm4b:s2+s5], $0x80, s20, s5, $0xb8;
	[tilespmem:$0xC080] =	vst v63  }
0x88: {  	_ =	swait.ge [sflag:s12], $0x3E80  }
0x89: {  	[sflag:s12] =	ssyncset.done $0x0  }
0x8a: {  	[sflag:s12] =	ssyncadd.s32 $0xFFFFC180  }
0x8b: {  	[hbm4b:s21+s3] =	stream.linear.scatter [tilespmem:s8], [sflag:$0x5], $0x3E80, $0x38;
	[tilespmem:$0xC080] =	vst v63  }
0x8c: {  	_ =	swait.ge [sflag:s13], $0x3E80  }
0x8d: {  	[sflag:s13] =	ssyncset.done $0x0  }
0x8e: {  	[sflag:s13] =	ssyncadd.s32 $0xFFFFC180  }
0x8f: {  	[tilespmem:s6], [sflag:$0x1] =	stream.indirect.gather [hbm4b:s2+s5], $0x80, s22, s5, $0xb8;
	[tilespmem:$0xC080] =	vst v63  }
0x90: {  	_ =	swait.ge [sflag:s15], $0x3E80  }
0x91: {  	[sflag:s15] =	ssyncset.done $0x0  }
0x92: {  	[sflag:s15] =	ssyncadd.s32 $0xFFFFC180  }
0x93: {  	[hbm4b:s23+s3] =	stream.linear.scatter [tilespmem:s11], [sflag:$0x6], $0x3E80, $0x38;
	[tilespmem:$0xC080] =	vst v63  }
0x94: {  	_ =	swait.ge [sflag:s16], $0x3E80  }
0x95: {  	[sflag:s16] =	ssyncset.done $0x0  }
0x96: {  	[sflag:s16] =	ssyncadd.s32 $0xFFFFC180  }
0x97: {  	[tilespmem:s8], [sflag:$0x2] =	stream.indirect.gather [hbm4b:s2+s5], $0x80, s24, s5, $0xb8;
	[tilespmem:$0xC080] =	vst v63  }
0x98: {  	_ =	swait.ge [sflag:s9], $0x3E80  }
0x99: {  	[sflag:s9] =	ssyncset.done $0x0  }
0x9a: {  	[sflag:s9] =	ssyncadd.s32 $0xFFFFC180  }
0x9b: {  	[hbm4b:s25+s3] =	stream.linear.scatter [tilespmem:s6], [sflag:$0x4], $0x3E80, $0x38;
	[tilespmem:$0xC080] =	vst v63  }
0x9c: {  	_ =	swait.ge [sflag:s19], $0x3E80  }
0x9d: {  	[sflag:s19] =	ssyncset.done $0x0  }
0x9e: {  	[sflag:s19] =	ssyncadd.s32 $0xFFFFC180  }
0x9f: {  	[tilespmem:s11], [sflag:$0x3] =	stream.indirect.gather [hbm4b:s2+s5], $0x80, s26, s5, $0xb8;
	[tilespmem:$0xC080] =	vst v63  }
0xa0: {  	_ =	swait.ge [sflag:s12], $0x3E80  }
0xa1: {  	[sflag:s12] =	ssyncset.done $0x0  }
0xa2: {  	[sflag:s12] =	ssyncadd.s32 $0xFFFFC180  }
0xa3: {  	[hbm4b:s28+s3] =	stream.linear.scatter [tilespmem:s8], [sflag:$0x5], $0x3E80, $0x38;
	[tilespmem:$0xC080] =	vst v63  }
0xa4: {  	_ =	swait.ge [sflag:s13], $0x3E80  }
0xa5: {  	[sflag:s13] =	ssyncset.done $0x0  }
0xa6: {  	[sflag:s13] =	ssyncadd.s32 $0xFFFFC180  }
0xa7: {  	[tilespmem:s6], [sflag:$0x1] =	stream.indirect.gather [hbm4b:s2+s5], $0x80, s29, s5, $0xb8;
	[tilespmem:$0xC080] =	vst v63  }
0xa8: {  	_ =	swait.ge [sflag:s15], $0x3E80  }
0xa9: {  	[sflag:s15] =	ssyncset.done $0x0  }
0xaa: {  	[sflag:s15] =	ssyncadd.s32 $0xFFFFC180  }
0xab: {  	[hbm4b:s30+s3] =	stream.linear.scatter [tilespmem:s11], [sflag:$0x6], $0x3E80, $0x38;
	[tilespmem:$0xC080] =	vst v63  }
0xac: {  	_ =	swait.ge [sflag:s9], $0x3E80  }
0xad: {  	[sflag:s9] =	ssyncset.done $0x0  }
0xae: {  	[sflag:s9] =	ssyncadd.s32 $0xFFFFC180  }
0xaf: {  	[hbm4b:s31+s3] =	stream.linear.scatter [tilespmem:s6], [sflag:$0x4], $0x3E80, $0x38;
	[tilespmem:$0xC080] =	vst v63  }
0xb0: {  	_ =	swait.ge [sflag:s16], $0x3E80  }
0xb1: {  	p0 =	sne.s32 s1, $0x1;
	[sflag:s16] =	ssyncset.done $0x0  }
.Ltmp1:
0xb2: {  	[sflag:s16] =	ssyncadd.s32 $0xFFFFC180;
	(pc) =	sbr.rel @p0 .LBB2_1-.Ltmp1, $4  }
0xb3: {  	_ =	swait.ge [sflag:s19], $0x3E80  }
0xb4: {  	[sflag:s19] =	ssyncset.done $0x0  }
0xb5: {  	[sflag:s19] =	ssyncadd.s32 $0xFFFFC180  }
0xb6: {  	s1 =	sadd.s32 $0xFFFFFFFF, s1;
	_ =	swait.ge [sflag:s13], $0x3E80  }
.LBB2_2:
0xb7: {  	[sflag:s13] =	ssyncset.done $0x0  }
0xb8: {  	[sflag:s13] =	ssyncadd.s32 $0xFFFFC180  }
0xb9: {  	_ =	sfence.sel $0x180000  }
0xba: {  	[bflag:$0x0] =	sbarrier.arrive $0xFFFF  }
0xbb: {  	_ =	strace $0x9000004A  }
0xbc: {  	s0 =	stileid.u32;
	[bflag:$0x2] =	sbarrier.arrive $0xFFFF  }
0xbd: {  	p0 =	sne.s32 s0, $0x0;
	s0 =	rddreg [dreg:$0x3]  }
0xbe: {  	s0 =	sadd.s32 @!p0 $0x100000, s0  }
0xbf: {  	[sflag:s0] =	ssyncadd.tile.s32 @!p0 $0x1;
	_ =	shalt  }
.Lfunc_end2:
_tile_overlayer_lowered:
.L_overlay_start_2:
0xc0: {  	(tag) =	ssettag $0x2  }
0xc1: {  	s0 =	rddreg [dreg:$0x0];
	s2 =	stileid.u32  }
0xc2: {  	s1 =	rddreg [dreg:$0x1];
	p0 =	sne.s32 s2, $0x0  }
0xc3: {  	s3 =	rddreg [dreg:$0x2];
	[bflag:$0x3] =	sbarrier.arrive $0xFFFF;
	s2 =	simm.s32 @!p0 $0x1C07  }
0xc4: {  	[timem:s3], [sflag:s2] =	dma.local @!p0 [hbm:s0], s1  }
0xc5: {  	s0 =	simm.s32 @!p0 $0x7  }
0xc6: {  	_ =	swait.ge @!p0 [sflag:s0], s1  }
0xc7: {  	s1 =	ssub.s32 @!p0 $0x0, s1;
	[sflag:s0] =	ssyncset.done @!p0 $0x0  }
0xc8: {  	[sflag:s0] =	ssyncadd.s32 @!p0 s1  }
0xc9: {  	[bflag:$0x3] =	sbarrier.arrive $0xFFFF  }
0xca: {  	_ =	shalt  }

// kernel: kernel.7.cloned.1.call-start
scs
__scs_entry_jumppad:
0x0: {  	(pc) =	sbr.rel $0x88, $3  }
0x1: {  	(tag) =	ssettag $0x0;
	lr =	simm.s32 $0x1  }
0x2: {  	[smem:$0x3F9E] =	sst lr;
	_ =	strace $0xD0000000  }
0x3: {  	_ = 	snop  }
0x4: {  	_ = 	snop  }
0x5: {  	_ = 	snop  }
0x6: {  	_ = 	snop  }
0x7: {  	_ = 	snop  }
__scs_overlays_trampoline_lowered:
0x8: {  	[smem:$0x3FAD] =	sst s0  }
0x9: {  	[smem:$0x3FAE] =	sst s1  }
0xa: {  	[smem:$0x3FAF] =	sst s2  }
0xb: {  	[smem:$0x3FB0] =	sst s3  }
0xc: {  	[smem:$0x3FB1] =	sst s4  }
0xd: {  	[smem:$0x3FB2] =	sst s5  }
0xe: {  	[smem:$0x3FB3] =	sst s6  }
0xf: {  	[smem:$0x3FB4] =	sst s7  }
0x10: {  	[smem:$0x3FB5] =	sst s8  }
0x11: {  	[smem:$0x3FB6] =	sst s9;
	s0 =	simm.s32 @!p0 $0x0  }
0x12: {  	s1 =	sld [smem:$0x3F9C];
	s0 =	simm.s32 @p0 $0x1  }
0x13: {  	[smem:$0x3FB7] =	sst s0;
	s0 =	simm.s32 @!p1 $0x0  }
0x14: {  	s2 =	sld [smem:$0x3F9B];
	s0 =	simm.s32 @p1 $0x1  }
0x15: {  	[smem:$0x3FB8] =	sst s0;
	s0 =	simm.s32 @!p2 $0x0  }
0x16: {  	s3 =	sld [smem:$0x3FDB];
	s0 =	simm.s32 @p2 $0x1  }
0x17: {  	s4 =	simm.s32 $0x1BF5;
	[smem:$0x3FBA] =	sst s0  }
0x18: {  	s0 =	sld [smem:$0x3F9D];
	_ =	swait.ge [sflag:s4], $0x0  }
0x19: {  	s7 =	sld [smem:$0x3F9E]  }
0x1a: {  	s8 =	sadd.s32 $0xFFFFE003, lr  }
0x1b: {  	s9 =	sadd.s32 $0xFFFFFEF7, lr;
	s5 =	simm.s32 $0xFFFFFFFF;
	p2 =	slt.u32 s8, $0xFFFFF086  }
0x1c: {  	p1 =	slt.u32 s9, $0xF7A;
	s5 =	simm.s32 @!p2 $0x0  }
0x1d: {  	s5 =	simm.s32 @p1 $0x1;
	p0 =	seq.s32 s7, s2  }
0x1e: {  	s7 =	smul.u32 @!p0 $0xF7A, s2;
	p2 =	seq.s32 @!p0 s5, $0x0  }
0x1f: {  	s9 =	smul.u32 $0xF7A, s1;
	s8 =	simm.s32 @!p0 $0x1BF5;
	p2 =	por !p2, p0  }
0x20: {  	[sflag:s8] =	ssyncset.s32 @!p0 $0xFFFFF086;
	s6 =	sadd.s32 @!p0 s3, s7;
	s7 =	simm.s32 @!p0 $0x108  }
0x21: {  	s3 =	sadd.s32 s3, s9;
	s6 =	sadd.s32 @!p0 $0x88, s6;
	s7 =	simm.s32 @p2 $0x1082  }
0x22: {  	[simem:s7], [sflag:s8] =	dma.local @!p0 [hbm:s6], $0xF7A  }
0x23: {  	s9 =	sor.u32 $0xD0000000, s2;
	s6 =	simm.s32 $0x108;
	_ =	swait.ge @!p0 [sflag:s8], $0x0  }
0x24: {  	s3 =	sadd.s32 $0x88, s3;
	s6 =	simm.s32 @!p1 $0x1082;
	[sflag:s4] =	ssyncset.s32 $0xFFFFF086  }
0x25: {  	[simem:s6], [sflag:s4] =	dma.local [hbm:s3], $0xF7A  }
0x26: {  	[smem:$0x3F9E] =	sst s1;
	(tag) =	ssettag s2;
	_ =	strace s9  }
0x27: {  	s1 =	sld [smem:$0x3FAE]  }
0x28: {  	s2 =	sld [smem:$0x3FAF]  }
0x29: {  	s4 =	sld [smem:$0x3FB1]  }
0x2a: {  	p0 =	seq.s32 s5, $0x0;
	s5 =	sld [smem:$0x3FB2]  }
0x2b: {  	s6 =	sld [smem:$0x3FB3]  }
0x2c: {  	s7 =	sld [smem:$0x3FB4]  }
0x2d: {  	s3 =	simm.s32 $0x108;
	s8 =	sld [smem:$0x3FB5]  }
0x2e: {  	s3 =	simm.s32 @!p0 $0x1082;
	s9 =	sld [smem:$0x3FB6]  }
0x2f: {  	lr =	sadd.s32 s0, s3;
	s0 =	sld [smem:$0x3FAD]  }
0x30: {  	s3 =	sld [smem:$0x3FB0]  }
0x31: {  	[smem:$0x3FB9] =	sst s10  }
0x32: {  	s10 =	sld [smem:$0x3FB7];
	_ =	sdelay $0x3  }
0x33: {  	p0 =	seq.s32 s10, $0x1;
	s10 =	sld [smem:$0x3FB9];
	_ =	sdelay $0x3  }
0x34: {  	[smem:$0x3FB9] =	sst s10  }
0x35: {  	s10 =	sld [smem:$0x3FB8];
	_ =	sdelay $0x3  }
0x36: {  	p1 =	seq.s32 s10, $0x1;
	s10 =	sld [smem:$0x3FB9];
	_ =	sdelay $0x3  }
0x37: {  	[smem:$0x3FB9] =	sst s10  }
0x38: {  	s10 =	sld [smem:$0x3FBA]  }
0x39: {  	_ = 	snop;
	(pc) =	sbr.ind lr, $3  }
0x3a: {  	_ = 	snop  }
0x3b: {  	_ = 	snop  }
0x3c: {  	p2 =	seq.s32 s10, $0x1;
	s10 =	sld [smem:$0x3FB9]  }
0x3d: {  	_ =	shalt  }
0x3e: {  	_ =	shalt  }
0x3f: {  	_ =	shalt  }
0x40: {  	_ =	shalt  }
0x41: {  	_ =	shalt  }
0x42: {  	_ =	shalt  }
0x43: {  	_ =	shalt  }
0x44: {  	_ =	shalt  }
0x45: {  	_ =	shalt  }
0x46: {  	_ =	shalt  }
0x47: {  	_ =	shalt  }
0x48: {  	_ =	shalt  }
0x49: {  	_ =	shalt  }
0x4a: {  	_ =	shalt  }
0x4b: {  	_ =	shalt  }
0x4c: {  	_ =	shalt  }
0x4d: {  	_ =	shalt  }
0x4e: {  	_ =	shalt  }
0x4f: {  	_ =	shalt  }
0x50: {  	_ =	shalt  }
0x51: {  	_ =	shalt  }
0x52: {  	_ =	shalt  }
0x53: {  	_ =	shalt  }
0x54: {  	_ =	shalt  }
0x55: {  	_ =	shalt  }
0x56: {  	_ =	shalt  }
0x57: {  	_ =	shalt  }
0x58: {  	_ =	shalt  }
0x59: {  	_ =	shalt  }
0x5a: {  	_ =	shalt  }
0x5b: {  	_ =	shalt  }
0x5c: {  	_ =	shalt  }
0x5d: {  	_ =	shalt  }
0x5e: {  	_ =	shalt  }
0x5f: {  	_ =	shalt  }
0x60: {  	_ =	shalt  }
0x61: {  	_ =	shalt  }
0x62: {  	_ =	shalt  }
0x63: {  	_ =	shalt  }
0x64: {  	_ =	shalt  }
0x65: {  	_ =	shalt  }
0x66: {  	_ =	shalt  }
0x67: {  	_ =	shalt  }
0x68: {  	_ =	shalt  }
0x69: {  	_ =	shalt  }
0x6a: {  	_ =	shalt  }
0x6b: {  	_ =	shalt  }
0x6c: {  	_ =	shalt  }
0x6d: {  	_ =	shalt  }
0x6e: {  	_ =	shalt  }
0x6f: {  	_ =	shalt  }
0x70: {  	_ =	shalt  }
0x71: {  	_ =	shalt  }
0x72: {  	_ =	shalt  }
0x73: {  	_ =	shalt  }
0x74: {  	_ =	shalt  }
0x75: {  	_ =	shalt  }
0x76: {  	_ =	shalt  }
0x77: {  	_ =	shalt  }
0x78: {  	_ =	shalt  }
0x79: {  	_ =	shalt  }
0x7a: {  	_ =	shalt  }
0x7b: {  	_ =	shalt  }
0x7c: {  	_ =	shalt  }
0x7d: {  	_ =	shalt  }
0x7e: {  	_ =	shalt  }
0x7f: {  	_ =	shalt  }
0x80: {  	_ =	shalt  }
0x81: {  	_ =	shalt  }
0x82: {  	_ =	shalt  }
0x83: {  	_ =	shalt  }
0x84: {  	_ =	shalt  }
0x85: {  	_ =	shalt  }
0x86: {  	_ =	shalt  }
0x87: {  	_ =	shalt  }
.Lfunc_end0:
.L_simem_size_0:
called_computation.1_lowered:
.L_overlay_start_0:
0x88: {  	s2 =	sld [smem:$0x3FD9]  }
0x89: {  	s3 =	sld [smem:$0x3FFE];
	_ =	sdelay $0x1  }
0x8a: {  	s1 =	srdreg.scid  }
0x8b: {  	s0 =	sand.u32 $0x1, s1  }
0x8c: {  	s14 =	sshll.u32 s0, $0xA;
	s2 =	sadd.s32 s3, s2  }
0x8d: {  	s2 =	sadd.s32 s2, s14  }
0x8e: {  	[smem:$0x3FC5] =	sst s2  }
0x8f: {  	_ = 	snop  }
0x90: {  	s2 =	sld [smem:$0x3FD0];
	_ =	sdelay $0x2  }
0x91: {  	s15 =	simm.s32 $0xB;
	s4 =	simm.s32 $0x10  }
0x92: {  	[smem:s4], [sflag:s15] =	dma.local [hbm:s2], $0x1  }
0x93: {  	_ =	swait.eq [sflag:s15], $0x1  }
0x94: {  	s16 =	sld [smem:$0x11];
	[sflag:s15] =	ssyncset.done $0x0  }
0x95: {  	s17 =	sld [smem:$0x12];
	[sflag:s15] =	ssyncadd.s32 $0xFFFFFFFF  }
0x96: {  	s18 =	sld [smem:$0x13];
	(tm) =	ssettm $0x1  }
0x97: {  	s5 =	sld [smem:$0x3FFB];
	_ =	sdelay $0x3  }
0x98: {  	_ =	strace s5  }
0x99: {  	s5 =	sld [smem:$0x3FFC];
	_ =	sdelay $0x3  }
0x9a: {  	_ =	strace s5  }
0x9b: {  	s5 =	sld [smem:$0x3FFD];
	_ =	sdelay $0x3  }
0x9c: {  	_ =	strace s5  }
0x9d: {  	_ =	strace $0x8FFFFFFF  }
0x9e: {  	s19 =	sld [smem:$0x3FDB];
	_ =	sdelay $0x1  }
0x9f: {  	s6 =	simm.s32 $_scs_section_size  }
0xa0: {  	s7 =	simm.s32 $_size__tile_overlayer_lowered;
	s8 =	simm.s32 $_tile_overlayer_lowered  }
0xa1: {  	s22 =	simm.s32 $0x1BFF;
	s21 =	sshll.u32 s8, $0x1;
	s5 =	sadd.s32 s6, s19  }
0xa2: {  	s9 =	simm.s32 $0x0;
	s20 =	sshll.u32 s7, $0x1;
	s7 =	sadd.s32 s21, s5  }
0xa3: {  	[timem:s9], [sflag:s22] =	dma.local [hbm:s7], s20  }
0xa4: {  	_ =	swait.ge [sflag:s22], s20  }
0xa5: {  	s6 =	ssub.s32 $0x0, s20;
	[sflag:s22] =	ssyncset.done $0x0  }
0xa6: {  	[sflag:s22] =	ssyncadd.s32 s6;
	_ =	sdelay $0x1  }
0xa7: {  	s23 =	simm.s32 $0x1B8B  }
0xa8: {  	_ =	swait.ge [sflag:s23], $0x1  }
0xa9: {  	[sflag:s23] =	ssyncset.done $0x0  }
0xaa: {  	s25 =	simm.s32 $0x1B8E;
	s24 =	sld [smem:$0x3FFE];
	[sflag:s23] =	ssyncadd.s32 $0xFFFFFFFF  }
0xab: {  	s26 =	simm.s32 $execute0_lowered;
	[smem:$0x3FD2] =	sst s25  }
0xac: {  	s7 =	sshll.u32 s26, $0x1;
	_ =	strace $0x80000046;
	[dreg:$0x1] =	wrdreg $0xFFFFFFFF  }
0xad: {  	s28 =	simm.s32 $_size_execute0_lowered;
	s5 =	sadd.s32 s5, s7;
	[dreg:$0x0] =	wrdreg $0x0  }
0xae: {  	s7 =	sshll.u32 s28, $0x1;
	[dreg:$0x2] =	wrdreg s5  }
0xaf: {  	[dreg:$0x3] =	wrdreg s7  }
0xb0: {  	[dreg:$0x4] =	wrdreg $0xC0  }
0xb1: {  	_ =	task [dreg:s9], $0x5FFFF  }
0xb2: {  	[dreg:$0x1] =	wrdreg $0xFFFFFFFF  }
0xb3: {  	[dreg:$0x0] =	wrdreg $0x60  }
0xb4: {  	[dreg:$0x2] =	wrdreg s17  }
0xb5: {  	[dreg:$0x3] =	wrdreg s16  }
0xb6: {  	[dreg:$0x4] =	wrdreg s18  }
0xb7: {  	[dreg:$0x5] =	wrdreg s24  }
0xb8: {  	[dreg:$0x6] =	wrdreg $0xA  }
0xb9: {  	_ =	task.clear_ibuf [dreg:s9], $0x7FFFF;
	_ =	strace $0x90000046  }
0xba: {  	s29 =	simm.s32 $0xA;
	_ =	strace $0x80000048  }
0xbb: {  	_ =	swait.ge [sflag:s29], $0x1  }
0xbc: {  	[sflag:s29] =	ssyncadd.s32 $0xFFFFFFFF  }
0xbd: {  	_ =	strace $0x90000048  }
0xbe: {  	_ =	sfence  }
0xbf: {  	s30 =	sld [smem:$0x0];
	_ =	sdelay $0x2  }
0xc0: {  	s31 =	sshll.u32 s1, $0xD;
	s1 =	sshrl.u32 s1, $0x2  }
0xc1: {  	s3 =	sand.u32 $0x4000, s31;
	s1 =	sadd.s32 s1, s30  }
0xc2: {  	s0 =	sor.u32 s3, s0;
	s1 =	sshll.u32 s1, $0x11  }
0xc3: {  	s0 =	sor.u32 s1, s0  }
0xc4: {  	s0 =	sadd.s32 $0x8F2B, s0  }
0xc5: {  	[sflag:s0] =	ssyncadd.remote.s32 $0x1  }
0xc6: {  	_ =	sfence.sel $0xFFFF  }
0xc7: {  	[dreg:$0x0] =	wrdreg $0xFFFFFFFF;
	(pc) =	sbr.abs _section_cstart, $3  }
0xc8: {  	[dreg:$0x1] =	wrdreg $0xFFFFFFFF  }
0xc9: {  	_ =	task.clear_ibuf [dreg:s9], $0x2FFFF;
	_ =	strace $0x9FFFFFFF  }
0xca: {  	(tm) =	ssettm $0x7FFFFFFF  }
0xcb: {  	_ =	shalt  }
tec
execute0_lowered:
.L_overlay_start_1:
0x0: {  	(tag) =	ssettag $0x1  }
0x1: {  	s0 =	srdreg.scid  }
0x2: {  	s1 =	stileid.u32;
	s0 =	sand.u32 $0x1, s0  }
0x3: {  	s1 =	sshll.u32 s1, $0x4;
	s3 =	sshll.u32 s0, $0x3  }
0x4: {  	s2 =	rddreg [dreg:$0x0];
	s3 =	sor.u32 s3, s1  }
0x5: {  	s4 =	rddreg [dreg:$0x1];
	s3 =	smul.u32 $0x2710, s3  }
0x6: {  	s5 =	rddreg [dreg:$0x3]  }
0x7: {  	s6 =	sadd.s32 $0x4E400, s5;
	s1 =	simm.s32 $0x0;
	s3 =	sshrl.u32 s3, $0x3  }
0x8: {  	s5 =	sadd.s32 $0x200, s5;
	[smem:$0x7FF] =	sst s1;
	s2 =	sadd.s32 s2, s3  }
0x9: {  	s24 =	sadd.s32 s6, s3;
	s25 =	sadd.s32 $0x80, s3;
	s26 =	sadd.s32 $0x100, s3  }
0xa: {  	s17 =	sadd.s32 $0x180, s3;
	s18 =	sadd.s32 $0x200, s3;
	s10 =	sadd.s32 $0x280, s3  }
0xb: {  	s20 =	sadd.s32 $0x300, s3;
	s13 =	sadd.s32 $0x380, s3;
	[dreg:$0x5] =	wrdreg s2  }
0xc: {  	s14 =	sadd.s32 $0x400, s3;
	s4 =	sadd.s32 s4, s3;
	[dreg:$0x6] =	wrdreg s24  }
0xd: {  	s15 =	sadd.s32 $0x480, s3;
	s3 =	sadd.s32 s5, s3;
	[dreg:$0xf] =	wrdreg s4  }
0xe: {  	s8 =	sadd.s32 s6, s25;
	[dreg:$0x10] =	wrdreg s3  }
0xf: {  	s28 =	simm.s32 $0x4;
	s16 =	sadd.s32 s6, s26;
	[dreg:$0x7] =	wrdreg s8  }
0x10: {  	s29 =	simm.s32 $0x2710;
	s9 =	sadd.s32 s6, s17;
	[dreg:$0x8] =	wrdreg s16  }
0x11: {  	s30 =	simm.s32 $0x1;
	s11 =	sadd.s32 s6, s18;
	[dreg:$0x9] =	wrdreg s9  }
0x12: {  	s31 =	simm.s32 $0x4E20;
	s19 =	sadd.s32 s6, s10;
	[dreg:$0xa] =	wrdreg s11  }
0x13: {  	s0 =	ssub.s32 $0x2, s0;
	s12 =	sadd.s32 s6, s20;
	[dreg:$0xb] =	wrdreg s19  }
0x14: {  	s7 =	sshrl.u32 s0, $0x1;
	s21 =	sadd.s32 s6, s13;
	[dreg:$0xc] =	wrdreg s12  }
0x15: {  	s0 =	ssub.s32 s0, s7;
	s22 =	sadd.s32 s6, s14;
	[dreg:$0xd] =	wrdreg s21  }
0x16: {  	s7 =	simm.s32 $0x17F90;
	s2 =	sadd.s32 s5, s25;
	[dreg:$0xe] =	wrdreg s22  }
0x17: {  	s23 =	sadd.s32 s5, s26;
	s24 =	sadd.s32 s5, s17;
	[dreg:$0x11] =	wrdreg s2  }
0x18: {  	s25 =	sadd.s32 s5, s18;
	s26 =	sadd.s32 s5, s10;
	[dreg:$0x12] =	wrdreg s23  }
0x19: {  	s17 =	simm.s32 $0x7530;
	s3 =	simm.s32 $0x11170;
	[dreg:$0x13] =	wrdreg s24  }
0x1a: {  	s4 =	simm.s32 $0x13880;
	s18 =	simm.s32 $0x19B90;
	[dreg:$0x14] =	wrdreg s25  }
0x1b: {  	s10 =	simm.s32 $0x0;
	s12 =	sadd.s32 s6, s15;
	[dreg:$0x15] =	wrdreg s26  }
0x1c: {  	s22 =	sadd.s32 s5, s20;
	s23 =	sadd.s32 s5, s13;
	s24 =	sadd.s32 s5, s14  }
0x1d: {  	s25 =	sadd.s32 s5, s15;
	s26 =	smax.u32 s0, $0x1;
	s0 =	simm.s32 $0x9C40  }
0x1e: {  	s21 =	simm.s32 $0xC350;
	s2 =	simm.s32 $0xEA60;
	s5 =	simm.s32 $0x400  }
0x1f: {  	s6 =	simm.s32 $0x15F90;
	s8 =	simm.s32 $0x2;
	s9 =	simm.s32 $0x3  }
0x20: {  	s20 =	simm.s32 $0x18390;
	s13 =	simm.s32 $0x18B90;
	s14 =	simm.s32 $0x18F90  }
0x21: {  	s15 =	simm.s32 $0x19390;
	s16 =	simm.s32 $0x19790;
	_ =	strace $0x80000047  }
.LBB2_1:
0x22: {  	s11 =	rddreg [dreg:$0x2]  }
0x23: {  	[tilespmem:s1], [sflag:$0x4] =	stream.linear.gather [hbm4b:s11+s1], $0x2710, $0x38;
	[tilespmem:$0x19F90] =	vst v63  }
0x24: {  	_ =	swait.ge [sflag:s28], $0x2710  }
0x25: {  	[sflag:s28] =	ssyncset.done $0x0  }
0x26: {  	s19 =	rddreg [dreg:$0x5];
	[sflag:s28] =	ssyncadd.s32 $0xFFFFD8F0  }
0x27: {  	[tilespmem:s29], [sflag:$0x1] =	stream.linear.gather [hbm4b:s19+s1], $0x13880, $0x38;
	[tilespmem:$0x19F90] =	vst v63  }
0x28: {  	_ =	swait.ge [sflag:s30], $0x13880  }
0x29: {  	[sflag:s30] =	ssyncset.done $0x0  }
0x2a: {  	s11 =	simm.s32 $0x0;
	[sflag:s30] =	ssyncadd.s32 $0xFFFEC780  }
.LBB2_2:
0x2b: {  	s19 =	sshra.s32 s11, $0x2  }
0x2c: {  	v0 =	vld [tilespmem:s19+$0x0];
	_ =	sdelay $0x7  }
0x2d: {  	v1 =	vld.idx.msk [tilespmem:v0+s29+$0x0], $0xffff;
	_ =	sdelay $0x7  }
0x2e: {  	v1 =	vld.idx.msk [tilespmem:v1+s1+$0x0], $0xffff;
	_ =	sdelay $0x4  }
0x2f: {  	[tilespmem:s19+$0x15F90] =	vst v1  }
0x30: {  	v1 =	vld.idx.msk [tilespmem:v0+s31+$0x0], $0xffff;
	_ =	sdelay $0x7  }
0x31: {  	v1 =	vld.idx.msk [tilespmem:v1+s1+$0x0], $0xffff;
	_ =	sdelay $0x4  }
0x32: {  	[tilespmem:s19+$0x16390] =	vst v1  }
0x33: {  	v1 =	vld.idx.msk [tilespmem:v0+s17+$0x0], $0xffff;
	_ =	sdelay $0x7  }
0x34: {  	v1 =	vld.idx.msk [tilespmem:v1+s1+$0x0], $0xffff;
	_ =	sdelay $0x4  }
0x35: {  	[tilespmem:s19+$0x16790] =	vst v1  }
0x36: {  	v1 =	vld.idx.msk [tilespmem:v0+s0+$0x0], $0xffff;
	_ =	sdelay $0x7  }
0x37: {  	v1 =	vld.idx.msk [tilespmem:v1+s1+$0x0], $0xffff;
	_ =	sdelay $0x4  }
0x38: {  	[tilespmem:s19+$0x16B90] =	vst v1  }
0x39: {  	v1 =	vld.idx.msk [tilespmem:v0+s21+$0x0], $0xffff;
	_ =	sdelay $0x7  }
0x3a: {  	v1 =	vld.idx.msk [tilespmem:v1+s1+$0x0], $0xffff;
	_ =	sdelay $0x4  }
0x3b: {  	[tilespmem:s19+$0x16F90] =	vst v1  }
0x3c: {  	v1 =	vld.idx.msk [tilespmem:v0+s2+$0x0], $0xffff;
	_ =	sdelay $0x7  }
0x3d: {  	v1 =	vld.idx.msk [tilespmem:v1+s1+$0x0], $0xffff;
	_ =	sdelay $0x4  }
0x3e: {  	[tilespmem:s19+$0x17390] =	vst v1  }
0x3f: {  	v1 =	vld.idx.msk [tilespmem:v0+s3+$0x0], $0xffff;
	_ =	sdelay $0x7  }
0x40: {  	v1 =	vld.idx.msk [tilespmem:v1+s1+$0x0], $0xffff;
	_ =	sdelay $0x4  }
0x41: {  	[tilespmem:s19+$0x17790] =	vst v1  }
0x42: {  	v0 =	vld.idx.msk [tilespmem:v0+s4+$0x0], $0xffff;
	_ =	sdelay $0x7  }
0x43: {  	p0 =	sne.s32 s11, $0xFC0;
	v0 =	vld.idx.msk [tilespmem:v0+s1+$0x0], $0xffff  }
.Ltmp0:
0x44: {  	_ = 	snop;
	(pc) =	sbr.rel @p0 .LBB2_2-.Ltmp0, $2  }
0x45: {  	_ =	sdelay $0x2  }
0x46: {  	s11 =	sadd.s32 $0x40, s11;
	[tilespmem:s19+$0x17B90] =	vst v0  }
0x47: {  	s11 =	rddreg [dreg:$0x6]  }
0x48: {  	[hbm4b:s11+s5] =	stream.strided.scatter [tilespmem:s6], [sflag:$0x2], $0x2000, s29, s5, $0x38;
	[tilespmem:$0x19F90] =	vst v63  }
0x49: {  	s11 =	simm.s32 $0x0  }
.LBB2_4:
0x4a: {  	s19 =	sshra.s32 s11, $0x2  }
0x4b: {  	v0 =	vld [tilespmem:s19+$0x400];
	_ =	sdelay $0x7  }
0x4c: {  	v1 =	vld.idx.msk [tilespmem:v0+s29+$0x0], $0xffff;
	_ =	sdelay $0x7  }
0x4d: {  	v1 =	vld.idx.msk [tilespmem:v1+s1+$0x0], $0xffff;
	_ =	sdelay $0x4  }
0x4e: {  	[tilespmem:s19+$0x17F90] =	vst v1  }
0x4f: {  	v1 =	vld.idx.msk [tilespmem:v0+s31+$0x0], $0xffff;
	_ =	sdelay $0x7  }
0x50: {  	v1 =	vld.idx.msk [tilespmem:v1+s1+$0x0], $0xffff;
	_ =	sdelay $0x4  }
0x51: {  	[tilespmem:s19+$0x18390] =	vst v1  }
0x52: {  	v1 =	vld.idx.msk [tilespmem:v0+s17+$0x0], $0xffff;
	_ =	sdelay $0x7  }
0x53: {  	v1 =	vld.idx.msk [tilespmem:v1+s1+$0x0], $0xffff;
	_ =	sdelay $0x4  }
0x54: {  	[tilespmem:s19+$0x18790] =	vst v1  }
0x55: {  	v1 =	vld.idx.msk [tilespmem:v0+s0+$0x0], $0xffff;
	_ =	sdelay $0x7  }
0x56: {  	v1 =	vld.idx.msk [tilespmem:v1+s1+$0x0], $0xffff;
	_ =	sdelay $0x4  }
0x57: {  	[tilespmem:s19+$0x18B90] =	vst v1  }
0x58: {  	v1 =	vld.idx.msk [tilespmem:v0+s21+$0x0], $0xffff;
	_ =	sdelay $0x7  }
0x59: {  	v1 =	vld.idx.msk [tilespmem:v1+s1+$0x0], $0xffff;
	_ =	sdelay $0x4  }
0x5a: {  	[tilespmem:s19+$0x18F90] =	vst v1  }
0x5b: {  	v1 =	vld.idx.msk [tilespmem:v0+s2+$0x0], $0xffff;
	_ =	sdelay $0x7  }
0x5c: {  	v1 =	vld.idx.msk [tilespmem:v1+s1+$0x0], $0xffff;
	_ =	sdelay $0x4  }
0x5d: {  	[tilespmem:s19+$0x19390] =	vst v1  }
0x5e: {  	v1 =	vld.idx.msk [tilespmem:v0+s3+$0x0], $0xffff;
	_ =	sdelay $0x7  }
0x5f: {  	v1 =	vld.idx.msk [tilespmem:v1+s1+$0x0], $0xffff;
	_ =	sdelay $0x4  }
0x60: {  	[tilespmem:s19+$0x19790] =	vst v1  }
0x61: {  	v0 =	vld.idx.msk [tilespmem:v0+s4+$0x0], $0xffff;
	_ =	sdelay $0x7  }
0x62: {  	p0 =	sne.s32 s11, $0xFC0;
	v0 =	vld.idx.msk [tilespmem:v0+s1+$0x0], $0xffff  }
.Ltmp1:
0x63: {  	_ = 	snop;
	(pc) =	sbr.rel @p0 .LBB2_4-.Ltmp1, $2  }
0x64: {  	_ =	sdelay $0x2  }
0x65: {  	s11 =	sadd.s32 $0x40, s11;
	[tilespmem:s19+$0x19B90] =	vst v0  }
0x66: {  	s11 =	rddreg [dreg:$0x7]  }
0x67: {  	[hbm4b:s11+s5] =	stream.strided.scatter [tilespmem:s7], [sflag:$0x3], $0x2000, s29, s5, $0x38;
	[tilespmem:$0x19F90] =	vst v63  }
0x68: {  	_ =	swait.ge [sflag:s8], $0x2000  }
0x69: {  	[sflag:s8] =	ssyncset.done $0x0  }
0x6a: {  	s11 =	simm.s32 $0x0;
	[sflag:s8] =	ssyncadd.s32 $0xFFFFE000  }
.LBB2_6:
0x6b: {  	s19 =	sshra.s32 s11, $0x2  }
0x6c: {  	v0 =	vld [tilespmem:s19+$0x800];
	_ =	sdelay $0x7  }
0x6d: {  	v1 =	vld.idx.msk [tilespmem:v0+s29+$0x0], $0xffff;
	_ =	sdelay $0x7  }
0x6e: {  	v1 =	vld.idx.msk [tilespmem:v1+s1+$0x0], $0xffff;
	_ =	sdelay $0x4  }
0x6f: {  	[tilespmem:s19+$0x15F90] =	vst v1  }
0x70: {  	v1 =	vld.idx.msk [tilespmem:v0+s31+$0x0], $0xffff;
	_ =	sdelay $0x7  }
0x71: {  	v1 =	vld.idx.msk [tilespmem:v1+s1+$0x0], $0xffff;
	_ =	sdelay $0x4  }
0x72: {  	[tilespmem:s19+$0x16390] =	vst v1  }
0x73: {  	v1 =	vld.idx.msk [tilespmem:v0+s17+$0x0], $0xffff;
	_ =	sdelay $0x7  }
0x74: {  	v1 =	vld.idx.msk [tilespmem:v1+s1+$0x0], $0xffff;
	_ =	sdelay $0x4  }
0x75: {  	[tilespmem:s19+$0x16790] =	vst v1  }
0x76: {  	v1 =	vld.idx.msk [tilespmem:v0+s0+$0x0], $0xffff;
	_ =	sdelay $0x7  }
0x77: {  	v1 =	vld.idx.msk [tilespmem:v1+s1+$0x0], $0xffff;
	_ =	sdelay $0x4  }
0x78: {  	[tilespmem:s19+$0x16B90] =	vst v1  }
0x79: {  	v1 =	vld.idx.msk [tilespmem:v0+s21+$0x0], $0xffff;
	_ =	sdelay $0x7  }
0x7a: {  	v1 =	vld.idx.msk [tilespmem:v1+s1+$0x0], $0xffff;
	_ =	sdelay $0x4  }
0x7b: {  	[tilespmem:s19+$0x16F90] =	vst v1  }
0x7c: {  	v1 =	vld.idx.msk [tilespmem:v0+s2+$0x0], $0xffff;
	_ =	sdelay $0x7  }
0x7d: {  	v1 =	vld.idx.msk [tilespmem:v1+s1+$0x0], $0xffff;
	_ =	sdelay $0x4  }
0x7e: {  	[tilespmem:s19+$0x17390] =	vst v1  }
0x7f: {  	v1 =	vld.idx.msk [tilespmem:v0+s3+$0x0], $0xffff;
	_ =	sdelay $0x7  }
0x80: {  	v1 =	vld.idx.msk [tilespmem:v1+s1+$0x0], $0xffff;
	_ =	sdelay $0x4  }
0x81: {  	[tilespmem:s19+$0x17790] =	vst v1  }
0x82: {  	v0 =	vld.idx.msk [tilespmem:v0+s4+$0x0], $0xffff;
	_ =	sdelay $0x7  }
0x83: {  	p0 =	sne.s32 s11, $0xFC0;
	v0 =	vld.idx.msk [tilespmem:v0+s1+$0x0], $0xffff  }
.Ltmp2:
0x84: {  	_ = 	snop;
	(pc) =	sbr.rel @p0 .LBB2_6-.Ltmp2, $2  }
0x85: {  	_ =	sdelay $0x2  }
0x86: {  	s11 =	sadd.s32 $0x40, s11;
	[tilespmem:s19+$0x17B90] =	vst v0  }
0x87: {  	s11 =	rddreg [dreg:$0x8]  }
0x88: {  	[hbm4b:s11+s5] =	stream.strided.scatter [tilespmem:s6], [sflag:$0x2], $0x2000, s29, s5, $0x38;
	[tilespmem:$0x19F90] =	vst v63  }
0x89: {  	_ =	swait.ge [sflag:s9], $0x2000  }
0x8a: {  	[sflag:s9] =	ssyncset.done $0x0  }
0x8b: {  	s11 =	simm.s32 $0x0;
	[sflag:s9] =	ssyncadd.s32 $0xFFFFE000  }
.LBB2_8:
0x8c: {  	s19 =	sshra.s32 s11, $0x2  }
0x8d: {  	v0 =	vld [tilespmem:s19+$0xC00];
	_ =	sdelay $0x7  }
0x8e: {  	v1 =	vld.idx.msk [tilespmem:v0+s29+$0x0], $0xffff;
	_ =	sdelay $0x7  }
0x8f: {  	v1 =	vld.idx.msk [tilespmem:v1+s1+$0x0], $0xffff;
	_ =	sdelay $0x4  }
0x90: {  	[tilespmem:s19+$0x17F90] =	vst v1  }
0x91: {  	v1 =	vld.idx.msk [tilespmem:v0+s31+$0x0], $0xffff;
	_ =	sdelay $0x7  }
0x92: {  	v1 =	vld.idx.msk [tilespmem:v1+s1+$0x0], $0xffff;
	_ =	sdelay $0x4  }
0x93: {  	[tilespmem:s19+$0x18390] =	vst v1  }
0x94: {  	v1 =	vld.idx.msk [tilespmem:v0+s17+$0x0], $0xffff;
	_ =	sdelay $0x7  }
0x95: {  	v1 =	vld.idx.msk [tilespmem:v1+s1+$0x0], $0xffff;
	_ =	sdelay $0x4  }
0x96: {  	[tilespmem:s19+$0x18790] =	vst v1  }
0x97: {  	v1 =	vld.idx.msk [tilespmem:v0+s0+$0x0], $0xffff;
	_ =	sdelay $0x7  }
0x98: {  	v1 =	vld.idx.msk [tilespmem:v1+s1+$0x0], $0xffff;
	_ =	sdelay $0x4  }
0x99: {  	[tilespmem:s19+$0x18B90] =	vst v1  }
0x9a: {  	v1 =	vld.idx.msk [tilespmem:v0+s21+$0x0], $0xffff;
	_ =	sdelay $0x7  }
0x9b: {  	v1 =	vld.idx.msk [tilespmem:v1+s1+$0x0], $0xffff;
	_ =	sdelay $0x4  }
0x9c: {  	[tilespmem:s19+$0x18F90] =	vst v1  }
0x9d: {  	v1 =	vld.idx.msk [tilespmem:v0+s2+$0x0], $0xffff;
	_ =	sdelay $0x7  }
0x9e: {  	v1 =	vld.idx.msk [tilespmem:v1+s1+$0x0], $0xffff;
	_ =	sdelay $0x4  }
0x9f: {  	[tilespmem:s19+$0x19390] =	vst v1  }
0xa0: {  	v1 =	vld.idx.msk [tilespmem:v0+s3+$0x0], $0xffff;
	_ =	sdelay $0x7  }
0xa1: {  	v1 =	vld.idx.msk [tilespmem:v1+s1+$0x0], $0xffff;
	_ =	sdelay $0x4  }
0xa2: {  	[tilespmem:s19+$0x19790] =	vst v1  }
0xa3: {  	v0 =	vld.idx.msk [tilespmem:v0+s4+$0x0], $0xffff;
	_ =	sdelay $0x7  }
0xa4: {  	p0 =	sne.s32 s11, $0xFC0;
	v0 =	vld.idx.msk [tilespmem:v0+s1+$0x0], $0xffff  }
.Ltmp3:
0xa5: {  	_ = 	snop;
	(pc) =	sbr.rel @p0 .LBB2_8-.Ltmp3, $2  }
0xa6: {  	_ =	sdelay $0x2  }
0xa7: {  	s11 =	sadd.s32 $0x40, s11;
	[tilespmem:s19+$0x19B90] =	vst v0  }
0xa8: {  	s11 =	rddreg [dreg:$0x9]  }
0xa9: {  	[hbm4b:s11+s5] =	stream.strided.scatter [tilespmem:s7], [sflag:$0x3], $0x2000, s29, s5, $0x38;
	[tilespmem:$0x19F90] =	vst v63  }
0xaa: {  	_ =	swait.ge [sflag:s8], $0x2000  }
0xab: {  	[sflag:s8] =	ssyncset.done $0x0  }
0xac: {  	s11 =	simm.s32 $0x0;
	[sflag:s8] =	ssyncadd.s32 $0xFFFFE000  }
.LBB2_10:
0xad: {  	s19 =	sshra.s32 s11, $0x2  }
0xae: {  	v0 =	vld [tilespmem:s19+$0x1000];
	_ =	sdelay $0x7  }
0xaf: {  	v1 =	vld.idx.msk [tilespmem:v0+s29+$0x0], $0xffff;
	_ =	sdelay $0x7  }
0xb0: {  	v1 =	vld.idx.msk [tilespmem:v1+s1+$0x0], $0xffff;
	_ =	sdelay $0x4  }
0xb1: {  	[tilespmem:s19+$0x15F90] =	vst v1  }
0xb2: {  	v1 =	vld.idx.msk [tilespmem:v0+s31+$0x0], $0xffff;
	_ =	sdelay $0x7  }
0xb3: {  	v1 =	vld.idx.msk [tilespmem:v1+s1+$0x0], $0xffff;
	_ =	sdelay $0x4  }
0xb4: {  	[tilespmem:s19+$0x16390] =	vst v1  }
0xb5: {  	v1 =	vld.idx.msk [tilespmem:v0+s17+$0x0], $0xffff;
	_ =	sdelay $0x7  }
0xb6: {  	v1 =	vld.idx.msk [tilespmem:v1+s1+$0x0], $0xffff;
	_ =	sdelay $0x4  }
0xb7: {  	[tilespmem:s19+$0x16790] =	vst v1  }
0xb8: {  	v1 =	vld.idx.msk [tilespmem:v0+s0+$0x0], $0xffff;
	_ =	sdelay $0x7  }
0xb9: {  	v1 =	vld.idx.msk [tilespmem:v1+s1+$0x0], $0xffff;
	_ =	sdelay $0x4  }
0xba: {  	[tilespmem:s19+$0x16B90] =	vst v1  }
0xbb: {  	v1 =	vld.idx.msk [tilespmem:v0+s21+$0x0], $0xffff;
	_ =	sdelay $0x7  }
0xbc: {  	v1 =	vld.idx.msk [tilespmem:v1+s1+$0x0], $0xffff;
	_ =	sdelay $0x4  }
0xbd: {  	[tilespmem:s19+$0x16F90] =	vst v1  }
0xbe: {  	v1 =	vld.idx.msk [tilespmem:v0+s2+$0x0], $0xffff;
	_ =	sdelay $0x7  }
0xbf: {  	v1 =	vld.idx.msk [tilespmem:v1+s1+$0x0], $0xffff;
	_ =	sdelay $0x4  }
0xc0: {  	[tilespmem:s19+$0x17390] =	vst v1  }
0xc1: {  	v1 =	vld.idx.msk [tilespmem:v0+s3+$0x0], $0xffff;
	_ =	sdelay $0x7  }
0xc2: {  	v1 =	vld.idx.msk [tilespmem:v1+s1+$0x0], $0xffff;
	_ =	sdelay $0x4  }
0xc3: {  	[tilespmem:s19+$0x17790] =	vst v1  }
0xc4: {  	v0 =	vld.idx.msk [tilespmem:v0+s4+$0x0], $0xffff;
	_ =	sdelay $0x7  }
0xc5: {  	p0 =	sne.s32 s11, $0xFC0;
	v0 =	vld.idx.msk [tilespmem:v0+s1+$0x0], $0xffff  }
.Ltmp4:
0xc6: {  	_ = 	snop;
	(pc) =	sbr.rel @p0 .LBB2_10-.Ltmp4, $2  }
0xc7: {  	_ =	sdelay $0x2  }
0xc8: {  	s11 =	sadd.s32 $0x40, s11;
	[tilespmem:s19+$0x17B90] =	vst v0  }
0xc9: {  	s11 =	rddreg [dreg:$0xa]  }
0xca: {  	[hbm4b:s11+s5] =	stream.strided.scatter [tilespmem:s6], [sflag:$0x2], $0x2000, s29, s5, $0x38;
	[tilespmem:$0x19F90] =	vst v63  }
0xcb: {  	_ =	swait.ge [sflag:s9], $0x2000  }
0xcc: {  	[sflag:s9] =	ssyncset.done $0x0  }
0xcd: {  	s11 =	simm.s32 $0x0;
	[sflag:s9] =	ssyncadd.s32 $0xFFFFE000  }
.LBB2_12:
0xce: {  	s19 =	sshra.s32 s11, $0x2  }
0xcf: {  	v0 =	vld [tilespmem:s19+$0x1400];
	_ =	sdelay $0x7  }
0xd0: {  	v1 =	vld.idx.msk [tilespmem:v0+s29+$0x0], $0xffff;
	_ =	sdelay $0x7  }
0xd1: {  	v1 =	vld.idx.msk [tilespmem:v1+s1+$0x0], $0xffff;
	_ =	sdelay $0x4  }
0xd2: {  	[tilespmem:s19+$0x17F90] =	vst v1  }
0xd3: {  	v1 =	vld.idx.msk [tilespmem:v0+s31+$0x0], $0xffff;
	_ =	sdelay $0x7  }
0xd4: {  	v1 =	vld.idx.msk [tilespmem:v1+s1+$0x0], $0xffff;
	_ =	sdelay $0x4  }
0xd5: {  	[tilespmem:s19+$0x18390] =	vst v1  }
0xd6: {  	v1 =	vld.idx.msk [tilespmem:v0+s17+$0x0], $0xffff;
	_ =	sdelay $0x7  }
0xd7: {  	v1 =	vld.idx.msk [tilespmem:v1+s1+$0x0], $0xffff;
	_ =	sdelay $0x4  }
0xd8: {  	[tilespmem:s19+$0x18790] =	vst v1  }
0xd9: {  	v1 =	vld.idx.msk [tilespmem:v0+s0+$0x0], $0xffff;
	_ =	sdelay $0x7  }
0xda: {  	v1 =	vld.idx.msk [tilespmem:v1+s1+$0x0], $0xffff;
	_ =	sdelay $0x4  }
0xdb: {  	[tilespmem:s19+$0x18B90] =	vst v1  }
0xdc: {  	v1 =	vld.idx.msk [tilespmem:v0+s21+$0x0], $0xffff;
	_ =	sdelay $0x7  }
0xdd: {  	v1 =	vld.idx.msk [tilespmem:v1+s1+$0x0], $0xffff;
	_ =	sdelay $0x4  }
0xde: {  	[tilespmem:s19+$0x18F90] =	vst v1  }
0xdf: {  	v1 =	vld.idx.msk [tilespmem:v0+s2+$0x0], $0xffff;
	_ =	sdelay $0x7  }
0xe0: {  	v1 =	vld.idx.msk [tilespmem:v1+s1+$0x0], $0xffff;
	_ =	sdelay $0x4  }
0xe1: {  	[tilespmem:s19+$0x19390] =	vst v1  }
0xe2: {  	v1 =	vld.idx.msk [tilespmem:v0+s3+$0x0], $0xffff;
	_ =	sdelay $0x7  }
0xe3: {  	v1 =	vld.idx.msk [tilespmem:v1+s1+$0x0], $0xffff;
	_ =	sdelay $0x4  }
0xe4: {  	[tilespmem:s19+$0x19790] =	vst v1  }
0xe5: {  	v0 =	vld.idx.msk [tilespmem:v0+s4+$0x0], $0xffff;
	_ =	sdelay $0x7  }
0xe6: {  	p0 =	sne.s32 s11, $0xFC0;
	v0 =	vld.idx.msk [tilespmem:v0+s1+$0x0], $0xffff  }
.Ltmp5:
0xe7: {  	_ = 	snop;
	(pc) =	sbr.rel @p0 .LBB2_12-.Ltmp5, $2  }
0xe8: {  	_ =	sdelay $0x2  }
0xe9: {  	s11 =	sadd.s32 $0x40, s11;
	[tilespmem:s19+$0x19B90] =	vst v0  }
0xea: {  	s11 =	rddreg [dreg:$0xb]  }
0xeb: {  	[hbm4b:s11+s5] =	stream.strided.scatter [tilespmem:s7], [sflag:$0x3], $0x2000, s29, s5, $0x38;
	[tilespmem:$0x19F90] =	vst v63  }
0xec: {  	_ =	swait.ge [sflag:s8], $0x2000  }
0xed: {  	[sflag:s8] =	ssyncset.done $0x0  }
0xee: {  	s11 =	simm.s32 $0x0;
	[sflag:s8] =	ssyncadd.s32 $0xFFFFE000  }
.LBB2_14:
0xef: {  	s19 =	sshra.s32 s11, $0x2  }
0xf0: {  	v0 =	vld [tilespmem:s19+$0x1800];
	_ =	sdelay $0x7  }
0xf1: {  	v1 =	vld.idx.msk [tilespmem:v0+s29+$0x0], $0xffff;
	_ =	sdelay $0x7  }
0xf2: {  	v1 =	vld.idx.msk [tilespmem:v1+s1+$0x0], $0xffff;
	_ =	sdelay $0x4  }
0xf3: {  	[tilespmem:s19+$0x15F90] =	vst v1  }
0xf4: {  	v1 =	vld.idx.msk [tilespmem:v0+s31+$0x0], $0xffff;
	_ =	sdelay $0x7  }
0xf5: {  	v1 =	vld.idx.msk [tilespmem:v1+s1+$0x0], $0xffff;
	_ =	sdelay $0x4  }
0xf6: {  	[tilespmem:s19+$0x16390] =	vst v1  }
0xf7: {  	v1 =	vld.idx.msk [tilespmem:v0+s17+$0x0], $0xffff;
	_ =	sdelay $0x7  }
0xf8: {  	v1 =	vld.idx.msk [tilespmem:v1+s1+$0x0], $0xffff;
	_ =	sdelay $0x4  }
0xf9: {  	[tilespmem:s19+$0x16790] =	vst v1  }
0xfa: {  	v1 =	vld.idx.msk [tilespmem:v0+s0+$0x0], $0xffff;
	_ =	sdelay $0x7  }
0xfb: {  	v1 =	vld.idx.msk [tilespmem:v1+s1+$0x0], $0xffff;
	_ =	sdelay $0x4  }
0xfc: {  	[tilespmem:s19+$0x16B90] =	vst v1  }
0xfd: {  	v1 =	vld.idx.msk [tilespmem:v0+s21+$0x0], $0xffff;
	_ =	sdelay $0x7  }
0xfe: {  	v1 =	vld.idx.msk [tilespmem:v1+s1+$0x0], $0xffff;
	_ =	sdelay $0x4  }
0xff: {  	[tilespmem:s19+$0x16F90] =	vst v1  }
0x100: {  	v1 =	vld.idx.msk [tilespmem:v0+s2+$0x0], $0xffff;
	_ =	sdelay $0x7  }
0x101: {  	v1 =	vld.idx.msk [tilespmem:v1+s1+$0x0], $0xffff;
	_ =	sdelay $0x4  }
0x102: {  	[tilespmem:s19+$0x17390] =	vst v1  }
0x103: {  	v1 =	vld.idx.msk [tilespmem:v0+s3+$0x0], $0xffff;
	_ =	sdelay $0x7  }
0x104: {  	v1 =	vld.idx.msk [tilespmem:v1+s1+$0x0], $0xffff;
	_ =	sdelay $0x4  }
0x105: {  	[tilespmem:s19+$0x17790] =	vst v1  }
0x106: {  	v0 =	vld.idx.msk [tilespmem:v0+s4+$0x0], $0xffff;
	_ =	sdelay $0x7  }
0x107: {  	p0 =	sne.s32 s11, $0xFC0;
	v0 =	vld.idx.msk [tilespmem:v0+s1+$0x0], $0xffff  }
.Ltmp6:
0x108: {  	_ = 	snop;
	(pc) =	sbr.rel @p0 .LBB2_14-.Ltmp6, $2  }
0x109: {  	_ =	sdelay $0x2  }
0x10a: {  	s11 =	sadd.s32 $0x40, s11;
	[tilespmem:s19+$0x17B90] =	vst v0  }
0x10b: {  	s11 =	rddreg [dreg:$0xc]  }
0x10c: {  	[hbm4b:s11+s5] =	stream.strided.scatter [tilespmem:s6], [sflag:$0x2], $0x2000, s29, s5, $0x38;
	[tilespmem:$0x19F90] =	vst v63  }
0x10d: {  	_ =	swait.ge [sflag:s9], $0x2000  }
0x10e: {  	[sflag:s9] =	ssyncset.done $0x0  }
0x10f: {  	s11 =	simm.s32 $0x0;
	[sflag:s9] =	ssyncadd.s32 $0xFFFFE000  }
.LBB2_16:
0x110: {  	s19 =	sshra.s32 s11, $0x2  }
0x111: {  	v0 =	vld [tilespmem:s19+$0x1C00];
	_ =	sdelay $0x7  }
0x112: {  	v1 =	vld.idx.msk [tilespmem:v0+s29+$0x0], $0xffff;
	_ =	sdelay $0x7  }
0x113: {  	v1 =	vld.idx.msk [tilespmem:v1+s1+$0x0], $0xffff;
	_ =	sdelay $0x4  }
0x114: {  	[tilespmem:s19+$0x17F90] =	vst v1  }
0x115: {  	v1 =	vld.idx.msk [tilespmem:v0+s31+$0x0], $0xffff;
	_ =	sdelay $0x7  }
0x116: {  	v1 =	vld.idx.msk [tilespmem:v1+s1+$0x0], $0xffff;
	_ =	sdelay $0x4  }
0x117: {  	[tilespmem:s19+$0x18390] =	vst v1  }
0x118: {  	v1 =	vld.idx.msk [tilespmem:v0+s17+$0x0], $0xffff;
	_ =	sdelay $0x7  }
0x119: {  	v1 =	vld.idx.msk [tilespmem:v1+s1+$0x0], $0xffff;
	_ =	sdelay $0x4  }
0x11a: {  	[tilespmem:s19+$0x18790] =	vst v1  }
0x11b: {  	v1 =	vld.idx.msk [tilespmem:v0+s0+$0x0], $0xffff;
	_ =	sdelay $0x7  }
0x11c: {  	v1 =	vld.idx.msk [tilespmem:v1+s1+$0x0], $0xffff;
	_ =	sdelay $0x4  }
0x11d: {  	[tilespmem:s19+$0x18B90] =	vst v1  }
0x11e: {  	v1 =	vld.idx.msk [tilespmem:v0+s21+$0x0], $0xffff;
	_ =	sdelay $0x7  }
0x11f: {  	v1 =	vld.idx.msk [tilespmem:v1+s1+$0x0], $0xffff;
	_ =	sdelay $0x4  }
0x120: {  	[tilespmem:s19+$0x18F90] =	vst v1  }
0x121: {  	v1 =	vld.idx.msk [tilespmem:v0+s2+$0x0], $0xffff;
	_ =	sdelay $0x7  }
0x122: {  	v1 =	vld.idx.msk [tilespmem:v1+s1+$0x0], $0xffff;
	_ =	sdelay $0x4  }
0x123: {  	[tilespmem:s19+$0x19390] =	vst v1  }
0x124: {  	v1 =	vld.idx.msk [tilespmem:v0+s3+$0x0], $0xffff;
	_ =	sdelay $0x7  }
0x125: {  	v1 =	vld.idx.msk [tilespmem:v1+s1+$0x0], $0xffff;
	_ =	sdelay $0x4  }
0x126: {  	[tilespmem:s19+$0x19790] =	vst v1  }
0x127: {  	v0 =	vld.idx.msk [tilespmem:v0+s4+$0x0], $0xffff;
	_ =	sdelay $0x7  }
0x128: {  	p0 =	sne.s32 s11, $0xFC0;
	v0 =	vld.idx.msk [tilespmem:v0+s1+$0x0], $0xffff  }
.Ltmp7:
0x129: {  	_ = 	snop;
	(pc) =	sbr.rel @p0 .LBB2_16-.Ltmp7, $2  }
0x12a: {  	_ =	sdelay $0x2  }
0x12b: {  	s11 =	sadd.s32 $0x40, s11;
	[tilespmem:s19+$0x19B90] =	vst v0  }
0x12c: {  	s11 =	rddreg [dreg:$0xd]  }
0x12d: {  	[hbm4b:s11+s5] =	stream.strided.scatter [tilespmem:s7], [sflag:$0x3], $0x2000, s29, s5, $0x38;
	[tilespmem:$0x19F90] =	vst v63  }
0x12e: {  	_ =	swait.ge [sflag:s8], $0x2000  }
0x12f: {  	[sflag:s8] =	ssyncset.done $0x0  }
0x130: {  	s11 =	simm.s32 $0x0;
	[sflag:s8] =	ssyncadd.s32 $0xFFFFE000  }
.LBB2_18:
0x131: {  	s19 =	sshra.s32 s11, $0x2  }
0x132: {  	v0 =	vld [tilespmem:s19+$0x2000];
	_ =	sdelay $0x7  }
0x133: {  	v1 =	vld.idx.msk [tilespmem:v0+s29+$0x0], $0xffff;
	_ =	sdelay $0x7  }
0x134: {  	v1 =	vld.idx.msk [tilespmem:v1+s1+$0x0], $0xffff;
	_ =	sdelay $0x4  }
0x135: {  	[tilespmem:s19+$0x15F90] =	vst v1  }
0x136: {  	v1 =	vld.idx.msk [tilespmem:v0+s31+$0x0], $0xffff;
	_ =	sdelay $0x7  }
0x137: {  	v1 =	vld.idx.msk [tilespmem:v1+s1+$0x0], $0xffff;
	_ =	sdelay $0x4  }
0x138: {  	[tilespmem:s19+$0x16390] =	vst v1  }
0x139: {  	v1 =	vld.idx.msk [tilespmem:v0+s17+$0x0], $0xffff;
	_ =	sdelay $0x7  }
0x13a: {  	v1 =	vld.idx.msk [tilespmem:v1+s1+$0x0], $0xffff;
	_ =	sdelay $0x4  }
0x13b: {  	[tilespmem:s19+$0x16790] =	vst v1  }
0x13c: {  	v1 =	vld.idx.msk [tilespmem:v0+s0+$0x0], $0xffff;
	_ =	sdelay $0x7  }
0x13d: {  	v1 =	vld.idx.msk [tilespmem:v1+s1+$0x0], $0xffff;
	_ =	sdelay $0x4  }
0x13e: {  	[tilespmem:s19+$0x16B90] =	vst v1  }
0x13f: {  	v1 =	vld.idx.msk [tilespmem:v0+s21+$0x0], $0xffff;
	_ =	sdelay $0x7  }
0x140: {  	v1 =	vld.idx.msk [tilespmem:v1+s1+$0x0], $0xffff;
	_ =	sdelay $0x4  }
0x141: {  	[tilespmem:s19+$0x16F90] =	vst v1  }
0x142: {  	v1 =	vld.idx.msk [tilespmem:v0+s2+$0x0], $0xffff;
	_ =	sdelay $0x7  }
0x143: {  	v1 =	vld.idx.msk [tilespmem:v1+s1+$0x0], $0xffff;
	_ =	sdelay $0x4  }
0x144: {  	[tilespmem:s19+$0x17390] =	vst v1  }
0x145: {  	v1 =	vld.idx.msk [tilespmem:v0+s3+$0x0], $0xffff;
	_ =	sdelay $0x7  }
0x146: {  	v1 =	vld.idx.msk [tilespmem:v1+s1+$0x0], $0xffff;
	_ =	sdelay $0x4  }
0x147: {  	[tilespmem:s19+$0x17790] =	vst v1  }
0x148: {  	v0 =	vld.idx.msk [tilespmem:v0+s4+$0x0], $0xffff;
	_ =	sdelay $0x7  }
0x149: {  	p0 =	sne.s32 s11, $0xFC0;
	v0 =	vld.idx.msk [tilespmem:v0+s1+$0x0], $0xffff  }
.Ltmp8:
0x14a: {  	_ = 	snop;
	(pc) =	sbr.rel @p0 .LBB2_18-.Ltmp8, $2  }
0x14b: {  	_ =	sdelay $0x2  }
0x14c: {  	s11 =	sadd.s32 $0x40, s11;
	[tilespmem:s19+$0x17B90] =	vst v0  }
0x14d: {  	s11 =	rddreg [dreg:$0xe]  }
0x14e: {  	[hbm4b:s11+s5] =	stream.strided.scatter [tilespmem:s6], [sflag:$0x2], $0x2000, s29, s5, $0x38;
	[tilespmem:$0x19F90] =	vst v63  }
0x14f: {  	_ =	swait.ge [sflag:s9], $0x2000  }
0x150: {  	[sflag:s9] =	ssyncset.done $0x0  }
0x151: {  	s11 =	simm.s32 $0x0;
	[sflag:s9] =	ssyncadd.s32 $0xFFFFE000  }
.LBB2_20:
0x152: {  	s19 =	sshra.s32 s11, $0x2  }
0x153: {  	v0 =	vld [tilespmem:s19+$0x2400];
	_ =	sdelay $0x7  }
0x154: {  	v1 =	vld.idx.msk [tilespmem:v0+s29+$0x0], $0xffff;
	_ =	sdelay $0x7  }
0x155: {  	v1 =	vld.idx.msk [tilespmem:v1+s1+$0x0], $0xffff;
	_ =	sdelay $0x4  }
0x156: {  	[tilespmem:s19+$0x17F90] =	vst v1  }
0x157: {  	v1 =	vld.idx.msk [tilespmem:v0+s31+$0x0], $0xffff;
	_ =	sdelay $0x7  }
0x158: {  	v1 =	vld.idx.msk [tilespmem:v1+s1+$0x0], $0xffff;
	_ =	sdelay $0x4  }
0x159: {  	[tilespmem:s19+$0x18390] =	vst v1  }
0x15a: {  	v1 =	vld.idx.msk [tilespmem:v0+s17+$0x0], $0xffff;
	_ =	sdelay $0x7  }
0x15b: {  	v1 =	vld.idx.msk [tilespmem:v1+s1+$0x0], $0xffff;
	_ =	sdelay $0x4  }
0x15c: {  	[tilespmem:s19+$0x18790] =	vst v1  }
0x15d: {  	v1 =	vld.idx.msk [tilespmem:v0+s0+$0x0], $0xffff;
	_ =	sdelay $0x7  }
0x15e: {  	v1 =	vld.idx.msk [tilespmem:v1+s1+$0x0], $0xffff;
	_ =	sdelay $0x4  }
0x15f: {  	[tilespmem:s19+$0x18B90] =	vst v1  }
0x160: {  	v1 =	vld.idx.msk [tilespmem:v0+s21+$0x0], $0xffff;
	_ =	sdelay $0x7  }
0x161: {  	v1 =	vld.idx.msk [tilespmem:v1+s1+$0x0], $0xffff;
	_ =	sdelay $0x4  }
0x162: {  	[tilespmem:s19+$0x18F90] =	vst v1  }
0x163: {  	v1 =	vld.idx.msk [tilespmem:v0+s2+$0x0], $0xffff;
	_ =	sdelay $0x7  }
0x164: {  	v1 =	vld.idx.msk [tilespmem:v1+s1+$0x0], $0xffff;
	_ =	sdelay $0x4  }
0x165: {  	[tilespmem:s19+$0x19390] =	vst v1  }
0x166: {  	v1 =	vld.idx.msk [tilespmem:v0+s3+$0x0], $0xffff;
	_ =	sdelay $0x7  }
0x167: {  	v1 =	vld.idx.msk [tilespmem:v1+s1+$0x0], $0xffff;
	_ =	sdelay $0x4  }
0x168: {  	[tilespmem:s19+$0x19790] =	vst v1  }
0x169: {  	v0 =	vld.idx.msk [tilespmem:v0+s4+$0x0], $0xffff;
	_ =	sdelay $0x7  }
0x16a: {  	p0 =	sne.s32 s11, $0xC00;
	v0 =	vld.idx.msk [tilespmem:v0+s1+$0x0], $0xffff  }
.Ltmp9:
0x16b: {  	_ = 	snop;
	(pc) =	sbr.rel @p0 .LBB2_20-.Ltmp9, $2  }
0x16c: {  	_ =	sdelay $0x2  }
0x16d: {  	s11 =	sadd.s32 $0x40, s11;
	[tilespmem:s19+$0x19B90] =	vst v0  }
0x16e: {  	s11 =	simm.s32 $0x0  }
0x16f: {  	[hbm4b:s12+s11] =	stream.linear.scatter [tilespmem:s7], [sflag:$0x3], $0x310, $0x38;
	[tilespmem:$0x19F90] =	vst v63  }
0x170: {  	s19 =	sadd.s32 $0x4E2, s12  }
0x171: {  	[hbm4b:s19+s11] =	stream.linear.scatter [tilespmem:s20], [sflag:$0x3], $0x310, $0x38;
	[tilespmem:$0x19F90] =	vst v63  }
0x172: {  	s19 =	sadd.s32 $0x9C4, s12;
	s20 =	simm.s32 $0x18790  }
0x173: {  	[hbm4b:s19+s11] =	stream.linear.scatter [tilespmem:s20], [sflag:$0x3], $0x310, $0x38;
	[tilespmem:$0x19F90] =	vst v63  }
0x174: {  	s20 =	sadd.s32 $0xEA6, s12  }
0x175: {  	[hbm4b:s20+s11] =	stream.linear.scatter [tilespmem:s13], [sflag:$0x3], $0x310, $0x38;
	[tilespmem:$0x19F90] =	vst v63  }
0x176: {  	s20 =	sadd.s32 $0x1388, s12  }
0x177: {  	[hbm4b:s20+s11] =	stream.linear.scatter [tilespmem:s14], [sflag:$0x3], $0x310, $0x38;
	[tilespmem:$0x19F90] =	vst v63  }
0x178: {  	s20 =	sadd.s32 $0x186A, s12  }
0x179: {  	[hbm4b:s20+s11] =	stream.linear.scatter [tilespmem:s15], [sflag:$0x3], $0x310, $0x38;
	[tilespmem:$0x19F90] =	vst v63  }
0x17a: {  	s20 =	sadd.s32 $0x1D4C, s12  }
0x17b: {  	[hbm4b:s20+s11] =	stream.linear.scatter [tilespmem:s16], [sflag:$0x3], $0x310, $0x38;
	[tilespmem:$0x19F90] =	vst v63  }
0x17c: {  	s20 =	sadd.s32 $0x222E, s12  }
0x17d: {  	[hbm4b:s20+s11] =	stream.linear.scatter [tilespmem:s18], [sflag:$0x3], $0x310, $0x38;
	[tilespmem:$0x19F90] =	vst v63  }
0x17e: {  	s20 =	rddreg [dreg:$0xf]  }
0x17f: {  	[tilespmem:s29], [sflag:$0x1] =	stream.linear.gather [hbm4b:s20+s11], $0x13880, $0x38;
	[tilespmem:$0x19F90] =	vst v63  }
0x180: {  	_ =	swait.ge [sflag:s30], $0x13880  }
0x181: {  	[sflag:s30] =	ssyncset.done $0x0  }
0x182: {  	[sflag:s30] =	ssyncadd.s32 $0xFFFEC780  }
0x183: {  	_ =	swait.ge [sflag:s8], $0x2000  }
0x184: {  	[sflag:s8] =	ssyncset.done $0x0  }
0x185: {  	s19 =	simm.s32 $0x0;
	[sflag:s8] =	ssyncadd.s32 $0xFFFFE000  }
0x186: {  	v0 =	vld [tilespmem:s19+$0x0];
	_ =	sdelay $0x7  }
0x187: {  	v1 =	vld.idx.msk [tilespmem:v0+s29+$0x0], $0xffff;
	_ =	sdelay $0x4  }
0x188: {  	[tilespmem:s19+$0x15F90] =	vst v1  }
0x189: {  	v1 =	vld.idx.msk [tilespmem:v0+s31+$0x0], $0xffff;
	_ =	sdelay $0x4  }
0x18a: {  	[tilespmem:s19+$0x16390] =	vst v1  }
0x18b: {  	v1 =	vld.idx.msk [tilespmem:v0+s17+$0x0], $0xffff;
	_ =	sdelay $0x4  }
0x18c: {  	[tilespmem:s19+$0x16790] =	vst v1  }
0x18d: {  	v1 =	vld.idx.msk [tilespmem:v0+s0+$0x0], $0xffff;
	_ =	sdelay $0x4  }
0x18e: {  	[tilespmem:s19+$0x16B90] =	vst v1  }
0x18f: {  	v1 =	vld.idx.msk [tilespmem:v0+s21+$0x0], $0xffff;
	_ =	sdelay $0x4  }
0x190: {  	[tilespmem:s19+$0x16F90] =	vst v1  }
0x191: {  	v1 =	vld.idx.msk [tilespmem:v0+s2+$0x0], $0xffff;
	_ =	sdelay $0x4  }
0x192: {  	[tilespmem:s19+$0x17390] =	vst v1  }
0x193: {  	v1 =	vld.idx.msk [tilespmem:v0+s3+$0x0], $0xffff;
	_ =	sdelay $0x3  }
0x194: {  	s20 =	simm.s32 $0x10;
	s11 =	simm.s32 $0x80  }
.LBB2_22:
0x195: {  	p0 =	sne.s32 s11, $0xFC0;
	v2 =	vld [tilespmem:s20+$0x0];
	[tilespmem:s19+$0x17790] =	vst v1  }
0x196: {  	v1 =	vld.idx.msk [tilespmem:v0+s4+$0x0], $0xffff;
	_ =	sdelay $0x3  }
0x197: {  	v0 =	vmov v2;
	_ =	sdelay $0x1  }
0x198: {  	[tilespmem:s19+$0x17B90] =	vst v1;
	s19 =	smov.u32 s20  }
0x199: {  	v1 =	vld.idx.msk [tilespmem:v2+s29+$0x0], $0xffff;
	_ =	sdelay $0x5  }
0x19a: {  	[tilespmem:s19+$0x15F90] =	vst v1  }
0x19b: {  	v1 =	vld.idx.msk [tilespmem:v2+s31+$0x0], $0xffff;
	_ =	sdelay $0x5  }
0x19c: {  	[tilespmem:s19+$0x16390] =	vst v1  }
0x19d: {  	v1 =	vld.idx.msk [tilespmem:v2+s17+$0x0], $0xffff;
	_ =	sdelay $0x5  }
0x19e: {  	[tilespmem:s19+$0x16790] =	vst v1  }
0x19f: {  	v1 =	vld.idx.msk [tilespmem:v2+s0+$0x0], $0xffff;
	_ =	sdelay $0x5  }
0x1a0: {  	[tilespmem:s19+$0x16B90] =	vst v1  }
0x1a1: {  	v1 =	vld.idx.msk [tilespmem:v2+s21+$0x0], $0xffff;
	_ =	sdelay $0x5  }
0x1a2: {  	[tilespmem:s19+$0x16F90] =	vst v1  }
0x1a3: {  	v1 =	vld.idx.msk [tilespmem:v2+s2+$0x0], $0xffff;
	_ =	sdelay $0x5  }
0x1a4: {  	[tilespmem:s19+$0x17390] =	vst v1  }
0x1a5: {  	v1 =	vld.idx.msk [tilespmem:v0+s3+$0x0], $0xffff  }
.Ltmp10:
0x1a6: {  	(pc) =	sbr.rel @p0 .LBB2_22-.Ltmp10, $2  }
0x1a7: {  	_ =	sdelay $0x2  }
0x1a8: {  	s20 =	sshra.s32 s11, $0x2;
	s11 =	sadd.s32 $0x40, s11  }
0x1a9: {  	_ =	sdelay $0x1  }
0x1aa: {  	v2 =	vld [tilespmem:s20+$0x0]  }
0x1ab: {  	[tilespmem:s19+$0x17790] =	vst v1  }
0x1ac: {  	v0 =	vld.idx.msk [tilespmem:v0+s4+$0x0], $0xffff;
	_ =	sdelay $0x4  }
0x1ad: {  	[tilespmem:s19+$0x17B90] =	vst v0  }
0x1ae: {  	v0 =	vld.idx.msk [tilespmem:v2+s29+$0x0], $0xffff;
	_ =	sdelay $0x4  }
0x1af: {  	[tilespmem:s20+$0x15F90] =	vst v0  }
0x1b0: {  	v0 =	vld.idx.msk [tilespmem:v2+s31+$0x0], $0xffff;
	_ =	sdelay $0x4  }
0x1b1: {  	[tilespmem:s20+$0x16390] =	vst v0  }
0x1b2: {  	v0 =	vld.idx.msk [tilespmem:v2+s17+$0x0], $0xffff;
	_ =	sdelay $0x4  }
0x1b3: {  	[tilespmem:s20+$0x16790] =	vst v0  }
0x1b4: {  	v0 =	vld.idx.msk [tilespmem:v2+s0+$0x0], $0xffff;
	_ =	sdelay $0x4  }
0x1b5: {  	[tilespmem:s20+$0x16B90] =	vst v0  }
0x1b6: {  	v0 =	vld.idx.msk [tilespmem:v2+s21+$0x0], $0xffff;
	_ =	sdelay $0x4  }
0x1b7: {  	[tilespmem:s20+$0x16F90] =	vst v0  }
0x1b8: {  	v0 =	vld.idx.msk [tilespmem:v2+s2+$0x0], $0xffff;
	_ =	sdelay $0x4  }
0x1b9: {  	[tilespmem:s20+$0x17390] =	vst v0  }
0x1ba: {  	v0 =	vld.idx.msk [tilespmem:v2+s3+$0x0], $0xffff;
	_ =	sdelay $0x4  }
0x1bb: {  	[tilespmem:s20+$0x17790] =	vst v0  }
0x1bc: {  	v0 =	vld.idx.msk [tilespmem:v2+s4+$0x0], $0xffff;
	_ =	sdelay $0x4  }
0x1bd: {  	s11 =	rddreg [dreg:$0x10];
	[tilespmem:s20+$0x17B90] =	vst v0  }
0x1be: {  	[hbm4b:s11+s5] =	stream.strided.scatter [tilespmem:s6], [sflag:$0x2], $0x2000, s29, s5, $0x38;
	[tilespmem:$0x19F90] =	vst v63  }
0x1bf: {  	_ =	swait.ge [sflag:s9], $0x1880  }
0x1c0: {  	[sflag:s9] =	ssyncset.done $0x0  }
0x1c1: {  	s19 =	simm.s32 $0x0;
	[sflag:s9] =	ssyncadd.s32 $0xFFFFE780  }
0x1c2: {  	v0 =	vld [tilespmem:s19+$0x400];
	_ =	sdelay $0x7  }
0x1c3: {  	v1 =	vld.idx.msk [tilespmem:v0+s29+$0x0], $0xffff;
	_ =	sdelay $0x4  }
0x1c4: {  	[tilespmem:s19+$0x17F90] =	vst v1  }
0x1c5: {  	v1 =	vld.idx.msk [tilespmem:v0+s31+$0x0], $0xffff;
	_ =	sdelay $0x4  }
0x1c6: {  	[tilespmem:s19+$0x18390] =	vst v1  }
0x1c7: {  	v1 =	vld.idx.msk [tilespmem:v0+s17+$0x0], $0xffff;
	_ =	sdelay $0x4  }
0x1c8: {  	[tilespmem:s19+$0x18790] =	vst v1  }
0x1c9: {  	v1 =	vld.idx.msk [tilespmem:v0+s0+$0x0], $0xffff;
	_ =	sdelay $0x4  }
0x1ca: {  	[tilespmem:s19+$0x18B90] =	vst v1  }
0x1cb: {  	v1 =	vld.idx.msk [tilespmem:v0+s21+$0x0], $0xffff;
	_ =	sdelay $0x4  }
0x1cc: {  	[tilespmem:s19+$0x18F90] =	vst v1  }
0x1cd: {  	v1 =	vld.idx.msk [tilespmem:v0+s2+$0x0], $0xffff;
	_ =	sdelay $0x4  }
0x1ce: {  	[tilespmem:s19+$0x19390] =	vst v1  }
0x1cf: {  	v1 =	vld.idx.msk [tilespmem:v0+s3+$0x0], $0xffff;
	_ =	sdelay $0x3  }
0x1d0: {  	s20 =	simm.s32 $0x10;
	s11 =	simm.s32 $0x80  }
.LBB2_24:
0x1d1: {  	p0 =	sne.s32 s11, $0xFC0;
	v2 =	vld [tilespmem:s20+$0x400];
	[tilespmem:s19+$0x19790] =	vst v1  }
0x1d2: {  	v1 =	vld.idx.msk [tilespmem:v0+s4+$0x0], $0xffff;
	_ =	sdelay $0x3  }
0x1d3: {  	v0 =	vmov v2;
	_ =	sdelay $0x1  }
0x1d4: {  	[tilespmem:s19+$0x19B90] =	vst v1;
	s19 =	smov.u32 s20  }
0x1d5: {  	v1 =	vld.idx.msk [tilespmem:v2+s29+$0x0], $0xffff;
	_ =	sdelay $0x5  }
0x1d6: {  	[tilespmem:s19+$0x17F90] =	vst v1  }
0x1d7: {  	v1 =	vld.idx.msk [tilespmem:v2+s31+$0x0], $0xffff;
	_ =	sdelay $0x5  }
0x1d8: {  	[tilespmem:s19+$0x18390] =	vst v1  }
0x1d9: {  	v1 =	vld.idx.msk [tilespmem:v2+s17+$0x0], $0xffff;
	_ =	sdelay $0x5  }
0x1da: {  	[tilespmem:s19+$0x18790] =	vst v1  }
0x1db: {  	v1 =	vld.idx.msk [tilespmem:v2+s0+$0x0], $0xffff;
	_ =	sdelay $0x5  }
0x1dc: {  	[tilespmem:s19+$0x18B90] =	vst v1  }
0x1dd: {  	v1 =	vld.idx.msk [tilespmem:v2+s21+$0x0], $0xffff;
	_ =	sdelay $0x5  }
0x1de: {  	[tilespmem:s19+$0x18F90] =	vst v1  }
0x1df: {  	v1 =	vld.idx.msk [tilespmem:v2+s2+$0x0], $0xffff;
	_ =	sdelay $0x5  }
0x1e0: {  	[tilespmem:s19+$0x19390] =	vst v1  }
0x1e1: {  	v1 =	vld.idx.msk [tilespmem:v0+s3+$0x0], $0xffff  }
.Ltmp11:
0x1e2: {  	(pc) =	sbr.rel @p0 .LBB2_24-.Ltmp11, $2  }
0x1e3: {  	_ =	sdelay $0x2  }
0x1e4: {  	s20 =	sshra.s32 s11, $0x2;
	s11 =	sadd.s32 $0x40, s11  }
0x1e5: {  	_ =	sdelay $0x1  }
0x1e6: {  	v2 =	vld [tilespmem:s20+$0x400]  }
0x1e7: {  	[tilespmem:s19+$0x19790] =	vst v1  }
0x1e8: {  	v0 =	vld.idx.msk [tilespmem:v0+s4+$0x0], $0xffff;
	_ =	sdelay $0x4  }
0x1e9: {  	[tilespmem:s19+$0x19B90] =	vst v0  }
0x1ea: {  	v0 =	vld.idx.msk [tilespmem:v2+s29+$0x0], $0xffff;
	_ =	sdelay $0x4  }
0x1eb: {  	[tilespmem:s20+$0x17F90] =	vst v0  }
0x1ec: {  	v0 =	vld.idx.msk [tilespmem:v2+s31+$0x0], $0xffff;
	_ =	sdelay $0x4  }
0x1ed: {  	[tilespmem:s20+$0x18390] =	vst v0  }
0x1ee: {  	v0 =	vld.idx.msk [tilespmem:v2+s17+$0x0], $0xffff;
	_ =	sdelay $0x4  }
0x1ef: {  	[tilespmem:s20+$0x18790] =	vst v0  }
0x1f0: {  	v0 =	vld.idx.msk [tilespmem:v2+s0+$0x0], $0xffff;
	_ =	sdelay $0x4  }
0x1f1: {  	[tilespmem:s20+$0x18B90] =	vst v0  }
0x1f2: {  	v0 =	vld.idx.msk [tilespmem:v2+s21+$0x0], $0xffff;
	_ =	sdelay $0x4  }
0x1f3: {  	[tilespmem:s20+$0x18F90] =	vst v0  }
0x1f4: {  	v0 =	vld.idx.msk [tilespmem:v2+s2+$0x0], $0xffff;
	_ =	sdelay $0x4  }
0x1f5: {  	[tilespmem:s20+$0x19390] =	vst v0  }
0x1f6: {  	v0 =	vld.idx.msk [tilespmem:v2+s3+$0x0], $0xffff;
	_ =	sdelay $0x4  }
0x1f7: {  	[tilespmem:s20+$0x19790] =	vst v0  }
0x1f8: {  	v0 =	vld.idx.msk [tilespmem:v2+s4+$0x0], $0xffff;
	_ =	sdelay $0x4  }
0x1f9: {  	s11 =	rddreg [dreg:$0x11];
	[tilespmem:s20+$0x19B90] =	vst v0  }
0x1fa: {  	[hbm4b:s11+s5] =	stream.strided.scatter [tilespmem:s7], [sflag:$0x3], $0x2000, s29, s5, $0x38;
	[tilespmem:$0x19F90] =	vst v63  }
0x1fb: {  	_ =	swait.ge [sflag:s8], $0x2000  }
0x1fc: {  	[sflag:s8] =	ssyncset.done $0x0  }
0x1fd: {  	s19 =	simm.s32 $0x0;
	[sflag:s8] =	ssyncadd.s32 $0xFFFFE000  }
0x1fe: {  	v0 =	vld [tilespmem:s19+$0x800];
	_ =	sdelay $0x7  }
0x1ff: {  	v1 =	vld.idx.msk [tilespmem:v0+s29+$0x0], $0xffff;
	_ =	sdelay $0x4  }
0x200: {  	[tilespmem:s19+$0x15F90] =	vst v1  }
0x201: {  	v1 =	vld.idx.msk [tilespmem:v0+s31+$0x0], $0xffff;
	_ =	sdelay $0x4  }
0x202: {  	[tilespmem:s19+$0x16390] =	vst v1  }
0x203: {  	v1 =	vld.idx.msk [tilespmem:v0+s17+$0x0], $0xffff;
	_ =	sdelay $0x4  }
0x204: {  	[tilespmem:s19+$0x16790] =	vst v1  }
0x205: {  	v1 =	vld.idx.msk [tilespmem:v0+s0+$0x0], $0xffff;
	_ =	sdelay $0x4  }
0x206: {  	[tilespmem:s19+$0x16B90] =	vst v1  }
0x207: {  	v1 =	vld.idx.msk [tilespmem:v0+s21+$0x0], $0xffff;
	_ =	sdelay $0x4  }
0x208: {  	[tilespmem:s19+$0x16F90] =	vst v1  }
0x209: {  	v1 =	vld.idx.msk [tilespmem:v0+s2+$0x0], $0xffff;
	_ =	sdelay $0x4  }
0x20a: {  	[tilespmem:s19+$0x17390] =	vst v1  }
0x20b: {  	v1 =	vld.idx.msk [tilespmem:v0+s3+$0x0], $0xffff;
	_ =	sdelay $0x3  }
0x20c: {  	s20 =	simm.s32 $0x10;
	s11 =	simm.s32 $0x80  }
.LBB2_26:
0x20d: {  	p0 =	sne.s32 s11, $0xFC0;
	v2 =	vld [tilespmem:s20+$0x800];
	[tilespmem:s19+$0x17790] =	vst v1  }
0x20e: {  	v1 =	vld.idx.msk [tilespmem:v0+s4+$0x0], $0xffff;
	_ =	sdelay $0x3  }
0x20f: {  	v0 =	vmov v2;
	_ =	sdelay $0x1  }
0x210: {  	[tilespmem:s19+$0x17B90] =	vst v1;
	s19 =	smov.u32 s20  }
0x211: {  	v1 =	vld.idx.msk [tilespmem:v2+s29+$0x0], $0xffff;
	_ =	sdelay $0x5  }
0x212: {  	[tilespmem:s19+$0x15F90] =	vst v1  }
0x213: {  	v1 =	vld.idx.msk [tilespmem:v2+s31+$0x0], $0xffff;
	_ =	sdelay $0x5  }
0x214: {  	[tilespmem:s19+$0x16390] =	vst v1  }
0x215: {  	v1 =	vld.idx.msk [tilespmem:v2+s17+$0x0], $0xffff;
	_ =	sdelay $0x5  }
0x216: {  	[tilespmem:s19+$0x16790] =	vst v1  }
0x217: {  	v1 =	vld.idx.msk [tilespmem:v2+s0+$0x0], $0xffff;
	_ =	sdelay $0x5  }
0x218: {  	[tilespmem:s19+$0x16B90] =	vst v1  }
0x219: {  	v1 =	vld.idx.msk [tilespmem:v2+s21+$0x0], $0xffff;
	_ =	sdelay $0x5  }
0x21a: {  	[tilespmem:s19+$0x16F90] =	vst v1  }
0x21b: {  	v1 =	vld.idx.msk [tilespmem:v2+s2+$0x0], $0xffff;
	_ =	sdelay $0x5  }
0x21c: {  	[tilespmem:s19+$0x17390] =	vst v1  }
0x21d: {  	v1 =	vld.idx.msk [tilespmem:v0+s3+$0x0], $0xffff  }
.Ltmp12:
0x21e: {  	(pc) =	sbr.rel @p0 .LBB2_26-.Ltmp12, $2  }
0x21f: {  	_ =	sdelay $0x2  }
0x220: {  	s20 =	sshra.s32 s11, $0x2;
	s11 =	sadd.s32 $0x40, s11  }
0x221: {  	_ =	sdelay $0x1  }
0x222: {  	v2 =	vld [tilespmem:s20+$0x800]  }
0x223: {  	[tilespmem:s19+$0x17790] =	vst v1  }
0x224: {  	v0 =	vld.idx.msk [tilespmem:v0+s4+$0x0], $0xffff;
	_ =	sdelay $0x4  }
0x225: {  	[tilespmem:s19+$0x17B90] =	vst v0  }
0x226: {  	v0 =	vld.idx.msk [tilespmem:v2+s29+$0x0], $0xffff;
	_ =	sdelay $0x4  }
0x227: {  	[tilespmem:s20+$0x15F90] =	vst v0  }
0x228: {  	v0 =	vld.idx.msk [tilespmem:v2+s31+$0x0], $0xffff;
	_ =	sdelay $0x4  }
0x229: {  	[tilespmem:s20+$0x16390] =	vst v0  }
0x22a: {  	v0 =	vld.idx.msk [tilespmem:v2+s17+$0x0], $0xffff;
	_ =	sdelay $0x4  }
0x22b: {  	[tilespmem:s20+$0x16790] =	vst v0  }
0x22c: {  	v0 =	vld.idx.msk [tilespmem:v2+s0+$0x0], $0xffff;
	_ =	sdelay $0x4  }
0x22d: {  	[tilespmem:s20+$0x16B90] =	vst v0  }
0x22e: {  	v0 =	vld.idx.msk [tilespmem:v2+s21+$0x0], $0xffff;
	_ =	sdelay $0x4  }
0x22f: {  	[tilespmem:s20+$0x16F90] =	vst v0  }
0x230: {  	v0 =	vld.idx.msk [tilespmem:v2+s2+$0x0], $0xffff;
	_ =	sdelay $0x4  }
0x231: {  	[tilespmem:s20+$0x17390] =	vst v0  }
0x232: {  	v0 =	vld.idx.msk [tilespmem:v2+s3+$0x0], $0xffff;
	_ =	sdelay $0x4  }
0x233: {  	[tilespmem:s20+$0x17790] =	vst v0  }
0x234: {  	v0 =	vld.idx.msk [tilespmem:v2+s4+$0x0], $0xffff;
	_ =	sdelay $0x4  }
0x235: {  	s11 =	rddreg [dreg:$0x12];
	[tilespmem:s20+$0x17B90] =	vst v0  }
0x236: {  	[hbm4b:s11+s5] =	stream.strided.scatter [tilespmem:s6], [sflag:$0x2], $0x2000, s29, s5, $0x38;
	[tilespmem:$0x19F90] =	vst v63  }
0x237: {  	_ =	swait.ge [sflag:s9], $0x2000  }
0x238: {  	[sflag:s9] =	ssyncset.done $0x0  }
0x239: {  	s19 =	simm.s32 $0x0;
	[sflag:s9] =	ssyncadd.s32 $0xFFFFE000  }
0x23a: {  	v0 =	vld [tilespmem:s19+$0xC00];
	_ =	sdelay $0x7  }
0x23b: {  	v1 =	vld.idx.msk [tilespmem:v0+s29+$0x0], $0xffff;
	_ =	sdelay $0x4  }
0x23c: {  	[tilespmem:s19+$0x17F90] =	vst v1  }
0x23d: {  	v1 =	vld.idx.msk [tilespmem:v0+s31+$0x0], $0xffff;
	_ =	sdelay $0x4  }
0x23e: {  	[tilespmem:s19+$0x18390] =	vst v1  }
0x23f: {  	v1 =	vld.idx.msk [tilespmem:v0+s17+$0x0], $0xffff;
	_ =	sdelay $0x4  }
0x240: {  	[tilespmem:s19+$0x18790] =	vst v1  }
0x241: {  	v1 =	vld.idx.msk [tilespmem:v0+s0+$0x0], $0xffff;
	_ =	sdelay $0x4  }
0x242: {  	[tilespmem:s19+$0x18B90] =	vst v1  }
0x243: {  	v1 =	vld.idx.msk [tilespmem:v0+s21+$0x0], $0xffff;
	_ =	sdelay $0x4  }
0x244: {  	[tilespmem:s19+$0x18F90] =	vst v1  }
0x245: {  	v1 =	vld.idx.msk [tilespmem:v0+s2+$0x0], $0xffff;
	_ =	sdelay $0x4  }
0x246: {  	[tilespmem:s19+$0x19390] =	vst v1  }
0x247: {  	v1 =	vld.idx.msk [tilespmem:v0+s3+$0x0], $0xffff;
	_ =	sdelay $0x3  }
0x248: {  	s20 =	simm.s32 $0x10;
	s11 =	simm.s32 $0x80  }
.LBB2_28:
0x249: {  	p0 =	sne.s32 s11, $0xFC0;
	v2 =	vld [tilespmem:s20+$0xC00];
	[tilespmem:s19+$0x19790] =	vst v1  }
0x24a: {  	v1 =	vld.idx.msk [tilespmem:v0+s4+$0x0], $0xffff;
	_ =	sdelay $0x3  }
0x24b: {  	v0 =	vmov v2;
	_ =	sdelay $0x1  }
0x24c: {  	[tilespmem:s19+$0x19B90] =	vst v1;
	s19 =	smov.u32 s20  }
0x24d: {  	v1 =	vld.idx.msk [tilespmem:v2+s29+$0x0], $0xffff;
	_ =	sdelay $0x5  }
0x24e: {  	[tilespmem:s19+$0x17F90] =	vst v1  }
0x24f: {  	v1 =	vld.idx.msk [tilespmem:v2+s31+$0x0], $0xffff;
	_ =	sdelay $0x5  }
0x250: {  	[tilespmem:s19+$0x18390] =	vst v1  }
0x251: {  	v1 =	vld.idx.msk [tilespmem:v2+s17+$0x0], $0xffff;
	_ =	sdelay $0x5  }
0x252: {  	[tilespmem:s19+$0x18790] =	vst v1  }
0x253: {  	v1 =	vld.idx.msk [tilespmem:v2+s0+$0x0], $0xffff;
	_ =	sdelay $0x5  }
0x254: {  	[tilespmem:s19+$0x18B90] =	vst v1  }
0x255: {  	v1 =	vld.idx.msk [tilespmem:v2+s21+$0x0], $0xffff;
	_ =	sdelay $0x5  }
0x256: {  	[tilespmem:s19+$0x18F90] =	vst v1  }
0x257: {  	v1 =	vld.idx.msk [tilespmem:v2+s2+$0x0], $0xffff;
	_ =	sdelay $0x5  }
0x258: {  	[tilespmem:s19+$0x19390] =	vst v1  }
0x259: {  	v1 =	vld.idx.msk [tilespmem:v0+s3+$0x0], $0xffff  }
.Ltmp13:
0x25a: {  	(pc) =	sbr.rel @p0 .LBB2_28-.Ltmp13, $2  }
0x25b: {  	_ =	sdelay $0x2  }
0x25c: {  	s20 =	sshra.s32 s11, $0x2;
	s11 =	sadd.s32 $0x40, s11  }
0x25d: {  	_ =	sdelay $0x1  }
0x25e: {  	v2 =	vld [tilespmem:s20+$0xC00]  }
0x25f: {  	[tilespmem:s19+$0x19790] =	vst v1  }
0x260: {  	v0 =	vld.idx.msk [tilespmem:v0+s4+$0x0], $0xffff;
	_ =	sdelay $0x4  }
0x261: {  	[tilespmem:s19+$0x19B90] =	vst v0  }
0x262: {  	v0 =	vld.idx.msk [tilespmem:v2+s29+$0x0], $0xffff;
	_ =	sdelay $0x4  }
0x263: {  	[tilespmem:s20+$0x17F90] =	vst v0  }
0x264: {  	v0 =	vld.idx.msk [tilespmem:v2+s31+$0x0], $0xffff;
	_ =	sdelay $0x4  }
0x265: {  	[tilespmem:s20+$0x18390] =	vst v0  }
0x266: {  	v0 =	vld.idx.msk [tilespmem:v2+s17+$0x0], $0xffff;
	_ =	sdelay $0x4  }
0x267: {  	[tilespmem:s20+$0x18790] =	vst v0  }
0x268: {  	v0 =	vld.idx.msk [tilespmem:v2+s0+$0x0], $0xffff;
	_ =	sdelay $0x4  }
0x269: {  	[tilespmem:s20+$0x18B90] =	vst v0  }
0x26a: {  	v0 =	vld.idx.msk [tilespmem:v2+s21+$0x0], $0xffff;
	_ =	sdelay $0x4  }
0x26b: {  	[tilespmem:s20+$0x18F90] =	vst v0  }
0x26c: {  	v0 =	vld.idx.msk [tilespmem:v2+s2+$0x0], $0xffff;
	_ =	sdelay $0x4  }
0x26d: {  	[tilespmem:s20+$0x19390] =	vst v0  }
0x26e: {  	v0 =	vld.idx.msk [tilespmem:v2+s3+$0x0], $0xffff;
	_ =	sdelay $0x4  }
0x26f: {  	[tilespmem:s20+$0x19790] =	vst v0  }
0x270: {  	v0 =	vld.idx.msk [tilespmem:v2+s4+$0x0], $0xffff;
	_ =	sdelay $0x4  }
0x271: {  	s11 =	rddreg [dreg:$0x13];
	[tilespmem:s20+$0x19B90] =	vst v0  }
0x272: {  	[hbm4b:s11+s5] =	stream.strided.scatter [tilespmem:s7], [sflag:$0x3], $0x2000, s29, s5, $0x38;
	[tilespmem:$0x19F90] =	vst v63  }
0x273: {  	_ =	swait.ge [sflag:s8], $0x2000  }
0x274: {  	[sflag:s8] =	ssyncset.done $0x0  }
0x275: {  	s19 =	simm.s32 $0x0;
	[sflag:s8] =	ssyncadd.s32 $0xFFFFE000  }
0x276: {  	v0 =	vld [tilespmem:s19+$0x1000];
	_ =	sdelay $0x7  }
0x277: {  	v1 =	vld.idx.msk [tilespmem:v0+s29+$0x0], $0xffff;
	_ =	sdelay $0x4  }
0x278: {  	[tilespmem:s19+$0x15F90] =	vst v1  }
0x279: {  	v1 =	vld.idx.msk [tilespmem:v0+s31+$0x0], $0xffff;
	_ =	sdelay $0x4  }
0x27a: {  	[tilespmem:s19+$0x16390] =	vst v1  }
0x27b: {  	v1 =	vld.idx.msk [tilespmem:v0+s17+$0x0], $0xffff;
	_ =	sdelay $0x4  }
0x27c: {  	[tilespmem:s19+$0x16790] =	vst v1  }
0x27d: {  	v1 =	vld.idx.msk [tilespmem:v0+s0+$0x0], $0xffff;
	_ =	sdelay $0x4  }
0x27e: {  	[tilespmem:s19+$0x16B90] =	vst v1  }
0x27f: {  	v1 =	vld.idx.msk [tilespmem:v0+s21+$0x0], $0xffff;
	_ =	sdelay $0x4  }
0x280: {  	[tilespmem:s19+$0x16F90] =	vst v1  }
0x281: {  	v1 =	vld.idx.msk [tilespmem:v0+s2+$0x0], $0xffff;
	_ =	sdelay $0x4  }
0x282: {  	[tilespmem:s19+$0x17390] =	vst v1  }
0x283: {  	v1 =	vld.idx.msk [tilespmem:v0+s3+$0x0], $0xffff;
	_ =	sdelay $0x3  }
0x284: {  	s20 =	simm.s32 $0x10;
	s11 =	simm.s32 $0x80  }
.LBB2_30:
0x285: {  	p0 =	sne.s32 s11, $0xFC0;
	v2 =	vld [tilespmem:s20+$0x1000];
	[tilespmem:s19+$0x17790] =	vst v1  }
0x286: {  	v1 =	vld.idx.msk [tilespmem:v0+s4+$0x0], $0xffff;
	_ =	sdelay $0x3  }
0x287: {  	v0 =	vmov v2;
	_ =	sdelay $0x1  }
0x288: {  	[tilespmem:s19+$0x17B90] =	vst v1;
	s19 =	smov.u32 s20  }
0x289: {  	v1 =	vld.idx.msk [tilespmem:v2+s29+$0x0], $0xffff;
	_ =	sdelay $0x5  }
0x28a: {  	[tilespmem:s19+$0x15F90] =	vst v1  }
0x28b: {  	v1 =	vld.idx.msk [tilespmem:v2+s31+$0x0], $0xffff;
	_ =	sdelay $0x5  }
0x28c: {  	[tilespmem:s19+$0x16390] =	vst v1  }
0x28d: {  	v1 =	vld.idx.msk [tilespmem:v2+s17+$0x0], $0xffff;
	_ =	sdelay $0x5  }
0x28e: {  	[tilespmem:s19+$0x16790] =	vst v1  }
0x28f: {  	v1 =	vld.idx.msk [tilespmem:v2+s0+$0x0], $0xffff;
	_ =	sdelay $0x5  }
0x290: {  	[tilespmem:s19+$0x16B90] =	vst v1  }
0x291: {  	v1 =	vld.idx.msk [tilespmem:v2+s21+$0x0], $0xffff;
	_ =	sdelay $0x5  }
0x292: {  	[tilespmem:s19+$0x16F90] =	vst v1  }
0x293: {  	v1 =	vld.idx.msk [tilespmem:v2+s2+$0x0], $0xffff;
	_ =	sdelay $0x5  }
0x294: {  	[tilespmem:s19+$0x17390] =	vst v1  }
0x295: {  	v1 =	vld.idx.msk [tilespmem:v0+s3+$0x0], $0xffff  }
.Ltmp14:
0x296: {  	(pc) =	sbr.rel @p0 .LBB2_30-.Ltmp14, $2  }
0x297: {  	_ =	sdelay $0x2  }
0x298: {  	s20 =	sshra.s32 s11, $0x2;
	s11 =	sadd.s32 $0x40, s11  }
0x299: {  	_ =	sdelay $0x1  }
0x29a: {  	v2 =	vld [tilespmem:s20+$0x1000]  }
0x29b: {  	[tilespmem:s19+$0x17790] =	vst v1  }
0x29c: {  	v0 =	vld.idx.msk [tilespmem:v0+s4+$0x0], $0xffff;
	_ =	sdelay $0x4  }
0x29d: {  	[tilespmem:s19+$0x17B90] =	vst v0  }
0x29e: {  	v0 =	vld.idx.msk [tilespmem:v2+s29+$0x0], $0xffff;
	_ =	sdelay $0x4  }
0x29f: {  	[tilespmem:s20+$0x15F90] =	vst v0  }
0x2a0: {  	v0 =	vld.idx.msk [tilespmem:v2+s31+$0x0], $0xffff;
	_ =	sdelay $0x4  }
0x2a1: {  	[tilespmem:s20+$0x16390] =	vst v0  }
0x2a2: {  	v0 =	vld.idx.msk [tilespmem:v2+s17+$0x0], $0xffff;
	_ =	sdelay $0x4  }
0x2a3: {  	[tilespmem:s20+$0x16790] =	vst v0  }
0x2a4: {  	v0 =	vld.idx.msk [tilespmem:v2+s0+$0x0], $0xffff;
	_ =	sdelay $0x4  }
0x2a5: {  	[tilespmem:s20+$0x16B90] =	vst v0  }
0x2a6: {  	v0 =	vld.idx.msk [tilespmem:v2+s21+$0x0], $0xffff;
	_ =	sdelay $0x4  }
0x2a7: {  	[tilespmem:s20+$0x16F90] =	vst v0  }
0x2a8: {  	v0 =	vld.idx.msk [tilespmem:v2+s2+$0x0], $0xffff;
	_ =	sdelay $0x4  }
0x2a9: {  	[tilespmem:s20+$0x17390] =	vst v0  }
0x2aa: {  	v0 =	vld.idx.msk [tilespmem:v2+s3+$0x0], $0xffff;
	_ =	sdelay $0x4  }
0x2ab: {  	[tilespmem:s20+$0x17790] =	vst v0  }
0x2ac: {  	v0 =	vld.idx.msk [tilespmem:v2+s4+$0x0], $0xffff;
	_ =	sdelay $0x4  }
0x2ad: {  	s11 =	rddreg [dreg:$0x14];
	[tilespmem:s20+$0x17B90] =	vst v0  }
0x2ae: {  	[hbm4b:s11+s5] =	stream.strided.scatter [tilespmem:s6], [sflag:$0x2], $0x2000, s29, s5, $0x38;
	[tilespmem:$0x19F90] =	vst v63  }
0x2af: {  	_ =	swait.ge [sflag:s9], $0x2000  }
0x2b0: {  	[sflag:s9] =	ssyncset.done $0x0  }
0x2b1: {  	s19 =	simm.s32 $0x0;
	[sflag:s9] =	ssyncadd.s32 $0xFFFFE000  }
0x2b2: {  	v0 =	vld [tilespmem:s19+$0x1400];
	_ =	sdelay $0x7  }
0x2b3: {  	v1 =	vld.idx.msk [tilespmem:v0+s29+$0x0], $0xffff;
	_ =	sdelay $0x4  }
0x2b4: {  	[tilespmem:s19+$0x17F90] =	vst v1  }
0x2b5: {  	v1 =	vld.idx.msk [tilespmem:v0+s31+$0x0], $0xffff;
	_ =	sdelay $0x4  }
0x2b6: {  	[tilespmem:s19+$0x18390] =	vst v1  }
0x2b7: {  	v1 =	vld.idx.msk [tilespmem:v0+s17+$0x0], $0xffff;
	_ =	sdelay $0x4  }
0x2b8: {  	[tilespmem:s19+$0x18790] =	vst v1  }
0x2b9: {  	v1 =	vld.idx.msk [tilespmem:v0+s0+$0x0], $0xffff;
	_ =	sdelay $0x4  }
0x2ba: {  	[tilespmem:s19+$0x18B90] =	vst v1  }
0x2bb: {  	v1 =	vld.idx.msk [tilespmem:v0+s21+$0x0], $0xffff;
	_ =	sdelay $0x4  }
0x2bc: {  	[tilespmem:s19+$0x18F90] =	vst v1  }
0x2bd: {  	v1 =	vld.idx.msk [tilespmem:v0+s2+$0x0], $0xffff;
	_ =	sdelay $0x4  }
0x2be: {  	[tilespmem:s19+$0x19390] =	vst v1  }
0x2bf: {  	v1 =	vld.idx.msk [tilespmem:v0+s3+$0x0], $0xffff;
	_ =	sdelay $0x3  }
0x2c0: {  	s20 =	simm.s32 $0x10;
	s11 =	simm.s32 $0x80  }
.LBB2_32:
0x2c1: {  	p0 =	sne.s32 s11, $0xFC0;
	v2 =	vld [tilespmem:s20+$0x1400];
	[tilespmem:s19+$0x19790] =	vst v1  }
0x2c2: {  	v1 =	vld.idx.msk [tilespmem:v0+s4+$0x0], $0xffff;
	_ =	sdelay $0x3  }
0x2c3: {  	v0 =	vmov v2;
	_ =	sdelay $0x1  }
0x2c4: {  	[tilespmem:s19+$0x19B90] =	vst v1;
	s19 =	smov.u32 s20  }
0x2c5: {  	v1 =	vld.idx.msk [tilespmem:v2+s29+$0x0], $0xffff;
	_ =	sdelay $0x5  }
0x2c6: {  	[tilespmem:s19+$0x17F90] =	vst v1  }
0x2c7: {  	v1 =	vld.idx.msk [tilespmem:v2+s31+$0x0], $0xffff;
	_ =	sdelay $0x5  }
0x2c8: {  	[tilespmem:s19+$0x18390] =	vst v1  }
0x2c9: {  	v1 =	vld.idx.msk [tilespmem:v2+s17+$0x0], $0xffff;
	_ =	sdelay $0x5  }
0x2ca: {  	[tilespmem:s19+$0x18790] =	vst v1  }
0x2cb: {  	v1 =	vld.idx.msk [tilespmem:v2+s0+$0x0], $0xffff;
	_ =	sdelay $0x5  }
0x2cc: {  	[tilespmem:s19+$0x18B90] =	vst v1  }
0x2cd: {  	v1 =	vld.idx.msk [tilespmem:v2+s21+$0x0], $0xffff;
	_ =	sdelay $0x5  }
0x2ce: {  	[tilespmem:s19+$0x18F90] =	vst v1  }
0x2cf: {  	v1 =	vld.idx.msk [tilespmem:v2+s2+$0x0], $0xffff;
	_ =	sdelay $0x5  }
0x2d0: {  	[tilespmem:s19+$0x19390] =	vst v1  }
0x2d1: {  	v1 =	vld.idx.msk [tilespmem:v0+s3+$0x0], $0xffff  }
.Ltmp15:
0x2d2: {  	(pc) =	sbr.rel @p0 .LBB2_32-.Ltmp15, $2  }
0x2d3: {  	_ =	sdelay $0x2  }
0x2d4: {  	s20 =	sshra.s32 s11, $0x2;
	s11 =	sadd.s32 $0x40, s11  }
0x2d5: {  	_ =	sdelay $0x1  }
0x2d6: {  	v2 =	vld [tilespmem:s20+$0x1400]  }
0x2d7: {  	[tilespmem:s19+$0x19790] =	vst v1  }
0x2d8: {  	v0 =	vld.idx.msk [tilespmem:v0+s4+$0x0], $0xffff;
	_ =	sdelay $0x4  }
0x2d9: {  	[tilespmem:s19+$0x19B90] =	vst v0  }
0x2da: {  	v0 =	vld.idx.msk [tilespmem:v2+s29+$0x0], $0xffff;
	_ =	sdelay $0x4  }
0x2db: {  	[tilespmem:s20+$0x17F90] =	vst v0  }
0x2dc: {  	v0 =	vld.idx.msk [tilespmem:v2+s31+$0x0], $0xffff;
	_ =	sdelay $0x4  }
0x2dd: {  	[tilespmem:s20+$0x18390] =	vst v0  }
0x2de: {  	v0 =	vld.idx.msk [tilespmem:v2+s17+$0x0], $0xffff;
	_ =	sdelay $0x4  }
0x2df: {  	[tilespmem:s20+$0x18790] =	vst v0  }
0x2e0: {  	v0 =	vld.idx.msk [tilespmem:v2+s0+$0x0], $0xffff;
	_ =	sdelay $0x4  }
0x2e1: {  	[tilespmem:s20+$0x18B90] =	vst v0  }
0x2e2: {  	v0 =	vld.idx.msk [tilespmem:v2+s21+$0x0], $0xffff;
	_ =	sdelay $0x4  }
0x2e3: {  	[tilespmem:s20+$0x18F90] =	vst v0  }
0x2e4: {  	v0 =	vld.idx.msk [tilespmem:v2+s2+$0x0], $0xffff;
	_ =	sdelay $0x4  }
0x2e5: {  	[tilespmem:s20+$0x19390] =	vst v0  }
0x2e6: {  	v0 =	vld.idx.msk [tilespmem:v2+s3+$0x0], $0xffff;
	_ =	sdelay $0x4  }
0x2e7: {  	[tilespmem:s20+$0x19790] =	vst v0  }
0x2e8: {  	v0 =	vld.idx.msk [tilespmem:v2+s4+$0x0], $0xffff;
	_ =	sdelay $0x4  }
0x2e9: {  	s11 =	rddreg [dreg:$0x15];
	[tilespmem:s20+$0x19B90] =	vst v0  }
0x2ea: {  	[hbm4b:s11+s5] =	stream.strided.scatter [tilespmem:s7], [sflag:$0x3], $0x2000, s29, s5, $0x38;
	[tilespmem:$0x19F90] =	vst v63  }
0x2eb: {  	_ =	swait.ge [sflag:s8], $0x2000  }
0x2ec: {  	[sflag:s8] =	ssyncset.done $0x0  }
0x2ed: {  	s19 =	simm.s32 $0x0;
	[sflag:s8] =	ssyncadd.s32 $0xFFFFE000  }
0x2ee: {  	v0 =	vld [tilespmem:s19+$0x1800];
	_ =	sdelay $0x7  }
0x2ef: {  	v1 =	vld.idx.msk [tilespmem:v0+s29+$0x0], $0xffff;
	_ =	sdelay $0x4  }
0x2f0: {  	[tilespmem:s19+$0x15F90] =	vst v1  }
0x2f1: {  	v1 =	vld.idx.msk [tilespmem:v0+s31+$0x0], $0xffff;
	_ =	sdelay $0x4  }
0x2f2: {  	[tilespmem:s19+$0x16390] =	vst v1  }
0x2f3: {  	v1 =	vld.idx.msk [tilespmem:v0+s17+$0x0], $0xffff;
	_ =	sdelay $0x4  }
0x2f4: {  	[tilespmem:s19+$0x16790] =	vst v1  }
0x2f5: {  	v1 =	vld.idx.msk [tilespmem:v0+s0+$0x0], $0xffff;
	_ =	sdelay $0x4  }
0x2f6: {  	[tilespmem:s19+$0x16B90] =	vst v1  }
0x2f7: {  	v1 =	vld.idx.msk [tilespmem:v0+s21+$0x0], $0xffff;
	_ =	sdelay $0x4  }
0x2f8: {  	[tilespmem:s19+$0x16F90] =	vst v1  }
0x2f9: {  	v1 =	vld.idx.msk [tilespmem:v0+s2+$0x0], $0xffff;
	_ =	sdelay $0x4  }
0x2fa: {  	[tilespmem:s19+$0x17390] =	vst v1  }
0x2fb: {  	v1 =	vld.idx.msk [tilespmem:v0+s3+$0x0], $0xffff;
	_ =	sdelay $0x3  }
0x2fc: {  	s20 =	simm.s32 $0x10;
	s11 =	simm.s32 $0x80  }
.LBB2_34:
0x2fd: {  	p0 =	sne.s32 s11, $0xFC0;
	v2 =	vld [tilespmem:s20+$0x1800];
	[tilespmem:s19+$0x17790] =	vst v1  }
0x2fe: {  	v1 =	vld.idx.msk [tilespmem:v0+s4+$0x0], $0xffff;
	_ =	sdelay $0x3  }
0x2ff: {  	v0 =	vmov v2;
	_ =	sdelay $0x1  }
0x300: {  	[tilespmem:s19+$0x17B90] =	vst v1;
	s19 =	smov.u32 s20  }
0x301: {  	v1 =	vld.idx.msk [tilespmem:v2+s29+$0x0], $0xffff;
	_ =	sdelay $0x5  }
0x302: {  	[tilespmem:s19+$0x15F90] =	vst v1  }
0x303: {  	v1 =	vld.idx.msk [tilespmem:v2+s31+$0x0], $0xffff;
	_ =	sdelay $0x5  }
0x304: {  	[tilespmem:s19+$0x16390] =	vst v1  }
0x305: {  	v1 =	vld.idx.msk [tilespmem:v2+s17+$0x0], $0xffff;
	_ =	sdelay $0x5  }
0x306: {  	[tilespmem:s19+$0x16790] =	vst v1  }
0x307: {  	v1 =	vld.idx.msk [tilespmem:v2+s0+$0x0], $0xffff;
	_ =	sdelay $0x5  }
0x308: {  	[tilespmem:s19+$0x16B90] =	vst v1  }
0x309: {  	v1 =	vld.idx.msk [tilespmem:v2+s21+$0x0], $0xffff;
	_ =	sdelay $0x5  }
0x30a: {  	[tilespmem:s19+$0x16F90] =	vst v1  }
0x30b: {  	v1 =	vld.idx.msk [tilespmem:v2+s2+$0x0], $0xffff;
	_ =	sdelay $0x5  }
0x30c: {  	[tilespmem:s19+$0x17390] =	vst v1  }
0x30d: {  	v1 =	vld.idx.msk [tilespmem:v0+s3+$0x0], $0xffff  }
.Ltmp16:
0x30e: {  	(pc) =	sbr.rel @p0 .LBB2_34-.Ltmp16, $2  }
0x30f: {  	_ =	sdelay $0x2  }
0x310: {  	s20 =	sshra.s32 s11, $0x2;
	s11 =	sadd.s32 $0x40, s11  }
0x311: {  	_ =	sdelay $0x1  }
0x312: {  	v2 =	vld [tilespmem:s20+$0x1800]  }
0x313: {  	[tilespmem:s19+$0x17790] =	vst v1  }
0x314: {  	v0 =	vld.idx.msk [tilespmem:v0+s4+$0x0], $0xffff;
	_ =	sdelay $0x4  }
0x315: {  	[tilespmem:s19+$0x17B90] =	vst v0  }
0x316: {  	v0 =	vld.idx.msk [tilespmem:v2+s29+$0x0], $0xffff;
	_ =	sdelay $0x4  }
0x317: {  	[tilespmem:s20+$0x15F90] =	vst v0  }
0x318: {  	v0 =	vld.idx.msk [tilespmem:v2+s31+$0x0], $0xffff;
	_ =	sdelay $0x4  }
0x319: {  	[tilespmem:s20+$0x16390] =	vst v0  }
0x31a: {  	v0 =	vld.idx.msk [tilespmem:v2+s17+$0x0], $0xffff;
	_ =	sdelay $0x4  }
0x31b: {  	[tilespmem:s20+$0x16790] =	vst v0  }
0x31c: {  	v0 =	vld.idx.msk [tilespmem:v2+s0+$0x0], $0xffff;
	_ =	sdelay $0x4  }
0x31d: {  	[tilespmem:s20+$0x16B90] =	vst v0  }
0x31e: {  	v0 =	vld.idx.msk [tilespmem:v2+s21+$0x0], $0xffff;
	_ =	sdelay $0x4  }
0x31f: {  	[tilespmem:s20+$0x16F90] =	vst v0  }
0x320: {  	v0 =	vld.idx.msk [tilespmem:v2+s2+$0x0], $0xffff;
	_ =	sdelay $0x4  }
0x321: {  	[tilespmem:s20+$0x17390] =	vst v0  }
0x322: {  	v0 =	vld.idx.msk [tilespmem:v2+s3+$0x0], $0xffff;
	_ =	sdelay $0x4  }
0x323: {  	[tilespmem:s20+$0x17790] =	vst v0  }
0x324: {  	v0 =	vld.idx.msk [tilespmem:v2+s4+$0x0], $0xffff;
	_ =	sdelay $0x4  }
0x325: {  	[tilespmem:s20+$0x17B90] =	vst v0  }
0x326: {  	[hbm4b:s22+s5] =	stream.strided.scatter [tilespmem:s6], [sflag:$0x2], $0x2000, s29, s5, $0x38;
	[tilespmem:$0x19F90] =	vst v63  }
0x327: {  	_ =	swait.ge [sflag:s9], $0x2000  }
0x328: {  	[sflag:s9] =	ssyncset.done $0x0  }
0x329: {  	s19 =	simm.s32 $0x0;
	[sflag:s9] =	ssyncadd.s32 $0xFFFFE000  }
0x32a: {  	v0 =	vld [tilespmem:s19+$0x1C00];
	_ =	sdelay $0x7  }
0x32b: {  	v1 =	vld.idx.msk [tilespmem:v0+s29+$0x0], $0xffff;
	_ =	sdelay $0x4  }
0x32c: {  	[tilespmem:s19+$0x17F90] =	vst v1  }
0x32d: {  	v1 =	vld.idx.msk [tilespmem:v0+s31+$0x0], $0xffff;
	_ =	sdelay $0x4  }
0x32e: {  	[tilespmem:s19+$0x18390] =	vst v1  }
0x32f: {  	v1 =	vld.idx.msk [tilespmem:v0+s17+$0x0], $0xffff;
	_ =	sdelay $0x4  }
0x330: {  	[tilespmem:s19+$0x18790] =	vst v1  }
0x331: {  	v1 =	vld.idx.msk [tilespmem:v0+s0+$0x0], $0xffff;
	_ =	sdelay $0x4  }
0x332: {  	[tilespmem:s19+$0x18B90] =	vst v1  }
0x333: {  	v1 =	vld.idx.msk [tilespmem:v0+s21+$0x0], $0xffff;
	_ =	sdelay $0x4  }
0x334: {  	[tilespmem:s19+$0x18F90] =	vst v1  }
0x335: {  	v1 =	vld.idx.msk [tilespmem:v0+s2+$0x0], $0xffff;
	_ =	sdelay $0x4  }
0x336: {  	[tilespmem:s19+$0x19390] =	vst v1  }
0x337: {  	v1 =	vld.idx.msk [tilespmem:v0+s3+$0x0], $0xffff;
	_ =	sdelay $0x3  }
0x338: {  	s11 =	simm.s32 $0x80;
	s20 =	simm.s32 $0x10  }
.LBB2_36:
0x339: {  	p0 =	sne.s32 s11, $0xFC0;
	v2 =	vld [tilespmem:s20+$0x1C00];
	[tilespmem:s19+$0x19790] =	vst v1  }
0x33a: {  	v1 =	vld.idx.msk [tilespmem:v0+s4+$0x0], $0xffff;
	_ =	sdelay $0x3  }
0x33b: {  	v0 =	vmov v2;
	_ =	sdelay $0x1  }
0x33c: {  	[tilespmem:s19+$0x19B90] =	vst v1;
	s19 =	smov.u32 s20  }
0x33d: {  	v1 =	vld.idx.msk [tilespmem:v2+s29+$0x0], $0xffff;
	_ =	sdelay $0x5  }
0x33e: {  	[tilespmem:s19+$0x17F90] =	vst v1  }
0x33f: {  	v1 =	vld.idx.msk [tilespmem:v2+s31+$0x0], $0xffff;
	_ =	sdelay $0x5  }
0x340: {  	[tilespmem:s19+$0x18390] =	vst v1  }
0x341: {  	v1 =	vld.idx.msk [tilespmem:v2+s17+$0x0], $0xffff;
	_ =	sdelay $0x5  }
0x342: {  	[tilespmem:s19+$0x18790] =	vst v1  }
0x343: {  	v1 =	vld.idx.msk [tilespmem:v2+s0+$0x0], $0xffff;
	_ =	sdelay $0x5  }
0x344: {  	[tilespmem:s19+$0x18B90] =	vst v1  }
0x345: {  	v1 =	vld.idx.msk [tilespmem:v2+s21+$0x0], $0xffff;
	_ =	sdelay $0x5  }
0x346: {  	[tilespmem:s19+$0x18F90] =	vst v1  }
0x347: {  	v1 =	vld.idx.msk [tilespmem:v2+s2+$0x0], $0xffff;
	_ =	sdelay $0x5  }
0x348: {  	[tilespmem:s19+$0x19390] =	vst v1  }
0x349: {  	v1 =	vld.idx.msk [tilespmem:v0+s3+$0x0], $0xffff  }
.Ltmp17:
0x34a: {  	(pc) =	sbr.rel @p0 .LBB2_36-.Ltmp17, $2  }
0x34b: {  	_ =	sdelay $0x2  }
0x34c: {  	s20 =	sshra.s32 s11, $0x2;
	s11 =	sadd.s32 $0x40, s11  }
0x34d: {  	_ =	sdelay $0x1  }
0x34e: {  	v2 =	vld [tilespmem:s20+$0x1C00]  }
0x34f: {  	[tilespmem:s19+$0x19790] =	vst v1  }
0x350: {  	v0 =	vld.idx.msk [tilespmem:v0+s4+$0x0], $0xffff;
	_ =	sdelay $0x4  }
0x351: {  	[tilespmem:s19+$0x19B90] =	vst v0  }
0x352: {  	v0 =	vld.idx.msk [tilespmem:v2+s29+$0x0], $0xffff;
	_ =	sdelay $0x4  }
0x353: {  	[tilespmem:s20+$0x17F90] =	vst v0  }
0x354: {  	v0 =	vld.idx.msk [tilespmem:v2+s31+$0x0], $0xffff;
	_ =	sdelay $0x4  }
0x355: {  	[tilespmem:s20+$0x18390] =	vst v0  }
0x356: {  	v0 =	vld.idx.msk [tilespmem:v2+s17+$0x0], $0xffff;
	_ =	sdelay $0x4  }
0x357: {  	[tilespmem:s20+$0x18790] =	vst v0  }
0x358: {  	v0 =	vld.idx.msk [tilespmem:v2+s0+$0x0], $0xffff;
	_ =	sdelay $0x4  }
0x359: {  	[tilespmem:s20+$0x18B90] =	vst v0  }
0x35a: {  	v0 =	vld.idx.msk [tilespmem:v2+s21+$0x0], $0xffff;
	_ =	sdelay $0x4  }
0x35b: {  	[tilespmem:s20+$0x18F90] =	vst v0  }
0x35c: {  	v0 =	vld.idx.msk [tilespmem:v2+s2+$0x0], $0xffff;
	_ =	sdelay $0x4  }
0x35d: {  	[tilespmem:s20+$0x19390] =	vst v0  }
0x35e: {  	v0 =	vld.idx.msk [tilespmem:v2+s3+$0x0], $0xffff;
	_ =	sdelay $0x4  }
0x35f: {  	[tilespmem:s20+$0x19790] =	vst v0  }
0x360: {  	v0 =	vld.idx.msk [tilespmem:v2+s4+$0x0], $0xffff;
	_ =	sdelay $0x4  }
0x361: {  	[tilespmem:s20+$0x19B90] =	vst v0  }
0x362: {  	[hbm4b:s23+s5] =	stream.strided.scatter [tilespmem:s7], [sflag:$0x3], $0x2000, s29, s5, $0x38;
	[tilespmem:$0x19F90] =	vst v63  }
0x363: {  	_ =	swait.ge [sflag:s8], $0x2000  }
0x364: {  	[sflag:s8] =	ssyncset.done $0x0  }
0x365: {  	s19 =	simm.s32 $0x0;
	[sflag:s8] =	ssyncadd.s32 $0xFFFFE000  }
0x366: {  	v0 =	vld [tilespmem:s19+$0x2000];
	_ =	sdelay $0x7  }
0x367: {  	v1 =	vld.idx.msk [tilespmem:v0+s29+$0x0], $0xffff;
	_ =	sdelay $0x4  }
0x368: {  	[tilespmem:s19+$0x15F90] =	vst v1  }
0x369: {  	v1 =	vld.idx.msk [tilespmem:v0+s31+$0x0], $0xffff;
	_ =	sdelay $0x4  }
0x36a: {  	[tilespmem:s19+$0x16390] =	vst v1  }
0x36b: {  	v1 =	vld.idx.msk [tilespmem:v0+s17+$0x0], $0xffff;
	_ =	sdelay $0x4  }
0x36c: {  	[tilespmem:s19+$0x16790] =	vst v1  }
0x36d: {  	v1 =	vld.idx.msk [tilespmem:v0+s0+$0x0], $0xffff;
	_ =	sdelay $0x4  }
0x36e: {  	[tilespmem:s19+$0x16B90] =	vst v1  }
0x36f: {  	v1 =	vld.idx.msk [tilespmem:v0+s21+$0x0], $0xffff;
	_ =	sdelay $0x4  }
0x370: {  	[tilespmem:s19+$0x16F90] =	vst v1  }
0x371: {  	v1 =	vld.idx.msk [tilespmem:v0+s2+$0x0], $0xffff;
	_ =	sdelay $0x4  }
0x372: {  	[tilespmem:s19+$0x17390] =	vst v1  }
0x373: {  	v1 =	vld.idx.msk [tilespmem:v0+s3+$0x0], $0xffff;
	_ =	sdelay $0x3  }
0x374: {  	s11 =	simm.s32 $0x80;
	s20 =	simm.s32 $0x10  }
.LBB2_38:
0x375: {  	p0 =	sne.s32 s11, $0xFC0;
	v2 =	vld [tilespmem:s20+$0x2000];
	[tilespmem:s19+$0x17790] =	vst v1  }
0x376: {  	v1 =	vld.idx.msk [tilespmem:v0+s4+$0x0], $0xffff;
	_ =	sdelay $0x3  }
0x377: {  	v0 =	vmov v2;
	_ =	sdelay $0x1  }
0x378: {  	[tilespmem:s19+$0x17B90] =	vst v1;
	s19 =	smov.u32 s20  }
0x379: {  	v1 =	vld.idx.msk [tilespmem:v2+s29+$0x0], $0xffff;
	_ =	sdelay $0x5  }
0x37a: {  	[tilespmem:s19+$0x15F90] =	vst v1  }
0x37b: {  	v1 =	vld.idx.msk [tilespmem:v2+s31+$0x0], $0xffff;
	_ =	sdelay $0x5  }
0x37c: {  	[tilespmem:s19+$0x16390] =	vst v1  }
0x37d: {  	v1 =	vld.idx.msk [tilespmem:v2+s17+$0x0], $0xffff;
	_ =	sdelay $0x5  }
0x37e: {  	[tilespmem:s19+$0x16790] =	vst v1  }
0x37f: {  	v1 =	vld.idx.msk [tilespmem:v2+s0+$0x0], $0xffff;
	_ =	sdelay $0x5  }
0x380: {  	[tilespmem:s19+$0x16B90] =	vst v1  }
0x381: {  	v1 =	vld.idx.msk [tilespmem:v2+s21+$0x0], $0xffff;
	_ =	sdelay $0x5  }
0x382: {  	[tilespmem:s19+$0x16F90] =	vst v1  }
0x383: {  	v1 =	vld.idx.msk [tilespmem:v2+s2+$0x0], $0xffff;
	_ =	sdelay $0x5  }
0x384: {  	[tilespmem:s19+$0x17390] =	vst v1  }
0x385: {  	v1 =	vld.idx.msk [tilespmem:v0+s3+$0x0], $0xffff  }
.Ltmp18:
0x386: {  	(pc) =	sbr.rel @p0 .LBB2_38-.Ltmp18, $2  }
0x387: {  	_ =	sdelay $0x2  }
0x388: {  	s20 =	sshra.s32 s11, $0x2;
	s11 =	sadd.s32 $0x40, s11  }
0x389: {  	_ =	sdelay $0x1  }
0x38a: {  	v2 =	vld [tilespmem:s20+$0x2000]  }
0x38b: {  	[tilespmem:s19+$0x17790] =	vst v1  }
0x38c: {  	v0 =	vld.idx.msk [tilespmem:v0+s4+$0x0], $0xffff;
	_ =	sdelay $0x4  }
0x38d: {  	[tilespmem:s19+$0x17B90] =	vst v0  }
0x38e: {  	v0 =	vld.idx.msk [tilespmem:v2+s29+$0x0], $0xffff;
	_ =	sdelay $0x4  }
0x38f: {  	[tilespmem:s20+$0x15F90] =	vst v0  }
0x390: {  	v0 =	vld.idx.msk [tilespmem:v2+s31+$0x0], $0xffff;
	_ =	sdelay $0x4  }
0x391: {  	[tilespmem:s20+$0x16390] =	vst v0  }
0x392: {  	v0 =	vld.idx.msk [tilespmem:v2+s17+$0x0], $0xffff;
	_ =	sdelay $0x4  }
0x393: {  	[tilespmem:s20+$0x16790] =	vst v0  }
0x394: {  	v0 =	vld.idx.msk [tilespmem:v2+s0+$0x0], $0xffff;
	_ =	sdelay $0x4  }
0x395: {  	[tilespmem:s20+$0x16B90] =	vst v0  }
0x396: {  	v0 =	vld.idx.msk [tilespmem:v2+s21+$0x0], $0xffff;
	_ =	sdelay $0x4  }
0x397: {  	[tilespmem:s20+$0x16F90] =	vst v0  }
0x398: {  	v0 =	vld.idx.msk [tilespmem:v2+s2+$0x0], $0xffff;
	_ =	sdelay $0x4  }
0x399: {  	[tilespmem:s20+$0x17390] =	vst v0  }
0x39a: {  	v0 =	vld.idx.msk [tilespmem:v2+s3+$0x0], $0xffff;
	_ =	sdelay $0x4  }
0x39b: {  	[tilespmem:s20+$0x17790] =	vst v0  }
0x39c: {  	v0 =	vld.idx.msk [tilespmem:v2+s4+$0x0], $0xffff;
	_ =	sdelay $0x4  }
0x39d: {  	[tilespmem:s20+$0x17B90] =	vst v0  }
0x39e: {  	[hbm4b:s24+s5] =	stream.strided.scatter [tilespmem:s6], [sflag:$0x2], $0x2000, s29, s5, $0x38;
	[tilespmem:$0x19F90] =	vst v63  }
0x39f: {  	_ =	swait.ge [sflag:s9], $0x2000  }
0x3a0: {  	[sflag:s9] =	ssyncset.done $0x0  }
0x3a1: {  	s19 =	simm.s32 $0x0;
	[sflag:s9] =	ssyncadd.s32 $0xFFFFE000  }
0x3a2: {  	v0 =	vld [tilespmem:s19+$0x2400];
	_ =	sdelay $0x7  }
0x3a3: {  	v1 =	vld.idx.msk [tilespmem:v0+s29+$0x0], $0xffff;
	_ =	sdelay $0x4  }
0x3a4: {  	[tilespmem:s19+$0x17F90] =	vst v1  }
0x3a5: {  	v1 =	vld.idx.msk [tilespmem:v0+s31+$0x0], $0xffff;
	_ =	sdelay $0x4  }
0x3a6: {  	[tilespmem:s19+$0x18390] =	vst v1  }
0x3a7: {  	v1 =	vld.idx.msk [tilespmem:v0+s17+$0x0], $0xffff;
	_ =	sdelay $0x4  }
0x3a8: {  	[tilespmem:s19+$0x18790] =	vst v1  }
0x3a9: {  	v1 =	vld.idx.msk [tilespmem:v0+s0+$0x0], $0xffff;
	_ =	sdelay $0x4  }
0x3aa: {  	[tilespmem:s19+$0x18B90] =	vst v1  }
0x3ab: {  	v1 =	vld.idx.msk [tilespmem:v0+s21+$0x0], $0xffff;
	_ =	sdelay $0x4  }
0x3ac: {  	[tilespmem:s19+$0x18F90] =	vst v1  }
0x3ad: {  	v1 =	vld.idx.msk [tilespmem:v0+s2+$0x0], $0xffff;
	_ =	sdelay $0x4  }
0x3ae: {  	[tilespmem:s19+$0x19390] =	vst v1  }
0x3af: {  	v1 =	vld.idx.msk [tilespmem:v0+s3+$0x0], $0xffff;
	_ =	sdelay $0x3  }
0x3b0: {  	s11 =	simm.s32 $0x80;
	s20 =	simm.s32 $0x10  }
.LBB2_40:
0x3b1: {  	p0 =	sne.s32 s11, $0xC00;
	v2 =	vld [tilespmem:s20+$0x2400];
	[tilespmem:s19+$0x19790] =	vst v1  }
0x3b2: {  	v1 =	vld.idx.msk [tilespmem:v0+s4+$0x0], $0xffff;
	_ =	sdelay $0x3  }
0x3b3: {  	v0 =	vmov v2;
	_ =	sdelay $0x1  }
0x3b4: {  	[tilespmem:s19+$0x19B90] =	vst v1;
	s19 =	smov.u32 s20  }
0x3b5: {  	v1 =	vld.idx.msk [tilespmem:v2+s29+$0x0], $0xffff;
	_ =	sdelay $0x5  }
0x3b6: {  	[tilespmem:s19+$0x17F90] =	vst v1  }
0x3b7: {  	v1 =	vld.idx.msk [tilespmem:v2+s31+$0x0], $0xffff;
	_ =	sdelay $0x5  }
0x3b8: {  	[tilespmem:s19+$0x18390] =	vst v1  }
0x3b9: {  	v1 =	vld.idx.msk [tilespmem:v2+s17+$0x0], $0xffff;
	_ =	sdelay $0x5  }
0x3ba: {  	[tilespmem:s19+$0x18790] =	vst v1  }
0x3bb: {  	v1 =	vld.idx.msk [tilespmem:v2+s0+$0x0], $0xffff;
	_ =	sdelay $0x5  }
0x3bc: {  	[tilespmem:s19+$0x18B90] =	vst v1  }
0x3bd: {  	v1 =	vld.idx.msk [tilespmem:v2+s21+$0x0], $0xffff;
	_ =	sdelay $0x5  }
0x3be: {  	[tilespmem:s19+$0x18F90] =	vst v1  }
0x3bf: {  	v1 =	vld.idx.msk [tilespmem:v2+s2+$0x0], $0xffff;
	_ =	sdelay $0x5  }
0x3c0: {  	[tilespmem:s19+$0x19390] =	vst v1  }
0x3c1: {  	v1 =	vld.idx.msk [tilespmem:v0+s3+$0x0], $0xffff  }
.Ltmp19:
0x3c2: {  	(pc) =	sbr.rel @p0 .LBB2_40-.Ltmp19, $2  }
0x3c3: {  	_ =	sdelay $0x2  }
0x3c4: {  	s20 =	sshra.s32 s11, $0x2;
	s11 =	sadd.s32 $0x40, s11  }
0x3c5: {  	_ =	sdelay $0x1  }
0x3c6: {  	v2 =	vld [tilespmem:s20+$0x2400]  }
0x3c7: {  	[tilespmem:s19+$0x19790] =	vst v1  }
0x3c8: {  	v0 =	vld.idx.msk [tilespmem:v0+s4+$0x0], $0xffff;
	_ =	sdelay $0x4  }
0x3c9: {  	[tilespmem:s19+$0x19B90] =	vst v0  }
0x3ca: {  	v0 =	vld.idx.msk [tilespmem:v2+s29+$0x0], $0xffff;
	_ =	sdelay $0x4  }
0x3cb: {  	[tilespmem:s20+$0x17F90] =	vst v0  }
0x3cc: {  	v0 =	vld.idx.msk [tilespmem:v2+s31+$0x0], $0xffff;
	_ =	sdelay $0x4  }
0x3cd: {  	[tilespmem:s20+$0x18390] =	vst v0  }
0x3ce: {  	v0 =	vld.idx.msk [tilespmem:v2+s17+$0x0], $0xffff;
	_ =	sdelay $0x4  }
0x3cf: {  	[tilespmem:s20+$0x18790] =	vst v0  }
0x3d0: {  	v0 =	vld.idx.msk [tilespmem:v2+s0+$0x0], $0xffff;
	_ =	sdelay $0x4  }
0x3d1: {  	[tilespmem:s20+$0x18B90] =	vst v0  }
0x3d2: {  	v0 =	vld.idx.msk [tilespmem:v2+s21+$0x0], $0xffff;
	_ =	sdelay $0x4  }
0x3d3: {  	[tilespmem:s20+$0x18F90] =	vst v0  }
0x3d4: {  	v0 =	vld.idx.msk [tilespmem:v2+s2+$0x0], $0xffff;
	_ =	sdelay $0x4  }
0x3d5: {  	[tilespmem:s20+$0x19390] =	vst v0  }
0x3d6: {  	v0 =	vld.idx.msk [tilespmem:v2+s3+$0x0], $0xffff;
	_ =	sdelay $0x4  }
0x3d7: {  	[tilespmem:s20+$0x19790] =	vst v0  }
0x3d8: {  	v0 =	vld.idx.msk [tilespmem:v2+s4+$0x0], $0xffff;
	_ =	sdelay $0x4  }
0x3d9: {  	[tilespmem:s20+$0x19B90] =	vst v0  }
0x3da: {  	[hbm4b:s25+s1] =	stream.linear.scatter [tilespmem:s7], [sflag:$0x3], $0x310, $0x38;
	[tilespmem:$0x19F90] =	vst v63  }
0x3db: {  	s11 =	sadd.s32 $0x4E2, s25;
	s20 =	simm.s32 $0x18390  }
0x3dc: {  	[hbm4b:s11+s1] =	stream.linear.scatter [tilespmem:s20], [sflag:$0x3], $0x310, $0x38;
	[tilespmem:$0x19F90] =	vst v63  }
0x3dd: {  	s19 =	simm.s32 $0x18790;
	s11 =	sadd.s32 $0x9C4, s25  }
0x3de: {  	[hbm4b:s11+s1] =	stream.linear.scatter [tilespmem:s19], [sflag:$0x3], $0x310, $0x38;
	[tilespmem:$0x19F90] =	vst v63  }
0x3df: {  	s19 =	sadd.s32 $0xEA6, s25  }
0x3e0: {  	[hbm4b:s19+s1] =	stream.linear.scatter [tilespmem:s13], [sflag:$0x3], $0x310, $0x38;
	[tilespmem:$0x19F90] =	vst v63  }
0x3e1: {  	s19 =	sadd.s32 $0x1388, s25  }
0x3e2: {  	[hbm4b:s19+s1] =	stream.linear.scatter [tilespmem:s14], [sflag:$0x3], $0x310, $0x38;
	[tilespmem:$0x19F90] =	vst v63  }
0x3e3: {  	s19 =	sadd.s32 $0x186A, s25  }
0x3e4: {  	[hbm4b:s19+s1] =	stream.linear.scatter [tilespmem:s15], [sflag:$0x3], $0x310, $0x38;
	[tilespmem:$0x19F90] =	vst v63  }
0x3e5: {  	s19 =	sadd.s32 $0x1D4C, s25  }
0x3e6: {  	[hbm4b:s19+s1] =	stream.linear.scatter [tilespmem:s16], [sflag:$0x3], $0x310, $0x38;
	[tilespmem:$0x19F90] =	vst v63  }
0x3e7: {  	s10 =	sadd.s32 $0x1, s10;
	s19 =	sadd.s32 $0x222E, s25  }
0x3e8: {  	[hbm4b:s19+s1] =	stream.linear.scatter [tilespmem:s18], [sflag:$0x3], $0x310, $0x38;
	[tilespmem:$0x19F90] =	vst v63  }
0x3e9: {  	p0 =	sne.s32 s10, s26;
	_ =	swait.ge [sflag:s8], $0x2000  }
.Ltmp20:
0x3ea: {  	[sflag:s8] =	ssyncset.done $0x0;
	(pc) =	sbr.rel @p0 .LBB2_1-.Ltmp20, $4  }
0x3eb: {  	[sflag:s8] =	ssyncadd.s32 $0xFFFFE000  }
0x3ec: {  	_ =	swait.ge [sflag:s9], $0x1880  }
0x3ed: {  	[sflag:s9] =	ssyncset.done $0x0  }
0x3ee: {  	[sflag:s9] =	ssyncadd.s32 $0xFFFFE780  }
0x3ef: {  	_ =	sfence.sel $0x180000  }
0x3f0: {  	[bflag:$0x0] =	sbarrier.arrive $0xFFFF  }
0x3f1: {  	_ =	strace $0x90000047  }
0x3f2: {  	s0 =	stileid.u32;
	[bflag:$0x2] =	sbarrier.arrive $0xFFFF  }
0x3f3: {  	p0 =	sne.s32 s0, $0x0;
	s0 =	rddreg [dreg:$0x4]  }
0x3f4: {  	s0 =	sadd.s32 @!p0 $0x100000, s0  }
0x3f5: {  	[sflag:s0] =	ssyncadd.tile.s32 @!p0 $0x1;
	_ =	shalt  }
.Lfunc_end2:
_tile_overlayer_lowered:
.L_overlay_start_2:
0x3f6: {  	(tag) =	ssettag $0x2  }
0x3f7: {  	s0 =	rddreg [dreg:$0x0];
	s2 =	stileid.u32  }
0x3f8: {  	s1 =	rddreg [dreg:$0x1];
	p0 =	sne.s32 s2, $0x0  }
0x3f9: {  	s3 =	rddreg [dreg:$0x2];
	[bflag:$0x3] =	sbarrier.arrive $0xFFFF;
	s2 =	simm.s32 @!p0 $0x1C04  }
0x3fa: {  	[timem:s3], [sflag:s2] =	dma.local @!p0 [hbm:s0], s1  }
0x3fb: {  	s0 =	simm.s32 @!p0 $0x4  }
0x3fc: {  	_ =	swait.ge @!p0 [sflag:s0], s1  }
0x3fd: {  	s1 =	ssub.s32 @!p0 $0x0, s1;
	[sflag:s0] =	ssyncset.done @!p0 $0x0  }
0x3fe: {  	[sflag:s0] =	ssyncadd.s32 @!p0 s1  }
0x3ff: {  	[bflag:$0x3] =	sbarrier.arrive $0xFFFF  }
0x400: {  	_ =	shalt  }

</sc_bundles>
